<compile_context>
chip_gen: v7x
topology: tpu7x:2x2x1
jax: 0.10.2.dev20260603
libtpu: 0.0.44.dev20260713+nightly
codegen_flags: <defaults>
</compile_context>

<pallas_src>
import functools

import jax
import jax.numpy as jnp
from jax import lax
from jax.experimental import pallas as pl
from jax.experimental.pallas import tpu as pltpu
from jax.experimental.pallas import tpu_sc as plsc

B = 16384
C = 20
D = 64
L = 16
NC = 2
NS = 16
NW = NC * NS
EPW = B // NW
GROUP = 16
NG = EPW // GROUP
NGV = 2 * NG
RPG = GROUP * C
IDX_MINOR = 64
IDX_PER_GROUP = RPG // IDX_MINOR
IDX_PER_WORKER = EPW * C // IDX_MINOR


def _rotate(v, idx):
    return lax.gather(
        v, idx[:, None],
        lax.GatherDimensionNumbers(
            offset_dims=(), collapsed_slice_dims=(0,), start_index_map=(0,)),
        slice_sizes=(1,),
        mode=lax.GatherScatterMode.PROMISE_IN_BOUNDS)


@functools.partial(
    pl.kernel,
    mesh=plsc.VectorSubcoreMesh(core_axis_name="c", subcore_axis_name="s"),
    compiler_params=pltpu.CompilerParams(use_tc_tiling_on_sc=False),
    out_type=[
        jax.ShapeDtypeStruct((B,), jnp.float32),
        jax.ShapeDtypeStruct((B,), jnp.float32),
    ],
    scratch_types=[
        pltpu.VMEM((IDX_PER_WORKER + NGV * GROUP // 128, 128),
                   jnp.int32),
        pltpu.VMEM((2, RPG, D), jnp.float32),
        pltpu.VMEM((2, GROUP, D), jnp.float32),
        pltpu.VMEM((NGV * GROUP,), jnp.float32),
        pltpu.SemaphoreType.DMA,
        pltpu.SemaphoreType.DMA,
    ],
)
def _sc_scores(u_tab, w_tab, pos_u_idx, pos_w_idx, neg_u_idx, neg_w_idx,
               out_pos, out_neg, idx_v, rows_v, wrows_v, sc_v, sem0, sem1):
    uidx_v = idx_v
    rows_b = (rows_v.at[0], rows_v.at[1])
    wrows_b = (wrows_v.at[0], wrows_v.at[1])
    WOFF = IDX_PER_WORKER
    wid = lax.axis_index("s") * NC + lax.axis_index("c")
    lane = lax.iota(jnp.int32, L)
    rot = {s: lax.bitwise_and(lane + s, L - 1) for s in (8, 4, 2, 1)}
    inv_c = jnp.float32(1.0 / C)
    sems = (sem0, sem1)

    half = IDX_PER_WORKER // 2
    pltpu.sync_copy(
        pos_u_idx.at[pl.ds(wid * half, half)],
        uidx_v.at[pl.ds(0, half)])
    pltpu.sync_copy(
        neg_u_idx.at[pl.ds(wid * half, half)],
        uidx_v.at[pl.ds(half, half)])
    pltpu.sync_copy(pos_w_idx.at[pl.ds(wid * (NG * GROUP // 128), NG * GROUP // 128)],
                    idx_v.at[pl.ds(WOFF, NG * GROUP // 128)])
    pltpu.sync_copy(neg_w_idx.at[pl.ds(wid * (NG * GROUP // 128), NG * GROUP // 128)],
                    idx_v.at[pl.ds(WOFF + NG * GROUP // 128, NG * GROUP // 128)])

    def issue(v, par):
        base = v * IDX_PER_GROUP
        for k in range(IDX_PER_GROUP):
            c = base + k
            pltpu.async_copy(
                u_tab.at[uidx_v.at[lax.shift_right_logical(c, 1),
                                   pl.ds(lax.bitwise_and(c, 1) * IDX_MINOR,
                                         IDX_MINOR)]],
                rows_b[par].at[pl.ds(k * IDX_MINOR, IDX_MINOR)],
                sems[par])
        pltpu.async_copy(
            w_tab.at[idx_v.at[WOFF + lax.shift_right_logical(v, 3),
                              pl.ds(lax.bitwise_and(v, 7) * GROUP, GROUP)]],
            wrows_b[par], sems[par])

    def wait(v, par):
        base = v * IDX_PER_GROUP
        for k in range(IDX_PER_GROUP):
            c = base + k
            pltpu.make_async_copy(
                u_tab.at[uidx_v.at[lax.shift_right_logical(c, 1),
                                   pl.ds(lax.bitwise_and(c, 1) * IDX_MINOR,
                                         IDX_MINOR)]],
                rows_b[par].at[pl.ds(k * IDX_MINOR, IDX_MINOR)],
                sems[par]).wait()
        pltpu.make_async_copy(
            w_tab.at[idx_v.at[WOFF + lax.shift_right_logical(v, 3),
                              pl.ds(lax.bitwise_and(v, 7) * GROUP, GROUP)]],
            wrows_b[par], sems[par]).wait()

    def compute(v, par):
        rows = rows_b[par]
        wrows = wrows_b[par]

        def e_body(e, score):
            base = e * C
            partial = None
            for j in range(D // L):
                a = rows[base, pl.ds(j * L, L)]
                for cc in range(1, C):
                    a = a + rows[base + cc, pl.ds(j * L, L)]
                t = a * wrows[e, pl.ds(j * L, L)]
                partial = t if partial is None else partial + t
            for s in (8, 4, 2, 1):
                partial = partial + _rotate(partial, rot[s])
            return jnp.where(lane == e, partial, score)

        score = lax.fori_loop(0, GROUP, e_body, jnp.zeros((L,), jnp.float32))
        sc_v[pl.ds(pl.multiple_of(v * GROUP, GROUP), GROUP)] = score * inv_c

    issue(jnp.int32(0), 0)
    issue(jnp.int32(1), 1)

    def pair_body(p, carry):
        v0 = 2 * p
        v1 = 2 * p + 1
        wait(v0, 0)
        compute(v0, 0)
        issue(lax.bitwise_and(v0 + 2, NGV - 1), 0)
        wait(v1, 1)
        compute(v1, 1)
        issue(lax.bitwise_and(v1 + 2, NGV - 1), 1)
        return carry

    lax.fori_loop(0, NGV // 2, pair_body, 0)
    wait(jnp.int32(0), 0)
    wait(jnp.int32(1), 1)

    pltpu.sync_copy(sc_v.at[pl.ds(0, EPW)],
                    out_pos.at[pl.ds(wid * EPW, EPW)])
    pltpu.sync_copy(sc_v.at[pl.ds(EPW, EPW)],
                    out_neg.at[pl.ds(wid * EPW, EPW)])


def _tc_loss_body(p_ref, n_ref, o_ref):
    p = p_ref[...]
    n = n_ref[...]
    def logsig(x):
        return jnp.minimum(x, 0.0) - jnp.log1p(jnp.exp(-jnp.abs(x)))
    loss = jnp.sum(logsig(-p)) + jnp.sum(logsig(n))
    o_ref[...] = jnp.broadcast_to(-loss / 128.0, (8, 128))


_tc_loss = pl.pallas_call(
    _tc_loss_body,
    out_shape=jax.ShapeDtypeStruct((8, 128), jnp.float32),
)


def kernel(pos_u, pos_w, neg_u, neg_w, u_table, w_table):
    pos_u_r = pos_u.reshape(B * C // 128, 128)
    neg_u_r = neg_u.reshape(B * C // 128, 128)
    pos_w_r = pos_w.reshape(B // 128, 128)
    neg_w_r = neg_w.reshape(B // 128, 128)
    pos_s, neg_s = _sc_scores(u_table, w_table, pos_u_r, pos_w_r,
                              neg_u_r, neg_w_r)
    out = _tc_loss(pos_s.reshape(128, 128), neg_s.reshape(128, 128))
    return out[0, 0]

# --- scband reference (transcript-rebuilt; emitter-appended) ---
"""Pipeline reference for scband-cbowmodel-71700184039511 (READ-ONLY COPY).

The authoritative reference and input builder live on the scoring server;
editing this copy changes nothing except your own understanding.
"""

import jax, jax.numpy as jnp
import numpy as np

EMB_SIZE = 100000
EMB_DIM = 64
TABLE_ROWS = 2 * EMB_SIZE - 1
BATCH = 16384
CTX = 20


def setup_inputs(seed: int = 0) -> dict:
    key = jax.random.key(seed)
    k1, k2, k3, k4, k5, k6 = jax.random.split(key, 6)
    int_range = 0.5 / EMB_DIM
    pos_u = jax.random.randint(k1, (BATCH, CTX), 0, TABLE_ROWS, dtype=jnp.int64 if jax.config.read('jax_enable_x64') else jnp.int32).astype(jnp.int32)
    pos_w = jax.random.randint(k2, (BATCH,), 0, TABLE_ROWS).astype(jnp.int32)
    neg_u = jax.random.randint(k3, (BATCH, CTX), 0, TABLE_ROWS).astype(jnp.int32)
    neg_w = jax.random.randint(k4, (BATCH,), 0, TABLE_ROWS).astype(jnp.int32)
    u_table = jax.random.uniform(k5, (TABLE_ROWS, EMB_DIM), dtype=jnp.float32, minval=-int_range, maxval=int_range)
    w_table = jax.random.uniform(k6, (TABLE_ROWS, EMB_DIM), dtype=jnp.float32, minval=-int_range, maxval=int_range)
    return {"pos_u": pos_u, "pos_w": pos_w, "neg_u": neg_u, "neg_w": neg_w,
            "u_table": u_table, "w_table": w_table}


def _context_matrix(u_table, idx):
    # mean of context embeddings per example (sum(emb / len) over context axis)
    emb = jnp.take(u_table, idx, axis=0)  # [B, C, D]
    return jnp.sum(emb / idx.shape[1], axis=1)  # [B, D]


def reference(pos_u, pos_w, neg_u, neg_w, u_table, w_table):
    pos_u_emb = _context_matrix(u_table, pos_u)          # [B, D]
    pos_w_emb = jnp.take(w_table, pos_w, axis=0)          # [B, D]
    neg_u_emb = _context_matrix(u_table, neg_u)          # [B, D]
    neg_w_emb = jnp.take(w_table, neg_w, axis=0)          # [B, D]
    score_2 = jnp.sum(pos_u_emb * pos_w_emb, axis=1)      # [B]
    score_3 = jax.nn.log_sigmoid(-1.0 * score_2)
    neg_score_2 = jnp.sum(jnp.squeeze(neg_u_emb * neg_w_emb), axis=1)
    neg_score_3 = jax.nn.log_sigmoid(neg_score_2)
    loss = jnp.sum(score_3) + jnp.sum(neg_score_3)
    return -1.0 * loss / 128.0

if __name__ == "__main__":
    import jax
    _d = setup_inputs()
    print(jax.jit(kernel)(*tuple(_d.values())))

</pallas_src>

<mosaic_0001>
#map = affine_map<(d0, d1) -> (0, 0)>
#map1 = affine_map<(d0, d1) -> (0)>
module attributes {stable_mosaic.version = 14 : i64} {
  func.func @_sc_scores(%arg0: i32, %arg1: i32, %arg2: memref<199999x64xf32, #tpu.memory_space<hbm>>, %arg3: memref<199999x64xf32, #tpu.memory_space<hbm>>, %arg4: memref<2560x128xi32, #tpu.memory_space<hbm>>, %arg5: memref<128x128xi32, #tpu.memory_space<hbm>>, %arg6: memref<2560x128xi32, #tpu.memory_space<hbm>>, %arg7: memref<128x128xi32, #tpu.memory_space<hbm>>, %arg8: memref<16384xf32, #tpu.memory_space<hbm>>, %arg9: memref<16384xf32, #tpu.memory_space<hbm>>, %arg10: memref<168x128xi32, #tpu.memory_space<vmem>>, %arg11: memref<2x320x64xf32, #tpu.memory_space<vmem>>, %arg12: memref<2x16x64xf32, #tpu.memory_space<vmem>>, %arg13: memref<1024xf32, #tpu.memory_space<vmem>>, %arg14: memref<!tpu.dma_semaphore, #tpu.memory_space<semaphore_mem>>, %arg15: memref<!tpu.dma_semaphore, #tpu.memory_space<semaphore_mem>>) attributes {dimension_semantics = [#tpu.dimension_semantics<core_parallel>, #tpu.dimension_semantics<subcore_parallel>], iteration_bounds = array<i64: 2, 16>, scalar_prefetch = 0 : i64, scratch_operands = 6 : i64, tpu.core_type = #tpu.core_type<sc_vector_subcore>, window_params = [{transform_indices = #map}, {transform_indices = #map}, {transform_indices = #map}, {transform_indices = #map}, {transform_indices = #map}, {transform_indices = #map}, {transform_indices = #map1}, {transform_indices = #map1}]} {
    %mul3A = arith.constant 2 : i32
    %mul3A_0 = arith.muli %arg1, %mul3A : i32
    %add3A = arith.addi %mul3A_0, %arg0 : i32
    %iota3A = tpu.iota {dimensions = array<i32: 0>} : vector<16xi32>
    %add3A_1 = arith.constant 8 : i32
    %add3A_2 = vector.broadcast %add3A_1 : i32 to vector<16xi32>
    %add3A_3 = arith.addi %iota3A, %add3A_2 : vector<16xi32>
    %and3A = arith.constant 15 : i32
    %and3A_4 = vector.broadcast %and3A : i32 to vector<16xi32>
    %and3A_5 = arith.andi %add3A_3, %and3A_4 : vector<16xi32>
    %add3A_6 = arith.constant 4 : i32
    %add3A_7 = vector.broadcast %add3A_6 : i32 to vector<16xi32>
    %add3A_8 = arith.addi %iota3A, %add3A_7 : vector<16xi32>
    %and3A_9 = arith.constant 15 : i32
    %and3A_10 = vector.broadcast %and3A_9 : i32 to vector<16xi32>
    %and3A_11 = arith.andi %add3A_8, %and3A_10 : vector<16xi32>
    %add3A_12 = arith.constant 2 : i32
    %add3A_13 = vector.broadcast %add3A_12 : i32 to vector<16xi32>
    %add3A_14 = arith.addi %iota3A, %add3A_13 : vector<16xi32>
    %and3A_15 = arith.constant 15 : i32
    %and3A_16 = vector.broadcast %and3A_15 : i32 to vector<16xi32>
    %and3A_17 = arith.andi %add3A_14, %and3A_16 : vector<16xi32>
    %add3A_18 = arith.constant 1 : i32
    %add3A_19 = vector.broadcast %add3A_18 : i32 to vector<16xi32>
    %add3A_20 = arith.addi %iota3A, %add3A_19 : vector<16xi32>
    %and3A_21 = arith.constant 15 : i32
    %and3A_22 = vector.broadcast %and3A_21 : i32 to vector<16xi32>
    %and3A_23 = arith.andi %add3A_20, %and3A_22 : vector<16xi32>
    %mul3A_24 = arith.constant 80 : i32
    %mul3A_25 = arith.muli %add3A, %mul3A_24 : i32
    "tpu.region"() ({
      %run_scoped3A = tpu.sem_alloc : memref<!tpu.dma_semaphore, #tpu.memory_space<semaphore_mem>>
      %dma_start3A_555 = arith.constant 0 : i32
      %dma_start3A_556 = arith.constant 0 : i32
      %dma_start3A_557 = tpu.memref_slice %arg10[%dma_start3A_555, %dma_start3A_556] : memref<168x128xi32, #tpu.memory_space<vmem>> -> memref<80x128xi32, #tpu.memory_space<vmem>>
      %dma_start3A_558 = arith.constant 0 : i32
      %dma_start3A_559 = tpu.memref_slice %arg4[%mul3A_25, %dma_start3A_558] : memref<2560x128xi32, #tpu.memory_space<hbm>> -> memref<80x128xi32, #tpu.memory_space<hbm>>
      %dma_start3A_560 = arith.constant 0 : i32
      %dma_start3A_561 = arith.constant 0 : i32
      %dma_start3A_562 = tpu.memref_slice %arg10[%dma_start3A_560, %dma_start3A_561] : memref<168x128xi32, #tpu.memory_space<vmem>> -> memref<80x128xi32, #tpu.memory_space<vmem>>
      %dma_start3A_563 = arith.constant 0 : i32
      %dma_start3A_564 = tpu.memref_slice %arg4[%mul3A_25, %dma_start3A_563] : memref<2560x128xi32, #tpu.memory_space<hbm>> -> memref<80x128xi32, #tpu.memory_space<hbm>>
      tpu.enqueue_dma source(%dma_start3A_564 : memref<80x128xi32, #tpu.memory_space<hbm>>) target(%dma_start3A_562 : memref<80x128xi32, #tpu.memory_space<vmem>>) target_semaphore(%run_scoped3A : memref<!tpu.dma_semaphore, #tpu.memory_space<semaphore_mem>>)
      %dma_wait3A_565 = arith.constant 0 : i32
      %dma_wait3A_566 = arith.constant 0 : i32
      %dma_wait3A_567 = tpu.memref_slice %arg10[%dma_wait3A_565, %dma_wait3A_566] : memref<168x128xi32, #tpu.memory_space<vmem>> -> memref<80x128xi32, #tpu.memory_space<vmem>>
      %dma_wait3A_568 = arith.constant 0 : i32
      %dma_wait3A_569 = tpu.memref_slice %arg4[%mul3A_25, %dma_wait3A_568] : memref<2560x128xi32, #tpu.memory_space<hbm>> -> memref<80x128xi32, #tpu.memory_space<hbm>>
      %dma_wait3A_570 = arith.constant 0 : i32
      %dma_wait3A_571 = arith.constant 0 : i32
      %dma_wait3A_572 = tpu.memref_slice %arg10[%dma_wait3A_570, %dma_wait3A_571] : memref<168x128xi32, #tpu.memory_space<vmem>> -> memref<80x128xi32, #tpu.memory_space<vmem>>
      %dma_wait3A_573 = arith.constant 0 : i32
      %dma_wait3A_574 = tpu.memref_slice %arg4[%mul3A_25, %dma_wait3A_573] : memref<2560x128xi32, #tpu.memory_space<hbm>> -> memref<80x128xi32, #tpu.memory_space<hbm>>
      tpu.wait_dma2 semaphore(%run_scoped3A : memref<!tpu.dma_semaphore, #tpu.memory_space<semaphore_mem>>) src(%dma_wait3A_574 : memref<80x128xi32, #tpu.memory_space<hbm>>) dst(%dma_wait3A_572 : memref<80x128xi32, #tpu.memory_space<vmem>>)
      tpu.yield
    }) : () -> ()
    %mul3A_26 = arith.constant 80 : i32
    %mul3A_27 = arith.muli %add3A, %mul3A_26 : i32
    "tpu.region"() ({
      %run_scoped3A = tpu.sem_alloc : memref<!tpu.dma_semaphore, #tpu.memory_space<semaphore_mem>>
      %dma_start3A_555 = arith.constant 80 : i32
      %dma_start3A_556 = arith.constant 0 : i32
      %dma_start3A_557 = tpu.memref_slice %arg10[%dma_start3A_555, %dma_start3A_556] : memref<168x128xi32, #tpu.memory_space<vmem>> -> memref<80x128xi32, #tpu.memory_space<vmem>>
      %dma_start3A_558 = arith.constant 0 : i32
      %dma_start3A_559 = tpu.memref_slice %arg6[%mul3A_27, %dma_start3A_558] : memref<2560x128xi32, #tpu.memory_space<hbm>> -> memref<80x128xi32, #tpu.memory_space<hbm>>
      %dma_start3A_560 = arith.constant 80 : i32
      %dma_start3A_561 = arith.constant 0 : i32
      %dma_start3A_562 = tpu.memref_slice %arg10[%dma_start3A_560, %dma_start3A_561] : memref<168x128xi32, #tpu.memory_space<vmem>> -> memref<80x128xi32, #tpu.memory_space<vmem>>
      %dma_start3A_563 = arith.constant 0 : i32
      %dma_start3A_564 = tpu.memref_slice %arg6[%mul3A_27, %dma_start3A_563] : memref<2560x128xi32, #tpu.memory_space<hbm>> -> memref<80x128xi32, #tpu.memory_space<hbm>>
      tpu.enqueue_dma source(%dma_start3A_564 : memref<80x128xi32, #tpu.memory_space<hbm>>) target(%dma_start3A_562 : memref<80x128xi32, #tpu.memory_space<vmem>>) target_semaphore(%run_scoped3A : memref<!tpu.dma_semaphore, #tpu.memory_space<semaphore_mem>>)
      %dma_wait3A_565 = arith.constant 80 : i32
      %dma_wait3A_566 = arith.constant 0 : i32
      %dma_wait3A_567 = tpu.memref_slice %arg10[%dma_wait3A_565, %dma_wait3A_566] : memref<168x128xi32, #tpu.memory_space<vmem>> -> memref<80x128xi32, #tpu.memory_space<vmem>>
      %dma_wait3A_568 = arith.constant 0 : i32
      %dma_wait3A_569 = tpu.memref_slice %arg6[%mul3A_27, %dma_wait3A_568] : memref<2560x128xi32, #tpu.memory_space<hbm>> -> memref<80x128xi32, #tpu.memory_space<hbm>>
      %dma_wait3A_570 = arith.constant 80 : i32
      %dma_wait3A_571 = arith.constant 0 : i32
      %dma_wait3A_572 = tpu.memref_slice %arg10[%dma_wait3A_570, %dma_wait3A_571] : memref<168x128xi32, #tpu.memory_space<vmem>> -> memref<80x128xi32, #tpu.memory_space<vmem>>
      %dma_wait3A_573 = arith.constant 0 : i32
      %dma_wait3A_574 = tpu.memref_slice %arg6[%mul3A_27, %dma_wait3A_573] : memref<2560x128xi32, #tpu.memory_space<hbm>> -> memref<80x128xi32, #tpu.memory_space<hbm>>
      tpu.wait_dma2 semaphore(%run_scoped3A : memref<!tpu.dma_semaphore, #tpu.memory_space<semaphore_mem>>) src(%dma_wait3A_574 : memref<80x128xi32, #tpu.memory_space<hbm>>) dst(%dma_wait3A_572 : memref<80x128xi32, #tpu.memory_space<vmem>>)
      tpu.yield
    }) : () -> ()
    %mul3A_28 = arith.constant 4 : i32
    %mul3A_29 = arith.muli %add3A, %mul3A_28 : i32
    "tpu.region"() ({
      %run_scoped3A = tpu.sem_alloc : memref<!tpu.dma_semaphore, #tpu.memory_space<semaphore_mem>>
      %dma_start3A_555 = arith.constant 160 : i32
      %dma_start3A_556 = arith.constant 0 : i32
      %dma_start3A_557 = tpu.memref_slice %arg10[%dma_start3A_555, %dma_start3A_556] : memref<168x128xi32, #tpu.memory_space<vmem>> -> memref<4x128xi32, #tpu.memory_space<vmem>>
      %dma_start3A_558 = arith.constant 0 : i32
      %dma_start3A_559 = tpu.memref_slice %arg5[%mul3A_29, %dma_start3A_558] : memref<128x128xi32, #tpu.memory_space<hbm>> -> memref<4x128xi32, #tpu.memory_space<hbm>>
      %dma_start3A_560 = arith.constant 160 : i32
      %dma_start3A_561 = arith.constant 0 : i32
      %dma_start3A_562 = tpu.memref_slice %arg10[%dma_start3A_560, %dma_start3A_561] : memref<168x128xi32, #tpu.memory_space<vmem>> -> memref<4x128xi32, #tpu.memory_space<vmem>>
      %dma_start3A_563 = arith.constant 0 : i32
      %dma_start3A_564 = tpu.memref_slice %arg5[%mul3A_29, %dma_start3A_563] : memref<128x128xi32, #tpu.memory_space<hbm>> -> memref<4x128xi32, #tpu.memory_space<hbm>>
      tpu.enqueue_dma source(%dma_start3A_564 : memref<4x128xi32, #tpu.memory_space<hbm>>) target(%dma_start3A_562 : memref<4x128xi32, #tpu.memory_space<vmem>>) target_semaphore(%run_scoped3A : memref<!tpu.dma_semaphore, #tpu.memory_space<semaphore_mem>>)
      %dma_wait3A_565 = arith.constant 160 : i32
      %dma_wait3A_566 = arith.constant 0 : i32
      %dma_wait3A_567 = tpu.memref_slice %arg10[%dma_wait3A_565, %dma_wait3A_566] : memref<168x128xi32, #tpu.memory_space<vmem>> -> memref<4x128xi32, #tpu.memory_space<vmem>>
      %dma_wait3A_568 = arith.constant 0 : i32
      %dma_wait3A_569 = tpu.memref_slice %arg5[%mul3A_29, %dma_wait3A_568] : memref<128x128xi32, #tpu.memory_space<hbm>> -> memref<4x128xi32, #tpu.memory_space<hbm>>
      %dma_wait3A_570 = arith.constant 160 : i32
      %dma_wait3A_571 = arith.constant 0 : i32
      %dma_wait3A_572 = tpu.memref_slice %arg10[%dma_wait3A_570, %dma_wait3A_571] : memref<168x128xi32, #tpu.memory_space<vmem>> -> memref<4x128xi32, #tpu.memory_space<vmem>>
      %dma_wait3A_573 = arith.constant 0 : i32
      %dma_wait3A_574 = tpu.memref_slice %arg5[%mul3A_29, %dma_wait3A_573] : memref<128x128xi32, #tpu.memory_space<hbm>> -> memref<4x128xi32, #tpu.memory_space<hbm>>
      tpu.wait_dma2 semaphore(%run_scoped3A : memref<!tpu.dma_semaphore, #tpu.memory_space<semaphore_mem>>) src(%dma_wait3A_574 : memref<4x128xi32, #tpu.memory_space<hbm>>) dst(%dma_wait3A_572 : memref<4x128xi32, #tpu.memory_space<vmem>>)
      tpu.yield
    }) : () -> ()
    %mul3A_30 = arith.constant 4 : i32
    %mul3A_31 = arith.muli %add3A, %mul3A_30 : i32
    "tpu.region"() ({
      %run_scoped3A = tpu.sem_alloc : memref<!tpu.dma_semaphore, #tpu.memory_space<semaphore_mem>>
      %dma_start3A_555 = arith.constant 164 : i32
      %dma_start3A_556 = arith.constant 0 : i32
      %dma_start3A_557 = tpu.memref_slice %arg10[%dma_start3A_555, %dma_start3A_556] : memref<168x128xi32, #tpu.memory_space<vmem>> -> memref<4x128xi32, #tpu.memory_space<vmem>>
      %dma_start3A_558 = arith.constant 0 : i32
      %dma_start3A_559 = tpu.memref_slice %arg7[%mul3A_31, %dma_start3A_558] : memref<128x128xi32, #tpu.memory_space<hbm>> -> memref<4x128xi32, #tpu.memory_space<hbm>>
      %dma_start3A_560 = arith.constant 164 : i32
      %dma_start3A_561 = arith.constant 0 : i32
      %dma_start3A_562 = tpu.memref_slice %arg10[%dma_start3A_560, %dma_start3A_561] : memref<168x128xi32, #tpu.memory_space<vmem>> -> memref<4x128xi32, #tpu.memory_space<vmem>>
      %dma_start3A_563 = arith.constant 0 : i32
      %dma_start3A_564 = tpu.memref_slice %arg7[%mul3A_31, %dma_start3A_563] : memref<128x128xi32, #tpu.memory_space<hbm>> -> memref<4x128xi32, #tpu.memory_space<hbm>>
      tpu.enqueue_dma source(%dma_start3A_564 : memref<4x128xi32, #tpu.memory_space<hbm>>) target(%dma_start3A_562 : memref<4x128xi32, #tpu.memory_space<vmem>>) target_semaphore(%run_scoped3A : memref<!tpu.dma_semaphore, #tpu.memory_space<semaphore_mem>>)
      %dma_wait3A_565 = arith.constant 164 : i32
      %dma_wait3A_566 = arith.constant 0 : i32
      %dma_wait3A_567 = tpu.memref_slice %arg10[%dma_wait3A_565, %dma_wait3A_566] : memref<168x128xi32, #tpu.memory_space<vmem>> -> memref<4x128xi32, #tpu.memory_space<vmem>>
      %dma_wait3A_568 = arith.constant 0 : i32
      %dma_wait3A_569 = tpu.memref_slice %arg7[%mul3A_31, %dma_wait3A_568] : memref<128x128xi32, #tpu.memory_space<hbm>> -> memref<4x128xi32, #tpu.memory_space<hbm>>
      %dma_wait3A_570 = arith.constant 164 : i32
      %dma_wait3A_571 = arith.constant 0 : i32
      %dma_wait3A_572 = tpu.memref_slice %arg10[%dma_wait3A_570, %dma_wait3A_571] : memref<168x128xi32, #tpu.memory_space<vmem>> -> memref<4x128xi32, #tpu.memory_space<vmem>>
      %dma_wait3A_573 = arith.constant 0 : i32
      %dma_wait3A_574 = tpu.memref_slice %arg7[%mul3A_31, %dma_wait3A_573] : memref<128x128xi32, #tpu.memory_space<hbm>> -> memref<4x128xi32, #tpu.memory_space<hbm>>
      tpu.wait_dma2 semaphore(%run_scoped3A : memref<!tpu.dma_semaphore, #tpu.memory_space<semaphore_mem>>) src(%dma_wait3A_574 : memref<4x128xi32, #tpu.memory_space<hbm>>) dst(%dma_wait3A_572 : memref<4x128xi32, #tpu.memory_space<vmem>>)
      tpu.yield
    }) : () -> ()
    %mul3A_32 = arith.constant 0 : i32
    %mul3A_33 = arith.constant 5 : i32
    %mul3A_34 = arith.muli %mul3A_32, %mul3A_33 : i32
    %add3A_35 = arith.constant 0 : i32
    %add3A_36 = arith.addi %mul3A_34, %add3A_35 : i32
    %shift_right_logical3A = arith.constant 1 : i32
    %shift_right_logical3A_37 = arith.shrui %add3A_36, %shift_right_logical3A : i32
    %and3A_38 = arith.constant 1 : i32
    %and3A_39 = arith.andi %add3A_36, %and3A_38 : i32
    %mul3A_40 = arith.constant 64 : i32
    %mul3A_41 = arith.muli %and3A_39, %mul3A_40 : i32
    %dma_start3A = arith.constant 0 : i32
    %dma_start3A_42 = arith.constant 0 : i32
    %dma_start3A_43 = arith.constant 0 : i32
    %dma_start3A_44 = tpu.memref_slice %arg11[%dma_start3A, %dma_start3A_42, %dma_start3A_43] : memref<2x320x64xf32, #tpu.memory_space<vmem>> -> memref<1x320x64xf32, #tpu.memory_space<vmem>>
    %dma_start3A_45 = tpu.memref_squeeze %dma_start3A_44 : memref<1x320x64xf32, #tpu.memory_space<vmem>> -> memref<320x64xf32, #tpu.memory_space<vmem>>
    %dma_start3A_46 = arith.constant 0 : i32
    %dma_start3A_47 = arith.constant 0 : i32
    %dma_start3A_48 = tpu.memref_slice %dma_start3A_45[%dma_start3A_46, %dma_start3A_47] : memref<320x64xf32, #tpu.memory_space<vmem>> -> memref<64x64xf32, #tpu.memory_space<vmem>>
    %dma_start3A_49 = tpu.memref_slice %arg10[%shift_right_logical3A_37, %mul3A_41] : memref<168x128xi32, #tpu.memory_space<vmem>> -> memref<1x64xi32, #tpu.memory_space<vmem>>
    %dma_start3A_50 = tpu.memref_squeeze %dma_start3A_49 : memref<1x64xi32, #tpu.memory_space<vmem>> -> memref<64xi32, #tpu.memory_space<vmem>>
    %dma_start3A_51 = arith.constant 0 : i32
    %dma_start3A_52 = arith.constant 0 : i32
    %dma_start3A_53 = tpu.memref_slice %arg2[%dma_start3A_51, %dma_start3A_52] : memref<199999x64xf32, #tpu.memory_space<hbm>> -> memref<199999x64xf32, #tpu.memory_space<hbm>>
    tpu.enqueue_indirect_dma source(%dma_start3A_53 : memref<199999x64xf32, #tpu.memory_space<hbm>>) target(%dma_start3A_48 : memref<64x64xf32, #tpu.memory_space<vmem>>) offsets(%dma_start3A_50 : memref<64xi32, #tpu.memory_space<vmem>>) semaphore(%arg14 : memref<!tpu.dma_semaphore, #tpu.memory_space<semaphore_mem>>)
    %add3A_54 = arith.constant 1 : i32
    %add3A_55 = arith.addi %mul3A_34, %add3A_54 : i32
    %shift_right_logical3A_56 = arith.constant 1 : i32
    %shift_right_logical3A_57 = arith.shrui %add3A_55, %shift_right_logical3A_56 : i32
    %and3A_58 = arith.constant 1 : i32
    %and3A_59 = arith.andi %add3A_55, %and3A_58 : i32
    %mul3A_60 = arith.constant 64 : i32
    %mul3A_61 = arith.muli %and3A_59, %mul3A_60 : i32
    %dma_start3A_62 = arith.constant 0 : i32
    %dma_start3A_63 = arith.constant 0 : i32
    %dma_start3A_64 = arith.constant 0 : i32
    %dma_start3A_65 = tpu.memref_slice %arg11[%dma_start3A_62, %dma_start3A_63, %dma_start3A_64] : memref<2x320x64xf32, #tpu.memory_space<vmem>> -> memref<1x320x64xf32, #tpu.memory_space<vmem>>
    %dma_start3A_66 = tpu.memref_squeeze %dma_start3A_65 : memref<1x320x64xf32, #tpu.memory_space<vmem>> -> memref<320x64xf32, #tpu.memory_space<vmem>>
    %dma_start3A_67 = arith.constant 64 : i32
    %dma_start3A_68 = arith.constant 0 : i32
    %dma_start3A_69 = tpu.memref_slice %dma_start3A_66[%dma_start3A_67, %dma_start3A_68] : memref<320x64xf32, #tpu.memory_space<vmem>> -> memref<64x64xf32, #tpu.memory_space<vmem>>
    %dma_start3A_70 = tpu.memref_slice %arg10[%shift_right_logical3A_57, %mul3A_61] : memref<168x128xi32, #tpu.memory_space<vmem>> -> memref<1x64xi32, #tpu.memory_space<vmem>>
    %dma_start3A_71 = tpu.memref_squeeze %dma_start3A_70 : memref<1x64xi32, #tpu.memory_space<vmem>> -> memref<64xi32, #tpu.memory_space<vmem>>
    %dma_start3A_72 = arith.constant 0 : i32
    %dma_start3A_73 = arith.constant 0 : i32
    %dma_start3A_74 = tpu.memref_slice %arg2[%dma_start3A_72, %dma_start3A_73] : memref<199999x64xf32, #tpu.memory_space<hbm>> -> memref<199999x64xf32, #tpu.memory_space<hbm>>
    tpu.enqueue_indirect_dma source(%dma_start3A_74 : memref<199999x64xf32, #tpu.memory_space<hbm>>) target(%dma_start3A_69 : memref<64x64xf32, #tpu.memory_space<vmem>>) offsets(%dma_start3A_71 : memref<64xi32, #tpu.memory_space<vmem>>) semaphore(%arg14 : memref<!tpu.dma_semaphore, #tpu.memory_space<semaphore_mem>>)
    %add3A_75 = arith.constant 2 : i32
    %add3A_76 = arith.addi %mul3A_34, %add3A_75 : i32
    %shift_right_logical3A_77 = arith.constant 1 : i32
    %shift_right_logical3A_78 = arith.shrui %add3A_76, %shift_right_logical3A_77 : i32
    %and3A_79 = arith.constant 1 : i32
    %and3A_80 = arith.andi %add3A_76, %and3A_79 : i32
    %mul3A_81 = arith.constant 64 : i32
    %mul3A_82 = arith.muli %and3A_80, %mul3A_81 : i32
    %dma_start3A_83 = arith.constant 0 : i32
    %dma_start3A_84 = arith.constant 0 : i32
    %dma_start3A_85 = arith.constant 0 : i32
    %dma_start3A_86 = tpu.memref_slice %arg11[%dma_start3A_83, %dma_start3A_84, %dma_start3A_85] : memref<2x320x64xf32, #tpu.memory_space<vmem>> -> memref<1x320x64xf32, #tpu.memory_space<vmem>>
    %dma_start3A_87 = tpu.memref_squeeze %dma_start3A_86 : memref<1x320x64xf32, #tpu.memory_space<vmem>> -> memref<320x64xf32, #tpu.memory_space<vmem>>
    %dma_start3A_88 = arith.constant 128 : i32
    %dma_start3A_89 = arith.constant 0 : i32
    %dma_start3A_90 = tpu.memref_slice %dma_start3A_87[%dma_start3A_88, %dma_start3A_89] : memref<320x64xf32, #tpu.memory_space<vmem>> -> memref<64x64xf32, #tpu.memory_space<vmem>>
    %dma_start3A_91 = tpu.memref_slice %arg10[%shift_right_logical3A_78, %mul3A_82] : memref<168x128xi32, #tpu.memory_space<vmem>> -> memref<1x64xi32, #tpu.memory_space<vmem>>
    %dma_start3A_92 = tpu.memref_squeeze %dma_start3A_91 : memref<1x64xi32, #tpu.memory_space<vmem>> -> memref<64xi32, #tpu.memory_space<vmem>>
    %dma_start3A_93 = arith.constant 0 : i32
    %dma_start3A_94 = arith.constant 0 : i32
    %dma_start3A_95 = tpu.memref_slice %arg2[%dma_start3A_93, %dma_start3A_94] : memref<199999x64xf32, #tpu.memory_space<hbm>> -> memref<199999x64xf32, #tpu.memory_space<hbm>>
    tpu.enqueue_indirect_dma source(%dma_start3A_95 : memref<199999x64xf32, #tpu.memory_space<hbm>>) target(%dma_start3A_90 : memref<64x64xf32, #tpu.memory_space<vmem>>) offsets(%dma_start3A_92 : memref<64xi32, #tpu.memory_space<vmem>>) semaphore(%arg14 : memref<!tpu.dma_semaphore, #tpu.memory_space<semaphore_mem>>)
    %add3A_96 = arith.constant 3 : i32
    %add3A_97 = arith.addi %mul3A_34, %add3A_96 : i32
    %shift_right_logical3A_98 = arith.constant 1 : i32
    %shift_right_logical3A_99 = arith.shrui %add3A_97, %shift_right_logical3A_98 : i32
    %and3A_100 = arith.constant 1 : i32
    %and3A_101 = arith.andi %add3A_97, %and3A_100 : i32
    %mul3A_102 = arith.constant 64 : i32
    %mul3A_103 = arith.muli %and3A_101, %mul3A_102 : i32
    %dma_start3A_104 = arith.constant 0 : i32
    %dma_start3A_105 = arith.constant 0 : i32
    %dma_start3A_106 = arith.constant 0 : i32
    %dma_start3A_107 = tpu.memref_slice %arg11[%dma_start3A_104, %dma_start3A_105, %dma_start3A_106] : memref<2x320x64xf32, #tpu.memory_space<vmem>> -> memref<1x320x64xf32, #tpu.memory_space<vmem>>
    %dma_start3A_108 = tpu.memref_squeeze %dma_start3A_107 : memref<1x320x64xf32, #tpu.memory_space<vmem>> -> memref<320x64xf32, #tpu.memory_space<vmem>>
    %dma_start3A_109 = arith.constant 192 : i32
    %dma_start3A_110 = arith.constant 0 : i32
    %dma_start3A_111 = tpu.memref_slice %dma_start3A_108[%dma_start3A_109, %dma_start3A_110] : memref<320x64xf32, #tpu.memory_space<vmem>> -> memref<64x64xf32, #tpu.memory_space<vmem>>
    %dma_start3A_112 = tpu.memref_slice %arg10[%shift_right_logical3A_99, %mul3A_103] : memref<168x128xi32, #tpu.memory_space<vmem>> -> memref<1x64xi32, #tpu.memory_space<vmem>>
    %dma_start3A_113 = tpu.memref_squeeze %dma_start3A_112 : memref<1x64xi32, #tpu.memory_space<vmem>> -> memref<64xi32, #tpu.memory_space<vmem>>
    %dma_start3A_114 = arith.constant 0 : i32
    %dma_start3A_115 = arith.constant 0 : i32
    %dma_start3A_116 = tpu.memref_slice %arg2[%dma_start3A_114, %dma_start3A_115] : memref<199999x64xf32, #tpu.memory_space<hbm>> -> memref<199999x64xf32, #tpu.memory_space<hbm>>
    tpu.enqueue_indirect_dma source(%dma_start3A_116 : memref<199999x64xf32, #tpu.memory_space<hbm>>) target(%dma_start3A_111 : memref<64x64xf32, #tpu.memory_space<vmem>>) offsets(%dma_start3A_113 : memref<64xi32, #tpu.memory_space<vmem>>) semaphore(%arg14 : memref<!tpu.dma_semaphore, #tpu.memory_space<semaphore_mem>>)
    %add3A_117 = arith.constant 4 : i32
    %add3A_118 = arith.addi %mul3A_34, %add3A_117 : i32
    %shift_right_logical3A_119 = arith.constant 1 : i32
    %shift_right_logical3A_120 = arith.shrui %add3A_118, %shift_right_logical3A_119 : i32
    %and3A_121 = arith.constant 1 : i32
    %and3A_122 = arith.andi %add3A_118, %and3A_121 : i32
    %mul3A_123 = arith.constant 64 : i32
    %mul3A_124 = arith.muli %and3A_122, %mul3A_123 : i32
    %dma_start3A_125 = arith.constant 0 : i32
    %dma_start3A_126 = arith.constant 0 : i32
    %dma_start3A_127 = arith.constant 0 : i32
    %dma_start3A_128 = tpu.memref_slice %arg11[%dma_start3A_125, %dma_start3A_126, %dma_start3A_127] : memref<2x320x64xf32, #tpu.memory_space<vmem>> -> memref<1x320x64xf32, #tpu.memory_space<vmem>>
    %dma_start3A_129 = tpu.memref_squeeze %dma_start3A_128 : memref<1x320x64xf32, #tpu.memory_space<vmem>> -> memref<320x64xf32, #tpu.memory_space<vmem>>
    %dma_start3A_130 = arith.constant 256 : i32
    %dma_start3A_131 = arith.constant 0 : i32
    %dma_start3A_132 = tpu.memref_slice %dma_start3A_129[%dma_start3A_130, %dma_start3A_131] : memref<320x64xf32, #tpu.memory_space<vmem>> -> memref<64x64xf32, #tpu.memory_space<vmem>>
    %dma_start3A_133 = tpu.memref_slice %arg10[%shift_right_logical3A_120, %mul3A_124] : memref<168x128xi32, #tpu.memory_space<vmem>> -> memref<1x64xi32, #tpu.memory_space<vmem>>
    %dma_start3A_134 = tpu.memref_squeeze %dma_start3A_133 : memref<1x64xi32, #tpu.memory_space<vmem>> -> memref<64xi32, #tpu.memory_space<vmem>>
    %dma_start3A_135 = arith.constant 0 : i32
    %dma_start3A_136 = arith.constant 0 : i32
    %dma_start3A_137 = tpu.memref_slice %arg2[%dma_start3A_135, %dma_start3A_136] : memref<199999x64xf32, #tpu.memory_space<hbm>> -> memref<199999x64xf32, #tpu.memory_space<hbm>>
    tpu.enqueue_indirect_dma source(%dma_start3A_137 : memref<199999x64xf32, #tpu.memory_space<hbm>>) target(%dma_start3A_132 : memref<64x64xf32, #tpu.memory_space<vmem>>) offsets(%dma_start3A_134 : memref<64xi32, #tpu.memory_space<vmem>>) semaphore(%arg14 : memref<!tpu.dma_semaphore, #tpu.memory_space<semaphore_mem>>)
    %shift_right_logical3A_138 = arith.constant 0 : i32
    %shift_right_logical3A_139 = arith.constant 3 : i32
    %shift_right_logical3A_140 = arith.shrui %shift_right_logical3A_138, %shift_right_logical3A_139 : i32
    %add3A_141 = arith.constant 160 : i32
    %add3A_142 = arith.addi %add3A_141, %shift_right_logical3A_140 : i32
    %and3A_143 = arith.constant 0 : i32
    %and3A_144 = arith.constant 7 : i32
    %and3A_145 = arith.andi %and3A_143, %and3A_144 : i32
    %mul3A_146 = arith.constant 16 : i32
    %mul3A_147 = arith.muli %and3A_145, %mul3A_146 : i32
    %dma_start3A_148 = arith.constant 0 : i32
    %dma_start3A_149 = arith.constant 0 : i32
    %dma_start3A_150 = arith.constant 0 : i32
    %dma_start3A_151 = tpu.memref_slice %arg12[%dma_start3A_148, %dma_start3A_149, %dma_start3A_150] : memref<2x16x64xf32, #tpu.memory_space<vmem>> -> memref<1x16x64xf32, #tpu.memory_space<vmem>>
    %dma_start3A_152 = tpu.memref_squeeze %dma_start3A_151 : memref<1x16x64xf32, #tpu.memory_space<vmem>> -> memref<16x64xf32, #tpu.memory_space<vmem>>
    %dma_start3A_153 = tpu.memref_slice %arg10[%add3A_142, %mul3A_147] : memref<168x128xi32, #tpu.memory_space<vmem>> -> memref<1x16xi32, #tpu.memory_space<vmem>>
    %dma_start3A_154 = tpu.memref_squeeze %dma_start3A_153 : memref<1x16xi32, #tpu.memory_space<vmem>> -> memref<16xi32, #tpu.memory_space<vmem>>
    %dma_start3A_155 = arith.constant 0 : i32
    %dma_start3A_156 = arith.constant 0 : i32
    %dma_start3A_157 = tpu.memref_slice %arg3[%dma_start3A_155, %dma_start3A_156] : memref<199999x64xf32, #tpu.memory_space<hbm>> -> memref<199999x64xf32, #tpu.memory_space<hbm>>
    tpu.enqueue_indirect_dma source(%dma_start3A_157 : memref<199999x64xf32, #tpu.memory_space<hbm>>) target(%dma_start3A_152 : memref<16x64xf32, #tpu.memory_space<vmem>>) offsets(%dma_start3A_154 : memref<16xi32, #tpu.memory_space<vmem>>) semaphore(%arg14 : memref<!tpu.dma_semaphore, #tpu.memory_space<semaphore_mem>>)
    %mul3A_158 = arith.constant 1 : i32
    %mul3A_159 = arith.constant 5 : i32
    %mul3A_160 = arith.muli %mul3A_158, %mul3A_159 : i32
    %add3A_161 = arith.constant 0 : i32
    %add3A_162 = arith.addi %mul3A_160, %add3A_161 : i32
    %shift_right_logical3A_163 = arith.constant 1 : i32
    %shift_right_logical3A_164 = arith.shrui %add3A_162, %shift_right_logical3A_163 : i32
    %and3A_165 = arith.constant 1 : i32
    %and3A_166 = arith.andi %add3A_162, %and3A_165 : i32
    %mul3A_167 = arith.constant 64 : i32
    %mul3A_168 = arith.muli %and3A_166, %mul3A_167 : i32
    %dma_start3A_169 = arith.constant 1 : i32
    %dma_start3A_170 = arith.constant 0 : i32
    %dma_start3A_171 = arith.constant 0 : i32
    %dma_start3A_172 = tpu.memref_slice %arg11[%dma_start3A_169, %dma_start3A_170, %dma_start3A_171] : memref<2x320x64xf32, #tpu.memory_space<vmem>> -> memref<1x320x64xf32, #tpu.memory_space<vmem>>
    %dma_start3A_173 = tpu.memref_squeeze %dma_start3A_172 : memref<1x320x64xf32, #tpu.memory_space<vmem>> -> memref<320x64xf32, #tpu.memory_space<vmem>>
    %dma_start3A_174 = arith.constant 0 : i32
    %dma_start3A_175 = arith.constant 0 : i32
    %dma_start3A_176 = tpu.memref_slice %dma_start3A_173[%dma_start3A_174, %dma_start3A_175] : memref<320x64xf32, #tpu.memory_space<vmem>> -> memref<64x64xf32, #tpu.memory_space<vmem>>
    %dma_start3A_177 = tpu.memref_slice %arg10[%shift_right_logical3A_164, %mul3A_168] : memref<168x128xi32, #tpu.memory_space<vmem>> -> memref<1x64xi32, #tpu.memory_space<vmem>>
    %dma_start3A_178 = tpu.memref_squeeze %dma_start3A_177 : memref<1x64xi32, #tpu.memory_space<vmem>> -> memref<64xi32, #tpu.memory_space<vmem>>
    %dma_start3A_179 = arith.constant 0 : i32
    %dma_start3A_180 = arith.constant 0 : i32
    %dma_start3A_181 = tpu.memref_slice %arg2[%dma_start3A_179, %dma_start3A_180] : memref<199999x64xf32, #tpu.memory_space<hbm>> -> memref<199999x64xf32, #tpu.memory_space<hbm>>
    tpu.enqueue_indirect_dma source(%dma_start3A_181 : memref<199999x64xf32, #tpu.memory_space<hbm>>) target(%dma_start3A_176 : memref<64x64xf32, #tpu.memory_space<vmem>>) offsets(%dma_start3A_178 : memref<64xi32, #tpu.memory_space<vmem>>) semaphore(%arg15 : memref<!tpu.dma_semaphore, #tpu.memory_space<semaphore_mem>>)
    %add3A_182 = arith.constant 1 : i32
    %add3A_183 = arith.addi %mul3A_160, %add3A_182 : i32
    %shift_right_logical3A_184 = arith.constant 1 : i32
    %shift_right_logical3A_185 = arith.shrui %add3A_183, %shift_right_logical3A_184 : i32
    %and3A_186 = arith.constant 1 : i32
    %and3A_187 = arith.andi %add3A_183, %and3A_186 : i32
    %mul3A_188 = arith.constant 64 : i32
    %mul3A_189 = arith.muli %and3A_187, %mul3A_188 : i32
    %dma_start3A_190 = arith.constant 1 : i32
    %dma_start3A_191 = arith.constant 0 : i32
    %dma_start3A_192 = arith.constant 0 : i32
    %dma_start3A_193 = tpu.memref_slice %arg11[%dma_start3A_190, %dma_start3A_191, %dma_start3A_192] : memref<2x320x64xf32, #tpu.memory_space<vmem>> -> memref<1x320x64xf32, #tpu.memory_space<vmem>>
    %dma_start3A_194 = tpu.memref_squeeze %dma_start3A_193 : memref<1x320x64xf32, #tpu.memory_space<vmem>> -> memref<320x64xf32, #tpu.memory_space<vmem>>
    %dma_start3A_195 = arith.constant 64 : i32
    %dma_start3A_196 = arith.constant 0 : i32
    %dma_start3A_197 = tpu.memref_slice %dma_start3A_194[%dma_start3A_195, %dma_start3A_196] : memref<320x64xf32, #tpu.memory_space<vmem>> -> memref<64x64xf32, #tpu.memory_space<vmem>>
    %dma_start3A_198 = tpu.memref_slice %arg10[%shift_right_logical3A_185, %mul3A_189] : memref<168x128xi32, #tpu.memory_space<vmem>> -> memref<1x64xi32, #tpu.memory_space<vmem>>
    %dma_start3A_199 = tpu.memref_squeeze %dma_start3A_198 : memref<1x64xi32, #tpu.memory_space<vmem>> -> memref<64xi32, #tpu.memory_space<vmem>>
    %dma_start3A_200 = arith.constant 0 : i32
    %dma_start3A_201 = arith.constant 0 : i32
    %dma_start3A_202 = tpu.memref_slice %arg2[%dma_start3A_200, %dma_start3A_201] : memref<199999x64xf32, #tpu.memory_space<hbm>> -> memref<199999x64xf32, #tpu.memory_space<hbm>>
    tpu.enqueue_indirect_dma source(%dma_start3A_202 : memref<199999x64xf32, #tpu.memory_space<hbm>>) target(%dma_start3A_197 : memref<64x64xf32, #tpu.memory_space<vmem>>) offsets(%dma_start3A_199 : memref<64xi32, #tpu.memory_space<vmem>>) semaphore(%arg15 : memref<!tpu.dma_semaphore, #tpu.memory_space<semaphore_mem>>)
    %add3A_203 = arith.constant 2 : i32
    %add3A_204 = arith.addi %mul3A_160, %add3A_203 : i32
    %shift_right_logical3A_205 = arith.constant 1 : i32
    %shift_right_logical3A_206 = arith.shrui %add3A_204, %shift_right_logical3A_205 : i32
    %and3A_207 = arith.constant 1 : i32
    %and3A_208 = arith.andi %add3A_204, %and3A_207 : i32
    %mul3A_209 = arith.constant 64 : i32
    %mul3A_210 = arith.muli %and3A_208, %mul3A_209 : i32
    %dma_start3A_211 = arith.constant 1 : i32
    %dma_start3A_212 = arith.constant 0 : i32
    %dma_start3A_213 = arith.constant 0 : i32
    %dma_start3A_214 = tpu.memref_slice %arg11[%dma_start3A_211, %dma_start3A_212, %dma_start3A_213] : memref<2x320x64xf32, #tpu.memory_space<vmem>> -> memref<1x320x64xf32, #tpu.memory_space<vmem>>
    %dma_start3A_215 = tpu.memref_squeeze %dma_start3A_214 : memref<1x320x64xf32, #tpu.memory_space<vmem>> -> memref<320x64xf32, #tpu.memory_space<vmem>>
    %dma_start3A_216 = arith.constant 128 : i32
    %dma_start3A_217 = arith.constant 0 : i32
    %dma_start3A_218 = tpu.memref_slice %dma_start3A_215[%dma_start3A_216, %dma_start3A_217] : memref<320x64xf32, #tpu.memory_space<vmem>> -> memref<64x64xf32, #tpu.memory_space<vmem>>
    %dma_start3A_219 = tpu.memref_slice %arg10[%shift_right_logical3A_206, %mul3A_210] : memref<168x128xi32, #tpu.memory_space<vmem>> -> memref<1x64xi32, #tpu.memory_space<vmem>>
    %dma_start3A_220 = tpu.memref_squeeze %dma_start3A_219 : memref<1x64xi32, #tpu.memory_space<vmem>> -> memref<64xi32, #tpu.memory_space<vmem>>
    %dma_start3A_221 = arith.constant 0 : i32
    %dma_start3A_222 = arith.constant 0 : i32
    %dma_start3A_223 = tpu.memref_slice %arg2[%dma_start3A_221, %dma_start3A_222] : memref<199999x64xf32, #tpu.memory_space<hbm>> -> memref<199999x64xf32, #tpu.memory_space<hbm>>
    tpu.enqueue_indirect_dma source(%dma_start3A_223 : memref<199999x64xf32, #tpu.memory_space<hbm>>) target(%dma_start3A_218 : memref<64x64xf32, #tpu.memory_space<vmem>>) offsets(%dma_start3A_220 : memref<64xi32, #tpu.memory_space<vmem>>) semaphore(%arg15 : memref<!tpu.dma_semaphore, #tpu.memory_space<semaphore_mem>>)
    %add3A_224 = arith.constant 3 : i32
    %add3A_225 = arith.addi %mul3A_160, %add3A_224 : i32
    %shift_right_logical3A_226 = arith.constant 1 : i32
    %shift_right_logical3A_227 = arith.shrui %add3A_225, %shift_right_logical3A_226 : i32
    %and3A_228 = arith.constant 1 : i32
    %and3A_229 = arith.andi %add3A_225, %and3A_228 : i32
    %mul3A_230 = arith.constant 64 : i32
    %mul3A_231 = arith.muli %and3A_229, %mul3A_230 : i32
    %dma_start3A_232 = arith.constant 1 : i32
    %dma_start3A_233 = arith.constant 0 : i32
    %dma_start3A_234 = arith.constant 0 : i32
    %dma_start3A_235 = tpu.memref_slice %arg11[%dma_start3A_232, %dma_start3A_233, %dma_start3A_234] : memref<2x320x64xf32, #tpu.memory_space<vmem>> -> memref<1x320x64xf32, #tpu.memory_space<vmem>>
    %dma_start3A_236 = tpu.memref_squeeze %dma_start3A_235 : memref<1x320x64xf32, #tpu.memory_space<vmem>> -> memref<320x64xf32, #tpu.memory_space<vmem>>
    %dma_start3A_237 = arith.constant 192 : i32
    %dma_start3A_238 = arith.constant 0 : i32
    %dma_start3A_239 = tpu.memref_slice %dma_start3A_236[%dma_start3A_237, %dma_start3A_238] : memref<320x64xf32, #tpu.memory_space<vmem>> -> memref<64x64xf32, #tpu.memory_space<vmem>>
    %dma_start3A_240 = tpu.memref_slice %arg10[%shift_right_logical3A_227, %mul3A_231] : memref<168x128xi32, #tpu.memory_space<vmem>> -> memref<1x64xi32, #tpu.memory_space<vmem>>
    %dma_start3A_241 = tpu.memref_squeeze %dma_start3A_240 : memref<1x64xi32, #tpu.memory_space<vmem>> -> memref<64xi32, #tpu.memory_space<vmem>>
    %dma_start3A_242 = arith.constant 0 : i32
    %dma_start3A_243 = arith.constant 0 : i32
    %dma_start3A_244 = tpu.memref_slice %arg2[%dma_start3A_242, %dma_start3A_243] : memref<199999x64xf32, #tpu.memory_space<hbm>> -> memref<199999x64xf32, #tpu.memory_space<hbm>>
    tpu.enqueue_indirect_dma source(%dma_start3A_244 : memref<199999x64xf32, #tpu.memory_space<hbm>>) target(%dma_start3A_239 : memref<64x64xf32, #tpu.memory_space<vmem>>) offsets(%dma_start3A_241 : memref<64xi32, #tpu.memory_space<vmem>>) semaphore(%arg15 : memref<!tpu.dma_semaphore, #tpu.memory_space<semaphore_mem>>)
    %add3A_245 = arith.constant 4 : i32
    %add3A_246 = arith.addi %mul3A_160, %add3A_245 : i32
    %shift_right_logical3A_247 = arith.constant 1 : i32
    %shift_right_logical3A_248 = arith.shrui %add3A_246, %shift_right_logical3A_247 : i32
    %and3A_249 = arith.constant 1 : i32
    %and3A_250 = arith.andi %add3A_246, %and3A_249 : i32
    %mul3A_251 = arith.constant 64 : i32
    %mul3A_252 = arith.muli %and3A_250, %mul3A_251 : i32
    %dma_start3A_253 = arith.constant 1 : i32
    %dma_start3A_254 = arith.constant 0 : i32
    %dma_start3A_255 = arith.constant 0 : i32
    %dma_start3A_256 = tpu.memref_slice %arg11[%dma_start3A_253, %dma_start3A_254, %dma_start3A_255] : memref<2x320x64xf32, #tpu.memory_space<vmem>> -> memref<1x320x64xf32, #tpu.memory_space<vmem>>
    %dma_start3A_257 = tpu.memref_squeeze %dma_start3A_256 : memref<1x320x64xf32, #tpu.memory_space<vmem>> -> memref<320x64xf32, #tpu.memory_space<vmem>>
    %dma_start3A_258 = arith.constant 256 : i32
    %dma_start3A_259 = arith.constant 0 : i32
    %dma_start3A_260 = tpu.memref_slice %dma_start3A_257[%dma_start3A_258, %dma_start3A_259] : memref<320x64xf32, #tpu.memory_space<vmem>> -> memref<64x64xf32, #tpu.memory_space<vmem>>
    %dma_start3A_261 = tpu.memref_slice %arg10[%shift_right_logical3A_248, %mul3A_252] : memref<168x128xi32, #tpu.memory_space<vmem>> -> memref<1x64xi32, #tpu.memory_space<vmem>>
    %dma_start3A_262 = tpu.memref_squeeze %dma_start3A_261 : memref<1x64xi32, #tpu.memory_space<vmem>> -> memref<64xi32, #tpu.memory_space<vmem>>
    %dma_start3A_263 = arith.constant 0 : i32
    %dma_start3A_264 = arith.constant 0 : i32
    %dma_start3A_265 = tpu.memref_slice %arg2[%dma_start3A_263, %dma_start3A_264] : memref<199999x64xf32, #tpu.memory_space<hbm>> -> memref<199999x64xf32, #tpu.memory_space<hbm>>
    tpu.enqueue_indirect_dma source(%dma_start3A_265 : memref<199999x64xf32, #tpu.memory_space<hbm>>) target(%dma_start3A_260 : memref<64x64xf32, #tpu.memory_space<vmem>>) offsets(%dma_start3A_262 : memref<64xi32, #tpu.memory_space<vmem>>) semaphore(%arg15 : memref<!tpu.dma_semaphore, #tpu.memory_space<semaphore_mem>>)
    %shift_right_logical3A_266 = arith.constant 1 : i32
    %shift_right_logical3A_267 = arith.constant 3 : i32
    %shift_right_logical3A_268 = arith.shrui %shift_right_logical3A_266, %shift_right_logical3A_267 : i32
    %add3A_269 = arith.constant 160 : i32
    %add3A_270 = arith.addi %add3A_269, %shift_right_logical3A_268 : i32
    %and3A_271 = arith.constant 1 : i32
    %and3A_272 = arith.constant 7 : i32
    %and3A_273 = arith.andi %and3A_271, %and3A_272 : i32
    %mul3A_274 = arith.constant 16 : i32
    %mul3A_275 = arith.muli %and3A_273, %mul3A_274 : i32
    %dma_start3A_276 = arith.constant 1 : i32
    %dma_start3A_277 = arith.constant 0 : i32
    %dma_start3A_278 = arith.constant 0 : i32
    %dma_start3A_279 = tpu.memref_slice %arg12[%dma_start3A_276, %dma_start3A_277, %dma_start3A_278] : memref<2x16x64xf32, #tpu.memory_space<vmem>> -> memref<1x16x64xf32, #tpu.memory_space<vmem>>
    %dma_start3A_280 = tpu.memref_squeeze %dma_start3A_279 : memref<1x16x64xf32, #tpu.memory_space<vmem>> -> memref<16x64xf32, #tpu.memory_space<vmem>>
    %dma_start3A_281 = tpu.memref_slice %arg10[%add3A_270, %mul3A_275] : memref<168x128xi32, #tpu.memory_space<vmem>> -> memref<1x16xi32, #tpu.memory_space<vmem>>
    %dma_start3A_282 = tpu.memref_squeeze %dma_start3A_281 : memref<1x16xi32, #tpu.memory_space<vmem>> -> memref<16xi32, #tpu.memory_space<vmem>>
    %dma_start3A_283 = arith.constant 0 : i32
    %dma_start3A_284 = arith.constant 0 : i32
    %dma_start3A_285 = tpu.memref_slice %arg3[%dma_start3A_283, %dma_start3A_284] : memref<199999x64xf32, #tpu.memory_space<hbm>> -> memref<199999x64xf32, #tpu.memory_space<hbm>>
    tpu.enqueue_indirect_dma source(%dma_start3A_285 : memref<199999x64xf32, #tpu.memory_space<hbm>>) target(%dma_start3A_280 : memref<16x64xf32, #tpu.memory_space<vmem>>) offsets(%dma_start3A_282 : memref<16xi32, #tpu.memory_space<vmem>>) semaphore(%arg15 : memref<!tpu.dma_semaphore, #tpu.memory_space<semaphore_mem>>)
    %scan3A = arith.constant 0 : i32
    %scan3A_286 = arith.constant 0 : i32
    %scan3A_287 = arith.constant 0 : i32
    %scan3A_288 = arith.constant 5.000000e-02 : f32
    %scan3A_289 = arith.constant 1 : i32
    %scan3A_290 = arith.constant 1 : i32
    %scan3A_291 = arith.constant 0 : i32
    %scan3A_292 = arith.constant 32 : i32
    %scan3A_293 = arith.addi %scan3A_291, %scan3A_292 : i32
    %scan3A_294 = arith.constant 1 : i32
    scf.for %scan3A_555 = %scan3A_291 to %scan3A_293 step %scan3A_294  : i32 {
      %mul3A_556 = arith.constant 2 : i32
      %mul3A_557 = arith.muli %mul3A_556, %scan3A_555 : i32
      %mul3A_558 = arith.constant 2 : i32
      %mul3A_559 = arith.muli %mul3A_558, %scan3A_555 : i32
      %add3A_560 = arith.constant 1 : i32
      %add3A_561 = arith.addi %mul3A_559, %add3A_560 : i32
      %mul3A_562 = arith.constant 5 : i32
      %mul3A_563 = arith.muli %mul3A_557, %mul3A_562 : i32
      %add3A_564 = arith.constant 0 : i32
      %add3A_565 = arith.addi %mul3A_563, %add3A_564 : i32
      %shift_right_logical3A_566 = arith.constant 1 : i32
      %shift_right_logical3A_567 = arith.shrui %add3A_565, %shift_right_logical3A_566 : i32
      %and3A_568 = arith.constant 1 : i32
      %and3A_569 = arith.andi %add3A_565, %and3A_568 : i32
      %mul3A_570 = arith.constant 64 : i32
      %mul3A_571 = arith.muli %and3A_569, %mul3A_570 : i32
      %dma_wait3A_572 = arith.constant 0 : i32
      %dma_wait3A_573 = arith.constant 0 : i32
      %dma_wait3A_574 = tpu.memref_slice %arg11[%scan3A_286, %dma_wait3A_572, %dma_wait3A_573] : memref<2x320x64xf32, #tpu.memory_space<vmem>> -> memref<1x320x64xf32, #tpu.memory_space<vmem>>
      %dma_wait3A_575 = tpu.memref_squeeze %dma_wait3A_574 : memref<1x320x64xf32, #tpu.memory_space<vmem>> -> memref<320x64xf32, #tpu.memory_space<vmem>>
      %dma_wait3A_576 = arith.constant 0 : i32
      %dma_wait3A_577 = arith.constant 0 : i32
      %dma_wait3A_578 = tpu.memref_slice %dma_wait3A_575[%dma_wait3A_576, %dma_wait3A_577] : memref<320x64xf32, #tpu.memory_space<vmem>> -> memref<64x64xf32, #tpu.memory_space<vmem>>
      %dma_wait3A_579 = tpu.memref_slice %arg10[%shift_right_logical3A_567, %mul3A_571] : memref<168x128xi32, #tpu.memory_space<vmem>> -> memref<1x64xi32, #tpu.memory_space<vmem>>
      %dma_wait3A_580 = tpu.memref_squeeze %dma_wait3A_579 : memref<1x64xi32, #tpu.memory_space<vmem>> -> memref<64xi32, #tpu.memory_space<vmem>>
      %dma_wait3A_581 = arith.constant 0 : i32
      %dma_wait3A_582 = arith.constant 0 : i32
      %dma_wait3A_583 = tpu.memref_slice %arg2[%dma_wait3A_581, %dma_wait3A_582] : memref<199999x64xf32, #tpu.memory_space<hbm>> -> memref<199999x64xf32, #tpu.memory_space<hbm>>
      tpu.wait_indirect_dma semaphore(%arg14 : memref<!tpu.dma_semaphore, #tpu.memory_space<semaphore_mem>>) src(%dma_wait3A_583 : memref<199999x64xf32, #tpu.memory_space<hbm>>) dst(%dma_wait3A_578 : memref<64x64xf32, #tpu.memory_space<vmem>>)
      %add3A_584 = arith.constant 1 : i32
      %add3A_585 = arith.addi %mul3A_563, %add3A_584 : i32
      %shift_right_logical3A_586 = arith.constant 1 : i32
      %shift_right_logical3A_587 = arith.shrui %add3A_585, %shift_right_logical3A_586 : i32
      %and3A_588 = arith.constant 1 : i32
      %and3A_589 = arith.andi %add3A_585, %and3A_588 : i32
      %mul3A_590 = arith.constant 64 : i32
      %mul3A_591 = arith.muli %and3A_589, %mul3A_590 : i32
      %dma_wait3A_592 = arith.constant 0 : i32
      %dma_wait3A_593 = arith.constant 0 : i32
      %dma_wait3A_594 = tpu.memref_slice %arg11[%scan3A_286, %dma_wait3A_592, %dma_wait3A_593] : memref<2x320x64xf32, #tpu.memory_space<vmem>> -> memref<1x320x64xf32, #tpu.memory_space<vmem>>
      %dma_wait3A_595 = tpu.memref_squeeze %dma_wait3A_594 : memref<1x320x64xf32, #tpu.memory_space<vmem>> -> memref<320x64xf32, #tpu.memory_space<vmem>>
      %dma_wait3A_596 = arith.constant 64 : i32
      %dma_wait3A_597 = arith.constant 0 : i32
      %dma_wait3A_598 = tpu.memref_slice %dma_wait3A_595[%dma_wait3A_596, %dma_wait3A_597] : memref<320x64xf32, #tpu.memory_space<vmem>> -> memref<64x64xf32, #tpu.memory_space<vmem>>
      %dma_wait3A_599 = tpu.memref_slice %arg10[%shift_right_logical3A_587, %mul3A_591] : memref<168x128xi32, #tpu.memory_space<vmem>> -> memref<1x64xi32, #tpu.memory_space<vmem>>
      %dma_wait3A_600 = tpu.memref_squeeze %dma_wait3A_599 : memref<1x64xi32, #tpu.memory_space<vmem>> -> memref<64xi32, #tpu.memory_space<vmem>>
      %dma_wait3A_601 = arith.constant 0 : i32
      %dma_wait3A_602 = arith.constant 0 : i32
      %dma_wait3A_603 = tpu.memref_slice %arg2[%dma_wait3A_601, %dma_wait3A_602] : memref<199999x64xf32, #tpu.memory_space<hbm>> -> memref<199999x64xf32, #tpu.memory_space<hbm>>
      tpu.wait_indirect_dma semaphore(%arg14 : memref<!tpu.dma_semaphore, #tpu.memory_space<semaphore_mem>>) src(%dma_wait3A_603 : memref<199999x64xf32, #tpu.memory_space<hbm>>) dst(%dma_wait3A_598 : memref<64x64xf32, #tpu.memory_space<vmem>>)
      %add3A_604 = arith.constant 2 : i32
      %add3A_605 = arith.addi %mul3A_563, %add3A_604 : i32
      %shift_right_logical3A_606 = arith.constant 1 : i32
      %shift_right_logical3A_607 = arith.shrui %add3A_605, %shift_right_logical3A_606 : i32
      %and3A_608 = arith.constant 1 : i32
      %and3A_609 = arith.andi %add3A_605, %and3A_608 : i32
      %mul3A_610 = arith.constant 64 : i32
      %mul3A_611 = arith.muli %and3A_609, %mul3A_610 : i32
      %dma_wait3A_612 = arith.constant 0 : i32
      %dma_wait3A_613 = arith.constant 0 : i32
      %dma_wait3A_614 = tpu.memref_slice %arg11[%scan3A_286, %dma_wait3A_612, %dma_wait3A_613] : memref<2x320x64xf32, #tpu.memory_space<vmem>> -> memref<1x320x64xf32, #tpu.memory_space<vmem>>
      %dma_wait3A_615 = tpu.memref_squeeze %dma_wait3A_614 : memref<1x320x64xf32, #tpu.memory_space<vmem>> -> memref<320x64xf32, #tpu.memory_space<vmem>>
      %dma_wait3A_616 = arith.constant 128 : i32
      %dma_wait3A_617 = arith.constant 0 : i32
      %dma_wait3A_618 = tpu.memref_slice %dma_wait3A_615[%dma_wait3A_616, %dma_wait3A_617] : memref<320x64xf32, #tpu.memory_space<vmem>> -> memref<64x64xf32, #tpu.memory_space<vmem>>
      %dma_wait3A_619 = tpu.memref_slice %arg10[%shift_right_logical3A_607, %mul3A_611] : memref<168x128xi32, #tpu.memory_space<vmem>> -> memref<1x64xi32, #tpu.memory_space<vmem>>
      %dma_wait3A_620 = tpu.memref_squeeze %dma_wait3A_619 : memref<1x64xi32, #tpu.memory_space<vmem>> -> memref<64xi32, #tpu.memory_space<vmem>>
      %dma_wait3A_621 = arith.constant 0 : i32
      %dma_wait3A_622 = arith.constant 0 : i32
      %dma_wait3A_623 = tpu.memref_slice %arg2[%dma_wait3A_621, %dma_wait3A_622] : memref<199999x64xf32, #tpu.memory_space<hbm>> -> memref<199999x64xf32, #tpu.memory_space<hbm>>
      tpu.wait_indirect_dma semaphore(%arg14 : memref<!tpu.dma_semaphore, #tpu.memory_space<semaphore_mem>>) src(%dma_wait3A_623 : memref<199999x64xf32, #tpu.memory_space<hbm>>) dst(%dma_wait3A_618 : memref<64x64xf32, #tpu.memory_space<vmem>>)
      %add3A_624 = arith.constant 3 : i32
      %add3A_625 = arith.addi %mul3A_563, %add3A_624 : i32
      %shift_right_logical3A_626 = arith.constant 1 : i32
      %shift_right_logical3A_627 = arith.shrui %add3A_625, %shift_right_logical3A_626 : i32
      %and3A_628 = arith.constant 1 : i32
      %and3A_629 = arith.andi %add3A_625, %and3A_628 : i32
      %mul3A_630 = arith.constant 64 : i32
      %mul3A_631 = arith.muli %and3A_629, %mul3A_630 : i32
      %dma_wait3A_632 = arith.constant 0 : i32
      %dma_wait3A_633 = arith.constant 0 : i32
      %dma_wait3A_634 = tpu.memref_slice %arg11[%scan3A_286, %dma_wait3A_632, %dma_wait3A_633] : memref<2x320x64xf32, #tpu.memory_space<vmem>> -> memref<1x320x64xf32, #tpu.memory_space<vmem>>
      %dma_wait3A_635 = tpu.memref_squeeze %dma_wait3A_634 : memref<1x320x64xf32, #tpu.memory_space<vmem>> -> memref<320x64xf32, #tpu.memory_space<vmem>>
      %dma_wait3A_636 = arith.constant 192 : i32
      %dma_wait3A_637 = arith.constant 0 : i32
      %dma_wait3A_638 = tpu.memref_slice %dma_wait3A_635[%dma_wait3A_636, %dma_wait3A_637] : memref<320x64xf32, #tpu.memory_space<vmem>> -> memref<64x64xf32, #tpu.memory_space<vmem>>
      %dma_wait3A_639 = tpu.memref_slice %arg10[%shift_right_logical3A_627, %mul3A_631] : memref<168x128xi32, #tpu.memory_space<vmem>> -> memref<1x64xi32, #tpu.memory_space<vmem>>
      %dma_wait3A_640 = tpu.memref_squeeze %dma_wait3A_639 : memref<1x64xi32, #tpu.memory_space<vmem>> -> memref<64xi32, #tpu.memory_space<vmem>>
      %dma_wait3A_641 = arith.constant 0 : i32
      %dma_wait3A_642 = arith.constant 0 : i32
      %dma_wait3A_643 = tpu.memref_slice %arg2[%dma_wait3A_641, %dma_wait3A_642] : memref<199999x64xf32, #tpu.memory_space<hbm>> -> memref<199999x64xf32, #tpu.memory_space<hbm>>
      tpu.wait_indirect_dma semaphore(%arg14 : memref<!tpu.dma_semaphore, #tpu.memory_space<semaphore_mem>>) src(%dma_wait3A_643 : memref<199999x64xf32, #tpu.memory_space<hbm>>) dst(%dma_wait3A_638 : memref<64x64xf32, #tpu.memory_space<vmem>>)
      %add3A_644 = arith.constant 4 : i32
      %add3A_645 = arith.addi %mul3A_563, %add3A_644 : i32
      %shift_right_logical3A_646 = arith.constant 1 : i32
      %shift_right_logical3A_647 = arith.shrui %add3A_645, %shift_right_logical3A_646 : i32
      %and3A_648 = arith.constant 1 : i32
      %and3A_649 = arith.andi %add3A_645, %and3A_648 : i32
      %mul3A_650 = arith.constant 64 : i32
      %mul3A_651 = arith.muli %and3A_649, %mul3A_650 : i32
      %dma_wait3A_652 = arith.constant 0 : i32
      %dma_wait3A_653 = arith.constant 0 : i32
      %dma_wait3A_654 = tpu.memref_slice %arg11[%scan3A_286, %dma_wait3A_652, %dma_wait3A_653] : memref<2x320x64xf32, #tpu.memory_space<vmem>> -> memref<1x320x64xf32, #tpu.memory_space<vmem>>
      %dma_wait3A_655 = tpu.memref_squeeze %dma_wait3A_654 : memref<1x320x64xf32, #tpu.memory_space<vmem>> -> memref<320x64xf32, #tpu.memory_space<vmem>>
      %dma_wait3A_656 = arith.constant 256 : i32
      %dma_wait3A_657 = arith.constant 0 : i32
      %dma_wait3A_658 = tpu.memref_slice %dma_wait3A_655[%dma_wait3A_656, %dma_wait3A_657] : memref<320x64xf32, #tpu.memory_space<vmem>> -> memref<64x64xf32, #tpu.memory_space<vmem>>
      %dma_wait3A_659 = tpu.memref_slice %arg10[%shift_right_logical3A_647, %mul3A_651] : memref<168x128xi32, #tpu.memory_space<vmem>> -> memref<1x64xi32, #tpu.memory_space<vmem>>
      %dma_wait3A_660 = tpu.memref_squeeze %dma_wait3A_659 : memref<1x64xi32, #tpu.memory_space<vmem>> -> memref<64xi32, #tpu.memory_space<vmem>>
      %dma_wait3A_661 = arith.constant 0 : i32
      %dma_wait3A_662 = arith.constant 0 : i32
      %dma_wait3A_663 = tpu.memref_slice %arg2[%dma_wait3A_661, %dma_wait3A_662] : memref<199999x64xf32, #tpu.memory_space<hbm>> -> memref<199999x64xf32, #tpu.memory_space<hbm>>
      tpu.wait_indirect_dma semaphore(%arg14 : memref<!tpu.dma_semaphore, #tpu.memory_space<semaphore_mem>>) src(%dma_wait3A_663 : memref<199999x64xf32, #tpu.memory_space<hbm>>) dst(%dma_wait3A_658 : memref<64x64xf32, #tpu.memory_space<vmem>>)
      %shift_right_logical3A_664 = arith.constant 3 : i32
      %shift_right_logical3A_665 = arith.shrui %mul3A_557, %shift_right_logical3A_664 : i32
      %add3A_666 = arith.constant 160 : i32
      %add3A_667 = arith.addi %add3A_666, %shift_right_logical3A_665 : i32
      %and3A_668 = arith.constant 7 : i32
      %and3A_669 = arith.andi %mul3A_557, %and3A_668 : i32
      %mul3A_670 = arith.constant 16 : i32
      %mul3A_671 = arith.muli %and3A_669, %mul3A_670 : i32
      %dma_wait3A_672 = arith.constant 0 : i32
      %dma_wait3A_673 = arith.constant 0 : i32
      %dma_wait3A_674 = tpu.memref_slice %arg12[%scan3A_287, %dma_wait3A_672, %dma_wait3A_673] : memref<2x16x64xf32, #tpu.memory_space<vmem>> -> memref<1x16x64xf32, #tpu.memory_space<vmem>>
      %dma_wait3A_675 = tpu.memref_squeeze %dma_wait3A_674 : memref<1x16x64xf32, #tpu.memory_space<vmem>> -> memref<16x64xf32, #tpu.memory_space<vmem>>
      %dma_wait3A_676 = tpu.memref_slice %arg10[%add3A_667, %mul3A_671] : memref<168x128xi32, #tpu.memory_space<vmem>> -> memref<1x16xi32, #tpu.memory_space<vmem>>
      %dma_wait3A_677 = tpu.memref_squeeze %dma_wait3A_676 : memref<1x16xi32, #tpu.memory_space<vmem>> -> memref<16xi32, #tpu.memory_space<vmem>>
      %dma_wait3A_678 = arith.constant 0 : i32
      %dma_wait3A_679 = arith.constant 0 : i32
      %dma_wait3A_680 = tpu.memref_slice %arg3[%dma_wait3A_678, %dma_wait3A_679] : memref<199999x64xf32, #tpu.memory_space<hbm>> -> memref<199999x64xf32, #tpu.memory_space<hbm>>
      tpu.wait_indirect_dma semaphore(%arg14 : memref<!tpu.dma_semaphore, #tpu.memory_space<semaphore_mem>>) src(%dma_wait3A_680 : memref<199999x64xf32, #tpu.memory_space<hbm>>) dst(%dma_wait3A_675 : memref<16x64xf32, #tpu.memory_space<vmem>>)
      %broadcast_in_dim3A = arith.constant 0.000000e+00 : f32
      %broadcast_in_dim3A_681 = vector.broadcast %broadcast_in_dim3A : f32 to vector<16xf32>
      %scan3A_682 = arith.constant 0 : i32
      %scan3A_683 = arith.constant 16 : i32
      %scan3A_684 = arith.addi %scan3A_682, %scan3A_683 : i32
      %scan3A_685 = arith.constant 1 : i32
      %scan3A_686 = scf.for %scan3A_1077 = %scan3A_682 to %scan3A_684 step %scan3A_685 iter_args(%scan3A_1078 = %broadcast_in_dim3A_681) -> (vector<16xf32>)  : i32 {
        %mul3A_1079 = arith.constant 20 : i32
        %mul3A_1080 = arith.muli %scan3A_1077, %mul3A_1079 : i32
        %get3A = arith.constant 0 : i32
        %get3A_1081 = arith.constant 0 : i32
        %get3A_1082 = tpu.memref_slice %arg11[%scan3A_286, %get3A, %get3A_1081] : memref<2x320x64xf32, #tpu.memory_space<vmem>> -> memref<1x320x64xf32, #tpu.memory_space<vmem>>
        %get3A_1083 = tpu.memref_squeeze %get3A_1082 : memref<1x320x64xf32, #tpu.memory_space<vmem>> -> memref<320x64xf32, #tpu.memory_space<vmem>>
        %get3A_1084 = arith.index_cast %mul3A_1080 : i32 to index
        %get3A_1085 = arith.constant 0 : index
        %get3A_1086 = tpu.vector_load %get3A_1083[%get3A_1084, %get3A_1085] {strides = array<i32>} : memref<320x64xf32, #tpu.memory_space<vmem>>, vector<1x16xf32>,
        %get3A_1087 = vector.shape_cast %get3A_1086 : vector<1x16xf32> to vector<16xf32>
        %add3A_1088 = arith.constant 1 : i32
        %add3A_1089 = arith.addi %mul3A_1080, %add3A_1088 : i32
        %get3A_1090 = arith.constant 0 : i32
        %get3A_1091 = arith.constant 0 : i32
        %get3A_1092 = tpu.memref_slice %arg11[%scan3A_286, %get3A_1090, %get3A_1091] : memref<2x320x64xf32, #tpu.memory_space<vmem>> -> memref<1x320x64xf32, #tpu.memory_space<vmem>>
        %get3A_1093 = tpu.memref_squeeze %get3A_1092 : memref<1x320x64xf32, #tpu.memory_space<vmem>> -> memref<320x64xf32, #tpu.memory_space<vmem>>
        %get3A_1094 = arith.index_cast %add3A_1089 : i32 to index
        %get3A_1095 = arith.constant 0 : index
        %get3A_1096 = tpu.vector_load %get3A_1093[%get3A_1094, %get3A_1095] {strides = array<i32>} : memref<320x64xf32, #tpu.memory_space<vmem>>, vector<1x16xf32>,
        %get3A_1097 = vector.shape_cast %get3A_1096 : vector<1x16xf32> to vector<16xf32>
        %add3A_1098 = arith.addf %get3A_1087, %get3A_1097 : vector<16xf32>
        %add3A_1099 = arith.constant 2 : i32
        %add3A_1100 = arith.addi %mul3A_1080, %add3A_1099 : i32
        %get3A_1101 = arith.constant 0 : i32
        %get3A_1102 = arith.constant 0 : i32
        %get3A_1103 = tpu.memref_slice %arg11[%scan3A_286, %get3A_1101, %get3A_1102] : memref<2x320x64xf32, #tpu.memory_space<vmem>> -> memref<1x320x64xf32, #tpu.memory_space<vmem>>
        %get3A_1104 = tpu.memref_squeeze %get3A_1103 : memref<1x320x64xf32, #tpu.memory_space<vmem>> -> memref<320x64xf32, #tpu.memory_space<vmem>>
        %get3A_1105 = arith.index_cast %add3A_1100 : i32 to index
        %get3A_1106 = arith.constant 0 : index
        %get3A_1107 = tpu.vector_load %get3A_1104[%get3A_1105, %get3A_1106] {strides = array<i32>} : memref<320x64xf32, #tpu.memory_space<vmem>>, vector<1x16xf32>,
        %get3A_1108 = vector.shape_cast %get3A_1107 : vector<1x16xf32> to vector<16xf32>
        %add3A_1109 = arith.addf %add3A_1098, %get3A_1108 : vector<16xf32>
        %add3A_1110 = arith.constant 3 : i32
        %add3A_1111 = arith.addi %mul3A_1080, %add3A_1110 : i32
        %get3A_1112 = arith.constant 0 : i32
        %get3A_1113 = arith.constant 0 : i32
        %get3A_1114 = tpu.memref_slice %arg11[%scan3A_286, %get3A_1112, %get3A_1113] : memref<2x320x64xf32, #tpu.memory_space<vmem>> -> memref<1x320x64xf32, #tpu.memory_space<vmem>>
        %get3A_1115 = tpu.memref_squeeze %get3A_1114 : memref<1x320x64xf32, #tpu.memory_space<vmem>> -> memref<320x64xf32, #tpu.memory_space<vmem>>
        %get3A_1116 = arith.index_cast %add3A_1111 : i32 to index
        %get3A_1117 = arith.constant 0 : index
        %get3A_1118 = tpu.vector_load %get3A_1115[%get3A_1116, %get3A_1117] {strides = array<i32>} : memref<320x64xf32, #tpu.memory_space<vmem>>, vector<1x16xf32>,
        %get3A_1119 = vector.shape_cast %get3A_1118 : vector<1x16xf32> to vector<16xf32>
        %add3A_1120 = arith.addf %add3A_1109, %get3A_1119 : vector<16xf32>
        %add3A_1121 = arith.constant 4 : i32
        %add3A_1122 = arith.addi %mul3A_1080, %add3A_1121 : i32
        %get3A_1123 = arith.constant 0 : i32
        %get3A_1124 = arith.constant 0 : i32
        %get3A_1125 = tpu.memref_slice %arg11[%scan3A_286, %get3A_1123, %get3A_1124] : memref<2x320x64xf32, #tpu.memory_space<vmem>> -> memref<1x320x64xf32, #tpu.memory_space<vmem>>
        %get3A_1126 = tpu.memref_squeeze %get3A_1125 : memref<1x320x64xf32, #tpu.memory_space<vmem>> -> memref<320x64xf32, #tpu.memory_space<vmem>>
        %get3A_1127 = arith.index_cast %add3A_1122 : i32 to index
        %get3A_1128 = arith.constant 0 : index
        %get3A_1129 = tpu.vector_load %get3A_1126[%get3A_1127, %get3A_1128] {strides = array<i32>} : memref<320x64xf32, #tpu.memory_space<vmem>>, vector<1x16xf32>,
        %get3A_1130 = vector.shape_cast %get3A_1129 : vector<1x16xf32> to vector<16xf32>
        %add3A_1131 = arith.addf %add3A_1120, %get3A_1130 : vector<16xf32>
        %add3A_1132 = arith.constant 5 : i32
        %add3A_1133 = arith.addi %mul3A_1080, %add3A_1132 : i32
        %get3A_1134 = arith.constant 0 : i32
        %get3A_1135 = arith.constant 0 : i32
        %get3A_1136 = tpu.memref_slice %arg11[%scan3A_286, %get3A_1134, %get3A_1135] : memref<2x320x64xf32, #tpu.memory_space<vmem>> -> memref<1x320x64xf32, #tpu.memory_space<vmem>>
        %get3A_1137 = tpu.memref_squeeze %get3A_1136 : memref<1x320x64xf32, #tpu.memory_space<vmem>> -> memref<320x64xf32, #tpu.memory_space<vmem>>
        %get3A_1138 = arith.index_cast %add3A_1133 : i32 to index
        %get3A_1139 = arith.constant 0 : index
        %get3A_1140 = tpu.vector_load %get3A_1137[%get3A_1138, %get3A_1139] {strides = array<i32>} : memref<320x64xf32, #tpu.memory_space<vmem>>, vector<1x16xf32>,
        %get3A_1141 = vector.shape_cast %get3A_1140 : vector<1x16xf32> to vector<16xf32>
        %add3A_1142 = arith.addf %add3A_1131, %get3A_1141 : vector<16xf32>
        %add3A_1143 = arith.constant 6 : i32
        %add3A_1144 = arith.addi %mul3A_1080, %add3A_1143 : i32
        %get3A_1145 = arith.constant 0 : i32
        %get3A_1146 = arith.constant 0 : i32
        %get3A_1147 = tpu.memref_slice %arg11[%scan3A_286, %get3A_1145, %get3A_1146] : memref<2x320x64xf32, #tpu.memory_space<vmem>> -> memref<1x320x64xf32, #tpu.memory_space<vmem>>
        %get3A_1148 = tpu.memref_squeeze %get3A_1147 : memref<1x320x64xf32, #tpu.memory_space<vmem>> -> memref<320x64xf32, #tpu.memory_space<vmem>>
        %get3A_1149 = arith.index_cast %add3A_1144 : i32 to index
        %get3A_1150 = arith.constant 0 : index
        %get3A_1151 = tpu.vector_load %get3A_1148[%get3A_1149, %get3A_1150] {strides = array<i32>} : memref<320x64xf32, #tpu.memory_space<vmem>>, vector<1x16xf32>,
        %get3A_1152 = vector.shape_cast %get3A_1151 : vector<1x16xf32> to vector<16xf32>
        %add3A_1153 = arith.addf %add3A_1142, %get3A_1152 : vector<16xf32>
        %add3A_1154 = arith.constant 7 : i32
        %add3A_1155 = arith.addi %mul3A_1080, %add3A_1154 : i32
        %get3A_1156 = arith.constant 0 : i32
        %get3A_1157 = arith.constant 0 : i32
        %get3A_1158 = tpu.memref_slice %arg11[%scan3A_286, %get3A_1156, %get3A_1157] : memref<2x320x64xf32, #tpu.memory_space<vmem>> -> memref<1x320x64xf32, #tpu.memory_space<vmem>>
        %get3A_1159 = tpu.memref_squeeze %get3A_1158 : memref<1x320x64xf32, #tpu.memory_space<vmem>> -> memref<320x64xf32, #tpu.memory_space<vmem>>
        %get3A_1160 = arith.index_cast %add3A_1155 : i32 to index
        %get3A_1161 = arith.constant 0 : index
        %get3A_1162 = tpu.vector_load %get3A_1159[%get3A_1160, %get3A_1161] {strides = array<i32>} : memref<320x64xf32, #tpu.memory_space<vmem>>, vector<1x16xf32>,
        %get3A_1163 = vector.shape_cast %get3A_1162 : vector<1x16xf32> to vector<16xf32>
        %add3A_1164 = arith.addf %add3A_1153, %get3A_1163 : vector<16xf32>
        %add3A_1165 = arith.constant 8 : i32
        %add3A_1166 = arith.addi %mul3A_1080, %add3A_1165 : i32
        %get3A_1167 = arith.constant 0 : i32
        %get3A_1168 = arith.constant 0 : i32
        %get3A_1169 = tpu.memref_slice %arg11[%scan3A_286, %get3A_1167, %get3A_1168] : memref<2x320x64xf32, #tpu.memory_space<vmem>> -> memref<1x320x64xf32, #tpu.memory_space<vmem>>
        %get3A_1170 = tpu.memref_squeeze %get3A_1169 : memref<1x320x64xf32, #tpu.memory_space<vmem>> -> memref<320x64xf32, #tpu.memory_space<vmem>>
        %get3A_1171 = arith.index_cast %add3A_1166 : i32 to index
        %get3A_1172 = arith.constant 0 : index
        %get3A_1173 = tpu.vector_load %get3A_1170[%get3A_1171, %get3A_1172] {strides = array<i32>} : memref<320x64xf32, #tpu.memory_space<vmem>>, vector<1x16xf32>,
        %get3A_1174 = vector.shape_cast %get3A_1173 : vector<1x16xf32> to vector<16xf32>
        %add3A_1175 = arith.addf %add3A_1164, %get3A_1174 : vector<16xf32>
        %add3A_1176 = arith.constant 9 : i32
        %add3A_1177 = arith.addi %mul3A_1080, %add3A_1176 : i32
        %get3A_1178 = arith.constant 0 : i32
        %get3A_1179 = arith.constant 0 : i32
        %get3A_1180 = tpu.memref_slice %arg11[%scan3A_286, %get3A_1178, %get3A_1179] : memref<2x320x64xf32, #tpu.memory_space<vmem>> -> memref<1x320x64xf32, #tpu.memory_space<vmem>>
        %get3A_1181 = tpu.memref_squeeze %get3A_1180 : memref<1x320x64xf32, #tpu.memory_space<vmem>> -> memref<320x64xf32, #tpu.memory_space<vmem>>
        %get3A_1182 = arith.index_cast %add3A_1177 : i32 to index
        %get3A_1183 = arith.constant 0 : index
        %get3A_1184 = tpu.vector_load %get3A_1181[%get3A_1182, %get3A_1183] {strides = array<i32>} : memref<320x64xf32, #tpu.memory_space<vmem>>, vector<1x16xf32>,
        %get3A_1185 = vector.shape_cast %get3A_1184 : vector<1x16xf32> to vector<16xf32>
        %add3A_1186 = arith.addf %add3A_1175, %get3A_1185 : vector<16xf32>
        %add3A_1187 = arith.constant 10 : i32
        %add3A_1188 = arith.addi %mul3A_1080, %add3A_1187 : i32
        %get3A_1189 = arith.constant 0 : i32
        %get3A_1190 = arith.constant 0 : i32
        %get3A_1191 = tpu.memref_slice %arg11[%scan3A_286, %get3A_1189, %get3A_1190] : memref<2x320x64xf32, #tpu.memory_space<vmem>> -> memref<1x320x64xf32, #tpu.memory_space<vmem>>
        %get3A_1192 = tpu.memref_squeeze %get3A_1191 : memref<1x320x64xf32, #tpu.memory_space<vmem>> -> memref<320x64xf32, #tpu.memory_space<vmem>>
        %get3A_1193 = arith.index_cast %add3A_1188 : i32 to index
        %get3A_1194 = arith.constant 0 : index
        %get3A_1195 = tpu.vector_load %get3A_1192[%get3A_1193, %get3A_1194] {strides = array<i32>} : memref<320x64xf32, #tpu.memory_space<vmem>>, vector<1x16xf32>,
        %get3A_1196 = vector.shape_cast %get3A_1195 : vector<1x16xf32> to vector<16xf32>
        %add3A_1197 = arith.addf %add3A_1186, %get3A_1196 : vector<16xf32>
        %add3A_1198 = arith.constant 11 : i32
        %add3A_1199 = arith.addi %mul3A_1080, %add3A_1198 : i32
        %get3A_1200 = arith.constant 0 : i32
        %get3A_1201 = arith.constant 0 : i32
        %get3A_1202 = tpu.memref_slice %arg11[%scan3A_286, %get3A_1200, %get3A_1201] : memref<2x320x64xf32, #tpu.memory_space<vmem>> -> memref<1x320x64xf32, #tpu.memory_space<vmem>>
        %get3A_1203 = tpu.memref_squeeze %get3A_1202 : memref<1x320x64xf32, #tpu.memory_space<vmem>> -> memref<320x64xf32, #tpu.memory_space<vmem>>
        %get3A_1204 = arith.index_cast %add3A_1199 : i32 to index
        %get3A_1205 = arith.constant 0 : index
        %get3A_1206 = tpu.vector_load %get3A_1203[%get3A_1204, %get3A_1205] {strides = array<i32>} : memref<320x64xf32, #tpu.memory_space<vmem>>, vector<1x16xf32>,
        %get3A_1207 = vector.shape_cast %get3A_1206 : vector<1x16xf32> to vector<16xf32>
        %add3A_1208 = arith.addf %add3A_1197, %get3A_1207 : vector<16xf32>
        %add3A_1209 = arith.constant 12 : i32
        %add3A_1210 = arith.addi %mul3A_1080, %add3A_1209 : i32
        %get3A_1211 = arith.constant 0 : i32
        %get3A_1212 = arith.constant 0 : i32
        %get3A_1213 = tpu.memref_slice %arg11[%scan3A_286, %get3A_1211, %get3A_1212] : memref<2x320x64xf32, #tpu.memory_space<vmem>> -> memref<1x320x64xf32, #tpu.memory_space<vmem>>
        %get3A_1214 = tpu.memref_squeeze %get3A_1213 : memref<1x320x64xf32, #tpu.memory_space<vmem>> -> memref<320x64xf32, #tpu.memory_space<vmem>>
        %get3A_1215 = arith.index_cast %add3A_1210 : i32 to index
        %get3A_1216 = arith.constant 0 : index
        %get3A_1217 = tpu.vector_load %get3A_1214[%get3A_1215, %get3A_1216] {strides = array<i32>} : memref<320x64xf32, #tpu.memory_space<vmem>>, vector<1x16xf32>,
        %get3A_1218 = vector.shape_cast %get3A_1217 : vector<1x16xf32> to vector<16xf32>
        %add3A_1219 = arith.addf %add3A_1208, %get3A_1218 : vector<16xf32>
        %add3A_1220 = arith.constant 13 : i32
        %add3A_1221 = arith.addi %mul3A_1080, %add3A_1220 : i32
        %get3A_1222 = arith.constant 0 : i32
        %get3A_1223 = arith.constant 0 : i32
        %get3A_1224 = tpu.memref_slice %arg11[%scan3A_286, %get3A_1222, %get3A_1223] : memref<2x320x64xf32, #tpu.memory_space<vmem>> -> memref<1x320x64xf32, #tpu.memory_space<vmem>>
        %get3A_1225 = tpu.memref_squeeze %get3A_1224 : memref<1x320x64xf32, #tpu.memory_space<vmem>> -> memref<320x64xf32, #tpu.memory_space<vmem>>
        %get3A_1226 = arith.index_cast %add3A_1221 : i32 to index
        %get3A_1227 = arith.constant 0 : index
        %get3A_1228 = tpu.vector_load %get3A_1225[%get3A_1226, %get3A_1227] {strides = array<i32>} : memref<320x64xf32, #tpu.memory_space<vmem>>, vector<1x16xf32>,
        %get3A_1229 = vector.shape_cast %get3A_1228 : vector<1x16xf32> to vector<16xf32>
        %add3A_1230 = arith.addf %add3A_1219, %get3A_1229 : vector<16xf32>
        %add3A_1231 = arith.constant 14 : i32
        %add3A_1232 = arith.addi %mul3A_1080, %add3A_1231 : i32
        %get3A_1233 = arith.constant 0 : i32
        %get3A_1234 = arith.constant 0 : i32
        %get3A_1235 = tpu.memref_slice %arg11[%scan3A_286, %get3A_1233, %get3A_1234] : memref<2x320x64xf32, #tpu.memory_space<vmem>> -> memref<1x320x64xf32, #tpu.memory_space<vmem>>
        %get3A_1236 = tpu.memref_squeeze %get3A_1235 : memref<1x320x64xf32, #tpu.memory_space<vmem>> -> memref<320x64xf32, #tpu.memory_space<vmem>>
        %get3A_1237 = arith.index_cast %add3A_1232 : i32 to index
        %get3A_1238 = arith.constant 0 : index
        %get3A_1239 = tpu.vector_load %get3A_1236[%get3A_1237, %get3A_1238] {strides = array<i32>} : memref<320x64xf32, #tpu.memory_space<vmem>>, vector<1x16xf32>,
        %get3A_1240 = vector.shape_cast %get3A_1239 : vector<1x16xf32> to vector<16xf32>
        %add3A_1241 = arith.addf %add3A_1230, %get3A_1240 : vector<16xf32>
        %add3A_1242 = arith.constant 15 : i32
        %add3A_1243 = arith.addi %mul3A_1080, %add3A_1242 : i32
        %get3A_1244 = arith.constant 0 : i32
        %get3A_1245 = arith.constant 0 : i32
        %get3A_1246 = tpu.memref_slice %arg11[%scan3A_286, %get3A_1244, %get3A_1245] : memref<2x320x64xf32, #tpu.memory_space<vmem>> -> memref<1x320x64xf32, #tpu.memory_space<vmem>>
        %get3A_1247 = tpu.memref_squeeze %get3A_1246 : memref<1x320x64xf32, #tpu.memory_space<vmem>> -> memref<320x64xf32, #tpu.memory_space<vmem>>
        %get3A_1248 = arith.index_cast %add3A_1243 : i32 to index
        %get3A_1249 = arith.constant 0 : index
        %get3A_1250 = tpu.vector_load %get3A_1247[%get3A_1248, %get3A_1249] {strides = array<i32>} : memref<320x64xf32, #tpu.memory_space<vmem>>, vector<1x16xf32>,
        %get3A_1251 = vector.shape_cast %get3A_1250 : vector<1x16xf32> to vector<16xf32>
        %add3A_1252 = arith.addf %add3A_1241, %get3A_1251 : vector<16xf32>
        %add3A_1253 = arith.constant 16 : i32
        %add3A_1254 = arith.addi %mul3A_1080, %add3A_1253 : i32
        %get3A_1255 = arith.constant 0 : i32
        %get3A_1256 = arith.constant 0 : i32
        %get3A_1257 = tpu.memref_slice %arg11[%scan3A_286, %get3A_1255, %get3A_1256] : memref<2x320x64xf32, #tpu.memory_space<vmem>> -> memref<1x320x64xf32, #tpu.memory_space<vmem>>
        %get3A_1258 = tpu.memref_squeeze %get3A_1257 : memref<1x320x64xf32, #tpu.memory_space<vmem>> -> memref<320x64xf32, #tpu.memory_space<vmem>>
        %get3A_1259 = arith.index_cast %add3A_1254 : i32 to index
        %get3A_1260 = arith.constant 0 : index
        %get3A_1261 = tpu.vector_load %get3A_1258[%get3A_1259, %get3A_1260] {strides = array<i32>} : memref<320x64xf32, #tpu.memory_space<vmem>>, vector<1x16xf32>,
        %get3A_1262 = vector.shape_cast %get3A_1261 : vector<1x16xf32> to vector<16xf32>
        %add3A_1263 = arith.addf %add3A_1252, %get3A_1262 : vector<16xf32>
        %add3A_1264 = arith.constant 17 : i32
        %add3A_1265 = arith.addi %mul3A_1080, %add3A_1264 : i32
        %get3A_1266 = arith.constant 0 : i32
        %get3A_1267 = arith.constant 0 : i32
        %get3A_1268 = tpu.memref_slice %arg11[%scan3A_286, %get3A_1266, %get3A_1267] : memref<2x320x64xf32, #tpu.memory_space<vmem>> -> memref<1x320x64xf32, #tpu.memory_space<vmem>>
        %get3A_1269 = tpu.memref_squeeze %get3A_1268 : memref<1x320x64xf32, #tpu.memory_space<vmem>> -> memref<320x64xf32, #tpu.memory_space<vmem>>
        %get3A_1270 = arith.index_cast %add3A_1265 : i32 to index
        %get3A_1271 = arith.constant 0 : index
        %get3A_1272 = tpu.vector_load %get3A_1269[%get3A_1270, %get3A_1271] {strides = array<i32>} : memref<320x64xf32, #tpu.memory_space<vmem>>, vector<1x16xf32>,
        %get3A_1273 = vector.shape_cast %get3A_1272 : vector<1x16xf32> to vector<16xf32>
        %add3A_1274 = arith.addf %add3A_1263, %get3A_1273 : vector<16xf32>
        %add3A_1275 = arith.constant 18 : i32
        %add3A_1276 = arith.addi %mul3A_1080, %add3A_1275 : i32
        %get3A_1277 = arith.constant 0 : i32
        %get3A_1278 = arith.constant 0 : i32
        %get3A_1279 = tpu.memref_slice %arg11[%scan3A_286, %get3A_1277, %get3A_1278] : memref<2x320x64xf32, #tpu.memory_space<vmem>> -> memref<1x320x64xf32, #tpu.memory_space<vmem>>
        %get3A_1280 = tpu.memref_squeeze %get3A_1279 : memref<1x320x64xf32, #tpu.memory_space<vmem>> -> memref<320x64xf32, #tpu.memory_space<vmem>>
        %get3A_1281 = arith.index_cast %add3A_1276 : i32 to index
        %get3A_1282 = arith.constant 0 : index
        %get3A_1283 = tpu.vector_load %get3A_1280[%get3A_1281, %get3A_1282] {strides = array<i32>} : memref<320x64xf32, #tpu.memory_space<vmem>>, vector<1x16xf32>,
        %get3A_1284 = vector.shape_cast %get3A_1283 : vector<1x16xf32> to vector<16xf32>
        %add3A_1285 = arith.addf %add3A_1274, %get3A_1284 : vector<16xf32>
        %add3A_1286 = arith.constant 19 : i32
        %add3A_1287 = arith.addi %mul3A_1080, %add3A_1286 : i32
        %get3A_1288 = arith.constant 0 : i32
        %get3A_1289 = arith.constant 0 : i32
        %get3A_1290 = tpu.memref_slice %arg11[%scan3A_286, %get3A_1288, %get3A_1289] : memref<2x320x64xf32, #tpu.memory_space<vmem>> -> memref<1x320x64xf32, #tpu.memory_space<vmem>>
        %get3A_1291 = tpu.memref_squeeze %get3A_1290 : memref<1x320x64xf32, #tpu.memory_space<vmem>> -> memref<320x64xf32, #tpu.memory_space<vmem>>
        %get3A_1292 = arith.index_cast %add3A_1287 : i32 to index
        %get3A_1293 = arith.constant 0 : index
        %get3A_1294 = tpu.vector_load %get3A_1291[%get3A_1292, %get3A_1293] {strides = array<i32>} : memref<320x64xf32, #tpu.memory_space<vmem>>, vector<1x16xf32>,
        %get3A_1295 = vector.shape_cast %get3A_1294 : vector<1x16xf32> to vector<16xf32>
        %add3A_1296 = arith.addf %add3A_1285, %get3A_1295 : vector<16xf32>
        %get3A_1297 = arith.constant 0 : i32
        %get3A_1298 = arith.constant 0 : i32
        %get3A_1299 = tpu.memref_slice %arg12[%scan3A_287, %get3A_1297, %get3A_1298] : memref<2x16x64xf32, #tpu.memory_space<vmem>> -> memref<1x16x64xf32, #tpu.memory_space<vmem>>
        %get3A_1300 = tpu.memref_squeeze %get3A_1299 : memref<1x16x64xf32, #tpu.memory_space<vmem>> -> memref<16x64xf32, #tpu.memory_space<vmem>>
        %get3A_1301 = arith.index_cast %scan3A_1077 : i32 to index
        %get3A_1302 = arith.constant 0 : index
        %get3A_1303 = tpu.vector_load %get3A_1300[%get3A_1301, %get3A_1302] {strides = array<i32>} : memref<16x64xf32, #tpu.memory_space<vmem>>, vector<1x16xf32>,
        %get3A_1304 = vector.shape_cast %get3A_1303 : vector<1x16xf32> to vector<16xf32>
        %mul3A_1305 = arith.mulf %add3A_1296, %get3A_1304 : vector<16xf32>
        %get3A_1306 = arith.constant 0 : i32
        %get3A_1307 = arith.constant 0 : i32
        %get3A_1308 = tpu.memref_slice %arg11[%scan3A_286, %get3A_1306, %get3A_1307] : memref<2x320x64xf32, #tpu.memory_space<vmem>> -> memref<1x320x64xf32, #tpu.memory_space<vmem>>
        %get3A_1309 = tpu.memref_squeeze %get3A_1308 : memref<1x320x64xf32, #tpu.memory_space<vmem>> -> memref<320x64xf32, #tpu.memory_space<vmem>>
        %get3A_1310 = arith.index_cast %mul3A_1080 : i32 to index
        %get3A_1311 = arith.constant 16 : index
        %get3A_1312 = tpu.vector_load %get3A_1309[%get3A_1310, %get3A_1311] {strides = array<i32>} : memref<320x64xf32, #tpu.memory_space<vmem>>, vector<1x16xf32>,
        %get3A_1313 = vector.shape_cast %get3A_1312 : vector<1x16xf32> to vector<16xf32>
        %add3A_1314 = arith.constant 1 : i32
        %add3A_1315 = arith.addi %mul3A_1080, %add3A_1314 : i32
        %get3A_1316 = arith.constant 0 : i32
        %get3A_1317 = arith.constant 0 : i32
        %get3A_1318 = tpu.memref_slice %arg11[%scan3A_286, %get3A_1316, %get3A_1317] : memref<2x320x64xf32, #tpu.memory_space<vmem>> -> memref<1x320x64xf32, #tpu.memory_space<vmem>>
        %get3A_1319 = tpu.memref_squeeze %get3A_1318 : memref<1x320x64xf32, #tpu.memory_space<vmem>> -> memref<320x64xf32, #tpu.memory_space<vmem>>
        %get3A_1320 = arith.index_cast %add3A_1315 : i32 to index
        %get3A_1321 = arith.constant 16 : index
        %get3A_1322 = tpu.vector_load %get3A_1319[%get3A_1320, %get3A_1321] {strides = array<i32>} : memref<320x64xf32, #tpu.memory_space<vmem>>, vector<1x16xf32>,
        %get3A_1323 = vector.shape_cast %get3A_1322 : vector<1x16xf32> to vector<16xf32>
        %add3A_1324 = arith.addf %get3A_1313, %get3A_1323 : vector<16xf32>
        %add3A_1325 = arith.constant 2 : i32
        %add3A_1326 = arith.addi %mul3A_1080, %add3A_1325 : i32
        %get3A_1327 = arith.constant 0 : i32
        %get3A_1328 = arith.constant 0 : i32
        %get3A_1329 = tpu.memref_slice %arg11[%scan3A_286, %get3A_1327, %get3A_1328] : memref<2x320x64xf32, #tpu.memory_space<vmem>> -> memref<1x320x64xf32, #tpu.memory_space<vmem>>
        %get3A_1330 = tpu.memref_squeeze %get3A_1329 : memref<1x320x64xf32, #tpu.memory_space<vmem>> -> memref<320x64xf32, #tpu.memory_space<vmem>>
        %get3A_1331 = arith.index_cast %add3A_1326 : i32 to index
        %get3A_1332 = arith.constant 16 : index
        %get3A_1333 = tpu.vector_load %get3A_1330[%get3A_1331, %get3A_1332] {strides = array<i32>} : memref<320x64xf32, #tpu.memory_space<vmem>>, vector<1x16xf32>,
        %get3A_1334 = vector.shape_cast %get3A_1333 : vector<1x16xf32> to vector<16xf32>
        %add3A_1335 = arith.addf %add3A_1324, %get3A_1334 : vector<16xf32>
        %add3A_1336 = arith.constant 3 : i32
        %add3A_1337 = arith.addi %mul3A_1080, %add3A_1336 : i32
        %get3A_1338 = arith.constant 0 : i32
        %get3A_1339 = arith.constant 0 : i32
        %get3A_1340 = tpu.memref_slice %arg11[%scan3A_286, %get3A_1338, %get3A_1339] : memref<2x320x64xf32, #tpu.memory_space<vmem>> -> memref<1x320x64xf32, #tpu.memory_space<vmem>>
        %get3A_1341 = tpu.memref_squeeze %get3A_1340 : memref<1x320x64xf32, #tpu.memory_space<vmem>> -> memref<320x64xf32, #tpu.memory_space<vmem>>
        %get3A_1342 = arith.index_cast %add3A_1337 : i32 to index
        %get3A_1343 = arith.constant 16 : index
        %get3A_1344 = tpu.vector_load %get3A_1341[%get3A_1342, %get3A_1343] {strides = array<i32>} : memref<320x64xf32, #tpu.memory_space<vmem>>, vector<1x16xf32>,
        %get3A_1345 = vector.shape_cast %get3A_1344 : vector<1x16xf32> to vector<16xf32>
        %add3A_1346 = arith.addf %add3A_1335, %get3A_1345 : vector<16xf32>
        %add3A_1347 = arith.constant 4 : i32
        %add3A_1348 = arith.addi %mul3A_1080, %add3A_1347 : i32
        %get3A_1349 = arith.constant 0 : i32
        %get3A_1350 = arith.constant 0 : i32
        %get3A_1351 = tpu.memref_slice %arg11[%scan3A_286, %get3A_1349, %get3A_1350] : memref<2x320x64xf32, #tpu.memory_space<vmem>> -> memref<1x320x64xf32, #tpu.memory_space<vmem>>
        %get3A_1352 = tpu.memref_squeeze %get3A_1351 : memref<1x320x64xf32, #tpu.memory_space<vmem>> -> memref<320x64xf32, #tpu.memory_space<vmem>>
        %get3A_1353 = arith.index_cast %add3A_1348 : i32 to index
        %get3A_1354 = arith.constant 16 : index
        %get3A_1355 = tpu.vector_load %get3A_1352[%get3A_1353, %get3A_1354] {strides = array<i32>} : memref<320x64xf32, #tpu.memory_space<vmem>>, vector<1x16xf32>,
        %get3A_1356 = vector.shape_cast %get3A_1355 : vector<1x16xf32> to vector<16xf32>
        %add3A_1357 = arith.addf %add3A_1346, %get3A_1356 : vector<16xf32>
        %add3A_1358 = arith.constant 5 : i32
        %add3A_1359 = arith.addi %mul3A_1080, %add3A_1358 : i32
        %get3A_1360 = arith.constant 0 : i32
        %get3A_1361 = arith.constant 0 : i32
        %get3A_1362 = tpu.memref_slice %arg11[%scan3A_286, %get3A_1360, %get3A_1361] : memref<2x320x64xf32, #tpu.memory_space<vmem>> -> memref<1x320x64xf32, #tpu.memory_space<vmem>>
        %get3A_1363 = tpu.memref_squeeze %get3A_1362 : memref<1x320x64xf32, #tpu.memory_space<vmem>> -> memref<320x64xf32, #tpu.memory_space<vmem>>
        %get3A_1364 = arith.index_cast %add3A_1359 : i32 to index
        %get3A_1365 = arith.constant 16 : index
        %get3A_1366 = tpu.vector_load %get3A_1363[%get3A_1364, %get3A_1365] {strides = array<i32>} : memref<320x64xf32, #tpu.memory_space<vmem>>, vector<1x16xf32>,
        %get3A_1367 = vector.shape_cast %get3A_1366 : vector<1x16xf32> to vector<16xf32>
        %add3A_1368 = arith.addf %add3A_1357, %get3A_1367 : vector<16xf32>
        %add3A_1369 = arith.constant 6 : i32
        %add3A_1370 = arith.addi %mul3A_1080, %add3A_1369 : i32
        %get3A_1371 = arith.constant 0 : i32
        %get3A_1372 = arith.constant 0 : i32
        %get3A_1373 = tpu.memref_slice %arg11[%scan3A_286, %get3A_1371, %get3A_1372] : memref<2x320x64xf32, #tpu.memory_space<vmem>> -> memref<1x320x64xf32, #tpu.memory_space<vmem>>
        %get3A_1374 = tpu.memref_squeeze %get3A_1373 : memref<1x320x64xf32, #tpu.memory_space<vmem>> -> memref<320x64xf32, #tpu.memory_space<vmem>>
        %get3A_1375 = arith.index_cast %add3A_1370 : i32 to index
        %get3A_1376 = arith.constant 16 : index
        %get3A_1377 = tpu.vector_load %get3A_1374[%get3A_1375, %get3A_1376] {strides = array<i32>} : memref<320x64xf32, #tpu.memory_space<vmem>>, vector<1x16xf32>,
        %get3A_1378 = vector.shape_cast %get3A_1377 : vector<1x16xf32> to vector<16xf32>
        %add3A_1379 = arith.addf %add3A_1368, %get3A_1378 : vector<16xf32>
        %add3A_1380 = arith.constant 7 : i32
        %add3A_1381 = arith.addi %mul3A_1080, %add3A_1380 : i32
        %get3A_1382 = arith.constant 0 : i32
        %get3A_1383 = arith.constant 0 : i32
        %get3A_1384 = tpu.memref_slice %arg11[%scan3A_286, %get3A_1382, %get3A_1383] : memref<2x320x64xf32, #tpu.memory_space<vmem>> -> memref<1x320x64xf32, #tpu.memory_space<vmem>>
        %get3A_1385 = tpu.memref_squeeze %get3A_1384 : memref<1x320x64xf32, #tpu.memory_space<vmem>> -> memref<320x64xf32, #tpu.memory_space<vmem>>
        %get3A_1386 = arith.index_cast %add3A_1381 : i32 to index
        %get3A_1387 = arith.constant 16 : index
        %get3A_1388 = tpu.vector_load %get3A_1385[%get3A_1386, %get3A_1387] {strides = array<i32>} : memref<320x64xf32, #tpu.memory_space<vmem>>, vector<1x16xf32>,
        %get3A_1389 = vector.shape_cast %get3A_1388 : vector<1x16xf32> to vector<16xf32>
        %add3A_1390 = arith.addf %add3A_1379, %get3A_1389 : vector<16xf32>
        %add3A_1391 = arith.constant 8 : i32
        %add3A_1392 = arith.addi %mul3A_1080, %add3A_1391 : i32
        %get3A_1393 = arith.constant 0 : i32
        %get3A_1394 = arith.constant 0 : i32
        %get3A_1395 = tpu.memref_slice %arg11[%scan3A_286, %get3A_1393, %get3A_1394] : memref<2x320x64xf32, #tpu.memory_space<vmem>> -> memref<1x320x64xf32, #tpu.memory_space<vmem>>
        %get3A_1396 = tpu.memref_squeeze %get3A_1395 : memref<1x320x64xf32, #tpu.memory_space<vmem>> -> memref<320x64xf32, #tpu.memory_space<vmem>>
        %get3A_1397 = arith.index_cast %add3A_1392 : i32 to index
        %get3A_1398 = arith.constant 16 : index
        %get3A_1399 = tpu.vector_load %get3A_1396[%get3A_1397, %get3A_1398] {strides = array<i32>} : memref<320x64xf32, #tpu.memory_space<vmem>>, vector<1x16xf32>,
        %get3A_1400 = vector.shape_cast %get3A_1399 : vector<1x16xf32> to vector<16xf32>
        %add3A_1401 = arith.addf %add3A_1390, %get3A_1400 : vector<16xf32>
        %add3A_1402 = arith.constant 9 : i32
        %add3A_1403 = arith.addi %mul3A_1080, %add3A_1402 : i32
        %get3A_1404 = arith.constant 0 : i32
        %get3A_1405 = arith.constant 0 : i32
        %get3A_1406 = tpu.memref_slice %arg11[%scan3A_286, %get3A_1404, %get3A_1405] : memref<2x320x64xf32, #tpu.memory_space<vmem>> -> memref<1x320x64xf32, #tpu.memory_space<vmem>>
        %get3A_1407 = tpu.memref_squeeze %get3A_1406 : memref<1x320x64xf32, #tpu.memory_space<vmem>> -> memref<320x64xf32, #tpu.memory_space<vmem>>
        %get3A_1408 = arith.index_cast %add3A_1403 : i32 to index
        %get3A_1409 = arith.constant 16 : index
        %get3A_1410 = tpu.vector_load %get3A_1407[%get3A_1408, %get3A_1409] {strides = array<i32>} : memref<320x64xf32, #tpu.memory_space<vmem>>, vector<1x16xf32>,
        %get3A_1411 = vector.shape_cast %get3A_1410 : vector<1x16xf32> to vector<16xf32>
        %add3A_1412 = arith.addf %add3A_1401, %get3A_1411 : vector<16xf32>
        %add3A_1413 = arith.constant 10 : i32
        %add3A_1414 = arith.addi %mul3A_1080, %add3A_1413 : i32
        %get3A_1415 = arith.constant 0 : i32
        %get3A_1416 = arith.constant 0 : i32
        %get3A_1417 = tpu.memref_slice %arg11[%scan3A_286, %get3A_1415, %get3A_1416] : memref<2x320x64xf32, #tpu.memory_space<vmem>> -> memref<1x320x64xf32, #tpu.memory_space<vmem>>
        %get3A_1418 = tpu.memref_squeeze %get3A_1417 : memref<1x320x64xf32, #tpu.memory_space<vmem>> -> memref<320x64xf32, #tpu.memory_space<vmem>>
        %get3A_1419 = arith.index_cast %add3A_1414 : i32 to index
        %get3A_1420 = arith.constant 16 : index
        %get3A_1421 = tpu.vector_load %get3A_1418[%get3A_1419, %get3A_1420] {strides = array<i32>} : memref<320x64xf32, #tpu.memory_space<vmem>>, vector<1x16xf32>,
        %get3A_1422 = vector.shape_cast %get3A_1421 : vector<1x16xf32> to vector<16xf32>
        %add3A_1423 = arith.addf %add3A_1412, %get3A_1422 : vector<16xf32>
        %add3A_1424 = arith.constant 11 : i32
        %add3A_1425 = arith.addi %mul3A_1080, %add3A_1424 : i32
        %get3A_1426 = arith.constant 0 : i32
        %get3A_1427 = arith.constant 0 : i32
        %get3A_1428 = tpu.memref_slice %arg11[%scan3A_286, %get3A_1426, %get3A_1427] : memref<2x320x64xf32, #tpu.memory_space<vmem>> -> memref<1x320x64xf32, #tpu.memory_space<vmem>>
        %get3A_1429 = tpu.memref_squeeze %get3A_1428 : memref<1x320x64xf32, #tpu.memory_space<vmem>> -> memref<320x64xf32, #tpu.memory_space<vmem>>
        %get3A_1430 = arith.index_cast %add3A_1425 : i32 to index
        %get3A_1431 = arith.constant 16 : index
        %get3A_1432 = tpu.vector_load %get3A_1429[%get3A_1430, %get3A_1431] {strides = array<i32>} : memref<320x64xf32, #tpu.memory_space<vmem>>, vector<1x16xf32>,
        %get3A_1433 = vector.shape_cast %get3A_1432 : vector<1x16xf32> to vector<16xf32>
        %add3A_1434 = arith.addf %add3A_1423, %get3A_1433 : vector<16xf32>
        %add3A_1435 = arith.constant 12 : i32
        %add3A_1436 = arith.addi %mul3A_1080, %add3A_1435 : i32
        %get3A_1437 = arith.constant 0 : i32
        %get3A_1438 = arith.constant 0 : i32
        %get3A_1439 = tpu.memref_slice %arg11[%scan3A_286, %get3A_1437, %get3A_1438] : memref<2x320x64xf32, #tpu.memory_space<vmem>> -> memref<1x320x64xf32, #tpu.memory_space<vmem>>
        %get3A_1440 = tpu.memref_squeeze %get3A_1439 : memref<1x320x64xf32, #tpu.memory_space<vmem>> -> memref<320x64xf32, #tpu.memory_space<vmem>>
        %get3A_1441 = arith.index_cast %add3A_1436 : i32 to index
        %get3A_1442 = arith.constant 16 : index
        %get3A_1443 = tpu.vector_load %get3A_1440[%get3A_1441, %get3A_1442] {strides = array<i32>} : memref<320x64xf32, #tpu.memory_space<vmem>>, vector<1x16xf32>,
        %get3A_1444 = vector.shape_cast %get3A_1443 : vector<1x16xf32> to vector<16xf32>
        %add3A_1445 = arith.addf %add3A_1434, %get3A_1444 : vector<16xf32>
        %add3A_1446 = arith.constant 13 : i32
        %add3A_1447 = arith.addi %mul3A_1080, %add3A_1446 : i32
        %get3A_1448 = arith.constant 0 : i32
        %get3A_1449 = arith.constant 0 : i32
        %get3A_1450 = tpu.memref_slice %arg11[%scan3A_286, %get3A_1448, %get3A_1449] : memref<2x320x64xf32, #tpu.memory_space<vmem>> -> memref<1x320x64xf32, #tpu.memory_space<vmem>>
        %get3A_1451 = tpu.memref_squeeze %get3A_1450 : memref<1x320x64xf32, #tpu.memory_space<vmem>> -> memref<320x64xf32, #tpu.memory_space<vmem>>
        %get3A_1452 = arith.index_cast %add3A_1447 : i32 to index
        %get3A_1453 = arith.constant 16 : index
        %get3A_1454 = tpu.vector_load %get3A_1451[%get3A_1452, %get3A_1453] {strides = array<i32>} : memref<320x64xf32, #tpu.memory_space<vmem>>, vector<1x16xf32>,
        %get3A_1455 = vector.shape_cast %get3A_1454 : vector<1x16xf32> to vector<16xf32>
        %add3A_1456 = arith.addf %add3A_1445, %get3A_1455 : vector<16xf32>
        %add3A_1457 = arith.constant 14 : i32
        %add3A_1458 = arith.addi %mul3A_1080, %add3A_1457 : i32
        %get3A_1459 = arith.constant 0 : i32
        %get3A_1460 = arith.constant 0 : i32
        %get3A_1461 = tpu.memref_slice %arg11[%scan3A_286, %get3A_1459, %get3A_1460] : memref<2x320x64xf32, #tpu.memory_space<vmem>> -> memref<1x320x64xf32, #tpu.memory_space<vmem>>
        %get3A_1462 = tpu.memref_squeeze %get3A_1461 : memref<1x320x64xf32, #tpu.memory_space<vmem>> -> memref<320x64xf32, #tpu.memory_space<vmem>>
        %get3A_1463 = arith.index_cast %add3A_1458 : i32 to index
        %get3A_1464 = arith.constant 16 : index
        %get3A_1465 = tpu.vector_load %get3A_1462[%get3A_1463, %get3A_1464] {strides = array<i32>} : memref<320x64xf32, #tpu.memory_space<vmem>>, vector<1x16xf32>,
        %get3A_1466 = vector.shape_cast %get3A_1465 : vector<1x16xf32> to vector<16xf32>
        %add3A_1467 = arith.addf %add3A_1456, %get3A_1466 : vector<16xf32>
        %add3A_1468 = arith.constant 15 : i32
        %add3A_1469 = arith.addi %mul3A_1080, %add3A_1468 : i32
        %get3A_1470 = arith.constant 0 : i32
        %get3A_1471 = arith.constant 0 : i32
        %get3A_1472 = tpu.memref_slice %arg11[%scan3A_286, %get3A_1470, %get3A_1471] : memref<2x320x64xf32, #tpu.memory_space<vmem>> -> memref<1x320x64xf32, #tpu.memory_space<vmem>>
        %get3A_1473 = tpu.memref_squeeze %get3A_1472 : memref<1x320x64xf32, #tpu.memory_space<vmem>> -> memref<320x64xf32, #tpu.memory_space<vmem>>
        %get3A_1474 = arith.index_cast %add3A_1469 : i32 to index
        %get3A_1475 = arith.constant 16 : index
        %get3A_1476 = tpu.vector_load %get3A_1473[%get3A_1474, %get3A_1475] {strides = array<i32>} : memref<320x64xf32, #tpu.memory_space<vmem>>, vector<1x16xf32>,
        %get3A_1477 = vector.shape_cast %get3A_1476 : vector<1x16xf32> to vector<16xf32>
        %add3A_1478 = arith.addf %add3A_1467, %get3A_1477 : vector<16xf32>
        %add3A_1479 = arith.constant 16 : i32
        %add3A_1480 = arith.addi %mul3A_1080, %add3A_1479 : i32
        %get3A_1481 = arith.constant 0 : i32
        %get3A_1482 = arith.constant 0 : i32
        %get3A_1483 = tpu.memref_slice %arg11[%scan3A_286, %get3A_1481, %get3A_1482] : memref<2x320x64xf32, #tpu.memory_space<vmem>> -> memref<1x320x64xf32, #tpu.memory_space<vmem>>
        %get3A_1484 = tpu.memref_squeeze %get3A_1483 : memref<1x320x64xf32, #tpu.memory_space<vmem>> -> memref<320x64xf32, #tpu.memory_space<vmem>>
        %get3A_1485 = arith.index_cast %add3A_1480 : i32 to index
        %get3A_1486 = arith.constant 16 : index
        %get3A_1487 = tpu.vector_load %get3A_1484[%get3A_1485, %get3A_1486] {strides = array<i32>} : memref<320x64xf32, #tpu.memory_space<vmem>>, vector<1x16xf32>,
        %get3A_1488 = vector.shape_cast %get3A_1487 : vector<1x16xf32> to vector<16xf32>
        %add3A_1489 = arith.addf %add3A_1478, %get3A_1488 : vector<16xf32>
        %add3A_1490 = arith.constant 17 : i32
        %add3A_1491 = arith.addi %mul3A_1080, %add3A_1490 : i32
        %get3A_1492 = arith.constant 0 : i32
        %get3A_1493 = arith.constant 0 : i32
        %get3A_1494 = tpu.memref_slice %arg11[%scan3A_286, %get3A_1492, %get3A_1493] : memref<2x320x64xf32, #tpu.memory_space<vmem>> -> memref<1x320x64xf32, #tpu.memory_space<vmem>>
        %get3A_1495 = tpu.memref_squeeze %get3A_1494 : memref<1x320x64xf32, #tpu.memory_space<vmem>> -> memref<320x64xf32, #tpu.memory_space<vmem>>
        %get3A_1496 = arith.index_cast %add3A_1491 : i32 to index
        %get3A_1497 = arith.constant 16 : index
        %get3A_1498 = tpu.vector_load %get3A_1495[%get3A_1496, %get3A_1497] {strides = array<i32>} : memref<320x64xf32, #tpu.memory_space<vmem>>, vector<1x16xf32>,
        %get3A_1499 = vector.shape_cast %get3A_1498 : vector<1x16xf32> to vector<16xf32>
        %add3A_1500 = arith.addf %add3A_1489, %get3A_1499 : vector<16xf32>
        %add3A_1501 = arith.constant 18 : i32
        %add3A_1502 = arith.addi %mul3A_1080, %add3A_1501 : i32
        %get3A_1503 = arith.constant 0 : i32
        %get3A_1504 = arith.constant 0 : i32
        %get3A_1505 = tpu.memref_slice %arg11[%scan3A_286, %get3A_1503, %get3A_1504] : memref<2x320x64xf32, #tpu.memory_space<vmem>> -> memref<1x320x64xf32, #tpu.memory_space<vmem>>
        %get3A_1506 = tpu.memref_squeeze %get3A_1505 : memref<1x320x64xf32, #tpu.memory_space<vmem>> -> memref<320x64xf32, #tpu.memory_space<vmem>>
        %get3A_1507 = arith.index_cast %add3A_1502 : i32 to index
        %get3A_1508 = arith.constant 16 : index
        %get3A_1509 = tpu.vector_load %get3A_1506[%get3A_1507, %get3A_1508] {strides = array<i32>} : memref<320x64xf32, #tpu.memory_space<vmem>>, vector<1x16xf32>,
        %get3A_1510 = vector.shape_cast %get3A_1509 : vector<1x16xf32> to vector<16xf32>
        %add3A_1511 = arith.addf %add3A_1500, %get3A_1510 : vector<16xf32>
        %add3A_1512 = arith.constant 19 : i32
        %add3A_1513 = arith.addi %mul3A_1080, %add3A_1512 : i32
        %get3A_1514 = arith.constant 0 : i32
        %get3A_1515 = arith.constant 0 : i32
        %get3A_1516 = tpu.memref_slice %arg11[%scan3A_286, %get3A_1514, %get3A_1515] : memref<2x320x64xf32, #tpu.memory_space<vmem>> -> memref<1x320x64xf32, #tpu.memory_space<vmem>>
        %get3A_1517 = tpu.memref_squeeze %get3A_1516 : memref<1x320x64xf32, #tpu.memory_space<vmem>> -> memref<320x64xf32, #tpu.memory_space<vmem>>
        %get3A_1518 = arith.index_cast %add3A_1513 : i32 to index
        %get3A_1519 = arith.constant 16 : index
        %get3A_1520 = tpu.vector_load %get3A_1517[%get3A_1518, %get3A_1519] {strides = array<i32>} : memref<320x64xf32, #tpu.memory_space<vmem>>, vector<1x16xf32>,
        %get3A_1521 = vector.shape_cast %get3A_1520 : vector<1x16xf32> to vector<16xf32>
        %add3A_1522 = arith.addf %add3A_1511, %get3A_1521 : vector<16xf32>
        %get3A_1523 = arith.constant 0 : i32
        %get3A_1524 = arith.constant 0 : i32
        %get3A_1525 = tpu.memref_slice %arg12[%scan3A_287, %get3A_1523, %get3A_1524] : memref<2x16x64xf32, #tpu.memory_space<vmem>> -> memref<1x16x64xf32, #tpu.memory_space<vmem>>
        %get3A_1526 = tpu.memref_squeeze %get3A_1525 : memref<1x16x64xf32, #tpu.memory_space<vmem>> -> memref<16x64xf32, #tpu.memory_space<vmem>>
        %get3A_1527 = arith.index_cast %scan3A_1077 : i32 to index
        %get3A_1528 = arith.constant 16 : index
        %get3A_1529 = tpu.vector_load %get3A_1526[%get3A_1527, %get3A_1528] {strides = array<i32>} : memref<16x64xf32, #tpu.memory_space<vmem>>, vector<1x16xf32>,
        %get3A_1530 = vector.shape_cast %get3A_1529 : vector<1x16xf32> to vector<16xf32>
        %mul3A_1531 = arith.mulf %add3A_1522, %get3A_1530 : vector<16xf32>
        %add3A_1532 = arith.addf %mul3A_1305, %mul3A_1531 : vector<16xf32>
        %get3A_1533 = arith.constant 0 : i32
        %get3A_1534 = arith.constant 0 : i32
        %get3A_1535 = tpu.memref_slice %arg11[%scan3A_286, %get3A_1533, %get3A_1534] : memref<2x320x64xf32, #tpu.memory_space<vmem>> -> memref<1x320x64xf32, #tpu.memory_space<vmem>>
        %get3A_1536 = tpu.memref_squeeze %get3A_1535 : memref<1x320x64xf32, #tpu.memory_space<vmem>> -> memref<320x64xf32, #tpu.memory_space<vmem>>
        %get3A_1537 = arith.index_cast %mul3A_1080 : i32 to index
        %get3A_1538 = arith.constant 32 : index
        %get3A_1539 = tpu.vector_load %get3A_1536[%get3A_1537, %get3A_1538] {strides = array<i32>} : memref<320x64xf32, #tpu.memory_space<vmem>>, vector<1x16xf32>,
        %get3A_1540 = vector.shape_cast %get3A_1539 : vector<1x16xf32> to vector<16xf32>
        %add3A_1541 = arith.constant 1 : i32
        %add3A_1542 = arith.addi %mul3A_1080, %add3A_1541 : i32
        %get3A_1543 = arith.constant 0 : i32
        %get3A_1544 = arith.constant 0 : i32
        %get3A_1545 = tpu.memref_slice %arg11[%scan3A_286, %get3A_1543, %get3A_1544] : memref<2x320x64xf32, #tpu.memory_space<vmem>> -> memref<1x320x64xf32, #tpu.memory_space<vmem>>
        %get3A_1546 = tpu.memref_squeeze %get3A_1545 : memref<1x320x64xf32, #tpu.memory_space<vmem>> -> memref<320x64xf32, #tpu.memory_space<vmem>>
        %get3A_1547 = arith.index_cast %add3A_1542 : i32 to index
        %get3A_1548 = arith.constant 32 : index
        %get3A_1549 = tpu.vector_load %get3A_1546[%get3A_1547, %get3A_1548] {strides = array<i32>} : memref<320x64xf32, #tpu.memory_space<vmem>>, vector<1x16xf32>,
        %get3A_1550 = vector.shape_cast %get3A_1549 : vector<1x16xf32> to vector<16xf32>
        %add3A_1551 = arith.addf %get3A_1540, %get3A_1550 : vector<16xf32>
        %add3A_1552 = arith.constant 2 : i32
        %add3A_1553 = arith.addi %mul3A_1080, %add3A_1552 : i32
        %get3A_1554 = arith.constant 0 : i32
        %get3A_1555 = arith.constant 0 : i32
        %get3A_1556 = tpu.memref_slice %arg11[%scan3A_286, %get3A_1554, %get3A_1555] : memref<2x320x64xf32, #tpu.memory_space<vmem>> -> memref<1x320x64xf32, #tpu.memory_space<vmem>>
        %get3A_1557 = tpu.memref_squeeze %get3A_1556 : memref<1x320x64xf32, #tpu.memory_space<vmem>> -> memref<320x64xf32, #tpu.memory_space<vmem>>
        %get3A_1558 = arith.index_cast %add3A_1553 : i32 to index
        %get3A_1559 = arith.constant 32 : index
        %get3A_1560 = tpu.vector_load %get3A_1557[%get3A_1558, %get3A_1559] {strides = array<i32>} : memref<320x64xf32, #tpu.memory_space<vmem>>, vector<1x16xf32>,
        %get3A_1561 = vector.shape_cast %get3A_1560 : vector<1x16xf32> to vector<16xf32>
        %add3A_1562 = arith.addf %add3A_1551, %get3A_1561 : vector<16xf32>
        %add3A_1563 = arith.constant 3 : i32
        %add3A_1564 = arith.addi %mul3A_1080, %add3A_1563 : i32
        %get3A_1565 = arith.constant 0 : i32
        %get3A_1566 = arith.constant 0 : i32
        %get3A_1567 = tpu.memref_slice %arg11[%scan3A_286, %get3A_1565, %get3A_1566] : memref<2x320x64xf32, #tpu.memory_space<vmem>> -> memref<1x320x64xf32, #tpu.memory_space<vmem>>
        %get3A_1568 = tpu.memref_squeeze %get3A_1567 : memref<1x320x64xf32, #tpu.memory_space<vmem>> -> memref<320x64xf32, #tpu.memory_space<vmem>>
        %get3A_1569 = arith.index_cast %add3A_1564 : i32 to index
        %get3A_1570 = arith.constant 32 : index
        %get3A_1571 = tpu.vector_load %get3A_1568[%get3A_1569, %get3A_1570] {strides = array<i32>} : memref<320x64xf32, #tpu.memory_space<vmem>>, vector<1x16xf32>,
        %get3A_1572 = vector.shape_cast %get3A_1571 : vector<1x16xf32> to vector<16xf32>
        %add3A_1573 = arith.addf %add3A_1562, %get3A_1572 : vector<16xf32>
        %add3A_1574 = arith.constant 4 : i32
        %add3A_1575 = arith.addi %mul3A_1080, %add3A_1574 : i32
        %get3A_1576 = arith.constant 0 : i32
        %get3A_1577 = arith.constant 0 : i32
        %get3A_1578 = tpu.memref_slice %arg11[%scan3A_286, %get3A_1576, %get3A_1577] : memref<2x320x64xf32, #tpu.memory_space<vmem>> -> memref<1x320x64xf32, #tpu.memory_space<vmem>>
        %get3A_1579 = tpu.memref_squeeze %get3A_1578 : memref<1x320x64xf32, #tpu.memory_space<vmem>> -> memref<320x64xf32, #tpu.memory_space<vmem>>
        %get3A_1580 = arith.index_cast %add3A_1575 : i32 to index
        %get3A_1581 = arith.constant 32 : index
        %get3A_1582 = tpu.vector_load %get3A_1579[%get3A_1580, %get3A_1581] {strides = array<i32>} : memref<320x64xf32, #tpu.memory_space<vmem>>, vector<1x16xf32>,
        %get3A_1583 = vector.shape_cast %get3A_1582 : vector<1x16xf32> to vector<16xf32>
        %add3A_1584 = arith.addf %add3A_1573, %get3A_1583 : vector<16xf32>
        %add3A_1585 = arith.constant 5 : i32
        %add3A_1586 = arith.addi %mul3A_1080, %add3A_1585 : i32
        %get3A_1587 = arith.constant 0 : i32
        %get3A_1588 = arith.constant 0 : i32
        %get3A_1589 = tpu.memref_slice %arg11[%scan3A_286, %get3A_1587, %get3A_1588] : memref<2x320x64xf32, #tpu.memory_space<vmem>> -> memref<1x320x64xf32, #tpu.memory_space<vmem>>
        %get3A_1590 = tpu.memref_squeeze %get3A_1589 : memref<1x320x64xf32, #tpu.memory_space<vmem>> -> memref<320x64xf32, #tpu.memory_space<vmem>>
        %get3A_1591 = arith.index_cast %add3A_1586 : i32 to index
        %get3A_1592 = arith.constant 32 : index
        %get3A_1593 = tpu.vector_load %get3A_1590[%get3A_1591, %get3A_1592] {strides = array<i32>} : memref<320x64xf32, #tpu.memory_space<vmem>>, vector<1x16xf32>,
        %get3A_1594 = vector.shape_cast %get3A_1593 : vector<1x16xf32> to vector<16xf32>
        %add3A_1595 = arith.addf %add3A_1584, %get3A_1594 : vector<16xf32>
        %add3A_1596 = arith.constant 6 : i32
        %add3A_1597 = arith.addi %mul3A_1080, %add3A_1596 : i32
        %get3A_1598 = arith.constant 0 : i32
        %get3A_1599 = arith.constant 0 : i32
        %get3A_1600 = tpu.memref_slice %arg11[%scan3A_286, %get3A_1598, %get3A_1599] : memref<2x320x64xf32, #tpu.memory_space<vmem>> -> memref<1x320x64xf32, #tpu.memory_space<vmem>>
        %get3A_1601 = tpu.memref_squeeze %get3A_1600 : memref<1x320x64xf32, #tpu.memory_space<vmem>> -> memref<320x64xf32, #tpu.memory_space<vmem>>
        %get3A_1602 = arith.index_cast %add3A_1597 : i32 to index
        %get3A_1603 = arith.constant 32 : index
        %get3A_1604 = tpu.vector_load %get3A_1601[%get3A_1602, %get3A_1603] {strides = array<i32>} : memref<320x64xf32, #tpu.memory_space<vmem>>, vector<1x16xf32>,
        %get3A_1605 = vector.shape_cast %get3A_1604 : vector<1x16xf32> to vector<16xf32>
        %add3A_1606 = arith.addf %add3A_1595, %get3A_1605 : vector<16xf32>
        %add3A_1607 = arith.constant 7 : i32
        %add3A_1608 = arith.addi %mul3A_1080, %add3A_1607 : i32
        %get3A_1609 = arith.constant 0 : i32
        %get3A_1610 = arith.constant 0 : i32
        %get3A_1611 = tpu.memref_slice %arg11[%scan3A_286, %get3A_1609, %get3A_1610] : memref<2x320x64xf32, #tpu.memory_space<vmem>> -> memref<1x320x64xf32, #tpu.memory_space<vmem>>
        %get3A_1612 = tpu.memref_squeeze %get3A_1611 : memref<1x320x64xf32, #tpu.memory_space<vmem>> -> memref<320x64xf32, #tpu.memory_space<vmem>>
        %get3A_1613 = arith.index_cast %add3A_1608 : i32 to index
        %get3A_1614 = arith.constant 32 : index
        %get3A_1615 = tpu.vector_load %get3A_1612[%get3A_1613, %get3A_1614] {strides = array<i32>} : memref<320x64xf32, #tpu.memory_space<vmem>>, vector<1x16xf32>,
        %get3A_1616 = vector.shape_cast %get3A_1615 : vector<1x16xf32> to vector<16xf32>
        %add3A_1617 = arith.addf %add3A_1606, %get3A_1616 : vector<16xf32>
        %add3A_1618 = arith.constant 8 : i32
        %add3A_1619 = arith.addi %mul3A_1080, %add3A_1618 : i32
        %get3A_1620 = arith.constant 0 : i32
        %get3A_1621 = arith.constant 0 : i32
        %get3A_1622 = tpu.memref_slice %arg11[%scan3A_286, %get3A_1620, %get3A_1621] : memref<2x320x64xf32, #tpu.memory_space<vmem>> -> memref<1x320x64xf32, #tpu.memory_space<vmem>>
        %get3A_1623 = tpu.memref_squeeze %get3A_1622 : memref<1x320x64xf32, #tpu.memory_space<vmem>> -> memref<320x64xf32, #tpu.memory_space<vmem>>
        %get3A_1624 = arith.index_cast %add3A_1619 : i32 to index
        %get3A_1625 = arith.constant 32 : index
        %get3A_1626 = tpu.vector_load %get3A_1623[%get3A_1624, %get3A_1625] {strides = array<i32>} : memref<320x64xf32, #tpu.memory_space<vmem>>, vector<1x16xf32>,
        %get3A_1627 = vector.shape_cast %get3A_1626 : vector<1x16xf32> to vector<16xf32>
        %add3A_1628 = arith.addf %add3A_1617, %get3A_1627 : vector<16xf32>
        %add3A_1629 = arith.constant 9 : i32
        %add3A_1630 = arith.addi %mul3A_1080, %add3A_1629 : i32
        %get3A_1631 = arith.constant 0 : i32
        %get3A_1632 = arith.constant 0 : i32
        %get3A_1633 = tpu.memref_slice %arg11[%scan3A_286, %get3A_1631, %get3A_1632] : memref<2x320x64xf32, #tpu.memory_space<vmem>> -> memref<1x320x64xf32, #tpu.memory_space<vmem>>
        %get3A_1634 = tpu.memref_squeeze %get3A_1633 : memref<1x320x64xf32, #tpu.memory_space<vmem>> -> memref<320x64xf32, #tpu.memory_space<vmem>>
        %get3A_1635 = arith.index_cast %add3A_1630 : i32 to index
        %get3A_1636 = arith.constant 32 : index
        %get3A_1637 = tpu.vector_load %get3A_1634[%get3A_1635, %get3A_1636] {strides = array<i32>} : memref<320x64xf32, #tpu.memory_space<vmem>>, vector<1x16xf32>,
        %get3A_1638 = vector.shape_cast %get3A_1637 : vector<1x16xf32> to vector<16xf32>
        %add3A_1639 = arith.addf %add3A_1628, %get3A_1638 : vector<16xf32>
        %add3A_1640 = arith.constant 10 : i32
        %add3A_1641 = arith.addi %mul3A_1080, %add3A_1640 : i32
        %get3A_1642 = arith.constant 0 : i32
        %get3A_1643 = arith.constant 0 : i32
        %get3A_1644 = tpu.memref_slice %arg11[%scan3A_286, %get3A_1642, %get3A_1643] : memref<2x320x64xf32, #tpu.memory_space<vmem>> -> memref<1x320x64xf32, #tpu.memory_space<vmem>>
        %get3A_1645 = tpu.memref_squeeze %get3A_1644 : memref<1x320x64xf32, #tpu.memory_space<vmem>> -> memref<320x64xf32, #tpu.memory_space<vmem>>
        %get3A_1646 = arith.index_cast %add3A_1641 : i32 to index
        %get3A_1647 = arith.constant 32 : index
        %get3A_1648 = tpu.vector_load %get3A_1645[%get3A_1646, %get3A_1647] {strides = array<i32>} : memref<320x64xf32, #tpu.memory_space<vmem>>, vector<1x16xf32>,
        %get3A_1649 = vector.shape_cast %get3A_1648 : vector<1x16xf32> to vector<16xf32>
        %add3A_1650 = arith.addf %add3A_1639, %get3A_1649 : vector<16xf32>
        %add3A_1651 = arith.constant 11 : i32
        %add3A_1652 = arith.addi %mul3A_1080, %add3A_1651 : i32
        %get3A_1653 = arith.constant 0 : i32
        %get3A_1654 = arith.constant 0 : i32
        %get3A_1655 = tpu.memref_slice %arg11[%scan3A_286, %get3A_1653, %get3A_1654] : memref<2x320x64xf32, #tpu.memory_space<vmem>> -> memref<1x320x64xf32, #tpu.memory_space<vmem>>
        %get3A_1656 = tpu.memref_squeeze %get3A_1655 : memref<1x320x64xf32, #tpu.memory_space<vmem>> -> memref<320x64xf32, #tpu.memory_space<vmem>>
        %get3A_1657 = arith.index_cast %add3A_1652 : i32 to index
        %get3A_1658 = arith.constant 32 : index
        %get3A_1659 = tpu.vector_load %get3A_1656[%get3A_1657, %get3A_1658] {strides = array<i32>} : memref<320x64xf32, #tpu.memory_space<vmem>>, vector<1x16xf32>,
        %get3A_1660 = vector.shape_cast %get3A_1659 : vector<1x16xf32> to vector<16xf32>
        %add3A_1661 = arith.addf %add3A_1650, %get3A_1660 : vector<16xf32>
        %add3A_1662 = arith.constant 12 : i32
        %add3A_1663 = arith.addi %mul3A_1080, %add3A_1662 : i32
        %get3A_1664 = arith.constant 0 : i32
        %get3A_1665 = arith.constant 0 : i32
        %get3A_1666 = tpu.memref_slice %arg11[%scan3A_286, %get3A_1664, %get3A_1665] : memref<2x320x64xf32, #tpu.memory_space<vmem>> -> memref<1x320x64xf32, #tpu.memory_space<vmem>>
        %get3A_1667 = tpu.memref_squeeze %get3A_1666 : memref<1x320x64xf32, #tpu.memory_space<vmem>> -> memref<320x64xf32, #tpu.memory_space<vmem>>
        %get3A_1668 = arith.index_cast %add3A_1663 : i32 to index
        %get3A_1669 = arith.constant 32 : index
        %get3A_1670 = tpu.vector_load %get3A_1667[%get3A_1668, %get3A_1669] {strides = array<i32>} : memref<320x64xf32, #tpu.memory_space<vmem>>, vector<1x16xf32>,
        %get3A_1671 = vector.shape_cast %get3A_1670 : vector<1x16xf32> to vector<16xf32>
        %add3A_1672 = arith.addf %add3A_1661, %get3A_1671 : vector<16xf32>
        %add3A_1673 = arith.constant 13 : i32
        %add3A_1674 = arith.addi %mul3A_1080, %add3A_1673 : i32
        %get3A_1675 = arith.constant 0 : i32
        %get3A_1676 = arith.constant 0 : i32
        %get3A_1677 = tpu.memref_slice %arg11[%scan3A_286, %get3A_1675, %get3A_1676] : memref<2x320x64xf32, #tpu.memory_space<vmem>> -> memref<1x320x64xf32, #tpu.memory_space<vmem>>
        %get3A_1678 = tpu.memref_squeeze %get3A_1677 : memref<1x320x64xf32, #tpu.memory_space<vmem>> -> memref<320x64xf32, #tpu.memory_space<vmem>>
        %get3A_1679 = arith.index_cast %add3A_1674 : i32 to index
        %get3A_1680 = arith.constant 32 : index
        %get3A_1681 = tpu.vector_load %get3A_1678[%get3A_1679, %get3A_1680] {strides = array<i32>} : memref<320x64xf32, #tpu.memory_space<vmem>>, vector<1x16xf32>,
        %get3A_1682 = vector.shape_cast %get3A_1681 : vector<1x16xf32> to vector<16xf32>
        %add3A_1683 = arith.addf %add3A_1672, %get3A_1682 : vector<16xf32>
        %add3A_1684 = arith.constant 14 : i32
        %add3A_1685 = arith.addi %mul3A_1080, %add3A_1684 : i32
        %get3A_1686 = arith.constant 0 : i32
        %get3A_1687 = arith.constant 0 : i32
        %get3A_1688 = tpu.memref_slice %arg11[%scan3A_286, %get3A_1686, %get3A_1687] : memref<2x320x64xf32, #tpu.memory_space<vmem>> -> memref<1x320x64xf32, #tpu.memory_space<vmem>>
        %get3A_1689 = tpu.memref_squeeze %get3A_1688 : memref<1x320x64xf32, #tpu.memory_space<vmem>> -> memref<320x64xf32, #tpu.memory_space<vmem>>
        %get3A_1690 = arith.index_cast %add3A_1685 : i32 to index
        %get3A_1691 = arith.constant 32 : index
        %get3A_1692 = tpu.vector_load %get3A_1689[%get3A_1690, %get3A_1691] {strides = array<i32>} : memref<320x64xf32, #tpu.memory_space<vmem>>, vector<1x16xf32>,
        %get3A_1693 = vector.shape_cast %get3A_1692 : vector<1x16xf32> to vector<16xf32>
        %add3A_1694 = arith.addf %add3A_1683, %get3A_1693 : vector<16xf32>
        %add3A_1695 = arith.constant 15 : i32
        %add3A_1696 = arith.addi %mul3A_1080, %add3A_1695 : i32
        %get3A_1697 = arith.constant 0 : i32
        %get3A_1698 = arith.constant 0 : i32
        %get3A_1699 = tpu.memref_slice %arg11[%scan3A_286, %get3A_1697, %get3A_1698] : memref<2x320x64xf32, #tpu.memory_space<vmem>> -> memref<1x320x64xf32, #tpu.memory_space<vmem>>
        %get3A_1700 = tpu.memref_squeeze %get3A_1699 : memref<1x320x64xf32, #tpu.memory_space<vmem>> -> memref<320x64xf32, #tpu.memory_space<vmem>>
        %get3A_1701 = arith.index_cast %add3A_1696 : i32 to index
        %get3A_1702 = arith.constant 32 : index
        %get3A_1703 = tpu.vector_load %get3A_1700[%get3A_1701, %get3A_1702] {strides = array<i32>} : memref<320x64xf32, #tpu.memory_space<vmem>>, vector<1x16xf32>,
        %get3A_1704 = vector.shape_cast %get3A_1703 : vector<1x16xf32> to vector<16xf32>
        %add3A_1705 = arith.addf %add3A_1694, %get3A_1704 : vector<16xf32>
        %add3A_1706 = arith.constant 16 : i32
        %add3A_1707 = arith.addi %mul3A_1080, %add3A_1706 : i32
        %get3A_1708 = arith.constant 0 : i32
        %get3A_1709 = arith.constant 0 : i32
        %get3A_1710 = tpu.memref_slice %arg11[%scan3A_286, %get3A_1708, %get3A_1709] : memref<2x320x64xf32, #tpu.memory_space<vmem>> -> memref<1x320x64xf32, #tpu.memory_space<vmem>>
        %get3A_1711 = tpu.memref_squeeze %get3A_1710 : memref<1x320x64xf32, #tpu.memory_space<vmem>> -> memref<320x64xf32, #tpu.memory_space<vmem>>
        %get3A_1712 = arith.index_cast %add3A_1707 : i32 to index
        %get3A_1713 = arith.constant 32 : index
        %get3A_1714 = tpu.vector_load %get3A_1711[%get3A_1712, %get3A_1713] {strides = array<i32>} : memref<320x64xf32, #tpu.memory_space<vmem>>, vector<1x16xf32>,
        %get3A_1715 = vector.shape_cast %get3A_1714 : vector<1x16xf32> to vector<16xf32>
        %add3A_1716 = arith.addf %add3A_1705, %get3A_1715 : vector<16xf32>
        %add3A_1717 = arith.constant 17 : i32
        %add3A_1718 = arith.addi %mul3A_1080, %add3A_1717 : i32
        %get3A_1719 = arith.constant 0 : i32
        %get3A_1720 = arith.constant 0 : i32
        %get3A_1721 = tpu.memref_slice %arg11[%scan3A_286, %get3A_1719, %get3A_1720] : memref<2x320x64xf32, #tpu.memory_space<vmem>> -> memref<1x320x64xf32, #tpu.memory_space<vmem>>
        %get3A_1722 = tpu.memref_squeeze %get3A_1721 : memref<1x320x64xf32, #tpu.memory_space<vmem>> -> memref<320x64xf32, #tpu.memory_space<vmem>>
        %get3A_1723 = arith.index_cast %add3A_1718 : i32 to index
        %get3A_1724 = arith.constant 32 : index
        %get3A_1725 = tpu.vector_load %get3A_1722[%get3A_1723, %get3A_1724] {strides = array<i32>} : memref<320x64xf32, #tpu.memory_space<vmem>>, vector<1x16xf32>,
        %get3A_1726 = vector.shape_cast %get3A_1725 : vector<1x16xf32> to vector<16xf32>
        %add3A_1727 = arith.addf %add3A_1716, %get3A_1726 : vector<16xf32>
        %add3A_1728 = arith.constant 18 : i32
        %add3A_1729 = arith.addi %mul3A_1080, %add3A_1728 : i32
        %get3A_1730 = arith.constant 0 : i32
        %get3A_1731 = arith.constant 0 : i32
        %get3A_1732 = tpu.memref_slice %arg11[%scan3A_286, %get3A_1730, %get3A_1731] : memref<2x320x64xf32, #tpu.memory_space<vmem>> -> memref<1x320x64xf32, #tpu.memory_space<vmem>>
        %get3A_1733 = tpu.memref_squeeze %get3A_1732 : memref<1x320x64xf32, #tpu.memory_space<vmem>> -> memref<320x64xf32, #tpu.memory_space<vmem>>
        %get3A_1734 = arith.index_cast %add3A_1729 : i32 to index
        %get3A_1735 = arith.constant 32 : index
        %get3A_1736 = tpu.vector_load %get3A_1733[%get3A_1734, %get3A_1735] {strides = array<i32>} : memref<320x64xf32, #tpu.memory_space<vmem>>, vector<1x16xf32>,
        %get3A_1737 = vector.shape_cast %get3A_1736 : vector<1x16xf32> to vector<16xf32>
        %add3A_1738 = arith.addf %add3A_1727, %get3A_1737 : vector<16xf32>
        %add3A_1739 = arith.constant 19 : i32
        %add3A_1740 = arith.addi %mul3A_1080, %add3A_1739 : i32
        %get3A_1741 = arith.constant 0 : i32
        %get3A_1742 = arith.constant 0 : i32
        %get3A_1743 = tpu.memref_slice %arg11[%scan3A_286, %get3A_1741, %get3A_1742] : memref<2x320x64xf32, #tpu.memory_space<vmem>> -> memref<1x320x64xf32, #tpu.memory_space<vmem>>
        %get3A_1744 = tpu.memref_squeeze %get3A_1743 : memref<1x320x64xf32, #tpu.memory_space<vmem>> -> memref<320x64xf32, #tpu.memory_space<vmem>>
        %get3A_1745 = arith.index_cast %add3A_1740 : i32 to index
        %get3A_1746 = arith.constant 32 : index
        %get3A_1747 = tpu.vector_load %get3A_1744[%get3A_1745, %get3A_1746] {strides = array<i32>} : memref<320x64xf32, #tpu.memory_space<vmem>>, vector<1x16xf32>,
        %get3A_1748 = vector.shape_cast %get3A_1747 : vector<1x16xf32> to vector<16xf32>
        %add3A_1749 = arith.addf %add3A_1738, %get3A_1748 : vector<16xf32>
        %get3A_1750 = arith.constant 0 : i32
        %get3A_1751 = arith.constant 0 : i32
        %get3A_1752 = tpu.memref_slice %arg12[%scan3A_287, %get3A_1750, %get3A_1751] : memref<2x16x64xf32, #tpu.memory_space<vmem>> -> memref<1x16x64xf32, #tpu.memory_space<vmem>>
        %get3A_1753 = tpu.memref_squeeze %get3A_1752 : memref<1x16x64xf32, #tpu.memory_space<vmem>> -> memref<16x64xf32, #tpu.memory_space<vmem>>
        %get3A_1754 = arith.index_cast %scan3A_1077 : i32 to index
        %get3A_1755 = arith.constant 32 : index
        %get3A_1756 = tpu.vector_load %get3A_1753[%get3A_1754, %get3A_1755] {strides = array<i32>} : memref<16x64xf32, #tpu.memory_space<vmem>>, vector<1x16xf32>,
        %get3A_1757 = vector.shape_cast %get3A_1756 : vector<1x16xf32> to vector<16xf32>
        %mul3A_1758 = arith.mulf %add3A_1749, %get3A_1757 : vector<16xf32>
        %add3A_1759 = arith.addf %add3A_1532, %mul3A_1758 : vector<16xf32>
        %get3A_1760 = arith.constant 0 : i32
        %get3A_1761 = arith.constant 0 : i32
        %get3A_1762 = tpu.memref_slice %arg11[%scan3A_286, %get3A_1760, %get3A_1761] : memref<2x320x64xf32, #tpu.memory_space<vmem>> -> memref<1x320x64xf32, #tpu.memory_space<vmem>>
        %get3A_1763 = tpu.memref_squeeze %get3A_1762 : memref<1x320x64xf32, #tpu.memory_space<vmem>> -> memref<320x64xf32, #tpu.memory_space<vmem>>
        %get3A_1764 = arith.index_cast %mul3A_1080 : i32 to index
        %get3A_1765 = arith.constant 48 : index
        %get3A_1766 = tpu.vector_load %get3A_1763[%get3A_1764, %get3A_1765] {strides = array<i32>} : memref<320x64xf32, #tpu.memory_space<vmem>>, vector<1x16xf32>,
        %get3A_1767 = vector.shape_cast %get3A_1766 : vector<1x16xf32> to vector<16xf32>
        %add3A_1768 = arith.constant 1 : i32
        %add3A_1769 = arith.addi %mul3A_1080, %add3A_1768 : i32
        %get3A_1770 = arith.constant 0 : i32
        %get3A_1771 = arith.constant 0 : i32
        %get3A_1772 = tpu.memref_slice %arg11[%scan3A_286, %get3A_1770, %get3A_1771] : memref<2x320x64xf32, #tpu.memory_space<vmem>> -> memref<1x320x64xf32, #tpu.memory_space<vmem>>
        %get3A_1773 = tpu.memref_squeeze %get3A_1772 : memref<1x320x64xf32, #tpu.memory_space<vmem>> -> memref<320x64xf32, #tpu.memory_space<vmem>>
        %get3A_1774 = arith.index_cast %add3A_1769 : i32 to index
        %get3A_1775 = arith.constant 48 : index
        %get3A_1776 = tpu.vector_load %get3A_1773[%get3A_1774, %get3A_1775] {strides = array<i32>} : memref<320x64xf32, #tpu.memory_space<vmem>>, vector<1x16xf32>,
        %get3A_1777 = vector.shape_cast %get3A_1776 : vector<1x16xf32> to vector<16xf32>
        %add3A_1778 = arith.addf %get3A_1767, %get3A_1777 : vector<16xf32>
        %add3A_1779 = arith.constant 2 : i32
        %add3A_1780 = arith.addi %mul3A_1080, %add3A_1779 : i32
        %get3A_1781 = arith.constant 0 : i32
        %get3A_1782 = arith.constant 0 : i32
        %get3A_1783 = tpu.memref_slice %arg11[%scan3A_286, %get3A_1781, %get3A_1782] : memref<2x320x64xf32, #tpu.memory_space<vmem>> -> memref<1x320x64xf32, #tpu.memory_space<vmem>>
        %get3A_1784 = tpu.memref_squeeze %get3A_1783 : memref<1x320x64xf32, #tpu.memory_space<vmem>> -> memref<320x64xf32, #tpu.memory_space<vmem>>
        %get3A_1785 = arith.index_cast %add3A_1780 : i32 to index
        %get3A_1786 = arith.constant 48 : index
        %get3A_1787 = tpu.vector_load %get3A_1784[%get3A_1785, %get3A_1786] {strides = array<i32>} : memref<320x64xf32, #tpu.memory_space<vmem>>, vector<1x16xf32>,
        %get3A_1788 = vector.shape_cast %get3A_1787 : vector<1x16xf32> to vector<16xf32>
        %add3A_1789 = arith.addf %add3A_1778, %get3A_1788 : vector<16xf32>
        %add3A_1790 = arith.constant 3 : i32
        %add3A_1791 = arith.addi %mul3A_1080, %add3A_1790 : i32
        %get3A_1792 = arith.constant 0 : i32
        %get3A_1793 = arith.constant 0 : i32
        %get3A_1794 = tpu.memref_slice %arg11[%scan3A_286, %get3A_1792, %get3A_1793] : memref<2x320x64xf32, #tpu.memory_space<vmem>> -> memref<1x320x64xf32, #tpu.memory_space<vmem>>
        %get3A_1795 = tpu.memref_squeeze %get3A_1794 : memref<1x320x64xf32, #tpu.memory_space<vmem>> -> memref<320x64xf32, #tpu.memory_space<vmem>>
        %get3A_1796 = arith.index_cast %add3A_1791 : i32 to index
        %get3A_1797 = arith.constant 48 : index
        %get3A_1798 = tpu.vector_load %get3A_1795[%get3A_1796, %get3A_1797] {strides = array<i32>} : memref<320x64xf32, #tpu.memory_space<vmem>>, vector<1x16xf32>,
        %get3A_1799 = vector.shape_cast %get3A_1798 : vector<1x16xf32> to vector<16xf32>
        %add3A_1800 = arith.addf %add3A_1789, %get3A_1799 : vector<16xf32>
        %add3A_1801 = arith.constant 4 : i32
        %add3A_1802 = arith.addi %mul3A_1080, %add3A_1801 : i32
        %get3A_1803 = arith.constant 0 : i32
        %get3A_1804 = arith.constant 0 : i32
        %get3A_1805 = tpu.memref_slice %arg11[%scan3A_286, %get3A_1803, %get3A_1804] : memref<2x320x64xf32, #tpu.memory_space<vmem>> -> memref<1x320x64xf32, #tpu.memory_space<vmem>>
        %get3A_1806 = tpu.memref_squeeze %get3A_1805 : memref<1x320x64xf32, #tpu.memory_space<vmem>> -> memref<320x64xf32, #tpu.memory_space<vmem>>
        %get3A_1807 = arith.index_cast %add3A_1802 : i32 to index
        %get3A_1808 = arith.constant 48 : index
        %get3A_1809 = tpu.vector_load %get3A_1806[%get3A_1807, %get3A_1808] {strides = array<i32>} : memref<320x64xf32, #tpu.memory_space<vmem>>, vector<1x16xf32>,
        %get3A_1810 = vector.shape_cast %get3A_1809 : vector<1x16xf32> to vector<16xf32>
        %add3A_1811 = arith.addf %add3A_1800, %get3A_1810 : vector<16xf32>
        %add3A_1812 = arith.constant 5 : i32
        %add3A_1813 = arith.addi %mul3A_1080, %add3A_1812 : i32
        %get3A_1814 = arith.constant 0 : i32
        %get3A_1815 = arith.constant 0 : i32
        %get3A_1816 = tpu.memref_slice %arg11[%scan3A_286, %get3A_1814, %get3A_1815] : memref<2x320x64xf32, #tpu.memory_space<vmem>> -> memref<1x320x64xf32, #tpu.memory_space<vmem>>
        %get3A_1817 = tpu.memref_squeeze %get3A_1816 : memref<1x320x64xf32, #tpu.memory_space<vmem>> -> memref<320x64xf32, #tpu.memory_space<vmem>>
        %get3A_1818 = arith.index_cast %add3A_1813 : i32 to index
        %get3A_1819 = arith.constant 48 : index
        %get3A_1820 = tpu.vector_load %get3A_1817[%get3A_1818, %get3A_1819] {strides = array<i32>} : memref<320x64xf32, #tpu.memory_space<vmem>>, vector<1x16xf32>,
        %get3A_1821 = vector.shape_cast %get3A_1820 : vector<1x16xf32> to vector<16xf32>
        %add3A_1822 = arith.addf %add3A_1811, %get3A_1821 : vector<16xf32>
        %add3A_1823 = arith.constant 6 : i32
        %add3A_1824 = arith.addi %mul3A_1080, %add3A_1823 : i32
        %get3A_1825 = arith.constant 0 : i32
        %get3A_1826 = arith.constant 0 : i32
        %get3A_1827 = tpu.memref_slice %arg11[%scan3A_286, %get3A_1825, %get3A_1826] : memref<2x320x64xf32, #tpu.memory_space<vmem>> -> memref<1x320x64xf32, #tpu.memory_space<vmem>>
        %get3A_1828 = tpu.memref_squeeze %get3A_1827 : memref<1x320x64xf32, #tpu.memory_space<vmem>> -> memref<320x64xf32, #tpu.memory_space<vmem>>
        %get3A_1829 = arith.index_cast %add3A_1824 : i32 to index
        %get3A_1830 = arith.constant 48 : index
        %get3A_1831 = tpu.vector_load %get3A_1828[%get3A_1829, %get3A_1830] {strides = array<i32>} : memref<320x64xf32, #tpu.memory_space<vmem>>, vector<1x16xf32>,
        %get3A_1832 = vector.shape_cast %get3A_1831 : vector<1x16xf32> to vector<16xf32>
        %add3A_1833 = arith.addf %add3A_1822, %get3A_1832 : vector<16xf32>
        %add3A_1834 = arith.constant 7 : i32
        %add3A_1835 = arith.addi %mul3A_1080, %add3A_1834 : i32
        %get3A_1836 = arith.constant 0 : i32
        %get3A_1837 = arith.constant 0 : i32
        %get3A_1838 = tpu.memref_slice %arg11[%scan3A_286, %get3A_1836, %get3A_1837] : memref<2x320x64xf32, #tpu.memory_space<vmem>> -> memref<1x320x64xf32, #tpu.memory_space<vmem>>
        %get3A_1839 = tpu.memref_squeeze %get3A_1838 : memref<1x320x64xf32, #tpu.memory_space<vmem>> -> memref<320x64xf32, #tpu.memory_space<vmem>>
        %get3A_1840 = arith.index_cast %add3A_1835 : i32 to index
        %get3A_1841 = arith.constant 48 : index
        %get3A_1842 = tpu.vector_load %get3A_1839[%get3A_1840, %get3A_1841] {strides = array<i32>} : memref<320x64xf32, #tpu.memory_space<vmem>>, vector<1x16xf32>,
        %get3A_1843 = vector.shape_cast %get3A_1842 : vector<1x16xf32> to vector<16xf32>
        %add3A_1844 = arith.addf %add3A_1833, %get3A_1843 : vector<16xf32>
        %add3A_1845 = arith.constant 8 : i32
        %add3A_1846 = arith.addi %mul3A_1080, %add3A_1845 : i32
        %get3A_1847 = arith.constant 0 : i32
        %get3A_1848 = arith.constant 0 : i32
        %get3A_1849 = tpu.memref_slice %arg11[%scan3A_286, %get3A_1847, %get3A_1848] : memref<2x320x64xf32, #tpu.memory_space<vmem>> -> memref<1x320x64xf32, #tpu.memory_space<vmem>>
        %get3A_1850 = tpu.memref_squeeze %get3A_1849 : memref<1x320x64xf32, #tpu.memory_space<vmem>> -> memref<320x64xf32, #tpu.memory_space<vmem>>
        %get3A_1851 = arith.index_cast %add3A_1846 : i32 to index
        %get3A_1852 = arith.constant 48 : index
        %get3A_1853 = tpu.vector_load %get3A_1850[%get3A_1851, %get3A_1852] {strides = array<i32>} : memref<320x64xf32, #tpu.memory_space<vmem>>, vector<1x16xf32>,
        %get3A_1854 = vector.shape_cast %get3A_1853 : vector<1x16xf32> to vector<16xf32>
        %add3A_1855 = arith.addf %add3A_1844, %get3A_1854 : vector<16xf32>
        %add3A_1856 = arith.constant 9 : i32
        %add3A_1857 = arith.addi %mul3A_1080, %add3A_1856 : i32
        %get3A_1858 = arith.constant 0 : i32
        %get3A_1859 = arith.constant 0 : i32
        %get3A_1860 = tpu.memref_slice %arg11[%scan3A_286, %get3A_1858, %get3A_1859] : memref<2x320x64xf32, #tpu.memory_space<vmem>> -> memref<1x320x64xf32, #tpu.memory_space<vmem>>
        %get3A_1861 = tpu.memref_squeeze %get3A_1860 : memref<1x320x64xf32, #tpu.memory_space<vmem>> -> memref<320x64xf32, #tpu.memory_space<vmem>>
        %get3A_1862 = arith.index_cast %add3A_1857 : i32 to index
        %get3A_1863 = arith.constant 48 : index
        %get3A_1864 = tpu.vector_load %get3A_1861[%get3A_1862, %get3A_1863] {strides = array<i32>} : memref<320x64xf32, #tpu.memory_space<vmem>>, vector<1x16xf32>,
        %get3A_1865 = vector.shape_cast %get3A_1864 : vector<1x16xf32> to vector<16xf32>
        %add3A_1866 = arith.addf %add3A_1855, %get3A_1865 : vector<16xf32>
        %add3A_1867 = arith.constant 10 : i32
        %add3A_1868 = arith.addi %mul3A_1080, %add3A_1867 : i32
        %get3A_1869 = arith.constant 0 : i32
        %get3A_1870 = arith.constant 0 : i32
        %get3A_1871 = tpu.memref_slice %arg11[%scan3A_286, %get3A_1869, %get3A_1870] : memref<2x320x64xf32, #tpu.memory_space<vmem>> -> memref<1x320x64xf32, #tpu.memory_space<vmem>>
        %get3A_1872 = tpu.memref_squeeze %get3A_1871 : memref<1x320x64xf32, #tpu.memory_space<vmem>> -> memref<320x64xf32, #tpu.memory_space<vmem>>
        %get3A_1873 = arith.index_cast %add3A_1868 : i32 to index
        %get3A_1874 = arith.constant 48 : index
        %get3A_1875 = tpu.vector_load %get3A_1872[%get3A_1873, %get3A_1874] {strides = array<i32>} : memref<320x64xf32, #tpu.memory_space<vmem>>, vector<1x16xf32>,
        %get3A_1876 = vector.shape_cast %get3A_1875 : vector<1x16xf32> to vector<16xf32>
        %add3A_1877 = arith.addf %add3A_1866, %get3A_1876 : vector<16xf32>
        %add3A_1878 = arith.constant 11 : i32
        %add3A_1879 = arith.addi %mul3A_1080, %add3A_1878 : i32
        %get3A_1880 = arith.constant 0 : i32
        %get3A_1881 = arith.constant 0 : i32
        %get3A_1882 = tpu.memref_slice %arg11[%scan3A_286, %get3A_1880, %get3A_1881] : memref<2x320x64xf32, #tpu.memory_space<vmem>> -> memref<1x320x64xf32, #tpu.memory_space<vmem>>
        %get3A_1883 = tpu.memref_squeeze %get3A_1882 : memref<1x320x64xf32, #tpu.memory_space<vmem>> -> memref<320x64xf32, #tpu.memory_space<vmem>>
        %get3A_1884 = arith.index_cast %add3A_1879 : i32 to index
        %get3A_1885 = arith.constant 48 : index
        %get3A_1886 = tpu.vector_load %get3A_1883[%get3A_1884, %get3A_1885] {strides = array<i32>} : memref<320x64xf32, #tpu.memory_space<vmem>>, vector<1x16xf32>,
        %get3A_1887 = vector.shape_cast %get3A_1886 : vector<1x16xf32> to vector<16xf32>
        %add3A_1888 = arith.addf %add3A_1877, %get3A_1887 : vector<16xf32>
        %add3A_1889 = arith.constant 12 : i32
        %add3A_1890 = arith.addi %mul3A_1080, %add3A_1889 : i32
        %get3A_1891 = arith.constant 0 : i32
        %get3A_1892 = arith.constant 0 : i32
        %get3A_1893 = tpu.memref_slice %arg11[%scan3A_286, %get3A_1891, %get3A_1892] : memref<2x320x64xf32, #tpu.memory_space<vmem>> -> memref<1x320x64xf32, #tpu.memory_space<vmem>>
        %get3A_1894 = tpu.memref_squeeze %get3A_1893 : memref<1x320x64xf32, #tpu.memory_space<vmem>> -> memref<320x64xf32, #tpu.memory_space<vmem>>
        %get3A_1895 = arith.index_cast %add3A_1890 : i32 to index
        %get3A_1896 = arith.constant 48 : index
        %get3A_1897 = tpu.vector_load %get3A_1894[%get3A_1895, %get3A_1896] {strides = array<i32>} : memref<320x64xf32, #tpu.memory_space<vmem>>, vector<1x16xf32>,
        %get3A_1898 = vector.shape_cast %get3A_1897 : vector<1x16xf32> to vector<16xf32>
        %add3A_1899 = arith.addf %add3A_1888, %get3A_1898 : vector<16xf32>
        %add3A_1900 = arith.constant 13 : i32
        %add3A_1901 = arith.addi %mul3A_1080, %add3A_1900 : i32
        %get3A_1902 = arith.constant 0 : i32
        %get3A_1903 = arith.constant 0 : i32
        %get3A_1904 = tpu.memref_slice %arg11[%scan3A_286, %get3A_1902, %get3A_1903] : memref<2x320x64xf32, #tpu.memory_space<vmem>> -> memref<1x320x64xf32, #tpu.memory_space<vmem>>
        %get3A_1905 = tpu.memref_squeeze %get3A_1904 : memref<1x320x64xf32, #tpu.memory_space<vmem>> -> memref<320x64xf32, #tpu.memory_space<vmem>>
        %get3A_1906 = arith.index_cast %add3A_1901 : i32 to index
        %get3A_1907 = arith.constant 48 : index
        %get3A_1908 = tpu.vector_load %get3A_1905[%get3A_1906, %get3A_1907] {strides = array<i32>} : memref<320x64xf32, #tpu.memory_space<vmem>>, vector<1x16xf32>,
        %get3A_1909 = vector.shape_cast %get3A_1908 : vector<1x16xf32> to vector<16xf32>
        %add3A_1910 = arith.addf %add3A_1899, %get3A_1909 : vector<16xf32>
        %add3A_1911 = arith.constant 14 : i32
        %add3A_1912 = arith.addi %mul3A_1080, %add3A_1911 : i32
        %get3A_1913 = arith.constant 0 : i32
        %get3A_1914 = arith.constant 0 : i32
        %get3A_1915 = tpu.memref_slice %arg11[%scan3A_286, %get3A_1913, %get3A_1914] : memref<2x320x64xf32, #tpu.memory_space<vmem>> -> memref<1x320x64xf32, #tpu.memory_space<vmem>>
        %get3A_1916 = tpu.memref_squeeze %get3A_1915 : memref<1x320x64xf32, #tpu.memory_space<vmem>> -> memref<320x64xf32, #tpu.memory_space<vmem>>
        %get3A_1917 = arith.index_cast %add3A_1912 : i32 to index
        %get3A_1918 = arith.constant 48 : index
        %get3A_1919 = tpu.vector_load %get3A_1916[%get3A_1917, %get3A_1918] {strides = array<i32>} : memref<320x64xf32, #tpu.memory_space<vmem>>, vector<1x16xf32>,
        %get3A_1920 = vector.shape_cast %get3A_1919 : vector<1x16xf32> to vector<16xf32>
        %add3A_1921 = arith.addf %add3A_1910, %get3A_1920 : vector<16xf32>
        %add3A_1922 = arith.constant 15 : i32
        %add3A_1923 = arith.addi %mul3A_1080, %add3A_1922 : i32
        %get3A_1924 = arith.constant 0 : i32
        %get3A_1925 = arith.constant 0 : i32
        %get3A_1926 = tpu.memref_slice %arg11[%scan3A_286, %get3A_1924, %get3A_1925] : memref<2x320x64xf32, #tpu.memory_space<vmem>> -> memref<1x320x64xf32, #tpu.memory_space<vmem>>
        %get3A_1927 = tpu.memref_squeeze %get3A_1926 : memref<1x320x64xf32, #tpu.memory_space<vmem>> -> memref<320x64xf32, #tpu.memory_space<vmem>>
        %get3A_1928 = arith.index_cast %add3A_1923 : i32 to index
        %get3A_1929 = arith.constant 48 : index
        %get3A_1930 = tpu.vector_load %get3A_1927[%get3A_1928, %get3A_1929] {strides = array<i32>} : memref<320x64xf32, #tpu.memory_space<vmem>>, vector<1x16xf32>,
        %get3A_1931 = vector.shape_cast %get3A_1930 : vector<1x16xf32> to vector<16xf32>
        %add3A_1932 = arith.addf %add3A_1921, %get3A_1931 : vector<16xf32>
        %add3A_1933 = arith.constant 16 : i32
        %add3A_1934 = arith.addi %mul3A_1080, %add3A_1933 : i32
        %get3A_1935 = arith.constant 0 : i32
        %get3A_1936 = arith.constant 0 : i32
        %get3A_1937 = tpu.memref_slice %arg11[%scan3A_286, %get3A_1935, %get3A_1936] : memref<2x320x64xf32, #tpu.memory_space<vmem>> -> memref<1x320x64xf32, #tpu.memory_space<vmem>>
        %get3A_1938 = tpu.memref_squeeze %get3A_1937 : memref<1x320x64xf32, #tpu.memory_space<vmem>> -> memref<320x64xf32, #tpu.memory_space<vmem>>
        %get3A_1939 = arith.index_cast %add3A_1934 : i32 to index
        %get3A_1940 = arith.constant 48 : index
        %get3A_1941 = tpu.vector_load %get3A_1938[%get3A_1939, %get3A_1940] {strides = array<i32>} : memref<320x64xf32, #tpu.memory_space<vmem>>, vector<1x16xf32>,
        %get3A_1942 = vector.shape_cast %get3A_1941 : vector<1x16xf32> to vector<16xf32>
        %add3A_1943 = arith.addf %add3A_1932, %get3A_1942 : vector<16xf32>
        %add3A_1944 = arith.constant 17 : i32
        %add3A_1945 = arith.addi %mul3A_1080, %add3A_1944 : i32
        %get3A_1946 = arith.constant 0 : i32
        %get3A_1947 = arith.constant 0 : i32
        %get3A_1948 = tpu.memref_slice %arg11[%scan3A_286, %get3A_1946, %get3A_1947] : memref<2x320x64xf32, #tpu.memory_space<vmem>> -> memref<1x320x64xf32, #tpu.memory_space<vmem>>
        %get3A_1949 = tpu.memref_squeeze %get3A_1948 : memref<1x320x64xf32, #tpu.memory_space<vmem>> -> memref<320x64xf32, #tpu.memory_space<vmem>>
        %get3A_1950 = arith.index_cast %add3A_1945 : i32 to index
        %get3A_1951 = arith.constant 48 : index
        %get3A_1952 = tpu.vector_load %get3A_1949[%get3A_1950, %get3A_1951] {strides = array<i32>} : memref<320x64xf32, #tpu.memory_space<vmem>>, vector<1x16xf32>,
        %get3A_1953 = vector.shape_cast %get3A_1952 : vector<1x16xf32> to vector<16xf32>
        %add3A_1954 = arith.addf %add3A_1943, %get3A_1953 : vector<16xf32>
        %add3A_1955 = arith.constant 18 : i32
        %add3A_1956 = arith.addi %mul3A_1080, %add3A_1955 : i32
        %get3A_1957 = arith.constant 0 : i32
        %get3A_1958 = arith.constant 0 : i32
        %get3A_1959 = tpu.memref_slice %arg11[%scan3A_286, %get3A_1957, %get3A_1958] : memref<2x320x64xf32, #tpu.memory_space<vmem>> -> memref<1x320x64xf32, #tpu.memory_space<vmem>>
        %get3A_1960 = tpu.memref_squeeze %get3A_1959 : memref<1x320x64xf32, #tpu.memory_space<vmem>> -> memref<320x64xf32, #tpu.memory_space<vmem>>
        %get3A_1961 = arith.index_cast %add3A_1956 : i32 to index
        %get3A_1962 = arith.constant 48 : index
        %get3A_1963 = tpu.vector_load %get3A_1960[%get3A_1961, %get3A_1962] {strides = array<i32>} : memref<320x64xf32, #tpu.memory_space<vmem>>, vector<1x16xf32>,
        %get3A_1964 = vector.shape_cast %get3A_1963 : vector<1x16xf32> to vector<16xf32>
        %add3A_1965 = arith.addf %add3A_1954, %get3A_1964 : vector<16xf32>
        %add3A_1966 = arith.constant 19 : i32
        %add3A_1967 = arith.addi %mul3A_1080, %add3A_1966 : i32
        %get3A_1968 = arith.constant 0 : i32
        %get3A_1969 = arith.constant 0 : i32
        %get3A_1970 = tpu.memref_slice %arg11[%scan3A_286, %get3A_1968, %get3A_1969] : memref<2x320x64xf32, #tpu.memory_space<vmem>> -> memref<1x320x64xf32, #tpu.memory_space<vmem>>
        %get3A_1971 = tpu.memref_squeeze %get3A_1970 : memref<1x320x64xf32, #tpu.memory_space<vmem>> -> memref<320x64xf32, #tpu.memory_space<vmem>>
        %get3A_1972 = arith.index_cast %add3A_1967 : i32 to index
        %get3A_1973 = arith.constant 48 : index
        %get3A_1974 = tpu.vector_load %get3A_1971[%get3A_1972, %get3A_1973] {strides = array<i32>} : memref<320x64xf32, #tpu.memory_space<vmem>>, vector<1x16xf32>,
        %get3A_1975 = vector.shape_cast %get3A_1974 : vector<1x16xf32> to vector<16xf32>
        %add3A_1976 = arith.addf %add3A_1965, %get3A_1975 : vector<16xf32>
        %get3A_1977 = arith.constant 0 : i32
        %get3A_1978 = arith.constant 0 : i32
        %get3A_1979 = tpu.memref_slice %arg12[%scan3A_287, %get3A_1977, %get3A_1978] : memref<2x16x64xf32, #tpu.memory_space<vmem>> -> memref<1x16x64xf32, #tpu.memory_space<vmem>>
        %get3A_1980 = tpu.memref_squeeze %get3A_1979 : memref<1x16x64xf32, #tpu.memory_space<vmem>> -> memref<16x64xf32, #tpu.memory_space<vmem>>
        %get3A_1981 = arith.index_cast %scan3A_1077 : i32 to index
        %get3A_1982 = arith.constant 48 : index
        %get3A_1983 = tpu.vector_load %get3A_1980[%get3A_1981, %get3A_1982] {strides = array<i32>} : memref<16x64xf32, #tpu.memory_space<vmem>>, vector<1x16xf32>,
        %get3A_1984 = vector.shape_cast %get3A_1983 : vector<1x16xf32> to vector<16xf32>
        %mul3A_1985 = arith.mulf %add3A_1976, %get3A_1984 : vector<16xf32>
        %add3A_1986 = arith.addf %add3A_1759, %mul3A_1985 : vector<16xf32>
        %broadcast_in_dim3A_1987 = vector.shape_cast %and3A_5 : vector<16xi32> to vector<16x1xi32>
        %gather3A = vector.shape_cast %broadcast_in_dim3A_1987 : vector<16x1xi32> to vector<16xi32>
        %gather3A_1988 = tpu.dynamic_gather %add3A_1986[%gather3A] in [0] : vector<16xf32>, vector<16xi32> -> vector<16xf32>
        %add3A_1989 = arith.addf %add3A_1986, %gather3A_1988 : vector<16xf32>
        %broadcast_in_dim3A_1990 = vector.shape_cast %and3A_11 : vector<16xi32> to vector<16x1xi32>
        %gather3A_1991 = vector.shape_cast %broadcast_in_dim3A_1990 : vector<16x1xi32> to vector<16xi32>
        %gather3A_1992 = tpu.dynamic_gather %add3A_1989[%gather3A_1991] in [0] : vector<16xf32>, vector<16xi32> -> vector<16xf32>
        %add3A_1993 = arith.addf %add3A_1989, %gather3A_1992 : vector<16xf32>
        %broadcast_in_dim3A_1994 = vector.shape_cast %and3A_17 : vector<16xi32> to vector<16x1xi32>
        %gather3A_1995 = vector.shape_cast %broadcast_in_dim3A_1994 : vector<16x1xi32> to vector<16xi32>
        %gather3A_1996 = tpu.dynamic_gather %add3A_1993[%gather3A_1995] in [0] : vector<16xf32>, vector<16xi32> -> vector<16xf32>
        %add3A_1997 = arith.addf %add3A_1993, %gather3A_1996 : vector<16xf32>
        %broadcast_in_dim3A_1998 = vector.shape_cast %and3A_23 : vector<16xi32> to vector<16x1xi32>
        %gather3A_1999 = vector.shape_cast %broadcast_in_dim3A_1998 : vector<16x1xi32> to vector<16xi32>
        %gather3A_2000 = tpu.dynamic_gather %add3A_1997[%gather3A_1999] in [0] : vector<16xf32>, vector<16xi32> -> vector<16xf32>
        %add3A_2001 = arith.addf %add3A_1997, %gather3A_2000 : vector<16xf32>
        %eq3A = vector.broadcast %scan3A_1077 : i32 to vector<16xi32>
        %eq3A_2002 = arith.cmpi eq, %iota3A, %eq3A : vector<16xi32>
        %select_n3A = arith.select %eq3A_2002, %add3A_2001, %scan3A_1078 : vector<16xi1>, vector<16xf32>
        scf.yield %select_n3A : vector<16xf32>
      }
      %scan3A_687 = arith.constant 16 : i32
      %mul3A_688 = vector.broadcast %scan3A_288 : f32 to vector<16xf32>
      %mul3A_689 = arith.mulf %scan3A_686, %mul3A_688 : vector<16xf32>
      %mul3A_690 = arith.constant 16 : i32
      %mul3A_691 = arith.muli %mul3A_557, %mul3A_690 : i32
      %multiple_of3A = tpu.assume_multiple %mul3A_691, 16 : i32
      %swap3A = arith.index_cast %multiple_of3A : i32 to index
      %swap3A_692 = tpu.vector_load %arg13[%swap3A] {strides = array<i32>} : memref<1024xf32, #tpu.memory_space<vmem>>, vector<16xf32>,
      %swap3A_693 = vector.shape_cast %swap3A_692 : vector<16xf32> to vector<16xf32>
      %swap3A_694 = vector.shape_cast %mul3A_689 : vector<16xf32> to vector<16xf32>
      tpu.vector_store %arg13[%swap3A], %swap3A_694 {strides = array<i32>} : memref<1024xf32, #tpu.memory_space<vmem>>, vector<16xf32>,
      %add3A_695 = arith.constant 2 : i32
      %add3A_696 = arith.addi %mul3A_557, %add3A_695 : i32
      %and3A_697 = arith.constant 63 : i32
      %and3A_698 = arith.andi %add3A_696, %and3A_697 : i32
      %mul3A_699 = arith.constant 5 : i32
      %mul3A_700 = arith.muli %and3A_698, %mul3A_699 : i32
      %add3A_701 = arith.constant 0 : i32
      %add3A_702 = arith.addi %mul3A_700, %add3A_701 : i32
      %shift_right_logical3A_703 = arith.constant 1 : i32
      %shift_right_logical3A_704 = arith.shrui %add3A_702, %shift_right_logical3A_703 : i32
      %and3A_705 = arith.constant 1 : i32
      %and3A_706 = arith.andi %add3A_702, %and3A_705 : i32
      %mul3A_707 = arith.constant 64 : i32
      %mul3A_708 = arith.muli %and3A_706, %mul3A_707 : i32
      %dma_start3A_709 = arith.constant 0 : i32
      %dma_start3A_710 = arith.constant 0 : i32
      %dma_start3A_711 = tpu.memref_slice %arg11[%scan3A_286, %dma_start3A_709, %dma_start3A_710] : memref<2x320x64xf32, #tpu.memory_space<vmem>> -> memref<1x320x64xf32, #tpu.memory_space<vmem>>
      %dma_start3A_712 = tpu.memref_squeeze %dma_start3A_711 : memref<1x320x64xf32, #tpu.memory_space<vmem>> -> memref<320x64xf32, #tpu.memory_space<vmem>>
      %dma_start3A_713 = arith.constant 0 : i32
      %dma_start3A_714 = arith.constant 0 : i32
      %dma_start3A_715 = tpu.memref_slice %dma_start3A_712[%dma_start3A_713, %dma_start3A_714] : memref<320x64xf32, #tpu.memory_space<vmem>> -> memref<64x64xf32, #tpu.memory_space<vmem>>
      %dma_start3A_716 = tpu.memref_slice %arg10[%shift_right_logical3A_704, %mul3A_708] : memref<168x128xi32, #tpu.memory_space<vmem>> -> memref<1x64xi32, #tpu.memory_space<vmem>>
      %dma_start3A_717 = tpu.memref_squeeze %dma_start3A_716 : memref<1x64xi32, #tpu.memory_space<vmem>> -> memref<64xi32, #tpu.memory_space<vmem>>
      %dma_start3A_718 = arith.constant 0 : i32
      %dma_start3A_719 = arith.constant 0 : i32
      %dma_start3A_720 = tpu.memref_slice %arg2[%dma_start3A_718, %dma_start3A_719] : memref<199999x64xf32, #tpu.memory_space<hbm>> -> memref<199999x64xf32, #tpu.memory_space<hbm>>
      tpu.enqueue_indirect_dma source(%dma_start3A_720 : memref<199999x64xf32, #tpu.memory_space<hbm>>) target(%dma_start3A_715 : memref<64x64xf32, #tpu.memory_space<vmem>>) offsets(%dma_start3A_717 : memref<64xi32, #tpu.memory_space<vmem>>) semaphore(%arg14 : memref<!tpu.dma_semaphore, #tpu.memory_space<semaphore_mem>>)
      %add3A_721 = arith.constant 1 : i32
      %add3A_722 = arith.addi %mul3A_700, %add3A_721 : i32
      %shift_right_logical3A_723 = arith.constant 1 : i32
      %shift_right_logical3A_724 = arith.shrui %add3A_722, %shift_right_logical3A_723 : i32
      %and3A_725 = arith.constant 1 : i32
      %and3A_726 = arith.andi %add3A_722, %and3A_725 : i32
      %mul3A_727 = arith.constant 64 : i32
      %mul3A_728 = arith.muli %and3A_726, %mul3A_727 : i32
      %dma_start3A_729 = arith.constant 0 : i32
      %dma_start3A_730 = arith.constant 0 : i32
      %dma_start3A_731 = tpu.memref_slice %arg11[%scan3A_286, %dma_start3A_729, %dma_start3A_730] : memref<2x320x64xf32, #tpu.memory_space<vmem>> -> memref<1x320x64xf32, #tpu.memory_space<vmem>>
      %dma_start3A_732 = tpu.memref_squeeze %dma_start3A_731 : memref<1x320x64xf32, #tpu.memory_space<vmem>> -> memref<320x64xf32, #tpu.memory_space<vmem>>
      %dma_start3A_733 = arith.constant 64 : i32
      %dma_start3A_734 = arith.constant 0 : i32
      %dma_start3A_735 = tpu.memref_slice %dma_start3A_732[%dma_start3A_733, %dma_start3A_734] : memref<320x64xf32, #tpu.memory_space<vmem>> -> memref<64x64xf32, #tpu.memory_space<vmem>>
      %dma_start3A_736 = tpu.memref_slice %arg10[%shift_right_logical3A_724, %mul3A_728] : memref<168x128xi32, #tpu.memory_space<vmem>> -> memref<1x64xi32, #tpu.memory_space<vmem>>
      %dma_start3A_737 = tpu.memref_squeeze %dma_start3A_736 : memref<1x64xi32, #tpu.memory_space<vmem>> -> memref<64xi32, #tpu.memory_space<vmem>>
      %dma_start3A_738 = arith.constant 0 : i32
      %dma_start3A_739 = arith.constant 0 : i32
      %dma_start3A_740 = tpu.memref_slice %arg2[%dma_start3A_738, %dma_start3A_739] : memref<199999x64xf32, #tpu.memory_space<hbm>> -> memref<199999x64xf32, #tpu.memory_space<hbm>>
      tpu.enqueue_indirect_dma source(%dma_start3A_740 : memref<199999x64xf32, #tpu.memory_space<hbm>>) target(%dma_start3A_735 : memref<64x64xf32, #tpu.memory_space<vmem>>) offsets(%dma_start3A_737 : memref<64xi32, #tpu.memory_space<vmem>>) semaphore(%arg14 : memref<!tpu.dma_semaphore, #tpu.memory_space<semaphore_mem>>)
      %add3A_741 = arith.constant 2 : i32
      %add3A_742 = arith.addi %mul3A_700, %add3A_741 : i32
      %shift_right_logical3A_743 = arith.constant 1 : i32
      %shift_right_logical3A_744 = arith.shrui %add3A_742, %shift_right_logical3A_743 : i32
      %and3A_745 = arith.constant 1 : i32
      %and3A_746 = arith.andi %add3A_742, %and3A_745 : i32
      %mul3A_747 = arith.constant 64 : i32
      %mul3A_748 = arith.muli %and3A_746, %mul3A_747 : i32
      %dma_start3A_749 = arith.constant 0 : i32
      %dma_start3A_750 = arith.constant 0 : i32
      %dma_start3A_751 = tpu.memref_slice %arg11[%scan3A_286, %dma_start3A_749, %dma_start3A_750] : memref<2x320x64xf32, #tpu.memory_space<vmem>> -> memref<1x320x64xf32, #tpu.memory_space<vmem>>
      %dma_start3A_752 = tpu.memref_squeeze %dma_start3A_751 : memref<1x320x64xf32, #tpu.memory_space<vmem>> -> memref<320x64xf32, #tpu.memory_space<vmem>>
      %dma_start3A_753 = arith.constant 128 : i32
      %dma_start3A_754 = arith.constant 0 : i32
      %dma_start3A_755 = tpu.memref_slice %dma_start3A_752[%dma_start3A_753, %dma_start3A_754] : memref<320x64xf32, #tpu.memory_space<vmem>> -> memref<64x64xf32, #tpu.memory_space<vmem>>
      %dma_start3A_756 = tpu.memref_slice %arg10[%shift_right_logical3A_744, %mul3A_748] : memref<168x128xi32, #tpu.memory_space<vmem>> -> memref<1x64xi32, #tpu.memory_space<vmem>>
      %dma_start3A_757 = tpu.memref_squeeze %dma_start3A_756 : memref<1x64xi32, #tpu.memory_space<vmem>> -> memref<64xi32, #tpu.memory_space<vmem>>
      %dma_start3A_758 = arith.constant 0 : i32
      %dma_start3A_759 = arith.constant 0 : i32
      %dma_start3A_760 = tpu.memref_slice %arg2[%dma_start3A_758, %dma_start3A_759] : memref<199999x64xf32, #tpu.memory_space<hbm>> -> memref<199999x64xf32, #tpu.memory_space<hbm>>
      tpu.enqueue_indirect_dma source(%dma_start3A_760 : memref<199999x64xf32, #tpu.memory_space<hbm>>) target(%dma_start3A_755 : memref<64x64xf32, #tpu.memory_space<vmem>>) offsets(%dma_start3A_757 : memref<64xi32, #tpu.memory_space<vmem>>) semaphore(%arg14 : memref<!tpu.dma_semaphore, #tpu.memory_space<semaphore_mem>>)
      %add3A_761 = arith.constant 3 : i32
      %add3A_762 = arith.addi %mul3A_700, %add3A_761 : i32
      %shift_right_logical3A_763 = arith.constant 1 : i32
      %shift_right_logical3A_764 = arith.shrui %add3A_762, %shift_right_logical3A_763 : i32
      %and3A_765 = arith.constant 1 : i32
      %and3A_766 = arith.andi %add3A_762, %and3A_765 : i32
      %mul3A_767 = arith.constant 64 : i32
      %mul3A_768 = arith.muli %and3A_766, %mul3A_767 : i32
      %dma_start3A_769 = arith.constant 0 : i32
      %dma_start3A_770 = arith.constant 0 : i32
      %dma_start3A_771 = tpu.memref_slice %arg11[%scan3A_286, %dma_start3A_769, %dma_start3A_770] : memref<2x320x64xf32, #tpu.memory_space<vmem>> -> memref<1x320x64xf32, #tpu.memory_space<vmem>>
      %dma_start3A_772 = tpu.memref_squeeze %dma_start3A_771 : memref<1x320x64xf32, #tpu.memory_space<vmem>> -> memref<320x64xf32, #tpu.memory_space<vmem>>
      %dma_start3A_773 = arith.constant 192 : i32
      %dma_start3A_774 = arith.constant 0 : i32
      %dma_start3A_775 = tpu.memref_slice %dma_start3A_772[%dma_start3A_773, %dma_start3A_774] : memref<320x64xf32, #tpu.memory_space<vmem>> -> memref<64x64xf32, #tpu.memory_space<vmem>>
      %dma_start3A_776 = tpu.memref_slice %arg10[%shift_right_logical3A_764, %mul3A_768] : memref<168x128xi32, #tpu.memory_space<vmem>> -> memref<1x64xi32, #tpu.memory_space<vmem>>
      %dma_start3A_777 = tpu.memref_squeeze %dma_start3A_776 : memref<1x64xi32, #tpu.memory_space<vmem>> -> memref<64xi32, #tpu.memory_space<vmem>>
      %dma_start3A_778 = arith.constant 0 : i32
      %dma_start3A_779 = arith.constant 0 : i32
      %dma_start3A_780 = tpu.memref_slice %arg2[%dma_start3A_778, %dma_start3A_779] : memref<199999x64xf32, #tpu.memory_space<hbm>> -> memref<199999x64xf32, #tpu.memory_space<hbm>>
      tpu.enqueue_indirect_dma source(%dma_start3A_780 : memref<199999x64xf32, #tpu.memory_space<hbm>>) target(%dma_start3A_775 : memref<64x64xf32, #tpu.memory_space<vmem>>) offsets(%dma_start3A_777 : memref<64xi32, #tpu.memory_space<vmem>>) semaphore(%arg14 : memref<!tpu.dma_semaphore, #tpu.memory_space<semaphore_mem>>)
      %add3A_781 = arith.constant 4 : i32
      %add3A_782 = arith.addi %mul3A_700, %add3A_781 : i32
      %shift_right_logical3A_783 = arith.constant 1 : i32
      %shift_right_logical3A_784 = arith.shrui %add3A_782, %shift_right_logical3A_783 : i32
      %and3A_785 = arith.constant 1 : i32
      %and3A_786 = arith.andi %add3A_782, %and3A_785 : i32
      %mul3A_787 = arith.constant 64 : i32
      %mul3A_788 = arith.muli %and3A_786, %mul3A_787 : i32
      %dma_start3A_789 = arith.constant 0 : i32
      %dma_start3A_790 = arith.constant 0 : i32
      %dma_start3A_791 = tpu.memref_slice %arg11[%scan3A_286, %dma_start3A_789, %dma_start3A_790] : memref<2x320x64xf32, #tpu.memory_space<vmem>> -> memref<1x320x64xf32, #tpu.memory_space<vmem>>
      %dma_start3A_792 = tpu.memref_squeeze %dma_start3A_791 : memref<1x320x64xf32, #tpu.memory_space<vmem>> -> memref<320x64xf32, #tpu.memory_space<vmem>>
      %dma_start3A_793 = arith.constant 256 : i32
      %dma_start3A_794 = arith.constant 0 : i32
      %dma_start3A_795 = tpu.memref_slice %dma_start3A_792[%dma_start3A_793, %dma_start3A_794] : memref<320x64xf32, #tpu.memory_space<vmem>> -> memref<64x64xf32, #tpu.memory_space<vmem>>
      %dma_start3A_796 = tpu.memref_slice %arg10[%shift_right_logical3A_784, %mul3A_788] : memref<168x128xi32, #tpu.memory_space<vmem>> -> memref<1x64xi32, #tpu.memory_space<vmem>>
      %dma_start3A_797 = tpu.memref_squeeze %dma_start3A_796 : memref<1x64xi32, #tpu.memory_space<vmem>> -> memref<64xi32, #tpu.memory_space<vmem>>
      %dma_start3A_798 = arith.constant 0 : i32
      %dma_start3A_799 = arith.constant 0 : i32
      %dma_start3A_800 = tpu.memref_slice %arg2[%dma_start3A_798, %dma_start3A_799] : memref<199999x64xf32, #tpu.memory_space<hbm>> -> memref<199999x64xf32, #tpu.memory_space<hbm>>
      tpu.enqueue_indirect_dma source(%dma_start3A_800 : memref<199999x64xf32, #tpu.memory_space<hbm>>) target(%dma_start3A_795 : memref<64x64xf32, #tpu.memory_space<vmem>>) offsets(%dma_start3A_797 : memref<64xi32, #tpu.memory_space<vmem>>) semaphore(%arg14 : memref<!tpu.dma_semaphore, #tpu.memory_space<semaphore_mem>>)
      %shift_right_logical3A_801 = arith.constant 3 : i32
      %shift_right_logical3A_802 = arith.shrui %and3A_698, %shift_right_logical3A_801 : i32
      %add3A_803 = arith.constant 160 : i32
      %add3A_804 = arith.addi %add3A_803, %shift_right_logical3A_802 : i32
      %and3A_805 = arith.constant 7 : i32
      %and3A_806 = arith.andi %and3A_698, %and3A_805 : i32
      %mul3A_807 = arith.constant 16 : i32
      %mul3A_808 = arith.muli %and3A_806, %mul3A_807 : i32
      %dma_start3A_809 = arith.constant 0 : i32
      %dma_start3A_810 = arith.constant 0 : i32
      %dma_start3A_811 = tpu.memref_slice %arg12[%scan3A_287, %dma_start3A_809, %dma_start3A_810] : memref<2x16x64xf32, #tpu.memory_space<vmem>> -> memref<1x16x64xf32, #tpu.memory_space<vmem>>
      %dma_start3A_812 = tpu.memref_squeeze %dma_start3A_811 : memref<1x16x64xf32, #tpu.memory_space<vmem>> -> memref<16x64xf32, #tpu.memory_space<vmem>>
      %dma_start3A_813 = tpu.memref_slice %arg10[%add3A_804, %mul3A_808] : memref<168x128xi32, #tpu.memory_space<vmem>> -> memref<1x16xi32, #tpu.memory_space<vmem>>
      %dma_start3A_814 = tpu.memref_squeeze %dma_start3A_813 : memref<1x16xi32, #tpu.memory_space<vmem>> -> memref<16xi32, #tpu.memory_space<vmem>>
      %dma_start3A_815 = arith.constant 0 : i32
      %dma_start3A_816 = arith.constant 0 : i32
      %dma_start3A_817 = tpu.memref_slice %arg3[%dma_start3A_815, %dma_start3A_816] : memref<199999x64xf32, #tpu.memory_space<hbm>> -> memref<199999x64xf32, #tpu.memory_space<hbm>>
      tpu.enqueue_indirect_dma source(%dma_start3A_817 : memref<199999x64xf32, #tpu.memory_space<hbm>>) target(%dma_start3A_812 : memref<16x64xf32, #tpu.memory_space<vmem>>) offsets(%dma_start3A_814 : memref<16xi32, #tpu.memory_space<vmem>>) semaphore(%arg14 : memref<!tpu.dma_semaphore, #tpu.memory_space<semaphore_mem>>)
      %mul3A_818 = arith.constant 5 : i32
      %mul3A_819 = arith.muli %add3A_561, %mul3A_818 : i32
      %add3A_820 = arith.constant 0 : i32
      %add3A_821 = arith.addi %mul3A_819, %add3A_820 : i32
      %shift_right_logical3A_822 = arith.constant 1 : i32
      %shift_right_logical3A_823 = arith.shrui %add3A_821, %shift_right_logical3A_822 : i32
      %and3A_824 = arith.constant 1 : i32
      %and3A_825 = arith.andi %add3A_821, %and3A_824 : i32
      %mul3A_826 = arith.constant 64 : i32
      %mul3A_827 = arith.muli %and3A_825, %mul3A_826 : i32
      %dma_wait3A_828 = arith.constant 0 : i32
      %dma_wait3A_829 = arith.constant 0 : i32
      %dma_wait3A_830 = tpu.memref_slice %arg11[%scan3A_289, %dma_wait3A_828, %dma_wait3A_829] : memref<2x320x64xf32, #tpu.memory_space<vmem>> -> memref<1x320x64xf32, #tpu.memory_space<vmem>>
      %dma_wait3A_831 = tpu.memref_squeeze %dma_wait3A_830 : memref<1x320x64xf32, #tpu.memory_space<vmem>> -> memref<320x64xf32, #tpu.memory_space<vmem>>
      %dma_wait3A_832 = arith.constant 0 : i32
      %dma_wait3A_833 = arith.constant 0 : i32
      %dma_wait3A_834 = tpu.memref_slice %dma_wait3A_831[%dma_wait3A_832, %dma_wait3A_833] : memref<320x64xf32, #tpu.memory_space<vmem>> -> memref<64x64xf32, #tpu.memory_space<vmem>>
      %dma_wait3A_835 = tpu.memref_slice %arg10[%shift_right_logical3A_823, %mul3A_827] : memref<168x128xi32, #tpu.memory_space<vmem>> -> memref<1x64xi32, #tpu.memory_space<vmem>>
      %dma_wait3A_836 = tpu.memref_squeeze %dma_wait3A_835 : memref<1x64xi32, #tpu.memory_space<vmem>> -> memref<64xi32, #tpu.memory_space<vmem>>
      %dma_wait3A_837 = arith.constant 0 : i32
      %dma_wait3A_838 = arith.constant 0 : i32
      %dma_wait3A_839 = tpu.memref_slice %arg2[%dma_wait3A_837, %dma_wait3A_838] : memref<199999x64xf32, #tpu.memory_space<hbm>> -> memref<199999x64xf32, #tpu.memory_space<hbm>>
      tpu.wait_indirect_dma semaphore(%arg15 : memref<!tpu.dma_semaphore, #tpu.memory_space<semaphore_mem>>) src(%dma_wait3A_839 : memref<199999x64xf32, #tpu.memory_space<hbm>>) dst(%dma_wait3A_834 : memref<64x64xf32, #tpu.memory_space<vmem>>)
      %add3A_840 = arith.constant 1 : i32
      %add3A_841 = arith.addi %mul3A_819, %add3A_840 : i32
      %shift_right_logical3A_842 = arith.constant 1 : i32
      %shift_right_logical3A_843 = arith.shrui %add3A_841, %shift_right_logical3A_842 : i32
      %and3A_844 = arith.constant 1 : i32
      %and3A_845 = arith.andi %add3A_841, %and3A_844 : i32
      %mul3A_846 = arith.constant 64 : i32
      %mul3A_847 = arith.muli %and3A_845, %mul3A_846 : i32
      %dma_wait3A_848 = arith.constant 0 : i32
      %dma_wait3A_849 = arith.constant 0 : i32
      %dma_wait3A_850 = tpu.memref_slice %arg11[%scan3A_289, %dma_wait3A_848, %dma_wait3A_849] : memref<2x320x64xf32, #tpu.memory_space<vmem>> -> memref<1x320x64xf32, #tpu.memory_space<vmem>>
      %dma_wait3A_851 = tpu.memref_squeeze %dma_wait3A_850 : memref<1x320x64xf32, #tpu.memory_space<vmem>> -> memref<320x64xf32, #tpu.memory_space<vmem>>
      %dma_wait3A_852 = arith.constant 64 : i32
      %dma_wait3A_853 = arith.constant 0 : i32
      %dma_wait3A_854 = tpu.memref_slice %dma_wait3A_851[%dma_wait3A_852, %dma_wait3A_853] : memref<320x64xf32, #tpu.memory_space<vmem>> -> memref<64x64xf32, #tpu.memory_space<vmem>>
      %dma_wait3A_855 = tpu.memref_slice %arg10[%shift_right_logical3A_843, %mul3A_847] : memref<168x128xi32, #tpu.memory_space<vmem>> -> memref<1x64xi32, #tpu.memory_space<vmem>>
      %dma_wait3A_856 = tpu.memref_squeeze %dma_wait3A_855 : memref<1x64xi32, #tpu.memory_space<vmem>> -> memref<64xi32, #tpu.memory_space<vmem>>
      %dma_wait3A_857 = arith.constant 0 : i32
      %dma_wait3A_858 = arith.constant 0 : i32
      %dma_wait3A_859 = tpu.memref_slice %arg2[%dma_wait3A_857, %dma_wait3A_858] : memref<199999x64xf32, #tpu.memory_space<hbm>> -> memref<199999x64xf32, #tpu.memory_space<hbm>>
      tpu.wait_indirect_dma semaphore(%arg15 : memref<!tpu.dma_semaphore, #tpu.memory_space<semaphore_mem>>) src(%dma_wait3A_859 : memref<199999x64xf32, #tpu.memory_space<hbm>>) dst(%dma_wait3A_854 : memref<64x64xf32, #tpu.memory_space<vmem>>)
      %add3A_860 = arith.constant 2 : i32
      %add3A_861 = arith.addi %mul3A_819, %add3A_860 : i32
      %shift_right_logical3A_862 = arith.constant 1 : i32
      %shift_right_logical3A_863 = arith.shrui %add3A_861, %shift_right_logical3A_862 : i32
      %and3A_864 = arith.constant 1 : i32
      %and3A_865 = arith.andi %add3A_861, %and3A_864 : i32
      %mul3A_866 = arith.constant 64 : i32
      %mul3A_867 = arith.muli %and3A_865, %mul3A_866 : i32
      %dma_wait3A_868 = arith.constant 0 : i32
      %dma_wait3A_869 = arith.constant 0 : i32
      %dma_wait3A_870 = tpu.memref_slice %arg11[%scan3A_289, %dma_wait3A_868, %dma_wait3A_869] : memref<2x320x64xf32, #tpu.memory_space<vmem>> -> memref<1x320x64xf32, #tpu.memory_space<vmem>>
      %dma_wait3A_871 = tpu.memref_squeeze %dma_wait3A_870 : memref<1x320x64xf32, #tpu.memory_space<vmem>> -> memref<320x64xf32, #tpu.memory_space<vmem>>
      %dma_wait3A_872 = arith.constant 128 : i32
      %dma_wait3A_873 = arith.constant 0 : i32
      %dma_wait3A_874 = tpu.memref_slice %dma_wait3A_871[%dma_wait3A_872, %dma_wait3A_873] : memref<320x64xf32, #tpu.memory_space<vmem>> -> memref<64x64xf32, #tpu.memory_space<vmem>>
      %dma_wait3A_875 = tpu.memref_slice %arg10[%shift_right_logical3A_863, %mul3A_867] : memref<168x128xi32, #tpu.memory_space<vmem>> -> memref<1x64xi32, #tpu.memory_space<vmem>>
      %dma_wait3A_876 = tpu.memref_squeeze %dma_wait3A_875 : memref<1x64xi32, #tpu.memory_space<vmem>> -> memref<64xi32, #tpu.memory_space<vmem>>
      %dma_wait3A_877 = arith.constant 0 : i32
      %dma_wait3A_878 = arith.constant 0 : i32
      %dma_wait3A_879 = tpu.memref_slice %arg2[%dma_wait3A_877, %dma_wait3A_878] : memref<199999x64xf32, #tpu.memory_space<hbm>> -> memref<199999x64xf32, #tpu.memory_space<hbm>>
      tpu.wait_indirect_dma semaphore(%arg15 : memref<!tpu.dma_semaphore, #tpu.memory_space<semaphore_mem>>) src(%dma_wait3A_879 : memref<199999x64xf32, #tpu.memory_space<hbm>>) dst(%dma_wait3A_874 : memref<64x64xf32, #tpu.memory_space<vmem>>)
      %add3A_880 = arith.constant 3 : i32
      %add3A_881 = arith.addi %mul3A_819, %add3A_880 : i32
      %shift_right_logical3A_882 = arith.constant 1 : i32
      %shift_right_logical3A_883 = arith.shrui %add3A_881, %shift_right_logical3A_882 : i32
      %and3A_884 = arith.constant 1 : i32
      %and3A_885 = arith.andi %add3A_881, %and3A_884 : i32
      %mul3A_886 = arith.constant 64 : i32
      %mul3A_887 = arith.muli %and3A_885, %mul3A_886 : i32
      %dma_wait3A_888 = arith.constant 0 : i32
      %dma_wait3A_889 = arith.constant 0 : i32
      %dma_wait3A_890 = tpu.memref_slice %arg11[%scan3A_289, %dma_wait3A_888, %dma_wait3A_889] : memref<2x320x64xf32, #tpu.memory_space<vmem>> -> memref<1x320x64xf32, #tpu.memory_space<vmem>>
      %dma_wait3A_891 = tpu.memref_squeeze %dma_wait3A_890 : memref<1x320x64xf32, #tpu.memory_space<vmem>> -> memref<320x64xf32, #tpu.memory_space<vmem>>
      %dma_wait3A_892 = arith.constant 192 : i32
      %dma_wait3A_893 = arith.constant 0 : i32
      %dma_wait3A_894 = tpu.memref_slice %dma_wait3A_891[%dma_wait3A_892, %dma_wait3A_893] : memref<320x64xf32, #tpu.memory_space<vmem>> -> memref<64x64xf32, #tpu.memory_space<vmem>>
      %dma_wait3A_895 = tpu.memref_slice %arg10[%shift_right_logical3A_883, %mul3A_887] : memref<168x128xi32, #tpu.memory_space<vmem>> -> memref<1x64xi32, #tpu.memory_space<vmem>>
      %dma_wait3A_896 = tpu.memref_squeeze %dma_wait3A_895 : memref<1x64xi32, #tpu.memory_space<vmem>> -> memref<64xi32, #tpu.memory_space<vmem>>
      %dma_wait3A_897 = arith.constant 0 : i32
      %dma_wait3A_898 = arith.constant 0 : i32
      %dma_wait3A_899 = tpu.memref_slice %arg2[%dma_wait3A_897, %dma_wait3A_898] : memref<199999x64xf32, #tpu.memory_space<hbm>> -> memref<199999x64xf32, #tpu.memory_space<hbm>>
      tpu.wait_indirect_dma semaphore(%arg15 : memref<!tpu.dma_semaphore, #tpu.memory_space<semaphore_mem>>) src(%dma_wait3A_899 : memref<199999x64xf32, #tpu.memory_space<hbm>>) dst(%dma_wait3A_894 : memref<64x64xf32, #tpu.memory_space<vmem>>)
      %add3A_900 = arith.constant 4 : i32
      %add3A_901 = arith.addi %mul3A_819, %add3A_900 : i32
      %shift_right_logical3A_902 = arith.constant 1 : i32
      %shift_right_logical3A_903 = arith.shrui %add3A_901, %shift_right_logical3A_902 : i32
      %and3A_904 = arith.constant 1 : i32
      %and3A_905 = arith.andi %add3A_901, %and3A_904 : i32
      %mul3A_906 = arith.constant 64 : i32
      %mul3A_907 = arith.muli %and3A_905, %mul3A_906 : i32
      %dma_wait3A_908 = arith.constant 0 : i32
      %dma_wait3A_909 = arith.constant 0 : i32
      %dma_wait3A_910 = tpu.memref_slice %arg11[%scan3A_289, %dma_wait3A_908, %dma_wait3A_909] : memref<2x320x64xf32, #tpu.memory_space<vmem>> -> memref<1x320x64xf32, #tpu.memory_space<vmem>>
      %dma_wait3A_911 = tpu.memref_squeeze %dma_wait3A_910 : memref<1x320x64xf32, #tpu.memory_space<vmem>> -> memref<320x64xf32, #tpu.memory_space<vmem>>
      %dma_wait3A_912 = arith.constant 256 : i32
      %dma_wait3A_913 = arith.constant 0 : i32
      %dma_wait3A_914 = tpu.memref_slice %dma_wait3A_911[%dma_wait3A_912, %dma_wait3A_913] : memref<320x64xf32, #tpu.memory_space<vmem>> -> memref<64x64xf32, #tpu.memory_space<vmem>>
      %dma_wait3A_915 = tpu.memref_slice %arg10[%shift_right_logical3A_903, %mul3A_907] : memref<168x128xi32, #tpu.memory_space<vmem>> -> memref<1x64xi32, #tpu.memory_space<vmem>>
      %dma_wait3A_916 = tpu.memref_squeeze %dma_wait3A_915 : memref<1x64xi32, #tpu.memory_space<vmem>> -> memref<64xi32, #tpu.memory_space<vmem>>
      %dma_wait3A_917 = arith.constant 0 : i32
      %dma_wait3A_918 = arith.constant 0 : i32
      %dma_wait3A_919 = tpu.memref_slice %arg2[%dma_wait3A_917, %dma_wait3A_918] : memref<199999x64xf32, #tpu.memory_space<hbm>> -> memref<199999x64xf32, #tpu.memory_space<hbm>>
      tpu.wait_indirect_dma semaphore(%arg15 : memref<!tpu.dma_semaphore, #tpu.memory_space<semaphore_mem>>) src(%dma_wait3A_919 : memref<199999x64xf32, #tpu.memory_space<hbm>>) dst(%dma_wait3A_914 : memref<64x64xf32, #tpu.memory_space<vmem>>)
      %shift_right_logical3A_920 = arith.constant 3 : i32
      %shift_right_logical3A_921 = arith.shrui %add3A_561, %shift_right_logical3A_920 : i32
      %add3A_922 = arith.constant 160 : i32
      %add3A_923 = arith.addi %add3A_922, %shift_right_logical3A_921 : i32
      %and3A_924 = arith.constant 7 : i32
      %and3A_925 = arith.andi %add3A_561, %and3A_924 : i32
      %mul3A_926 = arith.constant 16 : i32
      %mul3A_927 = arith.muli %and3A_925, %mul3A_926 : i32
      %dma_wait3A_928 = arith.constant 0 : i32
      %dma_wait3A_929 = arith.constant 0 : i32
      %dma_wait3A_930 = tpu.memref_slice %arg12[%scan3A_290, %dma_wait3A_928, %dma_wait3A_929] : memref<2x16x64xf32, #tpu.memory_space<vmem>> -> memref<1x16x64xf32, #tpu.memory_space<vmem>>
      %dma_wait3A_931 = tpu.memref_squeeze %dma_wait3A_930 : memref<1x16x64xf32, #tpu.memory_space<vmem>> -> memref<16x64xf32, #tpu.memory_space<vmem>>
      %dma_wait3A_932 = tpu.memref_slice %arg10[%add3A_923, %mul3A_927] : memref<168x128xi32, #tpu.memory_space<vmem>> -> memref<1x16xi32, #tpu.memory_space<vmem>>
      %dma_wait3A_933 = tpu.memref_squeeze %dma_wait3A_932 : memref<1x16xi32, #tpu.memory_space<vmem>> -> memref<16xi32, #tpu.memory_space<vmem>>
      %dma_wait3A_934 = arith.constant 0 : i32
      %dma_wait3A_935 = arith.constant 0 : i32
      %dma_wait3A_936 = tpu.memref_slice %arg3[%dma_wait3A_934, %dma_wait3A_935] : memref<199999x64xf32, #tpu.memory_space<hbm>> -> memref<199999x64xf32, #tpu.memory_space<hbm>>
      tpu.wait_indirect_dma semaphore(%arg15 : memref<!tpu.dma_semaphore, #tpu.memory_space<semaphore_mem>>) src(%dma_wait3A_936 : memref<199999x64xf32, #tpu.memory_space<hbm>>) dst(%dma_wait3A_931 : memref<16x64xf32, #tpu.memory_space<vmem>>)
      %broadcast_in_dim3A_937 = arith.constant 0.000000e+00 : f32
      %broadcast_in_dim3A_938 = vector.broadcast %broadcast_in_dim3A_937 : f32 to vector<16xf32>
      %scan3A_939 = arith.constant 0 : i32
      %scan3A_940 = arith.constant 16 : i32
      %scan3A_941 = arith.addi %scan3A_939, %scan3A_940 : i32
      %scan3A_942 = arith.constant 1 : i32
      %scan3A_943 = scf.for %scan3A_1077 = %scan3A_939 to %scan3A_941 step %scan3A_942 iter_args(%scan3A_1078 = %broadcast_in_dim3A_938) -> (vector<16xf32>)  : i32 {
        %mul3A_1079 = arith.constant 20 : i32
        %mul3A_1080 = arith.muli %scan3A_1077, %mul3A_1079 : i32
        %get3A = arith.constant 0 : i32
        %get3A_1081 = arith.constant 0 : i32
        %get3A_1082 = tpu.memref_slice %arg11[%scan3A_289, %get3A, %get3A_1081] : memref<2x320x64xf32, #tpu.memory_space<vmem>> -> memref<1x320x64xf32, #tpu.memory_space<vmem>>
        %get3A_1083 = tpu.memref_squeeze %get3A_1082 : memref<1x320x64xf32, #tpu.memory_space<vmem>> -> memref<320x64xf32, #tpu.memory_space<vmem>>
        %get3A_1084 = arith.index_cast %mul3A_1080 : i32 to index
        %get3A_1085 = arith.constant 0 : index
        %get3A_1086 = tpu.vector_load %get3A_1083[%get3A_1084, %get3A_1085] {strides = array<i32>} : memref<320x64xf32, #tpu.memory_space<vmem>>, vector<1x16xf32>,
        %get3A_1087 = vector.shape_cast %get3A_1086 : vector<1x16xf32> to vector<16xf32>
        %add3A_1088 = arith.constant 1 : i32
        %add3A_1089 = arith.addi %mul3A_1080, %add3A_1088 : i32
        %get3A_1090 = arith.constant 0 : i32
        %get3A_1091 = arith.constant 0 : i32
        %get3A_1092 = tpu.memref_slice %arg11[%scan3A_289, %get3A_1090, %get3A_1091] : memref<2x320x64xf32, #tpu.memory_space<vmem>> -> memref<1x320x64xf32, #tpu.memory_space<vmem>>
        %get3A_1093 = tpu.memref_squeeze %get3A_1092 : memref<1x320x64xf32, #tpu.memory_space<vmem>> -> memref<320x64xf32, #tpu.memory_space<vmem>>
        %get3A_1094 = arith.index_cast %add3A_1089 : i32 to index
        %get3A_1095 = arith.constant 0 : index
        %get3A_1096 = tpu.vector_load %get3A_1093[%get3A_1094, %get3A_1095] {strides = array<i32>} : memref<320x64xf32, #tpu.memory_space<vmem>>, vector<1x16xf32>,
        %get3A_1097 = vector.shape_cast %get3A_1096 : vector<1x16xf32> to vector<16xf32>
        %add3A_1098 = arith.addf %get3A_1087, %get3A_1097 : vector<16xf32>
        %add3A_1099 = arith.constant 2 : i32
        %add3A_1100 = arith.addi %mul3A_1080, %add3A_1099 : i32
        %get3A_1101 = arith.constant 0 : i32
        %get3A_1102 = arith.constant 0 : i32
        %get3A_1103 = tpu.memref_slice %arg11[%scan3A_289, %get3A_1101, %get3A_1102] : memref<2x320x64xf32, #tpu.memory_space<vmem>> -> memref<1x320x64xf32, #tpu.memory_space<vmem>>
        %get3A_1104 = tpu.memref_squeeze %get3A_1103 : memref<1x320x64xf32, #tpu.memory_space<vmem>> -> memref<320x64xf32, #tpu.memory_space<vmem>>
        %get3A_1105 = arith.index_cast %add3A_1100 : i32 to index
        %get3A_1106 = arith.constant 0 : index
        %get3A_1107 = tpu.vector_load %get3A_1104[%get3A_1105, %get3A_1106] {strides = array<i32>} : memref<320x64xf32, #tpu.memory_space<vmem>>, vector<1x16xf32>,
        %get3A_1108 = vector.shape_cast %get3A_1107 : vector<1x16xf32> to vector<16xf32>
        %add3A_1109 = arith.addf %add3A_1098, %get3A_1108 : vector<16xf32>
        %add3A_1110 = arith.constant 3 : i32
        %add3A_1111 = arith.addi %mul3A_1080, %add3A_1110 : i32
        %get3A_1112 = arith.constant 0 : i32
        %get3A_1113 = arith.constant 0 : i32
        %get3A_1114 = tpu.memref_slice %arg11[%scan3A_289, %get3A_1112, %get3A_1113] : memref<2x320x64xf32, #tpu.memory_space<vmem>> -> memref<1x320x64xf32, #tpu.memory_space<vmem>>
        %get3A_1115 = tpu.memref_squeeze %get3A_1114 : memref<1x320x64xf32, #tpu.memory_space<vmem>> -> memref<320x64xf32, #tpu.memory_space<vmem>>
        %get3A_1116 = arith.index_cast %add3A_1111 : i32 to index
        %get3A_1117 = arith.constant 0 : index
        %get3A_1118 = tpu.vector_load %get3A_1115[%get3A_1116, %get3A_1117] {strides = array<i32>} : memref<320x64xf32, #tpu.memory_space<vmem>>, vector<1x16xf32>,
        %get3A_1119 = vector.shape_cast %get3A_1118 : vector<1x16xf32> to vector<16xf32>
        %add3A_1120 = arith.addf %add3A_1109, %get3A_1119 : vector<16xf32>
        %add3A_1121 = arith.constant 4 : i32
        %add3A_1122 = arith.addi %mul3A_1080, %add3A_1121 : i32
        %get3A_1123 = arith.constant 0 : i32
        %get3A_1124 = arith.constant 0 : i32
        %get3A_1125 = tpu.memref_slice %arg11[%scan3A_289, %get3A_1123, %get3A_1124] : memref<2x320x64xf32, #tpu.memory_space<vmem>> -> memref<1x320x64xf32, #tpu.memory_space<vmem>>
        %get3A_1126 = tpu.memref_squeeze %get3A_1125 : memref<1x320x64xf32, #tpu.memory_space<vmem>> -> memref<320x64xf32, #tpu.memory_space<vmem>>
        %get3A_1127 = arith.index_cast %add3A_1122 : i32 to index
        %get3A_1128 = arith.constant 0 : index
        %get3A_1129 = tpu.vector_load %get3A_1126[%get3A_1127, %get3A_1128] {strides = array<i32>} : memref<320x64xf32, #tpu.memory_space<vmem>>, vector<1x16xf32>,
        %get3A_1130 = vector.shape_cast %get3A_1129 : vector<1x16xf32> to vector<16xf32>
        %add3A_1131 = arith.addf %add3A_1120, %get3A_1130 : vector<16xf32>
        %add3A_1132 = arith.constant 5 : i32
        %add3A_1133 = arith.addi %mul3A_1080, %add3A_1132 : i32
        %get3A_1134 = arith.constant 0 : i32
        %get3A_1135 = arith.constant 0 : i32
        %get3A_1136 = tpu.memref_slice %arg11[%scan3A_289, %get3A_1134, %get3A_1135] : memref<2x320x64xf32, #tpu.memory_space<vmem>> -> memref<1x320x64xf32, #tpu.memory_space<vmem>>
        %get3A_1137 = tpu.memref_squeeze %get3A_1136 : memref<1x320x64xf32, #tpu.memory_space<vmem>> -> memref<320x64xf32, #tpu.memory_space<vmem>>
        %get3A_1138 = arith.index_cast %add3A_1133 : i32 to index
        %get3A_1139 = arith.constant 0 : index
        %get3A_1140 = tpu.vector_load %get3A_1137[%get3A_1138, %get3A_1139] {strides = array<i32>} : memref<320x64xf32, #tpu.memory_space<vmem>>, vector<1x16xf32>,
        %get3A_1141 = vector.shape_cast %get3A_1140 : vector<1x16xf32> to vector<16xf32>
        %add3A_1142 = arith.addf %add3A_1131, %get3A_1141 : vector<16xf32>
        %add3A_1143 = arith.constant 6 : i32
        %add3A_1144 = arith.addi %mul3A_1080, %add3A_1143 : i32
        %get3A_1145 = arith.constant 0 : i32
        %get3A_1146 = arith.constant 0 : i32
        %get3A_1147 = tpu.memref_slice %arg11[%scan3A_289, %get3A_1145, %get3A_1146] : memref<2x320x64xf32, #tpu.memory_space<vmem>> -> memref<1x320x64xf32, #tpu.memory_space<vmem>>
        %get3A_1148 = tpu.memref_squeeze %get3A_1147 : memref<1x320x64xf32, #tpu.memory_space<vmem>> -> memref<320x64xf32, #tpu.memory_space<vmem>>
        %get3A_1149 = arith.index_cast %add3A_1144 : i32 to index
        %get3A_1150 = arith.constant 0 : index
        %get3A_1151 = tpu.vector_load %get3A_1148[%get3A_1149, %get3A_1150] {strides = array<i32>} : memref<320x64xf32, #tpu.memory_space<vmem>>, vector<1x16xf32>,
        %get3A_1152 = vector.shape_cast %get3A_1151 : vector<1x16xf32> to vector<16xf32>
        %add3A_1153 = arith.addf %add3A_1142, %get3A_1152 : vector<16xf32>
        %add3A_1154 = arith.constant 7 : i32
        %add3A_1155 = arith.addi %mul3A_1080, %add3A_1154 : i32
        %get3A_1156 = arith.constant 0 : i32
        %get3A_1157 = arith.constant 0 : i32
        %get3A_1158 = tpu.memref_slice %arg11[%scan3A_289, %get3A_1156, %get3A_1157] : memref<2x320x64xf32, #tpu.memory_space<vmem>> -> memref<1x320x64xf32, #tpu.memory_space<vmem>>
        %get3A_1159 = tpu.memref_squeeze %get3A_1158 : memref<1x320x64xf32, #tpu.memory_space<vmem>> -> memref<320x64xf32, #tpu.memory_space<vmem>>
        %get3A_1160 = arith.index_cast %add3A_1155 : i32 to index
        %get3A_1161 = arith.constant 0 : index
        %get3A_1162 = tpu.vector_load %get3A_1159[%get3A_1160, %get3A_1161] {strides = array<i32>} : memref<320x64xf32, #tpu.memory_space<vmem>>, vector<1x16xf32>,
        %get3A_1163 = vector.shape_cast %get3A_1162 : vector<1x16xf32> to vector<16xf32>
        %add3A_1164 = arith.addf %add3A_1153, %get3A_1163 : vector<16xf32>
        %add3A_1165 = arith.constant 8 : i32
        %add3A_1166 = arith.addi %mul3A_1080, %add3A_1165 : i32
        %get3A_1167 = arith.constant 0 : i32
        %get3A_1168 = arith.constant 0 : i32
        %get3A_1169 = tpu.memref_slice %arg11[%scan3A_289, %get3A_1167, %get3A_1168] : memref<2x320x64xf32, #tpu.memory_space<vmem>> -> memref<1x320x64xf32, #tpu.memory_space<vmem>>
        %get3A_1170 = tpu.memref_squeeze %get3A_1169 : memref<1x320x64xf32, #tpu.memory_space<vmem>> -> memref<320x64xf32, #tpu.memory_space<vmem>>
        %get3A_1171 = arith.index_cast %add3A_1166 : i32 to index
        %get3A_1172 = arith.constant 0 : index
        %get3A_1173 = tpu.vector_load %get3A_1170[%get3A_1171, %get3A_1172] {strides = array<i32>} : memref<320x64xf32, #tpu.memory_space<vmem>>, vector<1x16xf32>,
        %get3A_1174 = vector.shape_cast %get3A_1173 : vector<1x16xf32> to vector<16xf32>
        %add3A_1175 = arith.addf %add3A_1164, %get3A_1174 : vector<16xf32>
        %add3A_1176 = arith.constant 9 : i32
        %add3A_1177 = arith.addi %mul3A_1080, %add3A_1176 : i32
        %get3A_1178 = arith.constant 0 : i32
        %get3A_1179 = arith.constant 0 : i32
        %get3A_1180 = tpu.memref_slice %arg11[%scan3A_289, %get3A_1178, %get3A_1179] : memref<2x320x64xf32, #tpu.memory_space<vmem>> -> memref<1x320x64xf32, #tpu.memory_space<vmem>>
        %get3A_1181 = tpu.memref_squeeze %get3A_1180 : memref<1x320x64xf32, #tpu.memory_space<vmem>> -> memref<320x64xf32, #tpu.memory_space<vmem>>
        %get3A_1182 = arith.index_cast %add3A_1177 : i32 to index
        %get3A_1183 = arith.constant 0 : index
        %get3A_1184 = tpu.vector_load %get3A_1181[%get3A_1182, %get3A_1183] {strides = array<i32>} : memref<320x64xf32, #tpu.memory_space<vmem>>, vector<1x16xf32>,
        %get3A_1185 = vector.shape_cast %get3A_1184 : vector<1x16xf32> to vector<16xf32>
        %add3A_1186 = arith.addf %add3A_1175, %get3A_1185 : vector<16xf32>
        %add3A_1187 = arith.constant 10 : i32
        %add3A_1188 = arith.addi %mul3A_1080, %add3A_1187 : i32
        %get3A_1189 = arith.constant 0 : i32
        %get3A_1190 = arith.constant 0 : i32
        %get3A_1191 = tpu.memref_slice %arg11[%scan3A_289, %get3A_1189, %get3A_1190] : memref<2x320x64xf32, #tpu.memory_space<vmem>> -> memref<1x320x64xf32, #tpu.memory_space<vmem>>
        %get3A_1192 = tpu.memref_squeeze %get3A_1191 : memref<1x320x64xf32, #tpu.memory_space<vmem>> -> memref<320x64xf32, #tpu.memory_space<vmem>>
        %get3A_1193 = arith.index_cast %add3A_1188 : i32 to index
        %get3A_1194 = arith.constant 0 : index
        %get3A_1195 = tpu.vector_load %get3A_1192[%get3A_1193, %get3A_1194] {strides = array<i32>} : memref<320x64xf32, #tpu.memory_space<vmem>>, vector<1x16xf32>,
        %get3A_1196 = vector.shape_cast %get3A_1195 : vector<1x16xf32> to vector<16xf32>
        %add3A_1197 = arith.addf %add3A_1186, %get3A_1196 : vector<16xf32>
        %add3A_1198 = arith.constant 11 : i32
        %add3A_1199 = arith.addi %mul3A_1080, %add3A_1198 : i32
        %get3A_1200 = arith.constant 0 : i32
        %get3A_1201 = arith.constant 0 : i32
        %get3A_1202 = tpu.memref_slice %arg11[%scan3A_289, %get3A_1200, %get3A_1201] : memref<2x320x64xf32, #tpu.memory_space<vmem>> -> memref<1x320x64xf32, #tpu.memory_space<vmem>>
        %get3A_1203 = tpu.memref_squeeze %get3A_1202 : memref<1x320x64xf32, #tpu.memory_space<vmem>> -> memref<320x64xf32, #tpu.memory_space<vmem>>
        %get3A_1204 = arith.index_cast %add3A_1199 : i32 to index
        %get3A_1205 = arith.constant 0 : index
        %get3A_1206 = tpu.vector_load %get3A_1203[%get3A_1204, %get3A_1205] {strides = array<i32>} : memref<320x64xf32, #tpu.memory_space<vmem>>, vector<1x16xf32>,
        %get3A_1207 = vector.shape_cast %get3A_1206 : vector<1x16xf32> to vector<16xf32>
        %add3A_1208 = arith.addf %add3A_1197, %get3A_1207 : vector<16xf32>
        %add3A_1209 = arith.constant 12 : i32
        %add3A_1210 = arith.addi %mul3A_1080, %add3A_1209 : i32
        %get3A_1211 = arith.constant 0 : i32
        %get3A_1212 = arith.constant 0 : i32
        %get3A_1213 = tpu.memref_slice %arg11[%scan3A_289, %get3A_1211, %get3A_1212] : memref<2x320x64xf32, #tpu.memory_space<vmem>> -> memref<1x320x64xf32, #tpu.memory_space<vmem>>
        %get3A_1214 = tpu.memref_squeeze %get3A_1213 : memref<1x320x64xf32, #tpu.memory_space<vmem>> -> memref<320x64xf32, #tpu.memory_space<vmem>>
        %get3A_1215 = arith.index_cast %add3A_1210 : i32 to index
        %get3A_1216 = arith.constant 0 : index
        %get3A_1217 = tpu.vector_load %get3A_1214[%get3A_1215, %get3A_1216] {strides = array<i32>} : memref<320x64xf32, #tpu.memory_space<vmem>>, vector<1x16xf32>,
        %get3A_1218 = vector.shape_cast %get3A_1217 : vector<1x16xf32> to vector<16xf32>
        %add3A_1219 = arith.addf %add3A_1208, %get3A_1218 : vector<16xf32>
        %add3A_1220 = arith.constant 13 : i32
        %add3A_1221 = arith.addi %mul3A_1080, %add3A_1220 : i32
        %get3A_1222 = arith.constant 0 : i32
        %get3A_1223 = arith.constant 0 : i32
        %get3A_1224 = tpu.memref_slice %arg11[%scan3A_289, %get3A_1222, %get3A_1223] : memref<2x320x64xf32, #tpu.memory_space<vmem>> -> memref<1x320x64xf32, #tpu.memory_space<vmem>>
        %get3A_1225 = tpu.memref_squeeze %get3A_1224 : memref<1x320x64xf32, #tpu.memory_space<vmem>> -> memref<320x64xf32, #tpu.memory_space<vmem>>
        %get3A_1226 = arith.index_cast %add3A_1221 : i32 to index
        %get3A_1227 = arith.constant 0 : index
        %get3A_1228 = tpu.vector_load %get3A_1225[%get3A_1226, %get3A_1227] {strides = array<i32>} : memref<320x64xf32, #tpu.memory_space<vmem>>, vector<1x16xf32>,
        %get3A_1229 = vector.shape_cast %get3A_1228 : vector<1x16xf32> to vector<16xf32>
        %add3A_1230 = arith.addf %add3A_1219, %get3A_1229 : vector<16xf32>
        %add3A_1231 = arith.constant 14 : i32
        %add3A_1232 = arith.addi %mul3A_1080, %add3A_1231 : i32
        %get3A_1233 = arith.constant 0 : i32
        %get3A_1234 = arith.constant 0 : i32
        %get3A_1235 = tpu.memref_slice %arg11[%scan3A_289, %get3A_1233, %get3A_1234] : memref<2x320x64xf32, #tpu.memory_space<vmem>> -> memref<1x320x64xf32, #tpu.memory_space<vmem>>
        %get3A_1236 = tpu.memref_squeeze %get3A_1235 : memref<1x320x64xf32, #tpu.memory_space<vmem>> -> memref<320x64xf32, #tpu.memory_space<vmem>>
        %get3A_1237 = arith.index_cast %add3A_1232 : i32 to index
        %get3A_1238 = arith.constant 0 : index
        %get3A_1239 = tpu.vector_load %get3A_1236[%get3A_1237, %get3A_1238] {strides = array<i32>} : memref<320x64xf32, #tpu.memory_space<vmem>>, vector<1x16xf32>,
        %get3A_1240 = vector.shape_cast %get3A_1239 : vector<1x16xf32> to vector<16xf32>
        %add3A_1241 = arith.addf %add3A_1230, %get3A_1240 : vector<16xf32>
        %add3A_1242 = arith.constant 15 : i32
        %add3A_1243 = arith.addi %mul3A_1080, %add3A_1242 : i32
        %get3A_1244 = arith.constant 0 : i32
        %get3A_1245 = arith.constant 0 : i32
        %get3A_1246 = tpu.memref_slice %arg11[%scan3A_289, %get3A_1244, %get3A_1245] : memref<2x320x64xf32, #tpu.memory_space<vmem>> -> memref<1x320x64xf32, #tpu.memory_space<vmem>>
        %get3A_1247 = tpu.memref_squeeze %get3A_1246 : memref<1x320x64xf32, #tpu.memory_space<vmem>> -> memref<320x64xf32, #tpu.memory_space<vmem>>
        %get3A_1248 = arith.index_cast %add3A_1243 : i32 to index
        %get3A_1249 = arith.constant 0 : index
        %get3A_1250 = tpu.vector_load %get3A_1247[%get3A_1248, %get3A_1249] {strides = array<i32>} : memref<320x64xf32, #tpu.memory_space<vmem>>, vector<1x16xf32>,
        %get3A_1251 = vector.shape_cast %get3A_1250 : vector<1x16xf32> to vector<16xf32>
        %add3A_1252 = arith.addf %add3A_1241, %get3A_1251 : vector<16xf32>
        %add3A_1253 = arith.constant 16 : i32
        %add3A_1254 = arith.addi %mul3A_1080, %add3A_1253 : i32
        %get3A_1255 = arith.constant 0 : i32
        %get3A_1256 = arith.constant 0 : i32
        %get3A_1257 = tpu.memref_slice %arg11[%scan3A_289, %get3A_1255, %get3A_1256] : memref<2x320x64xf32, #tpu.memory_space<vmem>> -> memref<1x320x64xf32, #tpu.memory_space<vmem>>
        %get3A_1258 = tpu.memref_squeeze %get3A_1257 : memref<1x320x64xf32, #tpu.memory_space<vmem>> -> memref<320x64xf32, #tpu.memory_space<vmem>>
        %get3A_1259 = arith.index_cast %add3A_1254 : i32 to index
        %get3A_1260 = arith.constant 0 : index
        %get3A_1261 = tpu.vector_load %get3A_1258[%get3A_1259, %get3A_1260] {strides = array<i32>} : memref<320x64xf32, #tpu.memory_space<vmem>>, vector<1x16xf32>,
        %get3A_1262 = vector.shape_cast %get3A_1261 : vector<1x16xf32> to vector<16xf32>
        %add3A_1263 = arith.addf %add3A_1252, %get3A_1262 : vector<16xf32>
        %add3A_1264 = arith.constant 17 : i32
        %add3A_1265 = arith.addi %mul3A_1080, %add3A_1264 : i32
        %get3A_1266 = arith.constant 0 : i32
        %get3A_1267 = arith.constant 0 : i32
        %get3A_1268 = tpu.memref_slice %arg11[%scan3A_289, %get3A_1266, %get3A_1267] : memref<2x320x64xf32, #tpu.memory_space<vmem>> -> memref<1x320x64xf32, #tpu.memory_space<vmem>>
        %get3A_1269 = tpu.memref_squeeze %get3A_1268 : memref<1x320x64xf32, #tpu.memory_space<vmem>> -> memref<320x64xf32, #tpu.memory_space<vmem>>
        %get3A_1270 = arith.index_cast %add3A_1265 : i32 to index
        %get3A_1271 = arith.constant 0 : index
        %get3A_1272 = tpu.vector_load %get3A_1269[%get3A_1270, %get3A_1271] {strides = array<i32>} : memref<320x64xf32, #tpu.memory_space<vmem>>, vector<1x16xf32>,
        %get3A_1273 = vector.shape_cast %get3A_1272 : vector<1x16xf32> to vector<16xf32>
        %add3A_1274 = arith.addf %add3A_1263, %get3A_1273 : vector<16xf32>
        %add3A_1275 = arith.constant 18 : i32
        %add3A_1276 = arith.addi %mul3A_1080, %add3A_1275 : i32
        %get3A_1277 = arith.constant 0 : i32
        %get3A_1278 = arith.constant 0 : i32
        %get3A_1279 = tpu.memref_slice %arg11[%scan3A_289, %get3A_1277, %get3A_1278] : memref<2x320x64xf32, #tpu.memory_space<vmem>> -> memref<1x320x64xf32, #tpu.memory_space<vmem>>
        %get3A_1280 = tpu.memref_squeeze %get3A_1279 : memref<1x320x64xf32, #tpu.memory_space<vmem>> -> memref<320x64xf32, #tpu.memory_space<vmem>>
        %get3A_1281 = arith.index_cast %add3A_1276 : i32 to index
        %get3A_1282 = arith.constant 0 : index
        %get3A_1283 = tpu.vector_load %get3A_1280[%get3A_1281, %get3A_1282] {strides = array<i32>} : memref<320x64xf32, #tpu.memory_space<vmem>>, vector<1x16xf32>,
        %get3A_1284 = vector.shape_cast %get3A_1283 : vector<1x16xf32> to vector<16xf32>
        %add3A_1285 = arith.addf %add3A_1274, %get3A_1284 : vector<16xf32>
        %add3A_1286 = arith.constant 19 : i32
        %add3A_1287 = arith.addi %mul3A_1080, %add3A_1286 : i32
        %get3A_1288 = arith.constant 0 : i32
        %get3A_1289 = arith.constant 0 : i32
        %get3A_1290 = tpu.memref_slice %arg11[%scan3A_289, %get3A_1288, %get3A_1289] : memref<2x320x64xf32, #tpu.memory_space<vmem>> -> memref<1x320x64xf32, #tpu.memory_space<vmem>>
        %get3A_1291 = tpu.memref_squeeze %get3A_1290 : memref<1x320x64xf32, #tpu.memory_space<vmem>> -> memref<320x64xf32, #tpu.memory_space<vmem>>
        %get3A_1292 = arith.index_cast %add3A_1287 : i32 to index
        %get3A_1293 = arith.constant 0 : index
        %get3A_1294 = tpu.vector_load %get3A_1291[%get3A_1292, %get3A_1293] {strides = array<i32>} : memref<320x64xf32, #tpu.memory_space<vmem>>, vector<1x16xf32>,
        %get3A_1295 = vector.shape_cast %get3A_1294 : vector<1x16xf32> to vector<16xf32>
        %add3A_1296 = arith.addf %add3A_1285, %get3A_1295 : vector<16xf32>
        %get3A_1297 = arith.constant 0 : i32
        %get3A_1298 = arith.constant 0 : i32
        %get3A_1299 = tpu.memref_slice %arg12[%scan3A_290, %get3A_1297, %get3A_1298] : memref<2x16x64xf32, #tpu.memory_space<vmem>> -> memref<1x16x64xf32, #tpu.memory_space<vmem>>
        %get3A_1300 = tpu.memref_squeeze %get3A_1299 : memref<1x16x64xf32, #tpu.memory_space<vmem>> -> memref<16x64xf32, #tpu.memory_space<vmem>>
        %get3A_1301 = arith.index_cast %scan3A_1077 : i32 to index
        %get3A_1302 = arith.constant 0 : index
        %get3A_1303 = tpu.vector_load %get3A_1300[%get3A_1301, %get3A_1302] {strides = array<i32>} : memref<16x64xf32, #tpu.memory_space<vmem>>, vector<1x16xf32>,
        %get3A_1304 = vector.shape_cast %get3A_1303 : vector<1x16xf32> to vector<16xf32>
        %mul3A_1305 = arith.mulf %add3A_1296, %get3A_1304 : vector<16xf32>
        %get3A_1306 = arith.constant 0 : i32
        %get3A_1307 = arith.constant 0 : i32
        %get3A_1308 = tpu.memref_slice %arg11[%scan3A_289, %get3A_1306, %get3A_1307] : memref<2x320x64xf32, #tpu.memory_space<vmem>> -> memref<1x320x64xf32, #tpu.memory_space<vmem>>
        %get3A_1309 = tpu.memref_squeeze %get3A_1308 : memref<1x320x64xf32, #tpu.memory_space<vmem>> -> memref<320x64xf32, #tpu.memory_space<vmem>>
        %get3A_1310 = arith.index_cast %mul3A_1080 : i32 to index
        %get3A_1311 = arith.constant 16 : index
        %get3A_1312 = tpu.vector_load %get3A_1309[%get3A_1310, %get3A_1311] {strides = array<i32>} : memref<320x64xf32, #tpu.memory_space<vmem>>, vector<1x16xf32>,
        %get3A_1313 = vector.shape_cast %get3A_1312 : vector<1x16xf32> to vector<16xf32>
        %add3A_1314 = arith.constant 1 : i32
        %add3A_1315 = arith.addi %mul3A_1080, %add3A_1314 : i32
        %get3A_1316 = arith.constant 0 : i32
        %get3A_1317 = arith.constant 0 : i32
        %get3A_1318 = tpu.memref_slice %arg11[%scan3A_289, %get3A_1316, %get3A_1317] : memref<2x320x64xf32, #tpu.memory_space<vmem>> -> memref<1x320x64xf32, #tpu.memory_space<vmem>>
        %get3A_1319 = tpu.memref_squeeze %get3A_1318 : memref<1x320x64xf32, #tpu.memory_space<vmem>> -> memref<320x64xf32, #tpu.memory_space<vmem>>
        %get3A_1320 = arith.index_cast %add3A_1315 : i32 to index
        %get3A_1321 = arith.constant 16 : index
        %get3A_1322 = tpu.vector_load %get3A_1319[%get3A_1320, %get3A_1321] {strides = array<i32>} : memref<320x64xf32, #tpu.memory_space<vmem>>, vector<1x16xf32>,
        %get3A_1323 = vector.shape_cast %get3A_1322 : vector<1x16xf32> to vector<16xf32>
        %add3A_1324 = arith.addf %get3A_1313, %get3A_1323 : vector<16xf32>
        %add3A_1325 = arith.constant 2 : i32
        %add3A_1326 = arith.addi %mul3A_1080, %add3A_1325 : i32
        %get3A_1327 = arith.constant 0 : i32
        %get3A_1328 = arith.constant 0 : i32
        %get3A_1329 = tpu.memref_slice %arg11[%scan3A_289, %get3A_1327, %get3A_1328] : memref<2x320x64xf32, #tpu.memory_space<vmem>> -> memref<1x320x64xf32, #tpu.memory_space<vmem>>
        %get3A_1330 = tpu.memref_squeeze %get3A_1329 : memref<1x320x64xf32, #tpu.memory_space<vmem>> -> memref<320x64xf32, #tpu.memory_space<vmem>>
        %get3A_1331 = arith.index_cast %add3A_1326 : i32 to index
        %get3A_1332 = arith.constant 16 : index
        %get3A_1333 = tpu.vector_load %get3A_1330[%get3A_1331, %get3A_1332] {strides = array<i32>} : memref<320x64xf32, #tpu.memory_space<vmem>>, vector<1x16xf32>,
        %get3A_1334 = vector.shape_cast %get3A_1333 : vector<1x16xf32> to vector<16xf32>
        %add3A_1335 = arith.addf %add3A_1324, %get3A_1334 : vector<16xf32>
        %add3A_1336 = arith.constant 3 : i32
        %add3A_1337 = arith.addi %mul3A_1080, %add3A_1336 : i32
        %get3A_1338 = arith.constant 0 : i32
        %get3A_1339 = arith.constant 0 : i32
        %get3A_1340 = tpu.memref_slice %arg11[%scan3A_289, %get3A_1338, %get3A_1339] : memref<2x320x64xf32, #tpu.memory_space<vmem>> -> memref<1x320x64xf32, #tpu.memory_space<vmem>>
        %get3A_1341 = tpu.memref_squeeze %get3A_1340 : memref<1x320x64xf32, #tpu.memory_space<vmem>> -> memref<320x64xf32, #tpu.memory_space<vmem>>
        %get3A_1342 = arith.index_cast %add3A_1337 : i32 to index
        %get3A_1343 = arith.constant 16 : index
        %get3A_1344 = tpu.vector_load %get3A_1341[%get3A_1342, %get3A_1343] {strides = array<i32>} : memref<320x64xf32, #tpu.memory_space<vmem>>, vector<1x16xf32>,
        %get3A_1345 = vector.shape_cast %get3A_1344 : vector<1x16xf32> to vector<16xf32>
        %add3A_1346 = arith.addf %add3A_1335, %get3A_1345 : vector<16xf32>
        %add3A_1347 = arith.constant 4 : i32
        %add3A_1348 = arith.addi %mul3A_1080, %add3A_1347 : i32
        %get3A_1349 = arith.constant 0 : i32
        %get3A_1350 = arith.constant 0 : i32
        %get3A_1351 = tpu.memref_slice %arg11[%scan3A_289, %get3A_1349, %get3A_1350] : memref<2x320x64xf32, #tpu.memory_space<vmem>> -> memref<1x320x64xf32, #tpu.memory_space<vmem>>
        %get3A_1352 = tpu.memref_squeeze %get3A_1351 : memref<1x320x64xf32, #tpu.memory_space<vmem>> -> memref<320x64xf32, #tpu.memory_space<vmem>>
        %get3A_1353 = arith.index_cast %add3A_1348 : i32 to index
        %get3A_1354 = arith.constant 16 : index
        %get3A_1355 = tpu.vector_load %get3A_1352[%get3A_1353, %get3A_1354] {strides = array<i32>} : memref<320x64xf32, #tpu.memory_space<vmem>>, vector<1x16xf32>,
        %get3A_1356 = vector.shape_cast %get3A_1355 : vector<1x16xf32> to vector<16xf32>
        %add3A_1357 = arith.addf %add3A_1346, %get3A_1356 : vector<16xf32>
        %add3A_1358 = arith.constant 5 : i32
        %add3A_1359 = arith.addi %mul3A_1080, %add3A_1358 : i32
        %get3A_1360 = arith.constant 0 : i32
        %get3A_1361 = arith.constant 0 : i32
        %get3A_1362 = tpu.memref_slice %arg11[%scan3A_289, %get3A_1360, %get3A_1361] : memref<2x320x64xf32, #tpu.memory_space<vmem>> -> memref<1x320x64xf32, #tpu.memory_space<vmem>>
        %get3A_1363 = tpu.memref_squeeze %get3A_1362 : memref<1x320x64xf32, #tpu.memory_space<vmem>> -> memref<320x64xf32, #tpu.memory_space<vmem>>
        %get3A_1364 = arith.index_cast %add3A_1359 : i32 to index
        %get3A_1365 = arith.constant 16 : index
        %get3A_1366 = tpu.vector_load %get3A_1363[%get3A_1364, %get3A_1365] {strides = array<i32>} : memref<320x64xf32, #tpu.memory_space<vmem>>, vector<1x16xf32>,
        %get3A_1367 = vector.shape_cast %get3A_1366 : vector<1x16xf32> to vector<16xf32>
        %add3A_1368 = arith.addf %add3A_1357, %get3A_1367 : vector<16xf32>
        %add3A_1369 = arith.constant 6 : i32
        %add3A_1370 = arith.addi %mul3A_1080, %add3A_1369 : i32
        %get3A_1371 = arith.constant 0 : i32
        %get3A_1372 = arith.constant 0 : i32
        %get3A_1373 = tpu.memref_slice %arg11[%scan3A_289, %get3A_1371, %get3A_1372] : memref<2x320x64xf32, #tpu.memory_space<vmem>> -> memref<1x320x64xf32, #tpu.memory_space<vmem>>
        %get3A_1374 = tpu.memref_squeeze %get3A_1373 : memref<1x320x64xf32, #tpu.memory_space<vmem>> -> memref<320x64xf32, #tpu.memory_space<vmem>>
        %get3A_1375 = arith.index_cast %add3A_1370 : i32 to index
        %get3A_1376 = arith.constant 16 : index
        %get3A_1377 = tpu.vector_load %get3A_1374[%get3A_1375, %get3A_1376] {strides = array<i32>} : memref<320x64xf32, #tpu.memory_space<vmem>>, vector<1x16xf32>,
        %get3A_1378 = vector.shape_cast %get3A_1377 : vector<1x16xf32> to vector<16xf32>
        %add3A_1379 = arith.addf %add3A_1368, %get3A_1378 : vector<16xf32>
        %add3A_1380 = arith.constant 7 : i32
        %add3A_1381 = arith.addi %mul3A_1080, %add3A_1380 : i32
        %get3A_1382 = arith.constant 0 : i32
        %get3A_1383 = arith.constant 0 : i32
        %get3A_1384 = tpu.memref_slice %arg11[%scan3A_289, %get3A_1382, %get3A_1383] : memref<2x320x64xf32, #tpu.memory_space<vmem>> -> memref<1x320x64xf32, #tpu.memory_space<vmem>>
        %get3A_1385 = tpu.memref_squeeze %get3A_1384 : memref<1x320x64xf32, #tpu.memory_space<vmem>> -> memref<320x64xf32, #tpu.memory_space<vmem>>
        %get3A_1386 = arith.index_cast %add3A_1381 : i32 to index
        %get3A_1387 = arith.constant 16 : index
        %get3A_1388 = tpu.vector_load %get3A_1385[%get3A_1386, %get3A_1387] {strides = array<i32>} : memref<320x64xf32, #tpu.memory_space<vmem>>, vector<1x16xf32>,
        %get3A_1389 = vector.shape_cast %get3A_1388 : vector<1x16xf32> to vector<16xf32>
        %add3A_1390 = arith.addf %add3A_1379, %get3A_1389 : vector<16xf32>
        %add3A_1391 = arith.constant 8 : i32
        %add3A_1392 = arith.addi %mul3A_1080, %add3A_1391 : i32
        %get3A_1393 = arith.constant 0 : i32
        %get3A_1394 = arith.constant 0 : i32
        %get3A_1395 = tpu.memref_slice %arg11[%scan3A_289, %get3A_1393, %get3A_1394] : memref<2x320x64xf32, #tpu.memory_space<vmem>> -> memref<1x320x64xf32, #tpu.memory_space<vmem>>
        %get3A_1396 = tpu.memref_squeeze %get3A_1395 : memref<1x320x64xf32, #tpu.memory_space<vmem>> -> memref<320x64xf32, #tpu.memory_space<vmem>>
        %get3A_1397 = arith.index_cast %add3A_1392 : i32 to index
        %get3A_1398 = arith.constant 16 : index
        %get3A_1399 = tpu.vector_load %get3A_1396[%get3A_1397, %get3A_1398] {strides = array<i32>} : memref<320x64xf32, #tpu.memory_space<vmem>>, vector<1x16xf32>,
        %get3A_1400 = vector.shape_cast %get3A_1399 : vector<1x16xf32> to vector<16xf32>
        %add3A_1401 = arith.addf %add3A_1390, %get3A_1400 : vector<16xf32>
        %add3A_1402 = arith.constant 9 : i32
        %add3A_1403 = arith.addi %mul3A_1080, %add3A_1402 : i32
        %get3A_1404 = arith.constant 0 : i32
        %get3A_1405 = arith.constant 0 : i32
        %get3A_1406 = tpu.memref_slice %arg11[%scan3A_289, %get3A_1404, %get3A_1405] : memref<2x320x64xf32, #tpu.memory_space<vmem>> -> memref<1x320x64xf32, #tpu.memory_space<vmem>>
        %get3A_1407 = tpu.memref_squeeze %get3A_1406 : memref<1x320x64xf32, #tpu.memory_space<vmem>> -> memref<320x64xf32, #tpu.memory_space<vmem>>
        %get3A_1408 = arith.index_cast %add3A_1403 : i32 to index
        %get3A_1409 = arith.constant 16 : index
        %get3A_1410 = tpu.vector_load %get3A_1407[%get3A_1408, %get3A_1409] {strides = array<i32>} : memref<320x64xf32, #tpu.memory_space<vmem>>, vector<1x16xf32>,
        %get3A_1411 = vector.shape_cast %get3A_1410 : vector<1x16xf32> to vector<16xf32>
        %add3A_1412 = arith.addf %add3A_1401, %get3A_1411 : vector<16xf32>
        %add3A_1413 = arith.constant 10 : i32
        %add3A_1414 = arith.addi %mul3A_1080, %add3A_1413 : i32
        %get3A_1415 = arith.constant 0 : i32
        %get3A_1416 = arith.constant 0 : i32
        %get3A_1417 = tpu.memref_slice %arg11[%scan3A_289, %get3A_1415, %get3A_1416] : memref<2x320x64xf32, #tpu.memory_space<vmem>> -> memref<1x320x64xf32, #tpu.memory_space<vmem>>
        %get3A_1418 = tpu.memref_squeeze %get3A_1417 : memref<1x320x64xf32, #tpu.memory_space<vmem>> -> memref<320x64xf32, #tpu.memory_space<vmem>>
        %get3A_1419 = arith.index_cast %add3A_1414 : i32 to index
        %get3A_1420 = arith.constant 16 : index
        %get3A_1421 = tpu.vector_load %get3A_1418[%get3A_1419, %get3A_1420] {strides = array<i32>} : memref<320x64xf32, #tpu.memory_space<vmem>>, vector<1x16xf32>,
        %get3A_1422 = vector.shape_cast %get3A_1421 : vector<1x16xf32> to vector<16xf32>
        %add3A_1423 = arith.addf %add3A_1412, %get3A_1422 : vector<16xf32>
        %add3A_1424 = arith.constant 11 : i32
        %add3A_1425 = arith.addi %mul3A_1080, %add3A_1424 : i32
        %get3A_1426 = arith.constant 0 : i32
        %get3A_1427 = arith.constant 0 : i32
        %get3A_1428 = tpu.memref_slice %arg11[%scan3A_289, %get3A_1426, %get3A_1427] : memref<2x320x64xf32, #tpu.memory_space<vmem>> -> memref<1x320x64xf32, #tpu.memory_space<vmem>>
        %get3A_1429 = tpu.memref_squeeze %get3A_1428 : memref<1x320x64xf32, #tpu.memory_space<vmem>> -> memref<320x64xf32, #tpu.memory_space<vmem>>
        %get3A_1430 = arith.index_cast %add3A_1425 : i32 to index
        %get3A_1431 = arith.constant 16 : index
        %get3A_1432 = tpu.vector_load %get3A_1429[%get3A_1430, %get3A_1431] {strides = array<i32>} : memref<320x64xf32, #tpu.memory_space<vmem>>, vector<1x16xf32>,
        %get3A_1433 = vector.shape_cast %get3A_1432 : vector<1x16xf32> to vector<16xf32>
        %add3A_1434 = arith.addf %add3A_1423, %get3A_1433 : vector<16xf32>
        %add3A_1435 = arith.constant 12 : i32
        %add3A_1436 = arith.addi %mul3A_1080, %add3A_1435 : i32
        %get3A_1437 = arith.constant 0 : i32
        %get3A_1438 = arith.constant 0 : i32
        %get3A_1439 = tpu.memref_slice %arg11[%scan3A_289, %get3A_1437, %get3A_1438] : memref<2x320x64xf32, #tpu.memory_space<vmem>> -> memref<1x320x64xf32, #tpu.memory_space<vmem>>
        %get3A_1440 = tpu.memref_squeeze %get3A_1439 : memref<1x320x64xf32, #tpu.memory_space<vmem>> -> memref<320x64xf32, #tpu.memory_space<vmem>>
        %get3A_1441 = arith.index_cast %add3A_1436 : i32 to index
        %get3A_1442 = arith.constant 16 : index
        %get3A_1443 = tpu.vector_load %get3A_1440[%get3A_1441, %get3A_1442] {strides = array<i32>} : memref<320x64xf32, #tpu.memory_space<vmem>>, vector<1x16xf32>,
        %get3A_1444 = vector.shape_cast %get3A_1443 : vector<1x16xf32> to vector<16xf32>
        %add3A_1445 = arith.addf %add3A_1434, %get3A_1444 : vector<16xf32>
        %add3A_1446 = arith.constant 13 : i32
        %add3A_1447 = arith.addi %mul3A_1080, %add3A_1446 : i32
        %get3A_1448 = arith.constant 0 : i32
        %get3A_1449 = arith.constant 0 : i32
        %get3A_1450 = tpu.memref_slice %arg11[%scan3A_289, %get3A_1448, %get3A_1449] : memref<2x320x64xf32, #tpu.memory_space<vmem>> -> memref<1x320x64xf32, #tpu.memory_space<vmem>>
        %get3A_1451 = tpu.memref_squeeze %get3A_1450 : memref<1x320x64xf32, #tpu.memory_space<vmem>> -> memref<320x64xf32, #tpu.memory_space<vmem>>
        %get3A_1452 = arith.index_cast %add3A_1447 : i32 to index
        %get3A_1453 = arith.constant 16 : index
        %get3A_1454 = tpu.vector_load %get3A_1451[%get3A_1452, %get3A_1453] {strides = array<i32>} : memref<320x64xf32, #tpu.memory_space<vmem>>, vector<1x16xf32>,
        %get3A_1455 = vector.shape_cast %get3A_1454 : vector<1x16xf32> to vector<16xf32>
        %add3A_1456 = arith.addf %add3A_1445, %get3A_1455 : vector<16xf32>
        %add3A_1457 = arith.constant 14 : i32
        %add3A_1458 = arith.addi %mul3A_1080, %add3A_1457 : i32
        %get3A_1459 = arith.constant 0 : i32
        %get3A_1460 = arith.constant 0 : i32
        %get3A_1461 = tpu.memref_slice %arg11[%scan3A_289, %get3A_1459, %get3A_1460] : memref<2x320x64xf32, #tpu.memory_space<vmem>> -> memref<1x320x64xf32, #tpu.memory_space<vmem>>
        %get3A_1462 = tpu.memref_squeeze %get3A_1461 : memref<1x320x64xf32, #tpu.memory_space<vmem>> -> memref<320x64xf32, #tpu.memory_space<vmem>>
        %get3A_1463 = arith.index_cast %add3A_1458 : i32 to index
        %get3A_1464 = arith.constant 16 : index
        %get3A_1465 = tpu.vector_load %get3A_1462[%get3A_1463, %get3A_1464] {strides = array<i32>} : memref<320x64xf32, #tpu.memory_space<vmem>>, vector<1x16xf32>,
        %get3A_1466 = vector.shape_cast %get3A_1465 : vector<1x16xf32> to vector<16xf32>
        %add3A_1467 = arith.addf %add3A_1456, %get3A_1466 : vector<16xf32>
        %add3A_1468 = arith.constant 15 : i32
        %add3A_1469 = arith.addi %mul3A_1080, %add3A_1468 : i32
        %get3A_1470 = arith.constant 0 : i32
        %get3A_1471 = arith.constant 0 : i32
        %get3A_1472 = tpu.memref_slice %arg11[%scan3A_289, %get3A_1470, %get3A_1471] : memref<2x320x64xf32, #tpu.memory_space<vmem>> -> memref<1x320x64xf32, #tpu.memory_space<vmem>>
        %get3A_1473 = tpu.memref_squeeze %get3A_1472 : memref<1x320x64xf32, #tpu.memory_space<vmem>> -> memref<320x64xf32, #tpu.memory_space<vmem>>
        %get3A_1474 = arith.index_cast %add3A_1469 : i32 to index
        %get3A_1475 = arith.constant 16 : index
        %get3A_1476 = tpu.vector_load %get3A_1473[%get3A_1474, %get3A_1475] {strides = array<i32>} : memref<320x64xf32, #tpu.memory_space<vmem>>, vector<1x16xf32>,
        %get3A_1477 = vector.shape_cast %get3A_1476 : vector<1x16xf32> to vector<16xf32>
        %add3A_1478 = arith.addf %add3A_1467, %get3A_1477 : vector<16xf32>
        %add3A_1479 = arith.constant 16 : i32
        %add3A_1480 = arith.addi %mul3A_1080, %add3A_1479 : i32
        %get3A_1481 = arith.constant 0 : i32
        %get3A_1482 = arith.constant 0 : i32
        %get3A_1483 = tpu.memref_slice %arg11[%scan3A_289, %get3A_1481, %get3A_1482] : memref<2x320x64xf32, #tpu.memory_space<vmem>> -> memref<1x320x64xf32, #tpu.memory_space<vmem>>
        %get3A_1484 = tpu.memref_squeeze %get3A_1483 : memref<1x320x64xf32, #tpu.memory_space<vmem>> -> memref<320x64xf32, #tpu.memory_space<vmem>>
        %get3A_1485 = arith.index_cast %add3A_1480 : i32 to index
        %get3A_1486 = arith.constant 16 : index
        %get3A_1487 = tpu.vector_load %get3A_1484[%get3A_1485, %get3A_1486] {strides = array<i32>} : memref<320x64xf32, #tpu.memory_space<vmem>>, vector<1x16xf32>,
        %get3A_1488 = vector.shape_cast %get3A_1487 : vector<1x16xf32> to vector<16xf32>
        %add3A_1489 = arith.addf %add3A_1478, %get3A_1488 : vector<16xf32>
        %add3A_1490 = arith.constant 17 : i32
        %add3A_1491 = arith.addi %mul3A_1080, %add3A_1490 : i32
        %get3A_1492 = arith.constant 0 : i32
        %get3A_1493 = arith.constant 0 : i32
        %get3A_1494 = tpu.memref_slice %arg11[%scan3A_289, %get3A_1492, %get3A_1493] : memref<2x320x64xf32, #tpu.memory_space<vmem>> -> memref<1x320x64xf32, #tpu.memory_space<vmem>>
        %get3A_1495 = tpu.memref_squeeze %get3A_1494 : memref<1x320x64xf32, #tpu.memory_space<vmem>> -> memref<320x64xf32, #tpu.memory_space<vmem>>
        %get3A_1496 = arith.index_cast %add3A_1491 : i32 to index
        %get3A_1497 = arith.constant 16 : index
        %get3A_1498 = tpu.vector_load %get3A_1495[%get3A_1496, %get3A_1497] {strides = array<i32>} : memref<320x64xf32, #tpu.memory_space<vmem>>, vector<1x16xf32>,
        %get3A_1499 = vector.shape_cast %get3A_1498 : vector<1x16xf32> to vector<16xf32>
        %add3A_1500 = arith.addf %add3A_1489, %get3A_1499 : vector<16xf32>
        %add3A_1501 = arith.constant 18 : i32
        %add3A_1502 = arith.addi %mul3A_1080, %add3A_1501 : i32
        %get3A_1503 = arith.constant 0 : i32
        %get3A_1504 = arith.constant 0 : i32
        %get3A_1505 = tpu.memref_slice %arg11[%scan3A_289, %get3A_1503, %get3A_1504] : memref<2x320x64xf32, #tpu.memory_space<vmem>> -> memref<1x320x64xf32, #tpu.memory_space<vmem>>
        %get3A_1506 = tpu.memref_squeeze %get3A_1505 : memref<1x320x64xf32, #tpu.memory_space<vmem>> -> memref<320x64xf32, #tpu.memory_space<vmem>>
        %get3A_1507 = arith.index_cast %add3A_1502 : i32 to index
        %get3A_1508 = arith.constant 16 : index
        %get3A_1509 = tpu.vector_load %get3A_1506[%get3A_1507, %get3A_1508] {strides = array<i32>} : memref<320x64xf32, #tpu.memory_space<vmem>>, vector<1x16xf32>,
        %get3A_1510 = vector.shape_cast %get3A_1509 : vector<1x16xf32> to vector<16xf32>
        %add3A_1511 = arith.addf %add3A_1500, %get3A_1510 : vector<16xf32>
        %add3A_1512 = arith.constant 19 : i32
        %add3A_1513 = arith.addi %mul3A_1080, %add3A_1512 : i32
        %get3A_1514 = arith.constant 0 : i32
        %get3A_1515 = arith.constant 0 : i32
        %get3A_1516 = tpu.memref_slice %arg11[%scan3A_289, %get3A_1514, %get3A_1515] : memref<2x320x64xf32, #tpu.memory_space<vmem>> -> memref<1x320x64xf32, #tpu.memory_space<vmem>>
        %get3A_1517 = tpu.memref_squeeze %get3A_1516 : memref<1x320x64xf32, #tpu.memory_space<vmem>> -> memref<320x64xf32, #tpu.memory_space<vmem>>
        %get3A_1518 = arith.index_cast %add3A_1513 : i32 to index
        %get3A_1519 = arith.constant 16 : index
        %get3A_1520 = tpu.vector_load %get3A_1517[%get3A_1518, %get3A_1519] {strides = array<i32>} : memref<320x64xf32, #tpu.memory_space<vmem>>, vector<1x16xf32>,
        %get3A_1521 = vector.shape_cast %get3A_1520 : vector<1x16xf32> to vector<16xf32>
        %add3A_1522 = arith.addf %add3A_1511, %get3A_1521 : vector<16xf32>
        %get3A_1523 = arith.constant 0 : i32
        %get3A_1524 = arith.constant 0 : i32
        %get3A_1525 = tpu.memref_slice %arg12[%scan3A_290, %get3A_1523, %get3A_1524] : memref<2x16x64xf32, #tpu.memory_space<vmem>> -> memref<1x16x64xf32, #tpu.memory_space<vmem>>
        %get3A_1526 = tpu.memref_squeeze %get3A_1525 : memref<1x16x64xf32, #tpu.memory_space<vmem>> -> memref<16x64xf32, #tpu.memory_space<vmem>>
        %get3A_1527 = arith.index_cast %scan3A_1077 : i32 to index
        %get3A_1528 = arith.constant 16 : index
        %get3A_1529 = tpu.vector_load %get3A_1526[%get3A_1527, %get3A_1528] {strides = array<i32>} : memref<16x64xf32, #tpu.memory_space<vmem>>, vector<1x16xf32>,
        %get3A_1530 = vector.shape_cast %get3A_1529 : vector<1x16xf32> to vector<16xf32>
        %mul3A_1531 = arith.mulf %add3A_1522, %get3A_1530 : vector<16xf32>
        %add3A_1532 = arith.addf %mul3A_1305, %mul3A_1531 : vector<16xf32>
        %get3A_1533 = arith.constant 0 : i32
        %get3A_1534 = arith.constant 0 : i32
        %get3A_1535 = tpu.memref_slice %arg11[%scan3A_289, %get3A_1533, %get3A_1534] : memref<2x320x64xf32, #tpu.memory_space<vmem>> -> memref<1x320x64xf32, #tpu.memory_space<vmem>>
        %get3A_1536 = tpu.memref_squeeze %get3A_1535 : memref<1x320x64xf32, #tpu.memory_space<vmem>> -> memref<320x64xf32, #tpu.memory_space<vmem>>
        %get3A_1537 = arith.index_cast %mul3A_1080 : i32 to index
        %get3A_1538 = arith.constant 32 : index
        %get3A_1539 = tpu.vector_load %get3A_1536[%get3A_1537, %get3A_1538] {strides = array<i32>} : memref<320x64xf32, #tpu.memory_space<vmem>>, vector<1x16xf32>,
        %get3A_1540 = vector.shape_cast %get3A_1539 : vector<1x16xf32> to vector<16xf32>
        %add3A_1541 = arith.constant 1 : i32
        %add3A_1542 = arith.addi %mul3A_1080, %add3A_1541 : i32
        %get3A_1543 = arith.constant 0 : i32
        %get3A_1544 = arith.constant 0 : i32
        %get3A_1545 = tpu.memref_slice %arg11[%scan3A_289, %get3A_1543, %get3A_1544] : memref<2x320x64xf32, #tpu.memory_space<vmem>> -> memref<1x320x64xf32, #tpu.memory_space<vmem>>
        %get3A_1546 = tpu.memref_squeeze %get3A_1545 : memref<1x320x64xf32, #tpu.memory_space<vmem>> -> memref<320x64xf32, #tpu.memory_space<vmem>>
        %get3A_1547 = arith.index_cast %add3A_1542 : i32 to index
        %get3A_1548 = arith.constant 32 : index
        %get3A_1549 = tpu.vector_load %get3A_1546[%get3A_1547, %get3A_1548] {strides = array<i32>} : memref<320x64xf32, #tpu.memory_space<vmem>>, vector<1x16xf32>,
        %get3A_1550 = vector.shape_cast %get3A_1549 : vector<1x16xf32> to vector<16xf32>
        %add3A_1551 = arith.addf %get3A_1540, %get3A_1550 : vector<16xf32>
        %add3A_1552 = arith.constant 2 : i32
        %add3A_1553 = arith.addi %mul3A_1080, %add3A_1552 : i32
        %get3A_1554 = arith.constant 0 : i32
        %get3A_1555 = arith.constant 0 : i32
        %get3A_1556 = tpu.memref_slice %arg11[%scan3A_289, %get3A_1554, %get3A_1555] : memref<2x320x64xf32, #tpu.memory_space<vmem>> -> memref<1x320x64xf32, #tpu.memory_space<vmem>>
        %get3A_1557 = tpu.memref_squeeze %get3A_1556 : memref<1x320x64xf32, #tpu.memory_space<vmem>> -> memref<320x64xf32, #tpu.memory_space<vmem>>
        %get3A_1558 = arith.index_cast %add3A_1553 : i32 to index
        %get3A_1559 = arith.constant 32 : index
        %get3A_1560 = tpu.vector_load %get3A_1557[%get3A_1558, %get3A_1559] {strides = array<i32>} : memref<320x64xf32, #tpu.memory_space<vmem>>, vector<1x16xf32>,
        %get3A_1561 = vector.shape_cast %get3A_1560 : vector<1x16xf32> to vector<16xf32>
        %add3A_1562 = arith.addf %add3A_1551, %get3A_1561 : vector<16xf32>
        %add3A_1563 = arith.constant 3 : i32
        %add3A_1564 = arith.addi %mul3A_1080, %add3A_1563 : i32
        %get3A_1565 = arith.constant 0 : i32
        %get3A_1566 = arith.constant 0 : i32
        %get3A_1567 = tpu.memref_slice %arg11[%scan3A_289, %get3A_1565, %get3A_1566] : memref<2x320x64xf32, #tpu.memory_space<vmem>> -> memref<1x320x64xf32, #tpu.memory_space<vmem>>
        %get3A_1568 = tpu.memref_squeeze %get3A_1567 : memref<1x320x64xf32, #tpu.memory_space<vmem>> -> memref<320x64xf32, #tpu.memory_space<vmem>>
        %get3A_1569 = arith.index_cast %add3A_1564 : i32 to index
        %get3A_1570 = arith.constant 32 : index
        %get3A_1571 = tpu.vector_load %get3A_1568[%get3A_1569, %get3A_1570] {strides = array<i32>} : memref<320x64xf32, #tpu.memory_space<vmem>>, vector<1x16xf32>,
        %get3A_1572 = vector.shape_cast %get3A_1571 : vector<1x16xf32> to vector<16xf32>
        %add3A_1573 = arith.addf %add3A_1562, %get3A_1572 : vector<16xf32>
        %add3A_1574 = arith.constant 4 : i32
        %add3A_1575 = arith.addi %mul3A_1080, %add3A_1574 : i32
        %get3A_1576 = arith.constant 0 : i32
        %get3A_1577 = arith.constant 0 : i32
        %get3A_1578 = tpu.memref_slice %arg11[%scan3A_289, %get3A_1576, %get3A_1577] : memref<2x320x64xf32, #tpu.memory_space<vmem>> -> memref<1x320x64xf32, #tpu.memory_space<vmem>>
        %get3A_1579 = tpu.memref_squeeze %get3A_1578 : memref<1x320x64xf32, #tpu.memory_space<vmem>> -> memref<320x64xf32, #tpu.memory_space<vmem>>
        %get3A_1580 = arith.index_cast %add3A_1575 : i32 to index
        %get3A_1581 = arith.constant 32 : index
        %get3A_1582 = tpu.vector_load %get3A_1579[%get3A_1580, %get3A_1581] {strides = array<i32>} : memref<320x64xf32, #tpu.memory_space<vmem>>, vector<1x16xf32>,
        %get3A_1583 = vector.shape_cast %get3A_1582 : vector<1x16xf32> to vector<16xf32>
        %add3A_1584 = arith.addf %add3A_1573, %get3A_1583 : vector<16xf32>
        %add3A_1585 = arith.constant 5 : i32
        %add3A_1586 = arith.addi %mul3A_1080, %add3A_1585 : i32
        %get3A_1587 = arith.constant 0 : i32
        %get3A_1588 = arith.constant 0 : i32
        %get3A_1589 = tpu.memref_slice %arg11[%scan3A_289, %get3A_1587, %get3A_1588] : memref<2x320x64xf32, #tpu.memory_space<vmem>> -> memref<1x320x64xf32, #tpu.memory_space<vmem>>
        %get3A_1590 = tpu.memref_squeeze %get3A_1589 : memref<1x320x64xf32, #tpu.memory_space<vmem>> -> memref<320x64xf32, #tpu.memory_space<vmem>>
        %get3A_1591 = arith.index_cast %add3A_1586 : i32 to index
        %get3A_1592 = arith.constant 32 : index
        %get3A_1593 = tpu.vector_load %get3A_1590[%get3A_1591, %get3A_1592] {strides = array<i32>} : memref<320x64xf32, #tpu.memory_space<vmem>>, vector<1x16xf32>,
        %get3A_1594 = vector.shape_cast %get3A_1593 : vector<1x16xf32> to vector<16xf32>
        %add3A_1595 = arith.addf %add3A_1584, %get3A_1594 : vector<16xf32>
        %add3A_1596 = arith.constant 6 : i32
        %add3A_1597 = arith.addi %mul3A_1080, %add3A_1596 : i32
        %get3A_1598 = arith.constant 0 : i32
        %get3A_1599 = arith.constant 0 : i32
        %get3A_1600 = tpu.memref_slice %arg11[%scan3A_289, %get3A_1598, %get3A_1599] : memref<2x320x64xf32, #tpu.memory_space<vmem>> -> memref<1x320x64xf32, #tpu.memory_space<vmem>>
        %get3A_1601 = tpu.memref_squeeze %get3A_1600 : memref<1x320x64xf32, #tpu.memory_space<vmem>> -> memref<320x64xf32, #tpu.memory_space<vmem>>
        %get3A_1602 = arith.index_cast %add3A_1597 : i32 to index
        %get3A_1603 = arith.constant 32 : index
        %get3A_1604 = tpu.vector_load %get3A_1601[%get3A_1602, %get3A_1603] {strides = array<i32>} : memref<320x64xf32, #tpu.memory_space<vmem>>, vector<1x16xf32>,
        %get3A_1605 = vector.shape_cast %get3A_1604 : vector<1x16xf32> to vector<16xf32>
        %add3A_1606 = arith.addf %add3A_1595, %get3A_1605 : vector<16xf32>
        %add3A_1607 = arith.constant 7 : i32
        %add3A_1608 = arith.addi %mul3A_1080, %add3A_1607 : i32
        %get3A_1609 = arith.constant 0 : i32
        %get3A_1610 = arith.constant 0 : i32
        %get3A_1611 = tpu.memref_slice %arg11[%scan3A_289, %get3A_1609, %get3A_1610] : memref<2x320x64xf32, #tpu.memory_space<vmem>> -> memref<1x320x64xf32, #tpu.memory_space<vmem>>
        %get3A_1612 = tpu.memref_squeeze %get3A_1611 : memref<1x320x64xf32, #tpu.memory_space<vmem>> -> memref<320x64xf32, #tpu.memory_space<vmem>>
        %get3A_1613 = arith.index_cast %add3A_1608 : i32 to index
        %get3A_1614 = arith.constant 32 : index
        %get3A_1615 = tpu.vector_load %get3A_1612[%get3A_1613, %get3A_1614] {strides = array<i32>} : memref<320x64xf32, #tpu.memory_space<vmem>>, vector<1x16xf32>,
        %get3A_1616 = vector.shape_cast %get3A_1615 : vector<1x16xf32> to vector<16xf32>
        %add3A_1617 = arith.addf %add3A_1606, %get3A_1616 : vector<16xf32>
        %add3A_1618 = arith.constant 8 : i32
        %add3A_1619 = arith.addi %mul3A_1080, %add3A_1618 : i32
        %get3A_1620 = arith.constant 0 : i32
        %get3A_1621 = arith.constant 0 : i32
        %get3A_1622 = tpu.memref_slice %arg11[%scan3A_289, %get3A_1620, %get3A_1621] : memref<2x320x64xf32, #tpu.memory_space<vmem>> -> memref<1x320x64xf32, #tpu.memory_space<vmem>>
        %get3A_1623 = tpu.memref_squeeze %get3A_1622 : memref<1x320x64xf32, #tpu.memory_space<vmem>> -> memref<320x64xf32, #tpu.memory_space<vmem>>
        %get3A_1624 = arith.index_cast %add3A_1619 : i32 to index
        %get3A_1625 = arith.constant 32 : index
        %get3A_1626 = tpu.vector_load %get3A_1623[%get3A_1624, %get3A_1625] {strides = array<i32>} : memref<320x64xf32, #tpu.memory_space<vmem>>, vector<1x16xf32>,
        %get3A_1627 = vector.shape_cast %get3A_1626 : vector<1x16xf32> to vector<16xf32>
        %add3A_1628 = arith.addf %add3A_1617, %get3A_1627 : vector<16xf32>
        %add3A_1629 = arith.constant 9 : i32
        %add3A_1630 = arith.addi %mul3A_1080, %add3A_1629 : i32
        %get3A_1631 = arith.constant 0 : i32
        %get3A_1632 = arith.constant 0 : i32
        %get3A_1633 = tpu.memref_slice %arg11[%scan3A_289, %get3A_1631, %get3A_1632] : memref<2x320x64xf32, #tpu.memory_space<vmem>> -> memref<1x320x64xf32, #tpu.memory_space<vmem>>
        %get3A_1634 = tpu.memref_squeeze %get3A_1633 : memref<1x320x64xf32, #tpu.memory_space<vmem>> -> memref<320x64xf32, #tpu.memory_space<vmem>>
        %get3A_1635 = arith.index_cast %add3A_1630 : i32 to index
        %get3A_1636 = arith.constant 32 : index
        %get3A_1637 = tpu.vector_load %get3A_1634[%get3A_1635, %get3A_1636] {strides = array<i32>} : memref<320x64xf32, #tpu.memory_space<vmem>>, vector<1x16xf32>,
        %get3A_1638 = vector.shape_cast %get3A_1637 : vector<1x16xf32> to vector<16xf32>
        %add3A_1639 = arith.addf %add3A_1628, %get3A_1638 : vector<16xf32>
        %add3A_1640 = arith.constant 10 : i32
        %add3A_1641 = arith.addi %mul3A_1080, %add3A_1640 : i32
        %get3A_1642 = arith.constant 0 : i32
        %get3A_1643 = arith.constant 0 : i32
        %get3A_1644 = tpu.memref_slice %arg11[%scan3A_289, %get3A_1642, %get3A_1643] : memref<2x320x64xf32, #tpu.memory_space<vmem>> -> memref<1x320x64xf32, #tpu.memory_space<vmem>>
        %get3A_1645 = tpu.memref_squeeze %get3A_1644 : memref<1x320x64xf32, #tpu.memory_space<vmem>> -> memref<320x64xf32, #tpu.memory_space<vmem>>
        %get3A_1646 = arith.index_cast %add3A_1641 : i32 to index
        %get3A_1647 = arith.constant 32 : index
        %get3A_1648 = tpu.vector_load %get3A_1645[%get3A_1646, %get3A_1647] {strides = array<i32>} : memref<320x64xf32, #tpu.memory_space<vmem>>, vector<1x16xf32>,
        %get3A_1649 = vector.shape_cast %get3A_1648 : vector<1x16xf32> to vector<16xf32>
        %add3A_1650 = arith.addf %add3A_1639, %get3A_1649 : vector<16xf32>
        %add3A_1651 = arith.constant 11 : i32
        %add3A_1652 = arith.addi %mul3A_1080, %add3A_1651 : i32
        %get3A_1653 = arith.constant 0 : i32
        %get3A_1654 = arith.constant 0 : i32
        %get3A_1655 = tpu.memref_slice %arg11[%scan3A_289, %get3A_1653, %get3A_1654] : memref<2x320x64xf32, #tpu.memory_space<vmem>> -> memref<1x320x64xf32, #tpu.memory_space<vmem>>
        %get3A_1656 = tpu.memref_squeeze %get3A_1655 : memref<1x320x64xf32, #tpu.memory_space<vmem>> -> memref<320x64xf32, #tpu.memory_space<vmem>>
        %get3A_1657 = arith.index_cast %add3A_1652 : i32 to index
        %get3A_1658 = arith.constant 32 : index
        %get3A_1659 = tpu.vector_load %get3A_1656[%get3A_1657, %get3A_1658] {strides = array<i32>} : memref<320x64xf32, #tpu.memory_space<vmem>>, vector<1x16xf32>,
        %get3A_1660 = vector.shape_cast %get3A_1659 : vector<1x16xf32> to vector<16xf32>
        %add3A_1661 = arith.addf %add3A_1650, %get3A_1660 : vector<16xf32>
        %add3A_1662 = arith.constant 12 : i32
        %add3A_1663 = arith.addi %mul3A_1080, %add3A_1662 : i32
        %get3A_1664 = arith.constant 0 : i32
        %get3A_1665 = arith.constant 0 : i32
        %get3A_1666 = tpu.memref_slice %arg11[%scan3A_289, %get3A_1664, %get3A_1665] : memref<2x320x64xf32, #tpu.memory_space<vmem>> -> memref<1x320x64xf32, #tpu.memory_space<vmem>>
        %get3A_1667 = tpu.memref_squeeze %get3A_1666 : memref<1x320x64xf32, #tpu.memory_space<vmem>> -> memref<320x64xf32, #tpu.memory_space<vmem>>
        %get3A_1668 = arith.index_cast %add3A_1663 : i32 to index
        %get3A_1669 = arith.constant 32 : index
        %get3A_1670 = tpu.vector_load %get3A_1667[%get3A_1668, %get3A_1669] {strides = array<i32>} : memref<320x64xf32, #tpu.memory_space<vmem>>, vector<1x16xf32>,
        %get3A_1671 = vector.shape_cast %get3A_1670 : vector<1x16xf32> to vector<16xf32>
        %add3A_1672 = arith.addf %add3A_1661, %get3A_1671 : vector<16xf32>
        %add3A_1673 = arith.constant 13 : i32
        %add3A_1674 = arith.addi %mul3A_1080, %add3A_1673 : i32
        %get3A_1675 = arith.constant 0 : i32
        %get3A_1676 = arith.constant 0 : i32
        %get3A_1677 = tpu.memref_slice %arg11[%scan3A_289, %get3A_1675, %get3A_1676] : memref<2x320x64xf32, #tpu.memory_space<vmem>> -> memref<1x320x64xf32, #tpu.memory_space<vmem>>
        %get3A_1678 = tpu.memref_squeeze %get3A_1677 : memref<1x320x64xf32, #tpu.memory_space<vmem>> -> memref<320x64xf32, #tpu.memory_space<vmem>>
        %get3A_1679 = arith.index_cast %add3A_1674 : i32 to index
        %get3A_1680 = arith.constant 32 : index
        %get3A_1681 = tpu.vector_load %get3A_1678[%get3A_1679, %get3A_1680] {strides = array<i32>} : memref<320x64xf32, #tpu.memory_space<vmem>>, vector<1x16xf32>,
        %get3A_1682 = vector.shape_cast %get3A_1681 : vector<1x16xf32> to vector<16xf32>
        %add3A_1683 = arith.addf %add3A_1672, %get3A_1682 : vector<16xf32>
        %add3A_1684 = arith.constant 14 : i32
        %add3A_1685 = arith.addi %mul3A_1080, %add3A_1684 : i32
        %get3A_1686 = arith.constant 0 : i32
        %get3A_1687 = arith.constant 0 : i32
        %get3A_1688 = tpu.memref_slice %arg11[%scan3A_289, %get3A_1686, %get3A_1687] : memref<2x320x64xf32, #tpu.memory_space<vmem>> -> memref<1x320x64xf32, #tpu.memory_space<vmem>>
        %get3A_1689 = tpu.memref_squeeze %get3A_1688 : memref<1x320x64xf32, #tpu.memory_space<vmem>> -> memref<320x64xf32, #tpu.memory_space<vmem>>
        %get3A_1690 = arith.index_cast %add3A_1685 : i32 to index
        %get3A_1691 = arith.constant 32 : index
        %get3A_1692 = tpu.vector_load %get3A_1689[%get3A_1690, %get3A_1691] {strides = array<i32>} : memref<320x64xf32, #tpu.memory_space<vmem>>, vector<1x16xf32>,
        %get3A_1693 = vector.shape_cast %get3A_1692 : vector<1x16xf32> to vector<16xf32>
        %add3A_1694 = arith.addf %add3A_1683, %get3A_1693 : vector<16xf32>
        %add3A_1695 = arith.constant 15 : i32
        %add3A_1696 = arith.addi %mul3A_1080, %add3A_1695 : i32
        %get3A_1697 = arith.constant 0 : i32
        %get3A_1698 = arith.constant 0 : i32
        %get3A_1699 = tpu.memref_slice %arg11[%scan3A_289, %get3A_1697, %get3A_1698] : memref<2x320x64xf32, #tpu.memory_space<vmem>> -> memref<1x320x64xf32, #tpu.memory_space<vmem>>
        %get3A_1700 = tpu.memref_squeeze %get3A_1699 : memref<1x320x64xf32, #tpu.memory_space<vmem>> -> memref<320x64xf32, #tpu.memory_space<vmem>>
        %get3A_1701 = arith.index_cast %add3A_1696 : i32 to index
        %get3A_1702 = arith.constant 32 : index
        %get3A_1703 = tpu.vector_load %get3A_1700[%get3A_1701, %get3A_1702] {strides = array<i32>} : memref<320x64xf32, #tpu.memory_space<vmem>>, vector<1x16xf32>,
        %get3A_1704 = vector.shape_cast %get3A_1703 : vector<1x16xf32> to vector<16xf32>
        %add3A_1705 = arith.addf %add3A_1694, %get3A_1704 : vector<16xf32>
        %add3A_1706 = arith.constant 16 : i32
        %add3A_1707 = arith.addi %mul3A_1080, %add3A_1706 : i32
        %get3A_1708 = arith.constant 0 : i32
        %get3A_1709 = arith.constant 0 : i32
        %get3A_1710 = tpu.memref_slice %arg11[%scan3A_289, %get3A_1708, %get3A_1709] : memref<2x320x64xf32, #tpu.memory_space<vmem>> -> memref<1x320x64xf32, #tpu.memory_space<vmem>>
        %get3A_1711 = tpu.memref_squeeze %get3A_1710 : memref<1x320x64xf32, #tpu.memory_space<vmem>> -> memref<320x64xf32, #tpu.memory_space<vmem>>
        %get3A_1712 = arith.index_cast %add3A_1707 : i32 to index
        %get3A_1713 = arith.constant 32 : index
        %get3A_1714 = tpu.vector_load %get3A_1711[%get3A_1712, %get3A_1713] {strides = array<i32>} : memref<320x64xf32, #tpu.memory_space<vmem>>, vector<1x16xf32>,
        %get3A_1715 = vector.shape_cast %get3A_1714 : vector<1x16xf32> to vector<16xf32>
        %add3A_1716 = arith.addf %add3A_1705, %get3A_1715 : vector<16xf32>
        %add3A_1717 = arith.constant 17 : i32
        %add3A_1718 = arith.addi %mul3A_1080, %add3A_1717 : i32
        %get3A_1719 = arith.constant 0 : i32
        %get3A_1720 = arith.constant 0 : i32
        %get3A_1721 = tpu.memref_slice %arg11[%scan3A_289, %get3A_1719, %get3A_1720] : memref<2x320x64xf32, #tpu.memory_space<vmem>> -> memref<1x320x64xf32, #tpu.memory_space<vmem>>
        %get3A_1722 = tpu.memref_squeeze %get3A_1721 : memref<1x320x64xf32, #tpu.memory_space<vmem>> -> memref<320x64xf32, #tpu.memory_space<vmem>>
        %get3A_1723 = arith.index_cast %add3A_1718 : i32 to index
        %get3A_1724 = arith.constant 32 : index
        %get3A_1725 = tpu.vector_load %get3A_1722[%get3A_1723, %get3A_1724] {strides = array<i32>} : memref<320x64xf32, #tpu.memory_space<vmem>>, vector<1x16xf32>,
        %get3A_1726 = vector.shape_cast %get3A_1725 : vector<1x16xf32> to vector<16xf32>
        %add3A_1727 = arith.addf %add3A_1716, %get3A_1726 : vector<16xf32>
        %add3A_1728 = arith.constant 18 : i32
        %add3A_1729 = arith.addi %mul3A_1080, %add3A_1728 : i32
        %get3A_1730 = arith.constant 0 : i32
        %get3A_1731 = arith.constant 0 : i32
        %get3A_1732 = tpu.memref_slice %arg11[%scan3A_289, %get3A_1730, %get3A_1731] : memref<2x320x64xf32, #tpu.memory_space<vmem>> -> memref<1x320x64xf32, #tpu.memory_space<vmem>>
        %get3A_1733 = tpu.memref_squeeze %get3A_1732 : memref<1x320x64xf32, #tpu.memory_space<vmem>> -> memref<320x64xf32, #tpu.memory_space<vmem>>
        %get3A_1734 = arith.index_cast %add3A_1729 : i32 to index
        %get3A_1735 = arith.constant 32 : index
        %get3A_1736 = tpu.vector_load %get3A_1733[%get3A_1734, %get3A_1735] {strides = array<i32>} : memref<320x64xf32, #tpu.memory_space<vmem>>, vector<1x16xf32>,
        %get3A_1737 = vector.shape_cast %get3A_1736 : vector<1x16xf32> to vector<16xf32>
        %add3A_1738 = arith.addf %add3A_1727, %get3A_1737 : vector<16xf32>
        %add3A_1739 = arith.constant 19 : i32
        %add3A_1740 = arith.addi %mul3A_1080, %add3A_1739 : i32
        %get3A_1741 = arith.constant 0 : i32
        %get3A_1742 = arith.constant 0 : i32
        %get3A_1743 = tpu.memref_slice %arg11[%scan3A_289, %get3A_1741, %get3A_1742] : memref<2x320x64xf32, #tpu.memory_space<vmem>> -> memref<1x320x64xf32, #tpu.memory_space<vmem>>
        %get3A_1744 = tpu.memref_squeeze %get3A_1743 : memref<1x320x64xf32, #tpu.memory_space<vmem>> -> memref<320x64xf32, #tpu.memory_space<vmem>>
        %get3A_1745 = arith.index_cast %add3A_1740 : i32 to index
        %get3A_1746 = arith.constant 32 : index
        %get3A_1747 = tpu.vector_load %get3A_1744[%get3A_1745, %get3A_1746] {strides = array<i32>} : memref<320x64xf32, #tpu.memory_space<vmem>>, vector<1x16xf32>,
        %get3A_1748 = vector.shape_cast %get3A_1747 : vector<1x16xf32> to vector<16xf32>
        %add3A_1749 = arith.addf %add3A_1738, %get3A_1748 : vector<16xf32>
        %get3A_1750 = arith.constant 0 : i32
        %get3A_1751 = arith.constant 0 : i32
        %get3A_1752 = tpu.memref_slice %arg12[%scan3A_290, %get3A_1750, %get3A_1751] : memref<2x16x64xf32, #tpu.memory_space<vmem>> -> memref<1x16x64xf32, #tpu.memory_space<vmem>>
        %get3A_1753 = tpu.memref_squeeze %get3A_1752 : memref<1x16x64xf32, #tpu.memory_space<vmem>> -> memref<16x64xf32, #tpu.memory_space<vmem>>
        %get3A_1754 = arith.index_cast %scan3A_1077 : i32 to index
        %get3A_1755 = arith.constant 32 : index
        %get3A_1756 = tpu.vector_load %get3A_1753[%get3A_1754, %get3A_1755] {strides = array<i32>} : memref<16x64xf32, #tpu.memory_space<vmem>>, vector<1x16xf32>,
        %get3A_1757 = vector.shape_cast %get3A_1756 : vector<1x16xf32> to vector<16xf32>
        %mul3A_1758 = arith.mulf %add3A_1749, %get3A_1757 : vector<16xf32>
        %add3A_1759 = arith.addf %add3A_1532, %mul3A_1758 : vector<16xf32>
        %get3A_1760 = arith.constant 0 : i32
        %get3A_1761 = arith.constant 0 : i32
        %get3A_1762 = tpu.memref_slice %arg11[%scan3A_289, %get3A_1760, %get3A_1761] : memref<2x320x64xf32, #tpu.memory_space<vmem>> -> memref<1x320x64xf32, #tpu.memory_space<vmem>>
        %get3A_1763 = tpu.memref_squeeze %get3A_1762 : memref<1x320x64xf32, #tpu.memory_space<vmem>> -> memref<320x64xf32, #tpu.memory_space<vmem>>
        %get3A_1764 = arith.index_cast %mul3A_1080 : i32 to index
        %get3A_1765 = arith.constant 48 : index
        %get3A_1766 = tpu.vector_load %get3A_1763[%get3A_1764, %get3A_1765] {strides = array<i32>} : memref<320x64xf32, #tpu.memory_space<vmem>>, vector<1x16xf32>,
        %get3A_1767 = vector.shape_cast %get3A_1766 : vector<1x16xf32> to vector<16xf32>
        %add3A_1768 = arith.constant 1 : i32
        %add3A_1769 = arith.addi %mul3A_1080, %add3A_1768 : i32
        %get3A_1770 = arith.constant 0 : i32
        %get3A_1771 = arith.constant 0 : i32
        %get3A_1772 = tpu.memref_slice %arg11[%scan3A_289, %get3A_1770, %get3A_1771] : memref<2x320x64xf32, #tpu.memory_space<vmem>> -> memref<1x320x64xf32, #tpu.memory_space<vmem>>
        %get3A_1773 = tpu.memref_squeeze %get3A_1772 : memref<1x320x64xf32, #tpu.memory_space<vmem>> -> memref<320x64xf32, #tpu.memory_space<vmem>>
        %get3A_1774 = arith.index_cast %add3A_1769 : i32 to index
        %get3A_1775 = arith.constant 48 : index
        %get3A_1776 = tpu.vector_load %get3A_1773[%get3A_1774, %get3A_1775] {strides = array<i32>} : memref<320x64xf32, #tpu.memory_space<vmem>>, vector<1x16xf32>,
        %get3A_1777 = vector.shape_cast %get3A_1776 : vector<1x16xf32> to vector<16xf32>
        %add3A_1778 = arith.addf %get3A_1767, %get3A_1777 : vector<16xf32>
        %add3A_1779 = arith.constant 2 : i32
        %add3A_1780 = arith.addi %mul3A_1080, %add3A_1779 : i32
        %get3A_1781 = arith.constant 0 : i32
        %get3A_1782 = arith.constant 0 : i32
        %get3A_1783 = tpu.memref_slice %arg11[%scan3A_289, %get3A_1781, %get3A_1782] : memref<2x320x64xf32, #tpu.memory_space<vmem>> -> memref<1x320x64xf32, #tpu.memory_space<vmem>>
        %get3A_1784 = tpu.memref_squeeze %get3A_1783 : memref<1x320x64xf32, #tpu.memory_space<vmem>> -> memref<320x64xf32, #tpu.memory_space<vmem>>
        %get3A_1785 = arith.index_cast %add3A_1780 : i32 to index
        %get3A_1786 = arith.constant 48 : index
        %get3A_1787 = tpu.vector_load %get3A_1784[%get3A_1785, %get3A_1786] {strides = array<i32>} : memref<320x64xf32, #tpu.memory_space<vmem>>, vector<1x16xf32>,
        %get3A_1788 = vector.shape_cast %get3A_1787 : vector<1x16xf32> to vector<16xf32>
        %add3A_1789 = arith.addf %add3A_1778, %get3A_1788 : vector<16xf32>
        %add3A_1790 = arith.constant 3 : i32
        %add3A_1791 = arith.addi %mul3A_1080, %add3A_1790 : i32
        %get3A_1792 = arith.constant 0 : i32
        %get3A_1793 = arith.constant 0 : i32
        %get3A_1794 = tpu.memref_slice %arg11[%scan3A_289, %get3A_1792, %get3A_1793] : memref<2x320x64xf32, #tpu.memory_space<vmem>> -> memref<1x320x64xf32, #tpu.memory_space<vmem>>
        %get3A_1795 = tpu.memref_squeeze %get3A_1794 : memref<1x320x64xf32, #tpu.memory_space<vmem>> -> memref<320x64xf32, #tpu.memory_space<vmem>>
        %get3A_1796 = arith.index_cast %add3A_1791 : i32 to index
        %get3A_1797 = arith.constant 48 : index
        %get3A_1798 = tpu.vector_load %get3A_1795[%get3A_1796, %get3A_1797] {strides = array<i32>} : memref<320x64xf32, #tpu.memory_space<vmem>>, vector<1x16xf32>,
        %get3A_1799 = vector.shape_cast %get3A_1798 : vector<1x16xf32> to vector<16xf32>
        %add3A_1800 = arith.addf %add3A_1789, %get3A_1799 : vector<16xf32>
        %add3A_1801 = arith.constant 4 : i32
        %add3A_1802 = arith.addi %mul3A_1080, %add3A_1801 : i32
        %get3A_1803 = arith.constant 0 : i32
        %get3A_1804 = arith.constant 0 : i32
        %get3A_1805 = tpu.memref_slice %arg11[%scan3A_289, %get3A_1803, %get3A_1804] : memref<2x320x64xf32, #tpu.memory_space<vmem>> -> memref<1x320x64xf32, #tpu.memory_space<vmem>>
        %get3A_1806 = tpu.memref_squeeze %get3A_1805 : memref<1x320x64xf32, #tpu.memory_space<vmem>> -> memref<320x64xf32, #tpu.memory_space<vmem>>
        %get3A_1807 = arith.index_cast %add3A_1802 : i32 to index
        %get3A_1808 = arith.constant 48 : index
        %get3A_1809 = tpu.vector_load %get3A_1806[%get3A_1807, %get3A_1808] {strides = array<i32>} : memref<320x64xf32, #tpu.memory_space<vmem>>, vector<1x16xf32>,
        %get3A_1810 = vector.shape_cast %get3A_1809 : vector<1x16xf32> to vector<16xf32>
        %add3A_1811 = arith.addf %add3A_1800, %get3A_1810 : vector<16xf32>
        %add3A_1812 = arith.constant 5 : i32
        %add3A_1813 = arith.addi %mul3A_1080, %add3A_1812 : i32
        %get3A_1814 = arith.constant 0 : i32
        %get3A_1815 = arith.constant 0 : i32
        %get3A_1816 = tpu.memref_slice %arg11[%scan3A_289, %get3A_1814, %get3A_1815] : memref<2x320x64xf32, #tpu.memory_space<vmem>> -> memref<1x320x64xf32, #tpu.memory_space<vmem>>
        %get3A_1817 = tpu.memref_squeeze %get3A_1816 : memref<1x320x64xf32, #tpu.memory_space<vmem>> -> memref<320x64xf32, #tpu.memory_space<vmem>>
        %get3A_1818 = arith.index_cast %add3A_1813 : i32 to index
        %get3A_1819 = arith.constant 48 : index
        %get3A_1820 = tpu.vector_load %get3A_1817[%get3A_1818, %get3A_1819] {strides = array<i32>} : memref<320x64xf32, #tpu.memory_space<vmem>>, vector<1x16xf32>,
        %get3A_1821 = vector.shape_cast %get3A_1820 : vector<1x16xf32> to vector<16xf32>
        %add3A_1822 = arith.addf %add3A_1811, %get3A_1821 : vector<16xf32>
        %add3A_1823 = arith.constant 6 : i32
        %add3A_1824 = arith.addi %mul3A_1080, %add3A_1823 : i32
        %get3A_1825 = arith.constant 0 : i32
        %get3A_1826 = arith.constant 0 : i32
        %get3A_1827 = tpu.memref_slice %arg11[%scan3A_289, %get3A_1825, %get3A_1826] : memref<2x320x64xf32, #tpu.memory_space<vmem>> -> memref<1x320x64xf32, #tpu.memory_space<vmem>>
        %get3A_1828 = tpu.memref_squeeze %get3A_1827 : memref<1x320x64xf32, #tpu.memory_space<vmem>> -> memref<320x64xf32, #tpu.memory_space<vmem>>
        %get3A_1829 = arith.index_cast %add3A_1824 : i32 to index
        %get3A_1830 = arith.constant 48 : index
        %get3A_1831 = tpu.vector_load %get3A_1828[%get3A_1829, %get3A_1830] {strides = array<i32>} : memref<320x64xf32, #tpu.memory_space<vmem>>, vector<1x16xf32>,
        %get3A_1832 = vector.shape_cast %get3A_1831 : vector<1x16xf32> to vector<16xf32>
        %add3A_1833 = arith.addf %add3A_1822, %get3A_1832 : vector<16xf32>
        %add3A_1834 = arith.constant 7 : i32
        %add3A_1835 = arith.addi %mul3A_1080, %add3A_1834 : i32
        %get3A_1836 = arith.constant 0 : i32
        %get3A_1837 = arith.constant 0 : i32
        %get3A_1838 = tpu.memref_slice %arg11[%scan3A_289, %get3A_1836, %get3A_1837] : memref<2x320x64xf32, #tpu.memory_space<vmem>> -> memref<1x320x64xf32, #tpu.memory_space<vmem>>
        %get3A_1839 = tpu.memref_squeeze %get3A_1838 : memref<1x320x64xf32, #tpu.memory_space<vmem>> -> memref<320x64xf32, #tpu.memory_space<vmem>>
        %get3A_1840 = arith.index_cast %add3A_1835 : i32 to index
        %get3A_1841 = arith.constant 48 : index
        %get3A_1842 = tpu.vector_load %get3A_1839[%get3A_1840, %get3A_1841] {strides = array<i32>} : memref<320x64xf32, #tpu.memory_space<vmem>>, vector<1x16xf32>,
        %get3A_1843 = vector.shape_cast %get3A_1842 : vector<1x16xf32> to vector<16xf32>
        %add3A_1844 = arith.addf %add3A_1833, %get3A_1843 : vector<16xf32>
        %add3A_1845 = arith.constant 8 : i32
        %add3A_1846 = arith.addi %mul3A_1080, %add3A_1845 : i32
        %get3A_1847 = arith.constant 0 : i32
        %get3A_1848 = arith.constant 0 : i32
        %get3A_1849 = tpu.memref_slice %arg11[%scan3A_289, %get3A_1847, %get3A_1848] : memref<2x320x64xf32, #tpu.memory_space<vmem>> -> memref<1x320x64xf32, #tpu.memory_space<vmem>>
        %get3A_1850 = tpu.memref_squeeze %get3A_1849 : memref<1x320x64xf32, #tpu.memory_space<vmem>> -> memref<320x64xf32, #tpu.memory_space<vmem>>
        %get3A_1851 = arith.index_cast %add3A_1846 : i32 to index
        %get3A_1852 = arith.constant 48 : index
        %get3A_1853 = tpu.vector_load %get3A_1850[%get3A_1851, %get3A_1852] {strides = array<i32>} : memref<320x64xf32, #tpu.memory_space<vmem>>, vector<1x16xf32>,
        %get3A_1854 = vector.shape_cast %get3A_1853 : vector<1x16xf32> to vector<16xf32>
        %add3A_1855 = arith.addf %add3A_1844, %get3A_1854 : vector<16xf32>
        %add3A_1856 = arith.constant 9 : i32
        %add3A_1857 = arith.addi %mul3A_1080, %add3A_1856 : i32
        %get3A_1858 = arith.constant 0 : i32
        %get3A_1859 = arith.constant 0 : i32
        %get3A_1860 = tpu.memref_slice %arg11[%scan3A_289, %get3A_1858, %get3A_1859] : memref<2x320x64xf32, #tpu.memory_space<vmem>> -> memref<1x320x64xf32, #tpu.memory_space<vmem>>
        %get3A_1861 = tpu.memref_squeeze %get3A_1860 : memref<1x320x64xf32, #tpu.memory_space<vmem>> -> memref<320x64xf32, #tpu.memory_space<vmem>>
        %get3A_1862 = arith.index_cast %add3A_1857 : i32 to index
        %get3A_1863 = arith.constant 48 : index
        %get3A_1864 = tpu.vector_load %get3A_1861[%get3A_1862, %get3A_1863] {strides = array<i32>} : memref<320x64xf32, #tpu.memory_space<vmem>>, vector<1x16xf32>,
        %get3A_1865 = vector.shape_cast %get3A_1864 : vector<1x16xf32> to vector<16xf32>
        %add3A_1866 = arith.addf %add3A_1855, %get3A_1865 : vector<16xf32>
        %add3A_1867 = arith.constant 10 : i32
        %add3A_1868 = arith.addi %mul3A_1080, %add3A_1867 : i32
        %get3A_1869 = arith.constant 0 : i32
        %get3A_1870 = arith.constant 0 : i32
        %get3A_1871 = tpu.memref_slice %arg11[%scan3A_289, %get3A_1869, %get3A_1870] : memref<2x320x64xf32, #tpu.memory_space<vmem>> -> memref<1x320x64xf32, #tpu.memory_space<vmem>>
        %get3A_1872 = tpu.memref_squeeze %get3A_1871 : memref<1x320x64xf32, #tpu.memory_space<vmem>> -> memref<320x64xf32, #tpu.memory_space<vmem>>
        %get3A_1873 = arith.index_cast %add3A_1868 : i32 to index
        %get3A_1874 = arith.constant 48 : index
        %get3A_1875 = tpu.vector_load %get3A_1872[%get3A_1873, %get3A_1874] {strides = array<i32>} : memref<320x64xf32, #tpu.memory_space<vmem>>, vector<1x16xf32>,
        %get3A_1876 = vector.shape_cast %get3A_1875 : vector<1x16xf32> to vector<16xf32>
        %add3A_1877 = arith.addf %add3A_1866, %get3A_1876 : vector<16xf32>
        %add3A_1878 = arith.constant 11 : i32
        %add3A_1879 = arith.addi %mul3A_1080, %add3A_1878 : i32
        %get3A_1880 = arith.constant 0 : i32
        %get3A_1881 = arith.constant 0 : i32
        %get3A_1882 = tpu.memref_slice %arg11[%scan3A_289, %get3A_1880, %get3A_1881] : memref<2x320x64xf32, #tpu.memory_space<vmem>> -> memref<1x320x64xf32, #tpu.memory_space<vmem>>
        %get3A_1883 = tpu.memref_squeeze %get3A_1882 : memref<1x320x64xf32, #tpu.memory_space<vmem>> -> memref<320x64xf32, #tpu.memory_space<vmem>>
        %get3A_1884 = arith.index_cast %add3A_1879 : i32 to index
        %get3A_1885 = arith.constant 48 : index
        %get3A_1886 = tpu.vector_load %get3A_1883[%get3A_1884, %get3A_1885] {strides = array<i32>} : memref<320x64xf32, #tpu.memory_space<vmem>>, vector<1x16xf32>,
        %get3A_1887 = vector.shape_cast %get3A_1886 : vector<1x16xf32> to vector<16xf32>
        %add3A_1888 = arith.addf %add3A_1877, %get3A_1887 : vector<16xf32>
        %add3A_1889 = arith.constant 12 : i32
        %add3A_1890 = arith.addi %mul3A_1080, %add3A_1889 : i32
        %get3A_1891 = arith.constant 0 : i32
        %get3A_1892 = arith.constant 0 : i32
        %get3A_1893 = tpu.memref_slice %arg11[%scan3A_289, %get3A_1891, %get3A_1892] : memref<2x320x64xf32, #tpu.memory_space<vmem>> -> memref<1x320x64xf32, #tpu.memory_space<vmem>>
        %get3A_1894 = tpu.memref_squeeze %get3A_1893 : memref<1x320x64xf32, #tpu.memory_space<vmem>> -> memref<320x64xf32, #tpu.memory_space<vmem>>
        %get3A_1895 = arith.index_cast %add3A_1890 : i32 to index
        %get3A_1896 = arith.constant 48 : index
        %get3A_1897 = tpu.vector_load %get3A_1894[%get3A_1895, %get3A_1896] {strides = array<i32>} : memref<320x64xf32, #tpu.memory_space<vmem>>, vector<1x16xf32>,
        %get3A_1898 = vector.shape_cast %get3A_1897 : vector<1x16xf32> to vector<16xf32>
        %add3A_1899 = arith.addf %add3A_1888, %get3A_1898 : vector<16xf32>
        %add3A_1900 = arith.constant 13 : i32
        %add3A_1901 = arith.addi %mul3A_1080, %add3A_1900 : i32
        %get3A_1902 = arith.constant 0 : i32
        %get3A_1903 = arith.constant 0 : i32
        %get3A_1904 = tpu.memref_slice %arg11[%scan3A_289, %get3A_1902, %get3A_1903] : memref<2x320x64xf32, #tpu.memory_space<vmem>> -> memref<1x320x64xf32, #tpu.memory_space<vmem>>
        %get3A_1905 = tpu.memref_squeeze %get3A_1904 : memref<1x320x64xf32, #tpu.memory_space<vmem>> -> memref<320x64xf32, #tpu.memory_space<vmem>>
        %get3A_1906 = arith.index_cast %add3A_1901 : i32 to index
        %get3A_1907 = arith.constant 48 : index
        %get3A_1908 = tpu.vector_load %get3A_1905[%get3A_1906, %get3A_1907] {strides = array<i32>} : memref<320x64xf32, #tpu.memory_space<vmem>>, vector<1x16xf32>,
        %get3A_1909 = vector.shape_cast %get3A_1908 : vector<1x16xf32> to vector<16xf32>
        %add3A_1910 = arith.addf %add3A_1899, %get3A_1909 : vector<16xf32>
        %add3A_1911 = arith.constant 14 : i32
        %add3A_1912 = arith.addi %mul3A_1080, %add3A_1911 : i32
        %get3A_1913 = arith.constant 0 : i32
        %get3A_1914 = arith.constant 0 : i32
        %get3A_1915 = tpu.memref_slice %arg11[%scan3A_289, %get3A_1913, %get3A_1914] : memref<2x320x64xf32, #tpu.memory_space<vmem>> -> memref<1x320x64xf32, #tpu.memory_space<vmem>>
        %get3A_1916 = tpu.memref_squeeze %get3A_1915 : memref<1x320x64xf32, #tpu.memory_space<vmem>> -> memref<320x64xf32, #tpu.memory_space<vmem>>
        %get3A_1917 = arith.index_cast %add3A_1912 : i32 to index
        %get3A_1918 = arith.constant 48 : index
        %get3A_1919 = tpu.vector_load %get3A_1916[%get3A_1917, %get3A_1918] {strides = array<i32>} : memref<320x64xf32, #tpu.memory_space<vmem>>, vector<1x16xf32>,
        %get3A_1920 = vector.shape_cast %get3A_1919 : vector<1x16xf32> to vector<16xf32>
        %add3A_1921 = arith.addf %add3A_1910, %get3A_1920 : vector<16xf32>
        %add3A_1922 = arith.constant 15 : i32
        %add3A_1923 = arith.addi %mul3A_1080, %add3A_1922 : i32
        %get3A_1924 = arith.constant 0 : i32
        %get3A_1925 = arith.constant 0 : i32
        %get3A_1926 = tpu.memref_slice %arg11[%scan3A_289, %get3A_1924, %get3A_1925] : memref<2x320x64xf32, #tpu.memory_space<vmem>> -> memref<1x320x64xf32, #tpu.memory_space<vmem>>
        %get3A_1927 = tpu.memref_squeeze %get3A_1926 : memref<1x320x64xf32, #tpu.memory_space<vmem>> -> memref<320x64xf32, #tpu.memory_space<vmem>>
        %get3A_1928 = arith.index_cast %add3A_1923 : i32 to index
        %get3A_1929 = arith.constant 48 : index
        %get3A_1930 = tpu.vector_load %get3A_1927[%get3A_1928, %get3A_1929] {strides = array<i32>} : memref<320x64xf32, #tpu.memory_space<vmem>>, vector<1x16xf32>,
        %get3A_1931 = vector.shape_cast %get3A_1930 : vector<1x16xf32> to vector<16xf32>
        %add3A_1932 = arith.addf %add3A_1921, %get3A_1931 : vector<16xf32>
        %add3A_1933 = arith.constant 16 : i32
        %add3A_1934 = arith.addi %mul3A_1080, %add3A_1933 : i32
        %get3A_1935 = arith.constant 0 : i32
        %get3A_1936 = arith.constant 0 : i32
        %get3A_1937 = tpu.memref_slice %arg11[%scan3A_289, %get3A_1935, %get3A_1936] : memref<2x320x64xf32, #tpu.memory_space<vmem>> -> memref<1x320x64xf32, #tpu.memory_space<vmem>>
        %get3A_1938 = tpu.memref_squeeze %get3A_1937 : memref<1x320x64xf32, #tpu.memory_space<vmem>> -> memref<320x64xf32, #tpu.memory_space<vmem>>
        %get3A_1939 = arith.index_cast %add3A_1934 : i32 to index
        %get3A_1940 = arith.constant 48 : index
        %get3A_1941 = tpu.vector_load %get3A_1938[%get3A_1939, %get3A_1940] {strides = array<i32>} : memref<320x64xf32, #tpu.memory_space<vmem>>, vector<1x16xf32>,
        %get3A_1942 = vector.shape_cast %get3A_1941 : vector<1x16xf32> to vector<16xf32>
        %add3A_1943 = arith.addf %add3A_1932, %get3A_1942 : vector<16xf32>
        %add3A_1944 = arith.constant 17 : i32
        %add3A_1945 = arith.addi %mul3A_1080, %add3A_1944 : i32
        %get3A_1946 = arith.constant 0 : i32
        %get3A_1947 = arith.constant 0 : i32
        %get3A_1948 = tpu.memref_slice %arg11[%scan3A_289, %get3A_1946, %get3A_1947] : memref<2x320x64xf32, #tpu.memory_space<vmem>> -> memref<1x320x64xf32, #tpu.memory_space<vmem>>
        %get3A_1949 = tpu.memref_squeeze %get3A_1948 : memref<1x320x64xf32, #tpu.memory_space<vmem>> -> memref<320x64xf32, #tpu.memory_space<vmem>>
        %get3A_1950 = arith.index_cast %add3A_1945 : i32 to index
        %get3A_1951 = arith.constant 48 : index
        %get3A_1952 = tpu.vector_load %get3A_1949[%get3A_1950, %get3A_1951] {strides = array<i32>} : memref<320x64xf32, #tpu.memory_space<vmem>>, vector<1x16xf32>,
        %get3A_1953 = vector.shape_cast %get3A_1952 : vector<1x16xf32> to vector<16xf32>
        %add3A_1954 = arith.addf %add3A_1943, %get3A_1953 : vector<16xf32>
        %add3A_1955 = arith.constant 18 : i32
        %add3A_1956 = arith.addi %mul3A_1080, %add3A_1955 : i32
        %get3A_1957 = arith.constant 0 : i32
        %get3A_1958 = arith.constant 0 : i32
        %get3A_1959 = tpu.memref_slice %arg11[%scan3A_289, %get3A_1957, %get3A_1958] : memref<2x320x64xf32, #tpu.memory_space<vmem>> -> memref<1x320x64xf32, #tpu.memory_space<vmem>>
        %get3A_1960 = tpu.memref_squeeze %get3A_1959 : memref<1x320x64xf32, #tpu.memory_space<vmem>> -> memref<320x64xf32, #tpu.memory_space<vmem>>
        %get3A_1961 = arith.index_cast %add3A_1956 : i32 to index
        %get3A_1962 = arith.constant 48 : index
        %get3A_1963 = tpu.vector_load %get3A_1960[%get3A_1961, %get3A_1962] {strides = array<i32>} : memref<320x64xf32, #tpu.memory_space<vmem>>, vector<1x16xf32>,
        %get3A_1964 = vector.shape_cast %get3A_1963 : vector<1x16xf32> to vector<16xf32>
        %add3A_1965 = arith.addf %add3A_1954, %get3A_1964 : vector<16xf32>
        %add3A_1966 = arith.constant 19 : i32
        %add3A_1967 = arith.addi %mul3A_1080, %add3A_1966 : i32
        %get3A_1968 = arith.constant 0 : i32
        %get3A_1969 = arith.constant 0 : i32
        %get3A_1970 = tpu.memref_slice %arg11[%scan3A_289, %get3A_1968, %get3A_1969] : memref<2x320x64xf32, #tpu.memory_space<vmem>> -> memref<1x320x64xf32, #tpu.memory_space<vmem>>
        %get3A_1971 = tpu.memref_squeeze %get3A_1970 : memref<1x320x64xf32, #tpu.memory_space<vmem>> -> memref<320x64xf32, #tpu.memory_space<vmem>>
        %get3A_1972 = arith.index_cast %add3A_1967 : i32 to index
        %get3A_1973 = arith.constant 48 : index
        %get3A_1974 = tpu.vector_load %get3A_1971[%get3A_1972, %get3A_1973] {strides = array<i32>} : memref<320x64xf32, #tpu.memory_space<vmem>>, vector<1x16xf32>,
        %get3A_1975 = vector.shape_cast %get3A_1974 : vector<1x16xf32> to vector<16xf32>
        %add3A_1976 = arith.addf %add3A_1965, %get3A_1975 : vector<16xf32>
        %get3A_1977 = arith.constant 0 : i32
        %get3A_1978 = arith.constant 0 : i32
        %get3A_1979 = tpu.memref_slice %arg12[%scan3A_290, %get3A_1977, %get3A_1978] : memref<2x16x64xf32, #tpu.memory_space<vmem>> -> memref<1x16x64xf32, #tpu.memory_space<vmem>>
        %get3A_1980 = tpu.memref_squeeze %get3A_1979 : memref<1x16x64xf32, #tpu.memory_space<vmem>> -> memref<16x64xf32, #tpu.memory_space<vmem>>
        %get3A_1981 = arith.index_cast %scan3A_1077 : i32 to index
        %get3A_1982 = arith.constant 48 : index
        %get3A_1983 = tpu.vector_load %get3A_1980[%get3A_1981, %get3A_1982] {strides = array<i32>} : memref<16x64xf32, #tpu.memory_space<vmem>>, vector<1x16xf32>,
        %get3A_1984 = vector.shape_cast %get3A_1983 : vector<1x16xf32> to vector<16xf32>
        %mul3A_1985 = arith.mulf %add3A_1976, %get3A_1984 : vector<16xf32>
        %add3A_1986 = arith.addf %add3A_1759, %mul3A_1985 : vector<16xf32>
        %broadcast_in_dim3A_1987 = vector.shape_cast %and3A_5 : vector<16xi32> to vector<16x1xi32>
        %gather3A = vector.shape_cast %broadcast_in_dim3A_1987 : vector<16x1xi32> to vector<16xi32>
        %gather3A_1988 = tpu.dynamic_gather %add3A_1986[%gather3A] in [0] : vector<16xf32>, vector<16xi32> -> vector<16xf32>
        %add3A_1989 = arith.addf %add3A_1986, %gather3A_1988 : vector<16xf32>
        %broadcast_in_dim3A_1990 = vector.shape_cast %and3A_11 : vector<16xi32> to vector<16x1xi32>
        %gather3A_1991 = vector.shape_cast %broadcast_in_dim3A_1990 : vector<16x1xi32> to vector<16xi32>
        %gather3A_1992 = tpu.dynamic_gather %add3A_1989[%gather3A_1991] in [0] : vector<16xf32>, vector<16xi32> -> vector<16xf32>
        %add3A_1993 = arith.addf %add3A_1989, %gather3A_1992 : vector<16xf32>
        %broadcast_in_dim3A_1994 = vector.shape_cast %and3A_17 : vector<16xi32> to vector<16x1xi32>
        %gather3A_1995 = vector.shape_cast %broadcast_in_dim3A_1994 : vector<16x1xi32> to vector<16xi32>
        %gather3A_1996 = tpu.dynamic_gather %add3A_1993[%gather3A_1995] in [0] : vector<16xf32>, vector<16xi32> -> vector<16xf32>
        %add3A_1997 = arith.addf %add3A_1993, %gather3A_1996 : vector<16xf32>
        %broadcast_in_dim3A_1998 = vector.shape_cast %and3A_23 : vector<16xi32> to vector<16x1xi32>
        %gather3A_1999 = vector.shape_cast %broadcast_in_dim3A_1998 : vector<16x1xi32> to vector<16xi32>
        %gather3A_2000 = tpu.dynamic_gather %add3A_1997[%gather3A_1999] in [0] : vector<16xf32>, vector<16xi32> -> vector<16xf32>
        %add3A_2001 = arith.addf %add3A_1997, %gather3A_2000 : vector<16xf32>
        %eq3A = vector.broadcast %scan3A_1077 : i32 to vector<16xi32>
        %eq3A_2002 = arith.cmpi eq, %iota3A, %eq3A : vector<16xi32>
        %select_n3A = arith.select %eq3A_2002, %add3A_2001, %scan3A_1078 : vector<16xi1>, vector<16xf32>
        scf.yield %select_n3A : vector<16xf32>
      }
      %scan3A_944 = arith.constant 16 : i32
      %mul3A_945 = vector.broadcast %scan3A_288 : f32 to vector<16xf32>
      %mul3A_946 = arith.mulf %scan3A_943, %mul3A_945 : vector<16xf32>
      %mul3A_947 = arith.constant 16 : i32
      %mul3A_948 = arith.muli %add3A_561, %mul3A_947 : i32
      %multiple_of3A_949 = tpu.assume_multiple %mul3A_948, 16 : i32
      %swap3A_950 = arith.index_cast %multiple_of3A_949 : i32 to index
      %swap3A_951 = tpu.vector_load %arg13[%swap3A_950] {strides = array<i32>} : memref<1024xf32, #tpu.memory_space<vmem>>, vector<16xf32>,
      %swap3A_952 = vector.shape_cast %swap3A_951 : vector<16xf32> to vector<16xf32>
      %swap3A_953 = vector.shape_cast %mul3A_946 : vector<16xf32> to vector<16xf32>
      tpu.vector_store %arg13[%swap3A_950], %swap3A_953 {strides = array<i32>} : memref<1024xf32, #tpu.memory_space<vmem>>, vector<16xf32>,
      %add3A_954 = arith.constant 2 : i32
      %add3A_955 = arith.addi %add3A_561, %add3A_954 : i32
      %and3A_956 = arith.constant 63 : i32
      %and3A_957 = arith.andi %add3A_955, %and3A_956 : i32
      %mul3A_958 = arith.constant 5 : i32
      %mul3A_959 = arith.muli %and3A_957, %mul3A_958 : i32
      %add3A_960 = arith.constant 0 : i32
      %add3A_961 = arith.addi %mul3A_959, %add3A_960 : i32
      %shift_right_logical3A_962 = arith.constant 1 : i32
      %shift_right_logical3A_963 = arith.shrui %add3A_961, %shift_right_logical3A_962 : i32
      %and3A_964 = arith.constant 1 : i32
      %and3A_965 = arith.andi %add3A_961, %and3A_964 : i32
      %mul3A_966 = arith.constant 64 : i32
      %mul3A_967 = arith.muli %and3A_965, %mul3A_966 : i32
      %dma_start3A_968 = arith.constant 0 : i32
      %dma_start3A_969 = arith.constant 0 : i32
      %dma_start3A_970 = tpu.memref_slice %arg11[%scan3A_289, %dma_start3A_968, %dma_start3A_969] : memref<2x320x64xf32, #tpu.memory_space<vmem>> -> memref<1x320x64xf32, #tpu.memory_space<vmem>>
      %dma_start3A_971 = tpu.memref_squeeze %dma_start3A_970 : memref<1x320x64xf32, #tpu.memory_space<vmem>> -> memref<320x64xf32, #tpu.memory_space<vmem>>
      %dma_start3A_972 = arith.constant 0 : i32
      %dma_start3A_973 = arith.constant 0 : i32
      %dma_start3A_974 = tpu.memref_slice %dma_start3A_971[%dma_start3A_972, %dma_start3A_973] : memref<320x64xf32, #tpu.memory_space<vmem>> -> memref<64x64xf32, #tpu.memory_space<vmem>>
      %dma_start3A_975 = tpu.memref_slice %arg10[%shift_right_logical3A_963, %mul3A_967] : memref<168x128xi32, #tpu.memory_space<vmem>> -> memref<1x64xi32, #tpu.memory_space<vmem>>
      %dma_start3A_976 = tpu.memref_squeeze %dma_start3A_975 : memref<1x64xi32, #tpu.memory_space<vmem>> -> memref<64xi32, #tpu.memory_space<vmem>>
      %dma_start3A_977 = arith.constant 0 : i32
      %dma_start3A_978 = arith.constant 0 : i32
      %dma_start3A_979 = tpu.memref_slice %arg2[%dma_start3A_977, %dma_start3A_978] : memref<199999x64xf32, #tpu.memory_space<hbm>> -> memref<199999x64xf32, #tpu.memory_space<hbm>>
      tpu.enqueue_indirect_dma source(%dma_start3A_979 : memref<199999x64xf32, #tpu.memory_space<hbm>>) target(%dma_start3A_974 : memref<64x64xf32, #tpu.memory_space<vmem>>) offsets(%dma_start3A_976 : memref<64xi32, #tpu.memory_space<vmem>>) semaphore(%arg15 : memref<!tpu.dma_semaphore, #tpu.memory_space<semaphore_mem>>)
      %add3A_980 = arith.constant 1 : i32
      %add3A_981 = arith.addi %mul3A_959, %add3A_980 : i32
      %shift_right_logical3A_982 = arith.constant 1 : i32
      %shift_right_logical3A_983 = arith.shrui %add3A_981, %shift_right_logical3A_982 : i32
      %and3A_984 = arith.constant 1 : i32
      %and3A_985 = arith.andi %add3A_981, %and3A_984 : i32
      %mul3A_986 = arith.constant 64 : i32
      %mul3A_987 = arith.muli %and3A_985, %mul3A_986 : i32
      %dma_start3A_988 = arith.constant 0 : i32
      %dma_start3A_989 = arith.constant 0 : i32
      %dma_start3A_990 = tpu.memref_slice %arg11[%scan3A_289, %dma_start3A_988, %dma_start3A_989] : memref<2x320x64xf32, #tpu.memory_space<vmem>> -> memref<1x320x64xf32, #tpu.memory_space<vmem>>
      %dma_start3A_991 = tpu.memref_squeeze %dma_start3A_990 : memref<1x320x64xf32, #tpu.memory_space<vmem>> -> memref<320x64xf32, #tpu.memory_space<vmem>>
      %dma_start3A_992 = arith.constant 64 : i32
      %dma_start3A_993 = arith.constant 0 : i32
      %dma_start3A_994 = tpu.memref_slice %dma_start3A_991[%dma_start3A_992, %dma_start3A_993] : memref<320x64xf32, #tpu.memory_space<vmem>> -> memref<64x64xf32, #tpu.memory_space<vmem>>
      %dma_start3A_995 = tpu.memref_slice %arg10[%shift_right_logical3A_983, %mul3A_987] : memref<168x128xi32, #tpu.memory_space<vmem>> -> memref<1x64xi32, #tpu.memory_space<vmem>>
      %dma_start3A_996 = tpu.memref_squeeze %dma_start3A_995 : memref<1x64xi32, #tpu.memory_space<vmem>> -> memref<64xi32, #tpu.memory_space<vmem>>
      %dma_start3A_997 = arith.constant 0 : i32
      %dma_start3A_998 = arith.constant 0 : i32
      %dma_start3A_999 = tpu.memref_slice %arg2[%dma_start3A_997, %dma_start3A_998] : memref<199999x64xf32, #tpu.memory_space<hbm>> -> memref<199999x64xf32, #tpu.memory_space<hbm>>
      tpu.enqueue_indirect_dma source(%dma_start3A_999 : memref<199999x64xf32, #tpu.memory_space<hbm>>) target(%dma_start3A_994 : memref<64x64xf32, #tpu.memory_space<vmem>>) offsets(%dma_start3A_996 : memref<64xi32, #tpu.memory_space<vmem>>) semaphore(%arg15 : memref<!tpu.dma_semaphore, #tpu.memory_space<semaphore_mem>>)
      %add3A_1000 = arith.constant 2 : i32
      %add3A_1001 = arith.addi %mul3A_959, %add3A_1000 : i32
      %shift_right_logical3A_1002 = arith.constant 1 : i32
      %shift_right_logical3A_1003 = arith.shrui %add3A_1001, %shift_right_logical3A_1002 : i32
      %and3A_1004 = arith.constant 1 : i32
      %and3A_1005 = arith.andi %add3A_1001, %and3A_1004 : i32
      %mul3A_1006 = arith.constant 64 : i32
      %mul3A_1007 = arith.muli %and3A_1005, %mul3A_1006 : i32
      %dma_start3A_1008 = arith.constant 0 : i32
      %dma_start3A_1009 = arith.constant 0 : i32
      %dma_start3A_1010 = tpu.memref_slice %arg11[%scan3A_289, %dma_start3A_1008, %dma_start3A_1009] : memref<2x320x64xf32, #tpu.memory_space<vmem>> -> memref<1x320x64xf32, #tpu.memory_space<vmem>>
      %dma_start3A_1011 = tpu.memref_squeeze %dma_start3A_1010 : memref<1x320x64xf32, #tpu.memory_space<vmem>> -> memref<320x64xf32, #tpu.memory_space<vmem>>
      %dma_start3A_1012 = arith.constant 128 : i32
      %dma_start3A_1013 = arith.constant 0 : i32
      %dma_start3A_1014 = tpu.memref_slice %dma_start3A_1011[%dma_start3A_1012, %dma_start3A_1013] : memref<320x64xf32, #tpu.memory_space<vmem>> -> memref<64x64xf32, #tpu.memory_space<vmem>>
      %dma_start3A_1015 = tpu.memref_slice %arg10[%shift_right_logical3A_1003, %mul3A_1007] : memref<168x128xi32, #tpu.memory_space<vmem>> -> memref<1x64xi32, #tpu.memory_space<vmem>>
      %dma_start3A_1016 = tpu.memref_squeeze %dma_start3A_1015 : memref<1x64xi32, #tpu.memory_space<vmem>> -> memref<64xi32, #tpu.memory_space<vmem>>
      %dma_start3A_1017 = arith.constant 0 : i32
      %dma_start3A_1018 = arith.constant 0 : i32
      %dma_start3A_1019 = tpu.memref_slice %arg2[%dma_start3A_1017, %dma_start3A_1018] : memref<199999x64xf32, #tpu.memory_space<hbm>> -> memref<199999x64xf32, #tpu.memory_space<hbm>>
      tpu.enqueue_indirect_dma source(%dma_start3A_1019 : memref<199999x64xf32, #tpu.memory_space<hbm>>) target(%dma_start3A_1014 : memref<64x64xf32, #tpu.memory_space<vmem>>) offsets(%dma_start3A_1016 : memref<64xi32, #tpu.memory_space<vmem>>) semaphore(%arg15 : memref<!tpu.dma_semaphore, #tpu.memory_space<semaphore_mem>>)
      %add3A_1020 = arith.constant 3 : i32
      %add3A_1021 = arith.addi %mul3A_959, %add3A_1020 : i32
      %shift_right_logical3A_1022 = arith.constant 1 : i32
      %shift_right_logical3A_1023 = arith.shrui %add3A_1021, %shift_right_logical3A_1022 : i32
      %and3A_1024 = arith.constant 1 : i32
      %and3A_1025 = arith.andi %add3A_1021, %and3A_1024 : i32
      %mul3A_1026 = arith.constant 64 : i32
      %mul3A_1027 = arith.muli %and3A_1025, %mul3A_1026 : i32
      %dma_start3A_1028 = arith.constant 0 : i32
      %dma_start3A_1029 = arith.constant 0 : i32
      %dma_start3A_1030 = tpu.memref_slice %arg11[%scan3A_289, %dma_start3A_1028, %dma_start3A_1029] : memref<2x320x64xf32, #tpu.memory_space<vmem>> -> memref<1x320x64xf32, #tpu.memory_space<vmem>>
      %dma_start3A_1031 = tpu.memref_squeeze %dma_start3A_1030 : memref<1x320x64xf32, #tpu.memory_space<vmem>> -> memref<320x64xf32, #tpu.memory_space<vmem>>
      %dma_start3A_1032 = arith.constant 192 : i32
      %dma_start3A_1033 = arith.constant 0 : i32
      %dma_start3A_1034 = tpu.memref_slice %dma_start3A_1031[%dma_start3A_1032, %dma_start3A_1033] : memref<320x64xf32, #tpu.memory_space<vmem>> -> memref<64x64xf32, #tpu.memory_space<vmem>>
      %dma_start3A_1035 = tpu.memref_slice %arg10[%shift_right_logical3A_1023, %mul3A_1027] : memref<168x128xi32, #tpu.memory_space<vmem>> -> memref<1x64xi32, #tpu.memory_space<vmem>>
      %dma_start3A_1036 = tpu.memref_squeeze %dma_start3A_1035 : memref<1x64xi32, #tpu.memory_space<vmem>> -> memref<64xi32, #tpu.memory_space<vmem>>
      %dma_start3A_1037 = arith.constant 0 : i32
      %dma_start3A_1038 = arith.constant 0 : i32
      %dma_start3A_1039 = tpu.memref_slice %arg2[%dma_start3A_1037, %dma_start3A_1038] : memref<199999x64xf32, #tpu.memory_space<hbm>> -> memref<199999x64xf32, #tpu.memory_space<hbm>>
      tpu.enqueue_indirect_dma source(%dma_start3A_1039 : memref<199999x64xf32, #tpu.memory_space<hbm>>) target(%dma_start3A_1034 : memref<64x64xf32, #tpu.memory_space<vmem>>) offsets(%dma_start3A_1036 : memref<64xi32, #tpu.memory_space<vmem>>) semaphore(%arg15 : memref<!tpu.dma_semaphore, #tpu.memory_space<semaphore_mem>>)
      %add3A_1040 = arith.constant 4 : i32
      %add3A_1041 = arith.addi %mul3A_959, %add3A_1040 : i32
      %shift_right_logical3A_1042 = arith.constant 1 : i32
      %shift_right_logical3A_1043 = arith.shrui %add3A_1041, %shift_right_logical3A_1042 : i32
      %and3A_1044 = arith.constant 1 : i32
      %and3A_1045 = arith.andi %add3A_1041, %and3A_1044 : i32
      %mul3A_1046 = arith.constant 64 : i32
      %mul3A_1047 = arith.muli %and3A_1045, %mul3A_1046 : i32
      %dma_start3A_1048 = arith.constant 0 : i32
      %dma_start3A_1049 = arith.constant 0 : i32
      %dma_start3A_1050 = tpu.memref_slice %arg11[%scan3A_289, %dma_start3A_1048, %dma_start3A_1049] : memref<2x320x64xf32, #tpu.memory_space<vmem>> -> memref<1x320x64xf32, #tpu.memory_space<vmem>>
      %dma_start3A_1051 = tpu.memref_squeeze %dma_start3A_1050 : memref<1x320x64xf32, #tpu.memory_space<vmem>> -> memref<320x64xf32, #tpu.memory_space<vmem>>
      %dma_start3A_1052 = arith.constant 256 : i32
      %dma_start3A_1053 = arith.constant 0 : i32
      %dma_start3A_1054 = tpu.memref_slice %dma_start3A_1051[%dma_start3A_1052, %dma_start3A_1053] : memref<320x64xf32, #tpu.memory_space<vmem>> -> memref<64x64xf32, #tpu.memory_space<vmem>>
      %dma_start3A_1055 = tpu.memref_slice %arg10[%shift_right_logical3A_1043, %mul3A_1047] : memref<168x128xi32, #tpu.memory_space<vmem>> -> memref<1x64xi32, #tpu.memory_space<vmem>>
      %dma_start3A_1056 = tpu.memref_squeeze %dma_start3A_1055 : memref<1x64xi32, #tpu.memory_space<vmem>> -> memref<64xi32, #tpu.memory_space<vmem>>
      %dma_start3A_1057 = arith.constant 0 : i32
      %dma_start3A_1058 = arith.constant 0 : i32
      %dma_start3A_1059 = tpu.memref_slice %arg2[%dma_start3A_1057, %dma_start3A_1058] : memref<199999x64xf32, #tpu.memory_space<hbm>> -> memref<199999x64xf32, #tpu.memory_space<hbm>>
      tpu.enqueue_indirect_dma source(%dma_start3A_1059 : memref<199999x64xf32, #tpu.memory_space<hbm>>) target(%dma_start3A_1054 : memref<64x64xf32, #tpu.memory_space<vmem>>) offsets(%dma_start3A_1056 : memref<64xi32, #tpu.memory_space<vmem>>) semaphore(%arg15 : memref<!tpu.dma_semaphore, #tpu.memory_space<semaphore_mem>>)
      %shift_right_logical3A_1060 = arith.constant 3 : i32
      %shift_right_logical3A_1061 = arith.shrui %and3A_957, %shift_right_logical3A_1060 : i32
      %add3A_1062 = arith.constant 160 : i32
      %add3A_1063 = arith.addi %add3A_1062, %shift_right_logical3A_1061 : i32
      %and3A_1064 = arith.constant 7 : i32
      %and3A_1065 = arith.andi %and3A_957, %and3A_1064 : i32
      %mul3A_1066 = arith.constant 16 : i32
      %mul3A_1067 = arith.muli %and3A_1065, %mul3A_1066 : i32
      %dma_start3A_1068 = arith.constant 0 : i32
      %dma_start3A_1069 = arith.constant 0 : i32
      %dma_start3A_1070 = tpu.memref_slice %arg12[%scan3A_290, %dma_start3A_1068, %dma_start3A_1069] : memref<2x16x64xf32, #tpu.memory_space<vmem>> -> memref<1x16x64xf32, #tpu.memory_space<vmem>>
      %dma_start3A_1071 = tpu.memref_squeeze %dma_start3A_1070 : memref<1x16x64xf32, #tpu.memory_space<vmem>> -> memref<16x64xf32, #tpu.memory_space<vmem>>
      %dma_start3A_1072 = tpu.memref_slice %arg10[%add3A_1063, %mul3A_1067] : memref<168x128xi32, #tpu.memory_space<vmem>> -> memref<1x16xi32, #tpu.memory_space<vmem>>
      %dma_start3A_1073 = tpu.memref_squeeze %dma_start3A_1072 : memref<1x16xi32, #tpu.memory_space<vmem>> -> memref<16xi32, #tpu.memory_space<vmem>>
      %dma_start3A_1074 = arith.constant 0 : i32
      %dma_start3A_1075 = arith.constant 0 : i32
      %dma_start3A_1076 = tpu.memref_slice %arg3[%dma_start3A_1074, %dma_start3A_1075] : memref<199999x64xf32, #tpu.memory_space<hbm>> -> memref<199999x64xf32, #tpu.memory_space<hbm>>
      tpu.enqueue_indirect_dma source(%dma_start3A_1076 : memref<199999x64xf32, #tpu.memory_space<hbm>>) target(%dma_start3A_1071 : memref<16x64xf32, #tpu.memory_space<vmem>>) offsets(%dma_start3A_1073 : memref<16xi32, #tpu.memory_space<vmem>>) semaphore(%arg15 : memref<!tpu.dma_semaphore, #tpu.memory_space<semaphore_mem>>)
    }
    %scan3A_295 = arith.constant 32 : i32
    %mul3A_296 = arith.constant 0 : i32
    %mul3A_297 = arith.constant 5 : i32
    %mul3A_298 = arith.muli %mul3A_296, %mul3A_297 : i32
    %add3A_299 = arith.constant 0 : i32
    %add3A_300 = arith.addi %mul3A_298, %add3A_299 : i32
    %shift_right_logical3A_301 = arith.constant 1 : i32
    %shift_right_logical3A_302 = arith.shrui %add3A_300, %shift_right_logical3A_301 : i32
    %and3A_303 = arith.constant 1 : i32
    %and3A_304 = arith.andi %add3A_300, %and3A_303 : i32
    %mul3A_305 = arith.constant 64 : i32
    %mul3A_306 = arith.muli %and3A_304, %mul3A_305 : i32
    %dma_wait3A = arith.constant 0 : i32
    %dma_wait3A_307 = arith.constant 0 : i32
    %dma_wait3A_308 = arith.constant 0 : i32
    %dma_wait3A_309 = tpu.memref_slice %arg11[%dma_wait3A, %dma_wait3A_307, %dma_wait3A_308] : memref<2x320x64xf32, #tpu.memory_space<vmem>> -> memref<1x320x64xf32, #tpu.memory_space<vmem>>
    %dma_wait3A_310 = tpu.memref_squeeze %dma_wait3A_309 : memref<1x320x64xf32, #tpu.memory_space<vmem>> -> memref<320x64xf32, #tpu.memory_space<vmem>>
    %dma_wait3A_311 = arith.constant 0 : i32
    %dma_wait3A_312 = arith.constant 0 : i32
    %dma_wait3A_313 = tpu.memref_slice %dma_wait3A_310[%dma_wait3A_311, %dma_wait3A_312] : memref<320x64xf32, #tpu.memory_space<vmem>> -> memref<64x64xf32, #tpu.memory_space<vmem>>
    %dma_wait3A_314 = tpu.memref_slice %arg10[%shift_right_logical3A_302, %mul3A_306] : memref<168x128xi32, #tpu.memory_space<vmem>> -> memref<1x64xi32, #tpu.memory_space<vmem>>
    %dma_wait3A_315 = tpu.memref_squeeze %dma_wait3A_314 : memref<1x64xi32, #tpu.memory_space<vmem>> -> memref<64xi32, #tpu.memory_space<vmem>>
    %dma_wait3A_316 = arith.constant 0 : i32
    %dma_wait3A_317 = arith.constant 0 : i32
    %dma_wait3A_318 = tpu.memref_slice %arg2[%dma_wait3A_316, %dma_wait3A_317] : memref<199999x64xf32, #tpu.memory_space<hbm>> -> memref<199999x64xf32, #tpu.memory_space<hbm>>
    tpu.wait_indirect_dma semaphore(%arg14 : memref<!tpu.dma_semaphore, #tpu.memory_space<semaphore_mem>>) src(%dma_wait3A_318 : memref<199999x64xf32, #tpu.memory_space<hbm>>) dst(%dma_wait3A_313 : memref<64x64xf32, #tpu.memory_space<vmem>>)
    %add3A_319 = arith.constant 1 : i32
    %add3A_320 = arith.addi %mul3A_298, %add3A_319 : i32
    %shift_right_logical3A_321 = arith.constant 1 : i32
    %shift_right_logical3A_322 = arith.shrui %add3A_320, %shift_right_logical3A_321 : i32
    %and3A_323 = arith.constant 1 : i32
    %and3A_324 = arith.andi %add3A_320, %and3A_323 : i32
    %mul3A_325 = arith.constant 64 : i32
    %mul3A_326 = arith.muli %and3A_324, %mul3A_325 : i32
    %dma_wait3A_327 = arith.constant 0 : i32
    %dma_wait3A_328 = arith.constant 0 : i32
    %dma_wait3A_329 = arith.constant 0 : i32
    %dma_wait3A_330 = tpu.memref_slice %arg11[%dma_wait3A_327, %dma_wait3A_328, %dma_wait3A_329] : memref<2x320x64xf32, #tpu.memory_space<vmem>> -> memref<1x320x64xf32, #tpu.memory_space<vmem>>
    %dma_wait3A_331 = tpu.memref_squeeze %dma_wait3A_330 : memref<1x320x64xf32, #tpu.memory_space<vmem>> -> memref<320x64xf32, #tpu.memory_space<vmem>>
    %dma_wait3A_332 = arith.constant 64 : i32
    %dma_wait3A_333 = arith.constant 0 : i32
    %dma_wait3A_334 = tpu.memref_slice %dma_wait3A_331[%dma_wait3A_332, %dma_wait3A_333] : memref<320x64xf32, #tpu.memory_space<vmem>> -> memref<64x64xf32, #tpu.memory_space<vmem>>
    %dma_wait3A_335 = tpu.memref_slice %arg10[%shift_right_logical3A_322, %mul3A_326] : memref<168x128xi32, #tpu.memory_space<vmem>> -> memref<1x64xi32, #tpu.memory_space<vmem>>
    %dma_wait3A_336 = tpu.memref_squeeze %dma_wait3A_335 : memref<1x64xi32, #tpu.memory_space<vmem>> -> memref<64xi32, #tpu.memory_space<vmem>>
    %dma_wait3A_337 = arith.constant 0 : i32
    %dma_wait3A_338 = arith.constant 0 : i32
    %dma_wait3A_339 = tpu.memref_slice %arg2[%dma_wait3A_337, %dma_wait3A_338] : memref<199999x64xf32, #tpu.memory_space<hbm>> -> memref<199999x64xf32, #tpu.memory_space<hbm>>
    tpu.wait_indirect_dma semaphore(%arg14 : memref<!tpu.dma_semaphore, #tpu.memory_space<semaphore_mem>>) src(%dma_wait3A_339 : memref<199999x64xf32, #tpu.memory_space<hbm>>) dst(%dma_wait3A_334 : memref<64x64xf32, #tpu.memory_space<vmem>>)
    %add3A_340 = arith.constant 2 : i32
    %add3A_341 = arith.addi %mul3A_298, %add3A_340 : i32
    %shift_right_logical3A_342 = arith.constant 1 : i32
    %shift_right_logical3A_343 = arith.shrui %add3A_341, %shift_right_logical3A_342 : i32
    %and3A_344 = arith.constant 1 : i32
    %and3A_345 = arith.andi %add3A_341, %and3A_344 : i32
    %mul3A_346 = arith.constant 64 : i32
    %mul3A_347 = arith.muli %and3A_345, %mul3A_346 : i32
    %dma_wait3A_348 = arith.constant 0 : i32
    %dma_wait3A_349 = arith.constant 0 : i32
    %dma_wait3A_350 = arith.constant 0 : i32
    %dma_wait3A_351 = tpu.memref_slice %arg11[%dma_wait3A_348, %dma_wait3A_349, %dma_wait3A_350] : memref<2x320x64xf32, #tpu.memory_space<vmem>> -> memref<1x320x64xf32, #tpu.memory_space<vmem>>
    %dma_wait3A_352 = tpu.memref_squeeze %dma_wait3A_351 : memref<1x320x64xf32, #tpu.memory_space<vmem>> -> memref<320x64xf32, #tpu.memory_space<vmem>>
    %dma_wait3A_353 = arith.constant 128 : i32
    %dma_wait3A_354 = arith.constant 0 : i32
    %dma_wait3A_355 = tpu.memref_slice %dma_wait3A_352[%dma_wait3A_353, %dma_wait3A_354] : memref<320x64xf32, #tpu.memory_space<vmem>> -> memref<64x64xf32, #tpu.memory_space<vmem>>
    %dma_wait3A_356 = tpu.memref_slice %arg10[%shift_right_logical3A_343, %mul3A_347] : memref<168x128xi32, #tpu.memory_space<vmem>> -> memref<1x64xi32, #tpu.memory_space<vmem>>
    %dma_wait3A_357 = tpu.memref_squeeze %dma_wait3A_356 : memref<1x64xi32, #tpu.memory_space<vmem>> -> memref<64xi32, #tpu.memory_space<vmem>>
    %dma_wait3A_358 = arith.constant 0 : i32
    %dma_wait3A_359 = arith.constant 0 : i32
    %dma_wait3A_360 = tpu.memref_slice %arg2[%dma_wait3A_358, %dma_wait3A_359] : memref<199999x64xf32, #tpu.memory_space<hbm>> -> memref<199999x64xf32, #tpu.memory_space<hbm>>
    tpu.wait_indirect_dma semaphore(%arg14 : memref<!tpu.dma_semaphore, #tpu.memory_space<semaphore_mem>>) src(%dma_wait3A_360 : memref<199999x64xf32, #tpu.memory_space<hbm>>) dst(%dma_wait3A_355 : memref<64x64xf32, #tpu.memory_space<vmem>>)
    %add3A_361 = arith.constant 3 : i32
    %add3A_362 = arith.addi %mul3A_298, %add3A_361 : i32
    %shift_right_logical3A_363 = arith.constant 1 : i32
    %shift_right_logical3A_364 = arith.shrui %add3A_362, %shift_right_logical3A_363 : i32
    %and3A_365 = arith.constant 1 : i32
    %and3A_366 = arith.andi %add3A_362, %and3A_365 : i32
    %mul3A_367 = arith.constant 64 : i32
    %mul3A_368 = arith.muli %and3A_366, %mul3A_367 : i32
    %dma_wait3A_369 = arith.constant 0 : i32
    %dma_wait3A_370 = arith.constant 0 : i32
    %dma_wait3A_371 = arith.constant 0 : i32
    %dma_wait3A_372 = tpu.memref_slice %arg11[%dma_wait3A_369, %dma_wait3A_370, %dma_wait3A_371] : memref<2x320x64xf32, #tpu.memory_space<vmem>> -> memref<1x320x64xf32, #tpu.memory_space<vmem>>
    %dma_wait3A_373 = tpu.memref_squeeze %dma_wait3A_372 : memref<1x320x64xf32, #tpu.memory_space<vmem>> -> memref<320x64xf32, #tpu.memory_space<vmem>>
    %dma_wait3A_374 = arith.constant 192 : i32
    %dma_wait3A_375 = arith.constant 0 : i32
    %dma_wait3A_376 = tpu.memref_slice %dma_wait3A_373[%dma_wait3A_374, %dma_wait3A_375] : memref<320x64xf32, #tpu.memory_space<vmem>> -> memref<64x64xf32, #tpu.memory_space<vmem>>
    %dma_wait3A_377 = tpu.memref_slice %arg10[%shift_right_logical3A_364, %mul3A_368] : memref<168x128xi32, #tpu.memory_space<vmem>> -> memref<1x64xi32, #tpu.memory_space<vmem>>
    %dma_wait3A_378 = tpu.memref_squeeze %dma_wait3A_377 : memref<1x64xi32, #tpu.memory_space<vmem>> -> memref<64xi32, #tpu.memory_space<vmem>>
    %dma_wait3A_379 = arith.constant 0 : i32
    %dma_wait3A_380 = arith.constant 0 : i32
    %dma_wait3A_381 = tpu.memref_slice %arg2[%dma_wait3A_379, %dma_wait3A_380] : memref<199999x64xf32, #tpu.memory_space<hbm>> -> memref<199999x64xf32, #tpu.memory_space<hbm>>
    tpu.wait_indirect_dma semaphore(%arg14 : memref<!tpu.dma_semaphore, #tpu.memory_space<semaphore_mem>>) src(%dma_wait3A_381 : memref<199999x64xf32, #tpu.memory_space<hbm>>) dst(%dma_wait3A_376 : memref<64x64xf32, #tpu.memory_space<vmem>>)
    %add3A_382 = arith.constant 4 : i32
    %add3A_383 = arith.addi %mul3A_298, %add3A_382 : i32
    %shift_right_logical3A_384 = arith.constant 1 : i32
    %shift_right_logical3A_385 = arith.shrui %add3A_383, %shift_right_logical3A_384 : i32
    %and3A_386 = arith.constant 1 : i32
    %and3A_387 = arith.andi %add3A_383, %and3A_386 : i32
    %mul3A_388 = arith.constant 64 : i32
    %mul3A_389 = arith.muli %and3A_387, %mul3A_388 : i32
    %dma_wait3A_390 = arith.constant 0 : i32
    %dma_wait3A_391 = arith.constant 0 : i32
    %dma_wait3A_392 = arith.constant 0 : i32
    %dma_wait3A_393 = tpu.memref_slice %arg11[%dma_wait3A_390, %dma_wait3A_391, %dma_wait3A_392] : memref<2x320x64xf32, #tpu.memory_space<vmem>> -> memref<1x320x64xf32, #tpu.memory_space<vmem>>
    %dma_wait3A_394 = tpu.memref_squeeze %dma_wait3A_393 : memref<1x320x64xf32, #tpu.memory_space<vmem>> -> memref<320x64xf32, #tpu.memory_space<vmem>>
    %dma_wait3A_395 = arith.constant 256 : i32
    %dma_wait3A_396 = arith.constant 0 : i32
    %dma_wait3A_397 = tpu.memref_slice %dma_wait3A_394[%dma_wait3A_395, %dma_wait3A_396] : memref<320x64xf32, #tpu.memory_space<vmem>> -> memref<64x64xf32, #tpu.memory_space<vmem>>
    %dma_wait3A_398 = tpu.memref_slice %arg10[%shift_right_logical3A_385, %mul3A_389] : memref<168x128xi32, #tpu.memory_space<vmem>> -> memref<1x64xi32, #tpu.memory_space<vmem>>
    %dma_wait3A_399 = tpu.memref_squeeze %dma_wait3A_398 : memref<1x64xi32, #tpu.memory_space<vmem>> -> memref<64xi32, #tpu.memory_space<vmem>>
    %dma_wait3A_400 = arith.constant 0 : i32
    %dma_wait3A_401 = arith.constant 0 : i32
    %dma_wait3A_402 = tpu.memref_slice %arg2[%dma_wait3A_400, %dma_wait3A_401] : memref<199999x64xf32, #tpu.memory_space<hbm>> -> memref<199999x64xf32, #tpu.memory_space<hbm>>
    tpu.wait_indirect_dma semaphore(%arg14 : memref<!tpu.dma_semaphore, #tpu.memory_space<semaphore_mem>>) src(%dma_wait3A_402 : memref<199999x64xf32, #tpu.memory_space<hbm>>) dst(%dma_wait3A_397 : memref<64x64xf32, #tpu.memory_space<vmem>>)
    %shift_right_logical3A_403 = arith.constant 0 : i32
    %shift_right_logical3A_404 = arith.constant 3 : i32
    %shift_right_logical3A_405 = arith.shrui %shift_right_logical3A_403, %shift_right_logical3A_404 : i32
    %add3A_406 = arith.constant 160 : i32
    %add3A_407 = arith.addi %add3A_406, %shift_right_logical3A_405 : i32
    %and3A_408 = arith.constant 0 : i32
    %and3A_409 = arith.constant 7 : i32
    %and3A_410 = arith.andi %and3A_408, %and3A_409 : i32
    %mul3A_411 = arith.constant 16 : i32
    %mul3A_412 = arith.muli %and3A_410, %mul3A_411 : i32
    %dma_wait3A_413 = arith.constant 0 : i32
    %dma_wait3A_414 = arith.constant 0 : i32
    %dma_wait3A_415 = arith.constant 0 : i32
    %dma_wait3A_416 = tpu.memref_slice %arg12[%dma_wait3A_413, %dma_wait3A_414, %dma_wait3A_415] : memref<2x16x64xf32, #tpu.memory_space<vmem>> -> memref<1x16x64xf32, #tpu.memory_space<vmem>>
    %dma_wait3A_417 = tpu.memref_squeeze %dma_wait3A_416 : memref<1x16x64xf32, #tpu.memory_space<vmem>> -> memref<16x64xf32, #tpu.memory_space<vmem>>
    %dma_wait3A_418 = tpu.memref_slice %arg10[%add3A_407, %mul3A_412] : memref<168x128xi32, #tpu.memory_space<vmem>> -> memref<1x16xi32, #tpu.memory_space<vmem>>
    %dma_wait3A_419 = tpu.memref_squeeze %dma_wait3A_418 : memref<1x16xi32, #tpu.memory_space<vmem>> -> memref<16xi32, #tpu.memory_space<vmem>>
    %dma_wait3A_420 = arith.constant 0 : i32
    %dma_wait3A_421 = arith.constant 0 : i32
    %dma_wait3A_422 = tpu.memref_slice %arg3[%dma_wait3A_420, %dma_wait3A_421] : memref<199999x64xf32, #tpu.memory_space<hbm>> -> memref<199999x64xf32, #tpu.memory_space<hbm>>
    tpu.wait_indirect_dma semaphore(%arg14 : memref<!tpu.dma_semaphore, #tpu.memory_space<semaphore_mem>>) src(%dma_wait3A_422 : memref<199999x64xf32, #tpu.memory_space<hbm>>) dst(%dma_wait3A_417 : memref<16x64xf32, #tpu.memory_space<vmem>>)
    %mul3A_423 = arith.constant 1 : i32
    %mul3A_424 = arith.constant 5 : i32
    %mul3A_425 = arith.muli %mul3A_423, %mul3A_424 : i32
    %add3A_426 = arith.constant 0 : i32
    %add3A_427 = arith.addi %mul3A_425, %add3A_426 : i32
    %shift_right_logical3A_428 = arith.constant 1 : i32
    %shift_right_logical3A_429 = arith.shrui %add3A_427, %shift_right_logical3A_428 : i32
    %and3A_430 = arith.constant 1 : i32
    %and3A_431 = arith.andi %add3A_427, %and3A_430 : i32
    %mul3A_432 = arith.constant 64 : i32
    %mul3A_433 = arith.muli %and3A_431, %mul3A_432 : i32
    %dma_wait3A_434 = arith.constant 1 : i32
    %dma_wait3A_435 = arith.constant 0 : i32
    %dma_wait3A_436 = arith.constant 0 : i32
    %dma_wait3A_437 = tpu.memref_slice %arg11[%dma_wait3A_434, %dma_wait3A_435, %dma_wait3A_436] : memref<2x320x64xf32, #tpu.memory_space<vmem>> -> memref<1x320x64xf32, #tpu.memory_space<vmem>>
    %dma_wait3A_438 = tpu.memref_squeeze %dma_wait3A_437 : memref<1x320x64xf32, #tpu.memory_space<vmem>> -> memref<320x64xf32, #tpu.memory_space<vmem>>
    %dma_wait3A_439 = arith.constant 0 : i32
    %dma_wait3A_440 = arith.constant 0 : i32
    %dma_wait3A_441 = tpu.memref_slice %dma_wait3A_438[%dma_wait3A_439, %dma_wait3A_440] : memref<320x64xf32, #tpu.memory_space<vmem>> -> memref<64x64xf32, #tpu.memory_space<vmem>>
    %dma_wait3A_442 = tpu.memref_slice %arg10[%shift_right_logical3A_429, %mul3A_433] : memref<168x128xi32, #tpu.memory_space<vmem>> -> memref<1x64xi32, #tpu.memory_space<vmem>>
    %dma_wait3A_443 = tpu.memref_squeeze %dma_wait3A_442 : memref<1x64xi32, #tpu.memory_space<vmem>> -> memref<64xi32, #tpu.memory_space<vmem>>
    %dma_wait3A_444 = arith.constant 0 : i32
    %dma_wait3A_445 = arith.constant 0 : i32
    %dma_wait3A_446 = tpu.memref_slice %arg2[%dma_wait3A_444, %dma_wait3A_445] : memref<199999x64xf32, #tpu.memory_space<hbm>> -> memref<199999x64xf32, #tpu.memory_space<hbm>>
    tpu.wait_indirect_dma semaphore(%arg15 : memref<!tpu.dma_semaphore, #tpu.memory_space<semaphore_mem>>) src(%dma_wait3A_446 : memref<199999x64xf32, #tpu.memory_space<hbm>>) dst(%dma_wait3A_441 : memref<64x64xf32, #tpu.memory_space<vmem>>)
    %add3A_447 = arith.constant 1 : i32
    %add3A_448 = arith.addi %mul3A_425, %add3A_447 : i32
    %shift_right_logical3A_449 = arith.constant 1 : i32
    %shift_right_logical3A_450 = arith.shrui %add3A_448, %shift_right_logical3A_449 : i32
    %and3A_451 = arith.constant 1 : i32
    %and3A_452 = arith.andi %add3A_448, %and3A_451 : i32
    %mul3A_453 = arith.constant 64 : i32
    %mul3A_454 = arith.muli %and3A_452, %mul3A_453 : i32
    %dma_wait3A_455 = arith.constant 1 : i32
    %dma_wait3A_456 = arith.constant 0 : i32
    %dma_wait3A_457 = arith.constant 0 : i32
    %dma_wait3A_458 = tpu.memref_slice %arg11[%dma_wait3A_455, %dma_wait3A_456, %dma_wait3A_457] : memref<2x320x64xf32, #tpu.memory_space<vmem>> -> memref<1x320x64xf32, #tpu.memory_space<vmem>>
    %dma_wait3A_459 = tpu.memref_squeeze %dma_wait3A_458 : memref<1x320x64xf32, #tpu.memory_space<vmem>> -> memref<320x64xf32, #tpu.memory_space<vmem>>
    %dma_wait3A_460 = arith.constant 64 : i32
    %dma_wait3A_461 = arith.constant 0 : i32
    %dma_wait3A_462 = tpu.memref_slice %dma_wait3A_459[%dma_wait3A_460, %dma_wait3A_461] : memref<320x64xf32, #tpu.memory_space<vmem>> -> memref<64x64xf32, #tpu.memory_space<vmem>>
    %dma_wait3A_463 = tpu.memref_slice %arg10[%shift_right_logical3A_450, %mul3A_454] : memref<168x128xi32, #tpu.memory_space<vmem>> -> memref<1x64xi32, #tpu.memory_space<vmem>>
    %dma_wait3A_464 = tpu.memref_squeeze %dma_wait3A_463 : memref<1x64xi32, #tpu.memory_space<vmem>> -> memref<64xi32, #tpu.memory_space<vmem>>
    %dma_wait3A_465 = arith.constant 0 : i32
    %dma_wait3A_466 = arith.constant 0 : i32
    %dma_wait3A_467 = tpu.memref_slice %arg2[%dma_wait3A_465, %dma_wait3A_466] : memref<199999x64xf32, #tpu.memory_space<hbm>> -> memref<199999x64xf32, #tpu.memory_space<hbm>>
    tpu.wait_indirect_dma semaphore(%arg15 : memref<!tpu.dma_semaphore, #tpu.memory_space<semaphore_mem>>) src(%dma_wait3A_467 : memref<199999x64xf32, #tpu.memory_space<hbm>>) dst(%dma_wait3A_462 : memref<64x64xf32, #tpu.memory_space<vmem>>)
    %add3A_468 = arith.constant 2 : i32
    %add3A_469 = arith.addi %mul3A_425, %add3A_468 : i32
    %shift_right_logical3A_470 = arith.constant 1 : i32
    %shift_right_logical3A_471 = arith.shrui %add3A_469, %shift_right_logical3A_470 : i32
    %and3A_472 = arith.constant 1 : i32
    %and3A_473 = arith.andi %add3A_469, %and3A_472 : i32
    %mul3A_474 = arith.constant 64 : i32
    %mul3A_475 = arith.muli %and3A_473, %mul3A_474 : i32
    %dma_wait3A_476 = arith.constant 1 : i32
    %dma_wait3A_477 = arith.constant 0 : i32
    %dma_wait3A_478 = arith.constant 0 : i32
    %dma_wait3A_479 = tpu.memref_slice %arg11[%dma_wait3A_476, %dma_wait3A_477, %dma_wait3A_478] : memref<2x320x64xf32, #tpu.memory_space<vmem>> -> memref<1x320x64xf32, #tpu.memory_space<vmem>>
    %dma_wait3A_480 = tpu.memref_squeeze %dma_wait3A_479 : memref<1x320x64xf32, #tpu.memory_space<vmem>> -> memref<320x64xf32, #tpu.memory_space<vmem>>
    %dma_wait3A_481 = arith.constant 128 : i32
    %dma_wait3A_482 = arith.constant 0 : i32
    %dma_wait3A_483 = tpu.memref_slice %dma_wait3A_480[%dma_wait3A_481, %dma_wait3A_482] : memref<320x64xf32, #tpu.memory_space<vmem>> -> memref<64x64xf32, #tpu.memory_space<vmem>>
    %dma_wait3A_484 = tpu.memref_slice %arg10[%shift_right_logical3A_471, %mul3A_475] : memref<168x128xi32, #tpu.memory_space<vmem>> -> memref<1x64xi32, #tpu.memory_space<vmem>>
    %dma_wait3A_485 = tpu.memref_squeeze %dma_wait3A_484 : memref<1x64xi32, #tpu.memory_space<vmem>> -> memref<64xi32, #tpu.memory_space<vmem>>
    %dma_wait3A_486 = arith.constant 0 : i32
    %dma_wait3A_487 = arith.constant 0 : i32
    %dma_wait3A_488 = tpu.memref_slice %arg2[%dma_wait3A_486, %dma_wait3A_487] : memref<199999x64xf32, #tpu.memory_space<hbm>> -> memref<199999x64xf32, #tpu.memory_space<hbm>>
    tpu.wait_indirect_dma semaphore(%arg15 : memref<!tpu.dma_semaphore, #tpu.memory_space<semaphore_mem>>) src(%dma_wait3A_488 : memref<199999x64xf32, #tpu.memory_space<hbm>>) dst(%dma_wait3A_483 : memref<64x64xf32, #tpu.memory_space<vmem>>)
    %add3A_489 = arith.constant 3 : i32
    %add3A_490 = arith.addi %mul3A_425, %add3A_489 : i32
    %shift_right_logical3A_491 = arith.constant 1 : i32
    %shift_right_logical3A_492 = arith.shrui %add3A_490, %shift_right_logical3A_491 : i32
    %and3A_493 = arith.constant 1 : i32
    %and3A_494 = arith.andi %add3A_490, %and3A_493 : i32
    %mul3A_495 = arith.constant 64 : i32
    %mul3A_496 = arith.muli %and3A_494, %mul3A_495 : i32
    %dma_wait3A_497 = arith.constant 1 : i32
    %dma_wait3A_498 = arith.constant 0 : i32
    %dma_wait3A_499 = arith.constant 0 : i32
    %dma_wait3A_500 = tpu.memref_slice %arg11[%dma_wait3A_497, %dma_wait3A_498, %dma_wait3A_499] : memref<2x320x64xf32, #tpu.memory_space<vmem>> -> memref<1x320x64xf32, #tpu.memory_space<vmem>>
    %dma_wait3A_501 = tpu.memref_squeeze %dma_wait3A_500 : memref<1x320x64xf32, #tpu.memory_space<vmem>> -> memref<320x64xf32, #tpu.memory_space<vmem>>
    %dma_wait3A_502 = arith.constant 192 : i32
    %dma_wait3A_503 = arith.constant 0 : i32
    %dma_wait3A_504 = tpu.memref_slice %dma_wait3A_501[%dma_wait3A_502, %dma_wait3A_503] : memref<320x64xf32, #tpu.memory_space<vmem>> -> memref<64x64xf32, #tpu.memory_space<vmem>>
    %dma_wait3A_505 = tpu.memref_slice %arg10[%shift_right_logical3A_492, %mul3A_496] : memref<168x128xi32, #tpu.memory_space<vmem>> -> memref<1x64xi32, #tpu.memory_space<vmem>>
    %dma_wait3A_506 = tpu.memref_squeeze %dma_wait3A_505 : memref<1x64xi32, #tpu.memory_space<vmem>> -> memref<64xi32, #tpu.memory_space<vmem>>
    %dma_wait3A_507 = arith.constant 0 : i32
    %dma_wait3A_508 = arith.constant 0 : i32
    %dma_wait3A_509 = tpu.memref_slice %arg2[%dma_wait3A_507, %dma_wait3A_508] : memref<199999x64xf32, #tpu.memory_space<hbm>> -> memref<199999x64xf32, #tpu.memory_space<hbm>>
    tpu.wait_indirect_dma semaphore(%arg15 : memref<!tpu.dma_semaphore, #tpu.memory_space<semaphore_mem>>) src(%dma_wait3A_509 : memref<199999x64xf32, #tpu.memory_space<hbm>>) dst(%dma_wait3A_504 : memref<64x64xf32, #tpu.memory_space<vmem>>)
    %add3A_510 = arith.constant 4 : i32
    %add3A_511 = arith.addi %mul3A_425, %add3A_510 : i32
    %shift_right_logical3A_512 = arith.constant 1 : i32
    %shift_right_logical3A_513 = arith.shrui %add3A_511, %shift_right_logical3A_512 : i32
    %and3A_514 = arith.constant 1 : i32
    %and3A_515 = arith.andi %add3A_511, %and3A_514 : i32
    %mul3A_516 = arith.constant 64 : i32
    %mul3A_517 = arith.muli %and3A_515, %mul3A_516 : i32
    %dma_wait3A_518 = arith.constant 1 : i32
    %dma_wait3A_519 = arith.constant 0 : i32
    %dma_wait3A_520 = arith.constant 0 : i32
    %dma_wait3A_521 = tpu.memref_slice %arg11[%dma_wait3A_518, %dma_wait3A_519, %dma_wait3A_520] : memref<2x320x64xf32, #tpu.memory_space<vmem>> -> memref<1x320x64xf32, #tpu.memory_space<vmem>>
    %dma_wait3A_522 = tpu.memref_squeeze %dma_wait3A_521 : memref<1x320x64xf32, #tpu.memory_space<vmem>> -> memref<320x64xf32, #tpu.memory_space<vmem>>
    %dma_wait3A_523 = arith.constant 256 : i32
    %dma_wait3A_524 = arith.constant 0 : i32
    %dma_wait3A_525 = tpu.memref_slice %dma_wait3A_522[%dma_wait3A_523, %dma_wait3A_524] : memref<320x64xf32, #tpu.memory_space<vmem>> -> memref<64x64xf32, #tpu.memory_space<vmem>>
    %dma_wait3A_526 = tpu.memref_slice %arg10[%shift_right_logical3A_513, %mul3A_517] : memref<168x128xi32, #tpu.memory_space<vmem>> -> memref<1x64xi32, #tpu.memory_space<vmem>>
    %dma_wait3A_527 = tpu.memref_squeeze %dma_wait3A_526 : memref<1x64xi32, #tpu.memory_space<vmem>> -> memref<64xi32, #tpu.memory_space<vmem>>
    %dma_wait3A_528 = arith.constant 0 : i32
    %dma_wait3A_529 = arith.constant 0 : i32
    %dma_wait3A_530 = tpu.memref_slice %arg2[%dma_wait3A_528, %dma_wait3A_529] : memref<199999x64xf32, #tpu.memory_space<hbm>> -> memref<199999x64xf32, #tpu.memory_space<hbm>>
    tpu.wait_indirect_dma semaphore(%arg15 : memref<!tpu.dma_semaphore, #tpu.memory_space<semaphore_mem>>) src(%dma_wait3A_530 : memref<199999x64xf32, #tpu.memory_space<hbm>>) dst(%dma_wait3A_525 : memref<64x64xf32, #tpu.memory_space<vmem>>)
    %shift_right_logical3A_531 = arith.constant 1 : i32
    %shift_right_logical3A_532 = arith.constant 3 : i32
    %shift_right_logical3A_533 = arith.shrui %shift_right_logical3A_531, %shift_right_logical3A_532 : i32
    %add3A_534 = arith.constant 160 : i32
    %add3A_535 = arith.addi %add3A_534, %shift_right_logical3A_533 : i32
    %and3A_536 = arith.constant 1 : i32
    %and3A_537 = arith.constant 7 : i32
    %and3A_538 = arith.andi %and3A_536, %and3A_537 : i32
    %mul3A_539 = arith.constant 16 : i32
    %mul3A_540 = arith.muli %and3A_538, %mul3A_539 : i32
    %dma_wait3A_541 = arith.constant 1 : i32
    %dma_wait3A_542 = arith.constant 0 : i32
    %dma_wait3A_543 = arith.constant 0 : i32
    %dma_wait3A_544 = tpu.memref_slice %arg12[%dma_wait3A_541, %dma_wait3A_542, %dma_wait3A_543] : memref<2x16x64xf32, #tpu.memory_space<vmem>> -> memref<1x16x64xf32, #tpu.memory_space<vmem>>
    %dma_wait3A_545 = tpu.memref_squeeze %dma_wait3A_544 : memref<1x16x64xf32, #tpu.memory_space<vmem>> -> memref<16x64xf32, #tpu.memory_space<vmem>>
    %dma_wait3A_546 = tpu.memref_slice %arg10[%add3A_535, %mul3A_540] : memref<168x128xi32, #tpu.memory_space<vmem>> -> memref<1x16xi32, #tpu.memory_space<vmem>>
    %dma_wait3A_547 = tpu.memref_squeeze %dma_wait3A_546 : memref<1x16xi32, #tpu.memory_space<vmem>> -> memref<16xi32, #tpu.memory_space<vmem>>
    %dma_wait3A_548 = arith.constant 0 : i32
    %dma_wait3A_549 = arith.constant 0 : i32
    %dma_wait3A_550 = tpu.memref_slice %arg3[%dma_wait3A_548, %dma_wait3A_549] : memref<199999x64xf32, #tpu.memory_space<hbm>> -> memref<199999x64xf32, #tpu.memory_space<hbm>>
    tpu.wait_indirect_dma semaphore(%arg15 : memref<!tpu.dma_semaphore, #tpu.memory_space<semaphore_mem>>) src(%dma_wait3A_550 : memref<199999x64xf32, #tpu.memory_space<hbm>>) dst(%dma_wait3A_545 : memref<16x64xf32, #tpu.memory_space<vmem>>)
    %mul3A_551 = arith.constant 512 : i32
    %mul3A_552 = arith.muli %add3A, %mul3A_551 : i32
    "tpu.region"() ({
      %run_scoped3A = tpu.sem_alloc : memref<!tpu.dma_semaphore, #tpu.memory_space<semaphore_mem>>
      %dma_start3A_555 = arith.constant 0 : i32
      %dma_start3A_556 = tpu.memref_slice %arg13[%dma_start3A_555] : memref<1024xf32, #tpu.memory_space<vmem>> -> memref<512xf32, #tpu.memory_space<vmem>>
      %dma_start3A_557 = tpu.memref_slice %arg8[%mul3A_552] : memref<16384xf32, #tpu.memory_space<hbm>> -> memref<512xf32, #tpu.memory_space<hbm>>
      %dma_start3A_558 = tpu.memref_slice %arg8[%mul3A_552] : memref<16384xf32, #tpu.memory_space<hbm>> -> memref<512xf32, #tpu.memory_space<hbm>>
      %dma_start3A_559 = arith.constant 0 : i32
      %dma_start3A_560 = tpu.memref_slice %arg13[%dma_start3A_559] : memref<1024xf32, #tpu.memory_space<vmem>> -> memref<512xf32, #tpu.memory_space<vmem>>
      tpu.enqueue_dma source(%dma_start3A_560 : memref<512xf32, #tpu.memory_space<vmem>>) target(%dma_start3A_558 : memref<512xf32, #tpu.memory_space<hbm>>) target_semaphore(%run_scoped3A : memref<!tpu.dma_semaphore, #tpu.memory_space<semaphore_mem>>)
      %dma_wait3A_561 = arith.constant 0 : i32
      %dma_wait3A_562 = tpu.memref_slice %arg13[%dma_wait3A_561] : memref<1024xf32, #tpu.memory_space<vmem>> -> memref<512xf32, #tpu.memory_space<vmem>>
      %dma_wait3A_563 = tpu.memref_slice %arg8[%mul3A_552] : memref<16384xf32, #tpu.memory_space<hbm>> -> memref<512xf32, #tpu.memory_space<hbm>>
      %dma_wait3A_564 = tpu.memref_slice %arg8[%mul3A_552] : memref<16384xf32, #tpu.memory_space<hbm>> -> memref<512xf32, #tpu.memory_space<hbm>>
      %dma_wait3A_565 = arith.constant 0 : i32
      %dma_wait3A_566 = tpu.memref_slice %arg13[%dma_wait3A_565] : memref<1024xf32, #tpu.memory_space<vmem>> -> memref<512xf32, #tpu.memory_space<vmem>>
      tpu.wait_dma2 semaphore(%run_scoped3A : memref<!tpu.dma_semaphore, #tpu.memory_space<semaphore_mem>>) src(%dma_wait3A_566 : memref<512xf32, #tpu.memory_space<vmem>>) dst(%dma_wait3A_564 : memref<512xf32, #tpu.memory_space<hbm>>)
      tpu.yield
    }) : () -> ()
    %mul3A_553 = arith.constant 512 : i32
    %mul3A_554 = arith.muli %add3A, %mul3A_553 : i32
    "tpu.region"() ({
      %run_scoped3A = tpu.sem_alloc : memref<!tpu.dma_semaphore, #tpu.memory_space<semaphore_mem>>
      %dma_start3A_555 = arith.constant 512 : i32
      %dma_start3A_556 = tpu.memref_slice %arg13[%dma_start3A_555] : memref<1024xf32, #tpu.memory_space<vmem>> -> memref<512xf32, #tpu.memory_space<vmem>>
      %dma_start3A_557 = tpu.memref_slice %arg9[%mul3A_554] : memref<16384xf32, #tpu.memory_space<hbm>> -> memref<512xf32, #tpu.memory_space<hbm>>
      %dma_start3A_558 = tpu.memref_slice %arg9[%mul3A_554] : memref<16384xf32, #tpu.memory_space<hbm>> -> memref<512xf32, #tpu.memory_space<hbm>>
      %dma_start3A_559 = arith.constant 512 : i32
      %dma_start3A_560 = tpu.memref_slice %arg13[%dma_start3A_559] : memref<1024xf32, #tpu.memory_space<vmem>> -> memref<512xf32, #tpu.memory_space<vmem>>
      tpu.enqueue_dma source(%dma_start3A_560 : memref<512xf32, #tpu.memory_space<vmem>>) target(%dma_start3A_558 : memref<512xf32, #tpu.memory_space<hbm>>) target_semaphore(%run_scoped3A : memref<!tpu.dma_semaphore, #tpu.memory_space<semaphore_mem>>)
      %dma_wait3A_561 = arith.constant 512 : i32
      %dma_wait3A_562 = tpu.memref_slice %arg13[%dma_wait3A_561] : memref<1024xf32, #tpu.memory_space<vmem>> -> memref<512xf32, #tpu.memory_space<vmem>>
      %dma_wait3A_563 = tpu.memref_slice %arg9[%mul3A_554] : memref<16384xf32, #tpu.memory_space<hbm>> -> memref<512xf32, #tpu.memory_space<hbm>>
      %dma_wait3A_564 = tpu.memref_slice %arg9[%mul3A_554] : memref<16384xf32, #tpu.memory_space<hbm>> -> memref<512xf32, #tpu.memory_space<hbm>>
      %dma_wait3A_565 = arith.constant 512 : i32
      %dma_wait3A_566 = tpu.memref_slice %arg13[%dma_wait3A_565] : memref<1024xf32, #tpu.memory_space<vmem>> -> memref<512xf32, #tpu.memory_space<vmem>>
      tpu.wait_dma2 semaphore(%run_scoped3A : memref<!tpu.dma_semaphore, #tpu.memory_space<semaphore_mem>>) src(%dma_wait3A_566 : memref<512xf32, #tpu.memory_space<vmem>>) dst(%dma_wait3A_564 : memref<512xf32, #tpu.memory_space<hbm>>)
      tpu.yield
    }) : () -> ()
    return
  }
}

module attributes {stable_mosaic.version = 14 : i64} {
  func.func @_tc_loss_body(%arg0: memref<128x128xf32, #tpu.memory_space<vmem>>, %arg1: memref<128x128xf32, #tpu.memory_space<vmem>>, %arg2: memref<8x128xf32, #tpu.memory_space<vmem>>) attributes {dimension_semantics = [], scalar_prefetch = 0 : i64, scratch_operands = 0 : i64, tpu.core_type = #tpu.core_type<tc>} {
    %get3A = arith.constant 0 : index
    %get3A_0 = arith.constant 0 : index
    %get3A_1 = vector.load %arg0[%get3A, %get3A_0] : memref<128x128xf32, #tpu.memory_space<vmem>>, vector<128x128xf32>
    %get3A_2 = arith.constant 0 : index
    %get3A_3 = arith.constant 0 : index
    %get3A_4 = vector.load %arg1[%get3A_2, %get3A_3] : memref<128x128xf32, #tpu.memory_space<vmem>>, vector<128x128xf32>
    %neg3A = arith.constant 0.000000e+00 : f32
    %neg3A_5 = vector.broadcast %neg3A : f32 to vector<128x128xf32>
    %neg3A_6 = arith.subf %neg3A_5, %get3A_1 : vector<128x128xf32>
    %min3A = arith.constant 0.000000e+00 : f32
    %min3A_7 = vector.broadcast %min3A : f32 to vector<128x128xf32>
    %min3A_8 = arith.minimumf %neg3A_6, %min3A_7 : vector<128x128xf32>
    %abs3A = math.absf %neg3A_6 : vector<128x128xf32>
    %neg3A_9 = arith.constant 0.000000e+00 : f32
    %neg3A_10 = vector.broadcast %neg3A_9 : f32 to vector<128x128xf32>
    %neg3A_11 = arith.subf %neg3A_10, %abs3A : vector<128x128xf32>
    %exp3A = math.exp %neg3A_11 : vector<128x128xf32>
    %log1p3A = math.log1p %exp3A : vector<128x128xf32>
    %sub3A = arith.subf %min3A_8, %log1p3A : vector<128x128xf32>
    %reduce_sum3A = vector.shape_cast %sub3A : vector<128x128xf32> to vector<1x128x128xf32>
    %reduce_sum3A_12 = arith.constant dense<0.000000e+00> : vector<1xf32>
    %reduce_sum3A_13 = vector.multi_reduction <add>, %reduce_sum3A, %reduce_sum3A_12 [1, 2] : vector<1x128x128xf32> to vector<1xf32>
    %reduce_sum3A_14 = vector.shape_cast %reduce_sum3A_13 : vector<1xf32> to vector<1x1x1xf32>
    %reduce_sum3A_15 = vector.extract %reduce_sum3A_14[0, 0, 0] : f32 from vector<1x1x1xf32>
    %min3A_16 = arith.constant 0.000000e+00 : f32
    %min3A_17 = vector.broadcast %min3A_16 : f32 to vector<128x128xf32>
    %min3A_18 = arith.minimumf %get3A_4, %min3A_17 : vector<128x128xf32>
    %abs3A_19 = math.absf %get3A_4 : vector<128x128xf32>
    %neg3A_20 = arith.constant 0.000000e+00 : f32
    %neg3A_21 = vector.broadcast %neg3A_20 : f32 to vector<128x128xf32>
    %neg3A_22 = arith.subf %neg3A_21, %abs3A_19 : vector<128x128xf32>
    %exp3A_23 = math.exp %neg3A_22 : vector<128x128xf32>
    %log1p3A_24 = math.log1p %exp3A_23 : vector<128x128xf32>
    %sub3A_25 = arith.subf %min3A_18, %log1p3A_24 : vector<128x128xf32>
    %reduce_sum3A_26 = vector.shape_cast %sub3A_25 : vector<128x128xf32> to vector<1x128x128xf32>
    %reduce_sum3A_27 = arith.constant dense<0.000000e+00> : vector<1xf32>
    %reduce_sum3A_28 = vector.multi_reduction <add>, %reduce_sum3A_26, %reduce_sum3A_27 [1, 2] : vector<1x128x128xf32> to vector<1xf32>
    %reduce_sum3A_29 = vector.shape_cast %reduce_sum3A_28 : vector<1xf32> to vector<1x1x1xf32>
    %reduce_sum3A_30 = vector.extract %reduce_sum3A_29[0, 0, 0] : f32 from vector<1x1x1xf32>
    %add3A = arith.addf %reduce_sum3A_15, %reduce_sum3A_30 : f32
    %neg3A_31 = arith.constant 0.000000e+00 : f32
    %neg3A_32 = arith.subf %neg3A_31, %add3A : f32
    %div3A = arith.constant 1.280000e+02 : f32
    %div3A_33 = arith.divf %neg3A_32, %div3A : f32
    %broadcast_in_dim3A = vector.broadcast %div3A_33 : f32 to vector<8x128xf32>
    %swap3A = arith.constant 0 : index
    %swap3A_34 = arith.constant 0 : index
    %swap3A_35 = vector.load %arg2[%swap3A, %swap3A_34] : memref<8x128xf32, #tpu.memory_space<vmem>>, vector<8x128xf32>
    tpu.vector_store %arg2[%swap3A, %swap3A_34], %broadcast_in_dim3A {strides = array<i32>} : memref<8x128xf32, #tpu.memory_space<vmem>>, vector<8x128xf32>,
    return
  }
}

</mosaic_0001>

<sc_bundles>
// kernel: kernel.4.cloned.1.call-start
scs
__scs_entry_jumppad:
0x0: {  	(pc) =	sbr.rel $0x88, $3  }
0x1: {  	(tag) =	ssettag $0x0;
	lr =	simm.s32 $0x1  }
0x2: {  	[smem:$0x3F9B] =	sst lr;
	_ =	strace $0xD0000000  }
0x3: {  	_ = 	snop  }
0x4: {  	_ = 	snop  }
0x5: {  	_ = 	snop  }
0x6: {  	_ = 	snop  }
0x7: {  	_ = 	snop  }
__scs_overlays_trampoline_lowered:
0x8: {  	[smem:$0x3FAA] =	sst s0  }
0x9: {  	[smem:$0x3FAB] =	sst s1  }
0xa: {  	[smem:$0x3FAC] =	sst s2  }
0xb: {  	[smem:$0x3FAD] =	sst s3  }
0xc: {  	[smem:$0x3FAE] =	sst s4  }
0xd: {  	[smem:$0x3FAF] =	sst s5  }
0xe: {  	[smem:$0x3FB0] =	sst s6  }
0xf: {  	[smem:$0x3FB1] =	sst s7  }
0x10: {  	[smem:$0x3FB2] =	sst s8  }
0x11: {  	[smem:$0x3FB3] =	sst s9;
	s0 =	simm.s32 @!p0 $0x0  }
0x12: {  	s1 =	sld [smem:$0x3F99];
	s0 =	simm.s32 @p0 $0x1  }
0x13: {  	[smem:$0x3FB4] =	sst s0;
	s0 =	simm.s32 @!p1 $0x0  }
0x14: {  	s2 =	sld [smem:$0x3F98];
	s0 =	simm.s32 @p1 $0x1  }
0x15: {  	[smem:$0x3FB5] =	sst s0;
	s0 =	simm.s32 @!p2 $0x0  }
0x16: {  	s3 =	sld [smem:$0x3FDB];
	s0 =	simm.s32 @p2 $0x1  }
0x17: {  	s4 =	simm.s32 $0x1BF5;
	[smem:$0x3FB7] =	sst s0  }
0x18: {  	s0 =	sld [smem:$0x3F9A];
	_ =	swait.ge [sflag:s4], $0x0  }
0x19: {  	s7 =	sld [smem:$0x3F9B]  }
0x1a: {  	s8 =	sadd.s32 $0xFFFFE003, lr  }
0x1b: {  	s9 =	sadd.s32 $0xFFFFFEF7, lr;
	s5 =	simm.s32 $0xFFFFFFFF;
	p2 =	slt.u32 s8, $0xFFFFF086  }
0x1c: {  	p1 =	slt.u32 s9, $0xF7A;
	s5 =	simm.s32 @!p2 $0x0  }
0x1d: {  	s5 =	simm.s32 @p1 $0x1;
	p0 =	seq.s32 s7, s2  }
0x1e: {  	s7 =	smul.u32 @!p0 $0xF7A, s2;
	p2 =	seq.s32 @!p0 s5, $0x0  }
0x1f: {  	s9 =	smul.u32 $0xF7A, s1;
	s8 =	simm.s32 @!p0 $0x1BF5;
	p2 =	por !p2, p0  }
0x20: {  	[sflag:s8] =	ssyncset.s32 @!p0 $0xFFFFF086;
	s6 =	sadd.s32 @!p0 s3, s7;
	s7 =	simm.s32 @!p0 $0x108  }
0x21: {  	s3 =	sadd.s32 s3, s9;
	s6 =	sadd.s32 @!p0 $0x88, s6;
	s7 =	simm.s32 @p2 $0x1082  }
0x22: {  	[simem:s7], [sflag:s8] =	dma.local @!p0 [hbm:s6], $0xF7A  }
0x23: {  	s9 =	sor.u32 $0xD0000000, s2;
	s6 =	simm.s32 $0x108;
	_ =	swait.ge @!p0 [sflag:s8], $0x0  }
0x24: {  	s3 =	sadd.s32 $0x88, s3;
	s6 =	simm.s32 @!p1 $0x1082;
	[sflag:s4] =	ssyncset.s32 $0xFFFFF086  }
0x25: {  	[simem:s6], [sflag:s4] =	dma.local [hbm:s3], $0xF7A  }
0x26: {  	[smem:$0x3F9B] =	sst s1;
	(tag) =	ssettag s2;
	_ =	strace s9  }
0x27: {  	s1 =	sld [smem:$0x3FAB]  }
0x28: {  	s2 =	sld [smem:$0x3FAC]  }
0x29: {  	s4 =	sld [smem:$0x3FAE]  }
0x2a: {  	p0 =	seq.s32 s5, $0x0;
	s5 =	sld [smem:$0x3FAF]  }
0x2b: {  	s6 =	sld [smem:$0x3FB0]  }
0x2c: {  	s7 =	sld [smem:$0x3FB1]  }
0x2d: {  	s3 =	simm.s32 $0x108;
	s8 =	sld [smem:$0x3FB2]  }
0x2e: {  	s3 =	simm.s32 @!p0 $0x1082;
	s9 =	sld [smem:$0x3FB3]  }
0x2f: {  	lr =	sadd.s32 s0, s3;
	s0 =	sld [smem:$0x3FAA]  }
0x30: {  	s3 =	sld [smem:$0x3FAD]  }
0x31: {  	[smem:$0x3FB6] =	sst s10  }
0x32: {  	s10 =	sld [smem:$0x3FB4];
	_ =	sdelay $0x3  }
0x33: {  	p0 =	seq.s32 s10, $0x1;
	s10 =	sld [smem:$0x3FB6];
	_ =	sdelay $0x3  }
0x34: {  	[smem:$0x3FB6] =	sst s10  }
0x35: {  	s10 =	sld [smem:$0x3FB5];
	_ =	sdelay $0x3  }
0x36: {  	p1 =	seq.s32 s10, $0x1;
	s10 =	sld [smem:$0x3FB6];
	_ =	sdelay $0x3  }
0x37: {  	[smem:$0x3FB6] =	sst s10  }
0x38: {  	s10 =	sld [smem:$0x3FB7]  }
0x39: {  	_ = 	snop;
	(pc) =	sbr.ind lr, $3  }
0x3a: {  	_ = 	snop  }
0x3b: {  	_ = 	snop  }
0x3c: {  	p2 =	seq.s32 s10, $0x1;
	s10 =	sld [smem:$0x3FB6]  }
0x3d: {  	_ =	shalt  }
0x3e: {  	_ =	shalt  }
0x3f: {  	_ =	shalt  }
0x40: {  	_ =	shalt  }
0x41: {  	_ =	shalt  }
0x42: {  	_ =	shalt  }
0x43: {  	_ =	shalt  }
0x44: {  	_ =	shalt  }
0x45: {  	_ =	shalt  }
0x46: {  	_ =	shalt  }
0x47: {  	_ =	shalt  }
0x48: {  	_ =	shalt  }
0x49: {  	_ =	shalt  }
0x4a: {  	_ =	shalt  }
0x4b: {  	_ =	shalt  }
0x4c: {  	_ =	shalt  }
0x4d: {  	_ =	shalt  }
0x4e: {  	_ =	shalt  }
0x4f: {  	_ =	shalt  }
0x50: {  	_ =	shalt  }
0x51: {  	_ =	shalt  }
0x52: {  	_ =	shalt  }
0x53: {  	_ =	shalt  }
0x54: {  	_ =	shalt  }
0x55: {  	_ =	shalt  }
0x56: {  	_ =	shalt  }
0x57: {  	_ =	shalt  }
0x58: {  	_ =	shalt  }
0x59: {  	_ =	shalt  }
0x5a: {  	_ =	shalt  }
0x5b: {  	_ =	shalt  }
0x5c: {  	_ =	shalt  }
0x5d: {  	_ =	shalt  }
0x5e: {  	_ =	shalt  }
0x5f: {  	_ =	shalt  }
0x60: {  	_ =	shalt  }
0x61: {  	_ =	shalt  }
0x62: {  	_ =	shalt  }
0x63: {  	_ =	shalt  }
0x64: {  	_ =	shalt  }
0x65: {  	_ =	shalt  }
0x66: {  	_ =	shalt  }
0x67: {  	_ =	shalt  }
0x68: {  	_ =	shalt  }
0x69: {  	_ =	shalt  }
0x6a: {  	_ =	shalt  }
0x6b: {  	_ =	shalt  }
0x6c: {  	_ =	shalt  }
0x6d: {  	_ =	shalt  }
0x6e: {  	_ =	shalt  }
0x6f: {  	_ =	shalt  }
0x70: {  	_ =	shalt  }
0x71: {  	_ =	shalt  }
0x72: {  	_ =	shalt  }
0x73: {  	_ =	shalt  }
0x74: {  	_ =	shalt  }
0x75: {  	_ =	shalt  }
0x76: {  	_ =	shalt  }
0x77: {  	_ =	shalt  }
0x78: {  	_ =	shalt  }
0x79: {  	_ =	shalt  }
0x7a: {  	_ =	shalt  }
0x7b: {  	_ =	shalt  }
0x7c: {  	_ =	shalt  }
0x7d: {  	_ =	shalt  }
0x7e: {  	_ =	shalt  }
0x7f: {  	_ =	shalt  }
0x80: {  	_ =	shalt  }
0x81: {  	_ =	shalt  }
0x82: {  	_ =	shalt  }
0x83: {  	_ =	shalt  }
0x84: {  	_ =	shalt  }
0x85: {  	_ =	shalt  }
0x86: {  	_ =	shalt  }
0x87: {  	_ =	shalt  }
.Lfunc_end0:
.L_simem_size_0:
called_computation_lowered:
.L_overlay_start_0:
0x88: {  	s2 =	sld [smem:$0x3FD9]  }
0x89: {  	s3 =	sld [smem:$0x3FFE];
	_ =	sdelay $0x1  }
0x8a: {  	s1 =	srdreg.scid  }
0x8b: {  	s0 =	sand.u32 $0x1, s1  }
0x8c: {  	s17 =	sshll.u32 s0, $0xA;
	s2 =	sadd.s32 s3, s2  }
0x8d: {  	s2 =	sadd.s32 s2, s17  }
0x8e: {  	[smem:$0x3FC2] =	sst s2  }
0x8f: {  	_ = 	snop  }
0x90: {  	s2 =	sld [smem:$0x3FC8]  }
0x91: {  	s18 =	sld [smem:$0x3FC6];
	(tm) =	ssettm $0x1  }
0x92: {  	s4 =	sld [smem:$0x3FFB];
	_ =	sdelay $0x3  }
0x93: {  	_ =	strace s4  }
0x94: {  	s4 =	sld [smem:$0x3FFC];
	_ =	sdelay $0x3  }
0x95: {  	_ =	strace s4  }
0x96: {  	s4 =	sld [smem:$0x3FFD];
	_ =	sdelay $0x3  }
0x97: {  	_ =	strace s4  }
0x98: {  	_ =	strace $0x8FFFFFFF  }
0x99: {  	s19 =	sld [smem:$0x3FDB];
	_ =	sdelay $0x1  }
0x9a: {  	s5 =	simm.s32 $_scs_section_size  }
0x9b: {  	s6 =	simm.s32 $_size__tile_overlayer_lowered;
	s7 =	simm.s32 $_tile_overlayer_lowered  }
0x9c: {  	s22 =	simm.s32 $0x1BFF;
	s21 =	sshll.u32 s7, $0x1;
	s4 =	sadd.s32 s5, s19  }
0x9d: {  	s8 =	simm.s32 $0x0;
	s20 =	sshll.u32 s6, $0x1;
	s6 =	sadd.s32 s21, s4  }
0x9e: {  	[timem:s8], [sflag:s22] =	dma.local [hbm:s6], s20  }
0x9f: {  	_ =	swait.ge [sflag:s22], s20  }
0xa0: {  	s5 =	ssub.s32 $0x0, s20;
	[sflag:s22] =	ssyncset.done $0x0  }
0xa1: {  	[sflag:s22] =	ssyncadd.s32 s5;
	_ =	sdelay $0x1  }
0xa2: {  	s23 =	simm.s32 $0x1B8B  }
0xa3: {  	_ =	swait.ge [sflag:s23], $0x1  }
0xa4: {  	[sflag:s23] =	ssyncset.done $0x0  }
0xa5: {  	s25 =	simm.s32 $0x1B8E;
	s24 =	sld [smem:$0x3FFE];
	[sflag:s23] =	ssyncadd.s32 $0xFFFFFFFF  }
0xa6: {  	s26 =	simm.s32 $execute0_lowered;
	[smem:$0x3FD2] =	sst s25  }
0xa7: {  	s6 =	sshll.u32 s26, $0x1;
	_ =	strace $0x80000046;
	[dreg:$0x1] =	wrdreg $0xFFFFFFFF  }
0xa8: {  	s28 =	simm.s32 $_size_execute0_lowered;
	s4 =	sadd.s32 s4, s6;
	[dreg:$0x0] =	wrdreg $0x0  }
0xa9: {  	s6 =	sshll.u32 s28, $0x1;
	[dreg:$0x2] =	wrdreg s4  }
0xaa: {  	[dreg:$0x3] =	wrdreg s6  }
0xab: {  	[dreg:$0x4] =	wrdreg $0xC0  }
0xac: {  	_ =	task [dreg:s8], $0x5FFFF  }
0xad: {  	[dreg:$0x1] =	wrdreg $0xFFFFFFFF  }
0xae: {  	[dreg:$0x0] =	wrdreg $0x60  }
0xaf: {  	[dreg:$0x2] =	wrdreg s24  }
0xb0: {  	[dreg:$0x3] =	wrdreg s2  }
0xb1: {  	[dreg:$0x4] =	wrdreg s18  }
0xb2: {  	[dreg:$0x5] =	wrdreg $0x9  }
0xb3: {  	_ =	task.clear_ibuf [dreg:s8], $0x6FFFF;
	_ =	strace $0x90000046  }
0xb4: {  	s29 =	simm.s32 $0x9;
	_ =	strace $0x80000048  }
0xb5: {  	_ =	swait.ge [sflag:s29], $0x1  }
0xb6: {  	[sflag:s29] =	ssyncadd.s32 $0xFFFFFFFF  }
0xb7: {  	_ =	strace $0x90000048  }
0xb8: {  	_ =	sfence  }
0xb9: {  	s30 =	sld [smem:$0x0];
	_ =	sdelay $0x2  }
0xba: {  	s31 =	sshll.u32 s1, $0xD;
	s1 =	sshrl.u32 s1, $0x2  }
0xbb: {  	s3 =	sand.u32 $0x4000, s31;
	s1 =	sadd.s32 s1, s30  }
0xbc: {  	s0 =	sor.u32 s3, s0;
	s1 =	sshll.u32 s1, $0x11  }
0xbd: {  	s0 =	sor.u32 s1, s0  }
0xbe: {  	s0 =	sadd.s32 $0x8F2B, s0  }
0xbf: {  	[sflag:s0] =	ssyncadd.remote.s32 $0x1  }
0xc0: {  	_ =	sfence.sel $0xFFFF  }
0xc1: {  	[dreg:$0x0] =	wrdreg $0xFFFFFFFF;
	(pc) =	sbr.abs _section_cstart, $3  }
0xc2: {  	[dreg:$0x1] =	wrdreg $0xFFFFFFFF  }
0xc3: {  	_ =	task.clear_ibuf [dreg:s8], $0x2FFFF;
	_ =	strace $0x9FFFFFFF  }
0xc4: {  	(tm) =	ssettm $0x7FFFFFFF  }
0xc5: {  	_ =	shalt  }
tec
execute0_lowered:
.L_overlay_start_1:
0x0: {  	(tag) =	ssettag $0x1  }
0x1: {  	s0 =	rddreg [dreg:$0x0]  }
0x2: {  	s1 =	rddreg [dreg:$0x1]  }
0x3: {  	s5 =	rddreg [dreg:$0x2];
	s2 =	simm.s32 $0x0  }
0x4: {  	s3 =	srdreg.scid;
	s6 =	stileid.u32;
	s12 =	simm.s32 $0x3  }
0x5: {  	s16 =	simm.s32 $0x40;
	s17 =	simm.s32 $0x5400;
	s18 =	simm.s32 $0x6400  }
0x6: {  	v0 =	vimm.s32 $0xFEDCBA98;
	s19 =	simm.s32 $0x7400;
	s21 =	simm.s32 $0x8400;
	s22 =	simm.s32 $0x9400  }
0x7: {  	v1 =	vimm.s32 $0x76543210;
	s29 =	simm.s32 $0xA400;
	s31 =	simm.s32 $0xB400;
	s15 =	simm.s32 $0xD400  }
0x8: {  	v2 =	vimm.s32 $0x3210FEDC;
	v3 =	vimm.s32 $0xBA987654;
	s23 =	simm.s32 $0xE400;
	s28 =	simm.s32 $0xF800;
	s30 =	simm.s32 $0x1  }
0x9: {  	v4 =	vimm.s32 $0x10FEDCBA;
	v5 =	vimm.s32 $0x98765432;
	[smem:$0x7FF] =	sst s2;
	s4 =	sand.u32 $0x1, s3;
	s24 =	sshll.u32 s6, $0x1  }
0xa: {  	v6 =	vimm.s32 $0xFEDCBA9;
	s3 =	sadd.s32 $0x494E00, s0;
	_ =	strace $0x80000047;
	s6 =	sor.u32 s4, s24  }
0xb: {  	v7 =	vimm.s32 $0x87654321;
	v0 =	vunpack.c.l.s4.s8 v0;
	v1 =	vunpack.c.l.s4.s8 v1;
	s8 =	ssub.s32 $0x2, s4;
	s4 =	sadd.s32 $0x30E400, s0;
	s24 =	simm.s32 $0x0  }
0xc: {  	v2 =	vunpack.c.l.s4.s8 v2;
	v3 =	vunpack.c.l.s4.s8 v3;
	v4 =	vunpack.c.l.s4.s8 v4;
	s7 =	smul.u32 $0x500, s6;
	s6 =	sshll.u32 s6, $0x6;
	s9 =	sshrl.u32 s8, $0x1  }
0xd: {  	v5 =	vunpack.c.l.s4.s8 v5;
	v6 =	vunpack.c.l.s4.s8 v6;
	v7 =	vunpack.c.l.s4.s8 v7;
	s8 =	ssub.s32 s8, s9;
	s1 =	sadd.s32 s1, s6;
	s26 =	sadd.s32 s5, s6  }
0xe: {  	v0 =	vunpack.c.0.s8.s32 v0;
	v1 =	vunpack.c.0.s8.s32 v1;
	v2 =	vunpack.c.0.s8.s32 v2;
	s7 =	sadd.s32 s7, s0;
	s0 =	sadd.s32 s6, s0;
	[dreg:$0x6] =	wrdreg s1  }
0xf: {  	v3 =	vunpack.c.0.s8.s32 v3;
	v4 =	vunpack.c.0.s8.s32 v4;
	v5 =	vunpack.c.0.s8.s32 v5;
	[dreg:$0x7] =	wrdreg s26;
	s11 =	smax.u32 s8, $0x1;
	s26 =	simm.s32 $0xF400  }
0x10: {  	v6 =	vunpack.c.0.s8.s32 v6;
	v7 =	vunpack.c.0.s8.s32 v7;
	v0 =	vand.u32 $0xF, v0;
	s1 =	simm.s32 $0xC400;
	s25 =	sadd.s32 $0xB000, s7;
	s7 =	sadd.s32 $0x1000, s7  }
0x11: {  	s9 =	sadd.s32 $0x15000, s0;
	s10 =	sadd.s32 $0x15800, s0;
	v0 =	vcombine.low v0, v1;
	v1 =	vcombine.low v3, v2;
	[dreg:$0x4] =	wrdreg s25  }
0x12: {  	s0 =	simm.s32 $0x2;
	v2 =	vcombine.low v5, v4;
	v3 =	vcombine.low v7, v6;
	v4 =	vlaneseq.u32;
	[dreg:$0x5] =	wrdreg s7;
	s25 =	simm.s32 $0x10  }
.LBB2_1:
0x13: {  	s5 =	rddreg [dreg:$0x4]  }
0x14: {  	[tilespmem:s2], [sflag:$0x3] =	stream.linear.gather [hbm4b:s5+s2], $0x2800, $0x38;
	[tilespmem:$0x10000] =	vst v63  }
0x15: {  	_ =	swait.ge [sflag:s12], $0x2800  }
0x16: {  	[sflag:s12] =	ssyncset.done $0x0  }
0x17: {  	s6 =	simm.s32 $0x2800;
	s20 =	rddreg [dreg:$0x5];
	[sflag:s12] =	ssyncadd.s32 $0xFFFFD800  }
0x18: {  	[tilespmem:s6], [sflag:$0x3] =	stream.linear.gather [hbm4b:s20+s2], $0x2800, $0x38;
	[tilespmem:$0x10000] =	vst v63  }
0x19: {  	_ =	swait.ge [sflag:s12], $0x2800  }
0x1a: {  	[sflag:s12] =	ssyncset.done $0x0  }
0x1b: {  	s6 =	simm.s32 $0x5000;
	s7 =	rddreg [dreg:$0x6];
	[sflag:s12] =	ssyncadd.s32 $0xFFFFD800  }
0x1c: {  	[tilespmem:s6], [sflag:$0x3] =	stream.linear.gather [hbm4b:s7+s2], $0x200, $0x38;
	[tilespmem:$0x10000] =	vst v63  }
0x1d: {  	_ =	swait.ge [sflag:s12], $0x200  }
0x1e: {  	[sflag:s12] =	ssyncset.done $0x0  }
0x1f: {  	s7 =	simm.s32 $0x5200;
	s8 =	rddreg [dreg:$0x7];
	[sflag:s12] =	ssyncadd.s32 $0xFFFFFE00  }
0x20: {  	[tilespmem:s7], [sflag:$0x3] =	stream.linear.gather [hbm4b:s8+s2], $0x200, $0x38;
	[tilespmem:$0x10000] =	vst v63  }
0x21: {  	_ =	swait.ge [sflag:s12], $0x200  }
0x22: {  	[sflag:s12] =	ssyncset.done $0x0  }
0x23: {  	[sflag:s12] =	ssyncadd.s32 $0xFFFFFE00  }
0x24: {  	[tilespmem:s17], [sflag:$0x1] =	stream.indirect.gather [hbm4b:s3+s16], $0x40, s2, s16, $0xb8;
	[tilespmem:$0x10000] =	vst v63  }
0x25: {  	_ = 	snop  }
0x26: {  	[tilespmem:s18], [sflag:$0x1] =	stream.indirect.gather [hbm4b:s3+s16], $0x40, s16, s16, $0xb8;
	[tilespmem:$0x10000] =	vst v63  }
0x27: {  	s13 =	simm.s32 $0x80  }
0x28: {  	[tilespmem:s19], [sflag:$0x1] =	stream.indirect.gather [hbm4b:s3+s16], $0x40, s13, s16, $0xb8;
	[tilespmem:$0x10000] =	vst v63  }
0x29: {  	s14 =	simm.s32 $0xC0  }
0x2a: {  	[tilespmem:s21], [sflag:$0x1] =	stream.indirect.gather [hbm4b:s3+s16], $0x40, s14, s16, $0xb8;
	[tilespmem:$0x10000] =	vst v63  }
0x2b: {  	s20 =	simm.s32 $0x100  }
0x2c: {  	[tilespmem:s22], [sflag:$0x1] =	stream.indirect.gather [hbm4b:s3+s16], $0x40, s20, s16, $0xb8;
	[tilespmem:$0x10000] =	vst v63  }
0x2d: {  	_ = 	snop  }
0x2e: {  	[tilespmem:s26], [sflag:$0x1] =	stream.indirect.gather [hbm4b:s4+s25], $0x40, s6, s25, $0xb8;
	[tilespmem:$0x10000] =	vst v63  }
0x2f: {  	s6 =	simm.s32 $0x140  }
0x30: {  	[tilespmem:s29], [sflag:$0x2] =	stream.indirect.gather [hbm4b:s3+s16], $0x40, s6, s16, $0xb8;
	[tilespmem:$0x10000] =	vst v63  }
0x31: {  	s7 =	simm.s32 $0x180  }
0x32: {  	[tilespmem:s31], [sflag:$0x2] =	stream.indirect.gather [hbm4b:s3+s16], $0x40, s7, s16, $0xb8;
	[tilespmem:$0x10000] =	vst v63  }
0x33: {  	s8 =	simm.s32 $0x1C0  }
0x34: {  	[tilespmem:s1], [sflag:$0x2] =	stream.indirect.gather [hbm4b:s3+s16], $0x40, s8, s16, $0xb8;
	[tilespmem:$0x10000] =	vst v63  }
0x35: {  	s13 =	simm.s32 $0x200  }
0x36: {  	[tilespmem:s15], [sflag:$0x2] =	stream.indirect.gather [hbm4b:s3+s16], $0x40, s13, s16, $0xb8;
	[tilespmem:$0x10000] =	vst v63  }
0x37: {  	s14 =	simm.s32 $0x240  }
0x38: {  	[tilespmem:s23], [sflag:$0x2] =	stream.indirect.gather [hbm4b:s3+s16], $0x40, s14, s16, $0xb8;
	[tilespmem:$0x10000] =	vst v63  }
0x39: {  	s20 =	simm.s32 $0x5010;
	s13 =	simm.s32 $0x0  }
0x3a: {  	[tilespmem:s28], [sflag:$0x2] =	stream.indirect.gather [hbm4b:s4+s25], $0x40, s20, s25, $0xb8;
	[tilespmem:$0x10000] =	vst v63  }
.LBB2_2:
0x3b: {  	_ =	swait.ge [sflag:s30], $0x1000  }
0x3c: {  	[sflag:s30] =	ssyncset.done $0x0  }
0x3d: {  	[sflag:s30] =	ssyncadd.s32 $0xFFFFF000  }
0x3e: {  	_ =	swait.ge [sflag:s30], $0x1000  }
0x3f: {  	[sflag:s30] =	ssyncset.done $0x0  }
0x40: {  	[sflag:s30] =	ssyncadd.s32 $0xFFFFF000  }
0x41: {  	_ =	swait.ge [sflag:s30], $0x1000  }
0x42: {  	[sflag:s30] =	ssyncset.done $0x0  }
0x43: {  	[sflag:s30] =	ssyncadd.s32 $0xFFFFF000  }
0x44: {  	_ =	swait.ge [sflag:s30], $0x1000  }
0x45: {  	[sflag:s30] =	ssyncset.done $0x0  }
0x46: {  	[sflag:s30] =	ssyncadd.s32 $0xFFFFF000  }
0x47: {  	_ =	swait.ge [sflag:s30], $0x1000  }
0x48: {  	[sflag:s30] =	ssyncset.done $0x0  }
0x49: {  	[sflag:s30] =	ssyncadd.s32 $0xFFFFF000  }
0x4a: {  	_ =	swait.ge [sflag:s30], $0x400  }
0x4b: {  	[sflag:s30] =	ssyncset.done $0x0  }
0x4c: {  	s5 =	simm.s32 $0xF420;
	[sflag:s30] =	ssyncadd.s32 $0xFFFFFC00  }
0x4d: {  	v6 =	vld [tilespmem:s5+$0xFFFFFFE0]  }
0x4e: {  	s6 =	simm.s32 $0x5680;
	v5 =	vld [tilespmem:s5+$0xFFFFFFF0]  }
0x4f: {  	v7 =	vld [tilespmem:s6+$0x240]  }
0x50: {  	v9 =	vld [tilespmem:s6+$0x220]  }
0x51: {  	v10 =	vld [tilespmem:s6+$0x200]  }
0x52: {  	v11 =	vld [tilespmem:s6+$0x1E0]  }
0x53: {  	v12 =	vld [tilespmem:s6+$0x1C0]  }
0x54: {  	v13 =	vld [tilespmem:s6+$0x1A0]  }
0x55: {  	v14 =	vld [tilespmem:s6+$0x180]  }
0x56: {  	v15 =	vld [tilespmem:s6+$0x160]  }
0x57: {  	v16 =	vld [tilespmem:s6+$0x140]  }
0x58: {  	v17 =	vld [tilespmem:s6+$0x120]  }
0x59: {  	v18 =	vld [tilespmem:s6+$0x100]  }
0x5a: {  	v19 =	vld [tilespmem:s6+$0xE0]  }
0x5b: {  	v20 =	vld [tilespmem:s6+$0xC0]  }
0x5c: {  	v21 =	vld [tilespmem:s6+$0xA0]  }
0x5d: {  	v22 =	vld [tilespmem:s6+$0x80]  }
0x5e: {  	v23 =	vld [tilespmem:s6+$0x60]  }
0x5f: {  	v24 =	vld [tilespmem:s6+$0x40]  }
0x60: {  	v25 =	vld [tilespmem:s6+$0x20]  }
0x61: {  	v26 =	vld [tilespmem:s6+$0x0]  }
0x62: {  	v27 =	vld [tilespmem:s6+$0xFFFFFFE0]  }
0x63: {  	v28 =	vld [tilespmem:s6+$0xFFFFFFC0]  }
0x64: {  	v29 =	vld [tilespmem:s6+$0xFFFFFFA0]  }
0x65: {  	v30 =	vld [tilespmem:s6+$0xFFFFFF80]  }
0x66: {  	v31 =	vld [tilespmem:s6+$0xFFFFFF60]  }
0x67: {  	v32 =	vld [tilespmem:s6+$0xFFFFFF40]  }
0x68: {  	v33 =	vld [tilespmem:s6+$0xFFFFFF20]  }
0x69: {  	v34 =	vld [tilespmem:s6+$0xFFFFFF00]  }
0x6a: {  	v35 =	vld [tilespmem:s6+$0xFFFFFEE0]  }
0x6b: {  	v36 =	vld [tilespmem:s6+$0xFFFFFEC0]  }
0x6c: {  	v37 =	vld [tilespmem:s6+$0xFFFFFEA0]  }
0x6d: {  	v38 =	vld [tilespmem:s6+$0xFFFFFE80]  }
0x6e: {  	v39 =	vld [tilespmem:s6+$0xFFFFFE60]  }
0x6f: {  	v40 =	vld [tilespmem:s6+$0xFFFFFE40]  }
0x70: {  	v41 =	vld [tilespmem:s6+$0xFFFFFE20]  }
0x71: {  	v42 =	vld [tilespmem:s6+$0xFFFFFDB0]  }
0x72: {  	v43 =	vld [tilespmem:s6+$0xFFFFFE00]  }
0x73: {  	v44 =	vld [tilespmem:s6+$0xFFFFFDA0]  }
0x74: {  	v45 =	vld [tilespmem:s6+$0xFFFFFD80]  }
0x75: {  	v46 =	vld [tilespmem:s6+$0xFFFFFDC0]  }
0x76: {  	v47 =	vld [tilespmem:s6+$0xFFFFFD90]  }
0x77: {  	s7 =	simm.s32 $0x0;
	v8 =	vimm.f32 $0.0e+00;
	s14 =	simm.s32 $0x1;
	v48 =	vld [tilespmem:s6+$0xFFFFFDD0]  }
.LBB2_3:
0x78: {  	p0 =	sne.s32 s14, $0xF;
	v49 =	vld [tilespmem:s6+$0xFFFFFDE0]  }
0x79: {  	v50 =	vld [tilespmem:s6+$0xFFFFFE10]  }
0x7a: {  	v51 =	vld [tilespmem:s6+$0xFFFFFDF0]  }
0x7b: {  	v52 =	vld [tilespmem:s6+$0xFFFFFE50]  }
0x7c: {  	v45 =	vadd.f32 v46, v45;
	v46 =	vadd.f32 v48, v47;
	v47 =	vld [tilespmem:s6+$0xFFFFFE30]  }
0x7d: {  	v48 =	vld [tilespmem:s6+$0xFFFFFE90];
	v44 =	vadd.f32 v49, v44  }
0x7e: {  	v43 =	vadd.f32 v43, v45;
	v45 =	vadd.f32 v50, v46;
	v46 =	vld [tilespmem:s6+$0xFFFFFE70]  }
0x7f: {  	v49 =	vld [tilespmem:s6+$0xFFFFFED0];
	v41 =	vadd.f32 v41, v44;
	v42 =	vadd.f32 v51, v42  }
0x80: {  	v40 =	vadd.f32 v40, v43;
	v43 =	vadd.f32 v52, v45;
	v44 =	vld [tilespmem:s6+$0xFFFFFEB0]  }
0x81: {  	v45 =	vld [tilespmem:s6+$0xFFFFFF10];
	v39 =	vadd.f32 v39, v41;
	v41 =	vadd.f32 v47, v42  }
0x82: {  	v38 =	vadd.f32 v38, v40;
	v40 =	vadd.f32 v48, v43;
	v42 =	vld [tilespmem:s6+$0xFFFFFEF0]  }
0x83: {  	v43 =	vld [tilespmem:s6+$0xFFFFFF50];
	v37 =	vadd.f32 v37, v39;
	v39 =	vadd.f32 v46, v41  }
0x84: {  	v36 =	vadd.f32 v36, v38;
	v38 =	vadd.f32 v49, v40;
	v40 =	vld [tilespmem:s6+$0xFFFFFF30]  }
0x85: {  	v41 =	vld [tilespmem:s6+$0xFFFFFF90];
	v35 =	vadd.f32 v35, v37;
	v37 =	vadd.f32 v44, v39  }
0x86: {  	v34 =	vadd.f32 v34, v36;
	v36 =	vadd.f32 v45, v38;
	v38 =	vld [tilespmem:s6+$0xFFFFFF70]  }
0x87: {  	v39 =	vld [tilespmem:s6+$0xFFFFFFD0];
	v33 =	vadd.f32 v33, v35;
	v35 =	vadd.f32 v42, v37  }
0x88: {  	v32 =	vadd.f32 v32, v34;
	v34 =	vadd.f32 v43, v36;
	v36 =	vld [tilespmem:s6+$0xFFFFFFB0]  }
0x89: {  	v37 =	vld [tilespmem:s6+$0x10];
	v31 =	vadd.f32 v31, v33;
	v33 =	vadd.f32 v40, v35  }
0x8a: {  	v30 =	vadd.f32 v30, v32;
	v32 =	vadd.f32 v41, v34;
	v34 =	vld [tilespmem:s6+$0xFFFFFFF0]  }
0x8b: {  	v35 =	vld [tilespmem:s6+$0x50];
	v29 =	vadd.f32 v29, v31;
	v31 =	vadd.f32 v38, v33  }
0x8c: {  	v28 =	vadd.f32 v28, v30;
	v30 =	vadd.f32 v39, v32;
	v32 =	vld [tilespmem:s6+$0x30]  }
0x8d: {  	v33 =	vld [tilespmem:s6+$0x90];
	v27 =	vadd.f32 v27, v29;
	v29 =	vadd.f32 v36, v31  }
0x8e: {  	v26 =	vadd.f32 v26, v28;
	v28 =	vadd.f32 v37, v30;
	v30 =	vld [tilespmem:s6+$0x70]  }
0x8f: {  	v31 =	vld [tilespmem:s6+$0xD0];
	v25 =	vadd.f32 v25, v27;
	v27 =	vadd.f32 v34, v29  }
0x90: {  	v24 =	vadd.f32 v24, v26;
	v26 =	vadd.f32 v35, v28;
	v28 =	vld [tilespmem:s6+$0xB0]  }
0x91: {  	v29 =	vld [tilespmem:s6+$0x110];
	v23 =	vadd.f32 v23, v25;
	v25 =	vadd.f32 v32, v27  }
0x92: {  	v22 =	vadd.f32 v22, v24;
	v24 =	vadd.f32 v33, v26;
	v26 =	vld [tilespmem:s6+$0xF0]  }
0x93: {  	v27 =	vld [tilespmem:s6+$0x150];
	v21 =	vadd.f32 v21, v23;
	v23 =	vadd.f32 v30, v25  }
0x94: {  	v20 =	vadd.f32 v20, v22;
	v22 =	vadd.f32 v31, v24;
	v24 =	vld [tilespmem:s6+$0x130]  }
0x95: {  	v25 =	vld [tilespmem:s6+$0x190];
	v19 =	vadd.f32 v19, v21;
	v21 =	vadd.f32 v28, v23  }
0x96: {  	v18 =	vadd.f32 v18, v20;
	v20 =	vadd.f32 v29, v22;
	v22 =	vld [tilespmem:s6+$0x170]  }
0x97: {  	v23 =	vld [tilespmem:s6+$0x1D0];
	v17 =	vadd.f32 v17, v19;
	v19 =	vadd.f32 v26, v21  }
0x98: {  	v16 =	vadd.f32 v16, v18;
	v18 =	vadd.f32 v27, v20;
	v20 =	vld [tilespmem:s6+$0x1B0]  }
0x99: {  	v21 =	vld [tilespmem:s6+$0x210];
	v15 =	vadd.f32 v15, v17;
	v17 =	vadd.f32 v24, v19  }
0x9a: {  	v14 =	vadd.f32 v14, v16;
	v16 =	vadd.f32 v25, v18;
	v18 =	vld [tilespmem:s6+$0x1F0]  }
0x9b: {  	v19 =	vld [tilespmem:s6+$0x250];
	v13 =	vadd.f32 v13, v15;
	v15 =	vadd.f32 v22, v17  }
0x9c: {  	v12 =	vadd.f32 v12, v14;
	v14 =	vadd.f32 v23, v16;
	v16 =	vld [tilespmem:s6+$0x230]  }
0x9d: {  	v11 =	vadd.f32 v11, v13;
	v13 =	vld [tilespmem:s6+$0x260];
	v15 =	vadd.f32 v20, v15  }
0x9e: {  	v10 =	vadd.f32 v10, v12;
	v12 =	vadd.f32 v21, v14;
	v14 =	vld [tilespmem:s5+$0x0]  }
0x9f: {  	v9 =	vadd.f32 v9, v11;
	v11 =	vadd.f32 v18, v15;
	v15 =	vld [tilespmem:s6+$0x270]  }
0xa0: {  	v7 =	vadd.f32 v7, v10;
	v10 =	vadd.f32 v19, v12;
	v12 =	vld [tilespmem:s5+$0x10];
	s5 =	sadd.s32 $0x40, s5  }
0xa1: {  	v17 =	vld [tilespmem:s5+$0xFFFFFFE0];
	v11 =	vadd.f32 v16, v11  }
0xa2: {  	s6 =	sadd.s32 $0x500, s6;
	v6 =	vmul.f32 v6, v7;
	v10 =	vmul.f32 v5, v10;
	v5 =	vld [tilespmem:s5+$0xFFFFFFF0];
	v13 =	vadd.f32 v13, v9  }
0xa3: {  	v7 =	vld [tilespmem:s6+$0x240]  }
0xa4: {  	v9 =	vld [tilespmem:s6+$0x220];
	v16 =	vadd.f32 v10, v6;
	v13 =	vmul.f32 v14, v13;
	v14 =	vadd.f32 v15, v11  }
0xa5: {  	v10 =	vld [tilespmem:s6+$0x200]  }
0xa6: {  	v11 =	vld [tilespmem:s6+$0x1E0];
	v15 =	vadd.f32 v13, v16;
	v14 =	vmul.f32 v12, v14;
	v6 =	vmov v17  }
0xa7: {  	v12 =	vld [tilespmem:s6+$0x1C0]  }
0xa8: {  	v13 =	vld [tilespmem:s6+$0x1A0];
	v18 =	vadd.f32 v14, v15  }
0xa9: {  	v14 =	vld [tilespmem:s6+$0x180]  }
0xaa: {  	v15 =	vld [tilespmem:s6+$0x160];
	v19 =	vperm.xlane v18, v0  }
0xab: {  	v16 =	vld [tilespmem:s6+$0x140]  }
0xac: {  	v17 =	vld [tilespmem:s6+$0x120];
	v22 =	vadd.f32 v18, v19  }
0xad: {  	v18 =	vld [tilespmem:s6+$0x100]  }
0xae: {  	v19 =	vld [tilespmem:s6+$0xE0];
	v23 =	vperm.xlane v22, v1  }
0xaf: {  	v20 =	vld [tilespmem:s6+$0xC0]  }
0xb0: {  	v21 =	vld [tilespmem:s6+$0xA0];
	v26 =	vadd.f32 v22, v23  }
0xb1: {  	v22 =	vld [tilespmem:s6+$0x80]  }
0xb2: {  	v23 =	vld [tilespmem:s6+$0x60];
	v27 =	vperm.xlane v26, v2  }
0xb3: {  	v24 =	vld [tilespmem:s6+$0x40]  }
0xb4: {  	v25 =	vld [tilespmem:s6+$0x20];
	v30 =	vadd.f32 v26, v27  }
0xb5: {  	v26 =	vld [tilespmem:s6+$0x0]  }
0xb6: {  	v27 =	vld [tilespmem:s6+$0xFFFFFFE0];
	v31 =	vperm.xlane v30, v3  }
0xb7: {  	v28 =	vld [tilespmem:s6+$0xFFFFFFC0]  }
0xb8: {  	v29 =	vld [tilespmem:s6+$0xFFFFFFA0];
	v32 =	vadd.f32 v30, v31;
	v31 =	vmov s7;
	s7 =	smov.u32 s14  }
0xb9: {  	v30 =	vld [tilespmem:s6+$0xFFFFFF80];
	vm0 =	veq.s32 v31, v4  }
0xba: {  	v31 =	vld [tilespmem:s6+$0xFFFFFF60];
	v8 =	vsel vm0, v32, v8  }
0xbb: {  	v32 =	vld [tilespmem:s6+$0xFFFFFF40]  }
0xbc: {  	v33 =	vld [tilespmem:s6+$0xFFFFFF20]  }
0xbd: {  	v34 =	vld [tilespmem:s6+$0xFFFFFF00]  }
0xbe: {  	v35 =	vld [tilespmem:s6+$0xFFFFFEE0]  }
0xbf: {  	v36 =	vld [tilespmem:s6+$0xFFFFFEC0]  }
0xc0: {  	v37 =	vld [tilespmem:s6+$0xFFFFFEA0]  }
0xc1: {  	v38 =	vld [tilespmem:s6+$0xFFFFFE80]  }
0xc2: {  	v39 =	vld [tilespmem:s6+$0xFFFFFE60]  }
0xc3: {  	v40 =	vld [tilespmem:s6+$0xFFFFFE40]  }
0xc4: {  	v41 =	vld [tilespmem:s6+$0xFFFFFE20]  }
0xc5: {  	v42 =	vld [tilespmem:s6+$0xFFFFFDB0]  }
0xc6: {  	v43 =	vld [tilespmem:s6+$0xFFFFFE00]  }
.Ltmp0:
0xc7: {  	v44 =	vld [tilespmem:s6+$0xFFFFFDA0];
	(pc) =	sbr.rel @p0 .LBB2_3-.Ltmp0, $4  }
0xc8: {  	v45 =	vld [tilespmem:s6+$0xFFFFFD80]  }
0xc9: {  	v46 =	vld [tilespmem:s6+$0xFFFFFDC0]  }
0xca: {  	v47 =	vld [tilespmem:s6+$0xFFFFFD90]  }
0xcb: {  	s14 =	sadd.s32 $0x1, s14;
	v48 =	vld [tilespmem:s6+$0xFFFFFDD0]  }
0xcc: {  	v49 =	vld [tilespmem:s6+$0xFFFFFDE0]  }
0xcd: {  	v50 =	vld [tilespmem:s6+$0xFFFFFE10]  }
0xce: {  	v51 =	vld [tilespmem:s6+$0xFFFFFDF0];
	v45 =	vadd.f32 v46, v45  }
0xcf: {  	v52 =	vld [tilespmem:s6+$0xFFFFFE50]  }
0xd0: {  	v56 =	vld [tilespmem:s6+$0xFFFFFE30];
	v55 =	vadd.f32 v48, v47;
	v43 =	vadd.f32 v43, v45  }
0xd1: {  	v57 =	vld [tilespmem:s6+$0xFFFFFE90];
	v44 =	vadd.f32 v49, v44  }
0xd2: {  	v59 =	vld [tilespmem:s6+$0xFFFFFE70];
	v58 =	vadd.f32 v50, v55;
	v40 =	vadd.f32 v40, v43  }
0xd3: {  	v60 =	vld [tilespmem:s6+$0xFFFFFED0];
	v42 =	vadd.f32 v51, v42;
	v41 =	vadd.f32 v41, v44  }
0xd4: {  	v62 =	vld [tilespmem:s6+$0xFFFFFEB0];
	v61 =	vadd.f32 v52, v58;
	v38 =	vadd.f32 v38, v40  }
0xd5: {  	v63 =	vld [tilespmem:s6+$0xFFFFFF10];
	v47 =	vadd.f32 v56, v42;
	v39 =	vadd.f32 v39, v41  }
0xd6: {  	v51 =	vld [tilespmem:s6+$0xFFFFFEF0];
	v50 =	vadd.f32 v57, v61;
	v36 =	vadd.f32 v36, v38  }
0xd7: {  	v52 =	vld [tilespmem:s6+$0xFFFFFF50];
	v53 =	vadd.f32 v59, v47;
	v37 =	vadd.f32 v37, v39  }
0xd8: {  	v55 =	vld [tilespmem:s6+$0xFFFFFF30];
	v54 =	vadd.f32 v60, v50;
	v34 =	vadd.f32 v34, v36  }
0xd9: {  	v56 =	vld [tilespmem:s6+$0xFFFFFF90];
	v57 =	vadd.f32 v62, v53;
	v35 =	vadd.f32 v35, v37  }
0xda: {  	v59 =	vld [tilespmem:s6+$0xFFFFFF70];
	v58 =	vadd.f32 v63, v54;
	v32 =	vadd.f32 v32, v34  }
0xdb: {  	v60 =	vld [tilespmem:s6+$0xFFFFFFD0];
	v61 =	vadd.f32 v51, v57;
	v33 =	vadd.f32 v33, v35  }
0xdc: {  	v63 =	vld [tilespmem:s6+$0xFFFFFFB0];
	v62 =	vadd.f32 v52, v58;
	v30 =	vadd.f32 v30, v32  }
0xdd: {  	v42 =	vld [tilespmem:s6+$0x10];
	v43 =	vadd.f32 v55, v61;
	v31 =	vadd.f32 v31, v33  }
0xde: {  	v45 =	vld [tilespmem:s6+$0xFFFFFFF0];
	v44 =	vadd.f32 v56, v62;
	v28 =	vadd.f32 v28, v30  }
0xdf: {  	v46 =	vld [tilespmem:s6+$0x50];
	v29 =	vadd.f32 v29, v31;
	v31 =	vadd.f32 v59, v43  }
0xe0: {  	v47 =	vld [tilespmem:s6+$0x30];
	v30 =	vadd.f32 v60, v44;
	v26 =	vadd.f32 v26, v28  }
0xe1: {  	v48 =	vld [tilespmem:s6+$0x90];
	v27 =	vadd.f32 v27, v29;
	v29 =	vadd.f32 v63, v31  }
0xe2: {  	v28 =	vadd.f32 v42, v30;
	v30 =	vld [tilespmem:s6+$0x70];
	v24 =	vadd.f32 v24, v26  }
0xe3: {  	v31 =	vld [tilespmem:s6+$0xD0];
	v25 =	vadd.f32 v25, v27;
	v27 =	vadd.f32 v45, v29  }
0xe4: {  	v26 =	vadd.f32 v46, v28;
	v28 =	vld [tilespmem:s6+$0xB0];
	v22 =	vadd.f32 v22, v24  }
0xe5: {  	v29 =	vld [tilespmem:s6+$0x110];
	v23 =	vadd.f32 v23, v25;
	v25 =	vadd.f32 v47, v27  }
0xe6: {  	v24 =	vadd.f32 v48, v26;
	v26 =	vld [tilespmem:s6+$0xF0];
	v20 =	vadd.f32 v20, v22  }
0xe7: {  	v27 =	vld [tilespmem:s6+$0x150];
	v21 =	vadd.f32 v21, v23;
	v23 =	vadd.f32 v30, v25  }
0xe8: {  	v22 =	vadd.f32 v31, v24;
	v24 =	vld [tilespmem:s6+$0x130];
	v18 =	vadd.f32 v18, v20  }
0xe9: {  	v25 =	vld [tilespmem:s6+$0x190];
	v19 =	vadd.f32 v19, v21;
	v21 =	vadd.f32 v28, v23  }
0xea: {  	v20 =	vadd.f32 v29, v22;
	v22 =	vld [tilespmem:s6+$0x170];
	v16 =	vadd.f32 v16, v18  }
0xeb: {  	v23 =	vld [tilespmem:s6+$0x1D0];
	v17 =	vadd.f32 v17, v19;
	v19 =	vadd.f32 v26, v21  }
0xec: {  	v18 =	vadd.f32 v27, v20;
	v20 =	vld [tilespmem:s6+$0x1B0];
	v14 =	vadd.f32 v14, v16  }
0xed: {  	v21 =	vld [tilespmem:s6+$0x210];
	v15 =	vadd.f32 v15, v17;
	v17 =	vadd.f32 v24, v19  }
0xee: {  	v16 =	vadd.f32 v25, v18;
	v18 =	vld [tilespmem:s6+$0x1F0];
	v12 =	vadd.f32 v12, v14  }
0xef: {  	v19 =	vld [tilespmem:s6+$0x250];
	v13 =	vadd.f32 v13, v15;
	v15 =	vadd.f32 v22, v17  }
0xf0: {  	v14 =	vadd.f32 v23, v16;
	v16 =	vld [tilespmem:s6+$0x230];
	v10 =	vadd.f32 v10, v12  }
0xf1: {  	v11 =	vadd.f32 v11, v13;
	v13 =	vld [tilespmem:s6+$0x260];
	v15 =	vadd.f32 v20, v15  }
0xf2: {  	v12 =	vadd.f32 v21, v14;
	v14 =	vld [tilespmem:s5+$0x0];
	v7 =	vadd.f32 v7, v10  }
0xf3: {  	v9 =	vadd.f32 v9, v11;
	v11 =	vadd.f32 v18, v15;
	v15 =	vld [tilespmem:s6+$0x270]  }
0xf4: {  	v10 =	vadd.f32 v19, v12  }
0xf5: {  	v12 =	vld [tilespmem:s5+$0x10];
	v6 =	vmul.f32 v6, v7  }
0xf6: {  	v11 =	vadd.f32 v16, v11;
	v5 =	vmul.f32 v5, v10;
	v7 =	vadd.f32 v13, v9;
	_ =	sdelay $0x1  }
0xf7: {  	v5 =	vadd.f32 v5, v6;
	v6 =	vmul.f32 v14, v7;
	v7 =	vadd.f32 v15, v11;
	_ =	sdelay $0x1  }
0xf8: {  	v5 =	vadd.f32 v6, v5;
	v6 =	vmul.f32 v12, v7;
	_ =	sdelay $0x1  }
0xf9: {  	v5 =	vadd.f32 v6, v5;
	_ =	sdelay $0x1  }
0xfa: {  	v6 =	vperm.xlane v5, v0;
	_ =	sdelay $0x1  }
0xfb: {  	v5 =	vadd.f32 v5, v6;
	_ =	sdelay $0x1  }
0xfc: {  	v6 =	vperm.xlane v5, v1;
	_ =	sdelay $0x1  }
0xfd: {  	v5 =	vadd.f32 v5, v6;
	_ =	sdelay $0x1  }
0xfe: {  	v6 =	vperm.xlane v5, v2;
	_ =	sdelay $0x1  }
0xff: {  	v5 =	vadd.f32 v5, v6;
	_ =	sdelay $0x1  }
0x100: {  	v6 =	vperm.xlane v5, v3;
	_ =	sdelay $0x1  }
0x101: {  	s20 =	sshll.u32 s13, $0x1;
	v5 =	vadd.f32 v5, v6;
	v6 =	vmov s7  }
0x102: {  	s5 =	sadd.s32 $0x2, s20;
	vm0 =	veq.s32 v6, v4  }
0x103: {  	s8 =	sand.u32 $0x3E, s5;
	v5 =	vsel vm0, v5, v8  }
0x104: {  	s14 =	sshll.u32 s13, $0x5;
	s6 =	smul.u32 $0x500, s8;
	v5 =	vmul.f32 $5.000000070e-02, v5  }
0x105: {  	s14 =	sand.u32 $0x3FFFFFE0, s14  }
0x106: {  	s6 =	sshrl.u32 s6, $0x2;
	[tilespmem:s14+$0xFC00] =	vst v5  }
0x107: {  	[tilespmem:s17], [sflag:$0x1] =	stream.indirect.gather [hbm4b:s3+s16], $0x40, s6, s16, $0xb8;
	[tilespmem:$0x10000] =	vst v63  }
0x108: {  	s8 =	sor.u32 $0x40, s6  }
0x109: {  	[tilespmem:s18], [sflag:$0x1] =	stream.indirect.gather [hbm4b:s3+s16], $0x40, s8, s16, $0xb8;
	[tilespmem:$0x10000] =	vst v63  }
0x10a: {  	s8 =	sadd.s32 $0x80, s6  }
0x10b: {  	[tilespmem:s19], [sflag:$0x1] =	stream.indirect.gather [hbm4b:s3+s16], $0x40, s8, s16, $0xb8;
	[tilespmem:$0x10000] =	vst v63  }
0x10c: {  	s5 =	sshll.u32 s5, $0x4;
	s8 =	sadd.s32 $0xC0, s6  }
0x10d: {  	[tilespmem:s21], [sflag:$0x1] =	stream.indirect.gather [hbm4b:s3+s16], $0x40, s8, s16, $0xb8;
	[tilespmem:$0x10000] =	vst v63  }
0x10e: {  	s5 =	sand.u32 $0x3E0, s5;
	s6 =	sadd.s32 $0x100, s6  }
0x10f: {  	[tilespmem:s22], [sflag:$0x1] =	stream.indirect.gather [hbm4b:s3+s16], $0x40, s6, s16, $0xb8;
	[tilespmem:$0x10000] =	vst v63  }
0x110: {  	s5 =	sor.u32 $0x5000, s5  }
0x111: {  	[tilespmem:s26], [sflag:$0x1] =	stream.indirect.gather [hbm4b:s4+s25], $0x40, s5, s25, $0xb8;
	[tilespmem:$0x10000] =	vst v63  }
0x112: {  	_ =	swait.ge [sflag:s0], $0x1000  }
0x113: {  	[sflag:s0] =	ssyncset.done $0x0  }
0x114: {  	[sflag:s0] =	ssyncadd.s32 $0xFFFFF000  }
0x115: {  	_ =	swait.ge [sflag:s0], $0x1000  }
0x116: {  	[sflag:s0] =	ssyncset.done $0x0  }
0x117: {  	[sflag:s0] =	ssyncadd.s32 $0xFFFFF000  }
0x118: {  	_ =	swait.ge [sflag:s0], $0x1000  }
0x119: {  	[sflag:s0] =	ssyncset.done $0x0  }
0x11a: {  	[sflag:s0] =	ssyncadd.s32 $0xFFFFF000  }
0x11b: {  	_ =	swait.ge [sflag:s0], $0x1000  }
0x11c: {  	[sflag:s0] =	ssyncset.done $0x0  }
0x11d: {  	[sflag:s0] =	ssyncadd.s32 $0xFFFFF000  }
0x11e: {  	_ =	swait.ge [sflag:s0], $0x1000  }
0x11f: {  	[sflag:s0] =	ssyncset.done $0x0  }
0x120: {  	[sflag:s0] =	ssyncadd.s32 $0xFFFFF000  }
0x121: {  	_ =	swait.ge [sflag:s0], $0x400  }
0x122: {  	[sflag:s0] =	ssyncset.done $0x0  }
0x123: {  	s7 =	simm.s32 $0xF830;
	[sflag:s0] =	ssyncadd.s32 $0xFFFFFC00  }
0x124: {  	s8 =	simm.s32 $0x0;
	v5 =	vld [tilespmem:s7+$0xFFFFFFD0]  }
0x125: {  	v23 =	vld [tilespmem:s8+$0xA880]  }
0x126: {  	v21 =	vld [tilespmem:s8+$0xA860]  }
0x127: {  	v20 =	vld [tilespmem:s8+$0xA840]  }
0x128: {  	v19 =	vld [tilespmem:s8+$0xA820]  }
0x129: {  	v18 =	vld [tilespmem:s8+$0xA800]  }
0x12a: {  	v17 =	vld [tilespmem:s8+$0xA7E0]  }
0x12b: {  	v16 =	vld [tilespmem:s8+$0xA7C0]  }
0x12c: {  	v15 =	vld [tilespmem:s8+$0xA7A0]  }
0x12d: {  	v14 =	vld [tilespmem:s8+$0xA780]  }
0x12e: {  	v13 =	vld [tilespmem:s8+$0xA760]  }
0x12f: {  	v12 =	vld [tilespmem:s8+$0xA740]  }
0x130: {  	v11 =	vld [tilespmem:s8+$0xA720]  }
0x131: {  	v10 =	vld [tilespmem:s8+$0xA700]  }
0x132: {  	v9 =	vld [tilespmem:s8+$0xA6E0]  }
0x133: {  	v22 =	vld [tilespmem:s8+$0xA6C0]  }
0x134: {  	v24 =	vld [tilespmem:s8+$0xA6A0]  }
0x135: {  	v25 =	vld [tilespmem:s8+$0xA680]  }
0x136: {  	v26 =	vld [tilespmem:s8+$0xA660]  }
0x137: {  	v27 =	vld [tilespmem:s8+$0xA640]  }
0x138: {  	v28 =	vld [tilespmem:s8+$0xA620]  }
0x139: {  	v29 =	vld [tilespmem:s8+$0xA600]  }
0x13a: {  	v30 =	vld [tilespmem:s8+$0xA5E0]  }
0x13b: {  	v31 =	vld [tilespmem:s8+$0xA5C0]  }
0x13c: {  	v32 =	vld [tilespmem:s8+$0xA5A0]  }
0x13d: {  	v33 =	vld [tilespmem:s8+$0xA580]  }
0x13e: {  	v34 =	vld [tilespmem:s8+$0xA560]  }
0x13f: {  	v35 =	vld [tilespmem:s8+$0xA540]  }
0x140: {  	v36 =	vld [tilespmem:s8+$0xA520]  }
0x141: {  	v37 =	vld [tilespmem:s8+$0xA500]  }
0x142: {  	v38 =	vld [tilespmem:s8+$0xA4E0]  }
0x143: {  	v39 =	vld [tilespmem:s8+$0xA4C0]  }
0x144: {  	v40 =	vld [tilespmem:s8+$0xA4A0]  }
0x145: {  	v41 =	vld [tilespmem:s8+$0xA430]  }
0x146: {  	v42 =	vld [tilespmem:s8+$0xA480]  }
0x147: {  	v43 =	vld [tilespmem:s8+$0xA420]  }
0x148: {  	v44 =	vld [tilespmem:s8+$0xA400]  }
0x149: {  	v45 =	vld [tilespmem:s8+$0xA440]  }
0x14a: {  	v46 =	vld [tilespmem:s8+$0xA410]  }
0x14b: {  	v47 =	vld [tilespmem:s8+$0xA450]  }
0x14c: {  	v48 =	vld [tilespmem:s8+$0xA460]  }
0x14d: {  	v49 =	vld [tilespmem:s8+$0xA490]  }
0x14e: {  	v50 =	vld [tilespmem:s8+$0xA470]  }
0x14f: {  	v51 =	vld [tilespmem:s8+$0xA4D0]  }
0x150: {  	v52 =	vld [tilespmem:s8+$0xA4B0]  }
0x151: {  	v53 =	vld [tilespmem:s8+$0xA510]  }
0x152: {  	v54 =	vld [tilespmem:s8+$0xA4F0]  }
0x153: {  	v55 =	vld [tilespmem:s8+$0xA550]  }
0x154: {  	v56 =	vld [tilespmem:s8+$0xA530]  }
0x155: {  	v57 =	vld [tilespmem:s8+$0xA590]  }
0x156: {  	v58 =	vld [tilespmem:s8+$0xA570]  }
0x157: {  	v59 =	vld [tilespmem:s8+$0xA5D0]  }
0x158: {  	[tilespmem:$0x1FFE0] =	vst v5;
	v5 =	vld [tilespmem:s7+$0xFFFFFFE0]  }
0x159: {  	v60 =	vld [tilespmem:s8+$0xA5B0]  }
0x15a: {  	v61 =	vld [tilespmem:s8+$0xA610];
	v44 =	vadd.f32 v45, v44  }
0x15b: {  	v62 =	vld [tilespmem:s8+$0xA5F0];
	v43 =	vadd.f32 v48, v43  }
0x15c: {  	v63 =	vld [tilespmem:s8+$0xA650];
	v42 =	vadd.f32 v42, v44  }
0x15d: {  	v40 =	vadd.f32 v40, v43;
	[tilespmem:$0x1FFF0] =	vst v5;
	v5 =	vld [tilespmem:s8+$0xA8C0]  }
0x15e: {  	v6 =	vld [tilespmem:s8+$0xA690];
	v41 =	vadd.f32 v50, v41;
	v39 =	vadd.f32 v39, v42  }
0x15f: {  	v7 =	vld [tilespmem:s8+$0xA670];
	v38 =	vadd.f32 v38, v40  }
0x160: {  	v8 =	vld [tilespmem:s8+$0xA6D0];
	v52 =	vadd.f32 v52, v41;
	v37 =	vadd.f32 v37, v39  }
0x161: {  	v45 =	vadd.f32 v47, v46;
	v46 =	vld [tilespmem:s8+$0xA6B0];
	v36 =	vadd.f32 v36, v38  }
0x162: {  	v54 =	vadd.f32 v54, v52;
	v35 =	vadd.f32 v35, v37;
	[tilespmem:$0x1FFD0] =	vst v5;
	v5 =	vld [tilespmem:s8+$0xA8A0]  }
0x163: {  	v47 =	vld [tilespmem:s8+$0xA710];
	v49 =	vadd.f32 v49, v45;
	v34 =	vadd.f32 v34, v36  }
0x164: {  	v45 =	vld [tilespmem:s8+$0xA6F0];
	v56 =	vadd.f32 v56, v54;
	v33 =	vadd.f32 v33, v35  }
0x165: {  	v43 =	vld [tilespmem:s8+$0xA750];
	v32 =	vadd.f32 v32, v34  }
0x166: {  	v44 =	vld [tilespmem:s8+$0xA730];
	v50 =	vadd.f32 v58, v56;
	v31 =	vadd.f32 v31, v33  }
0x167: {  	v30 =	vadd.f32 v30, v32;
	[tilespmem:$0x1FFC0] =	vst v5;
	v5 =	vld [tilespmem:s8+$0xA630]  }
0x168: {  	v41 =	vld [tilespmem:s8+$0xA790];
	v54 =	vadd.f32 v60, v50;
	v29 =	vadd.f32 v29, v31  }
0x169: {  	v42 =	vld [tilespmem:s8+$0xA770];
	v28 =	vadd.f32 v28, v30  }
0x16a: {  	v40 =	vld [tilespmem:s8+$0xA7D0];
	v30 =	vadd.f32 v62, v54;
	v27 =	vadd.f32 v27, v29  }
0x16b: {  	v51 =	vadd.f32 v51, v49;
	v49 =	vld [tilespmem:s8+$0xA7F0]  }
0x16c: {  	v39 =	vld [tilespmem:s8+$0xA7B0];
	v25 =	vadd.f32 v25, v27;
	v5 =	vadd.f32 v5, v30  }
0x16d: {  	v53 =	vadd.f32 v53, v51;
	v38 =	vld [tilespmem:s8+$0xA810]  }
0x16e: {  	v51 =	vld [tilespmem:s8+$0xA850];
	v5 =	vadd.f32 v7, v5;
	v7 =	vadd.f32 v22, v25  }
0x16f: {  	v55 =	vadd.f32 v55, v53;
	v53 =	vld [tilespmem:s8+$0xA830];
	v26 =	vadd.f32 v26, v28  }
0x170: {  	s6 =	simm.s32 $0x500;
	v56 =	vld [tilespmem:s8+$0xA870];
	v10 =	vadd.f32 v10, v7  }
0x171: {  	v36 =	vld [tilespmem:s6+$0xA540];
	v48 =	vadd.f32 v57, v55;
	v24 =	vadd.f32 v24, v26  }
0x172: {  	v37 =	vld [tilespmem:s6+$0xA520];
	v10 =	vadd.f32 v12, v10  }
0x173: {  	v55 =	vld [tilespmem:s8+$0xA890];
	v52 =	vadd.f32 v59, v48;
	v9 =	vadd.f32 v9, v24  }
0x174: {  	v57 =	vld [tilespmem:s8+$0xA8D0];
	v14 =	vadd.f32 v14, v10  }
0x175: {  	v34 =	vld [tilespmem:s6+$0xA580];
	v31 =	vadd.f32 v61, v52;
	v9 =	vadd.f32 v11, v9  }
0x176: {  	v35 =	vld [tilespmem:s6+$0xA560];
	v16 =	vadd.f32 v16, v14  }
0x177: {  	v32 =	vld [tilespmem:s6+$0xA5C0];
	v29 =	vadd.f32 v63, v31;
	v13 =	vadd.f32 v13, v9  }
0x178: {  	v33 =	vld [tilespmem:s6+$0xA5A0];
	v18 =	vadd.f32 v18, v16  }
0x179: {  	v31 =	vld [tilespmem:s8+$0xA8B0];
	v6 =	vadd.f32 v6, v29;
	v15 =	vadd.f32 v15, v13  }
0x17a: {  	v28 =	vld [tilespmem:s8+$0xA8E0];
	v20 =	vadd.f32 v20, v18  }
0x17b: {  	v27 =	vld [tilespmem:s7+$0xFFFFFFF0];
	v8 =	vadd.f32 v8, v6;
	v17 =	vadd.f32 v17, v15  }
0x17c: {  	v22 =	vadd.f32 v46, v5;
	v23 =	vadd.f32 v23, v20;
	v20 =	vld [tilespmem:$0x1FFC0]  }
0x17d: {  	v26 =	vld [tilespmem:s8+$0xA8F0];
	v8 =	vadd.f32 v47, v8;
	v19 =	vadd.f32 v19, v17  }
0x17e: {  	s5 =	simm.s32 $0xF870;
	v29 =	vld [tilespmem:s7+$0x0];
	v11 =	vadd.f32 v45, v22  }
0x17f: {  	v6 =	vld [tilespmem:s5+$0xFFFFFFD0];
	v12 =	vadd.f32 v43, v8;
	v21 =	vadd.f32 v21, v19  }
0x180: {  	v30 =	vld [tilespmem:$0x1FFE0];
	v11 =	vadd.f32 v44, v11  }
0x181: {  	v22 =	vadd.f32 v41, v12;
	v24 =	vadd.f32 v20, v21;
	v21 =	vld [tilespmem:$0x1FFD0]  }
0x182: {  	v47 =	vld [tilespmem:s6+$0xA410]  }
0x183: {  	v5 =	vld [tilespmem:s5+$0xFFFFFFE0];
	v11 =	vadd.f32 v42, v11;
	v22 =	vadd.f32 v40, v22  }
0x184: {  	v7 =	vld [tilespmem:s6+$0xA8C0]  }
0x185: {  	v9 =	vld [tilespmem:s6+$0xA880];
	v11 =	vadd.f32 v39, v11;
	v22 =	vadd.f32 v38, v22  }
0x186: {  	v46 =	vld [tilespmem:s6+$0xA440];
	v23 =	vadd.f32 v21, v23  }
0x187: {  	v8 =	vld [tilespmem:s6+$0xA8A0];
	v11 =	vadd.f32 v49, v11;
	v22 =	vadd.f32 v51, v22  }
0x188: {  	v30 =	vmul.f32 v30, v23;
	v23 =	vld [tilespmem:$0x1FFF0]  }
0x189: {  	v13 =	vld [tilespmem:s6+$0xA820];
	v11 =	vadd.f32 v53, v11;
	v22 =	vadd.f32 v55, v22  }
0x18a: {  	v43 =	vld [tilespmem:s6+$0xA480]  }
0x18b: {  	v45 =	vld [tilespmem:s6+$0xA400];
	v11 =	vadd.f32 v56, v11;
	v25 =	vadd.f32 v57, v22  }
0x18c: {  	v10 =	vld [tilespmem:s6+$0xA860]  }
0x18d: {  	v12 =	vld [tilespmem:s6+$0xA840];
	v11 =	vadd.f32 v31, v11;
	v28 =	vadd.f32 v28, v24;
	v25 =	vmul.f32 v23, v25  }
0x18e: {  	v15 =	vld [tilespmem:s6+$0xA7E0]  }
0x18f: {  	v41 =	vld [tilespmem:s6+$0xA4A0];
	v11 =	vadd.f32 v26, v11;
	v27 =	vmul.f32 v27, v28;
	v30 =	vadd.f32 v25, v30  }
0x190: {  	v44 =	vld [tilespmem:s6+$0xA420]  }
0x191: {  	v14 =	vld [tilespmem:s6+$0xA800];
	v11 =	vmul.f32 v29, v11;
	v30 =	vadd.f32 v27, v30  }
0x192: {  	v17 =	vld [tilespmem:s6+$0xA7A0]  }
0x193: {  	v40 =	vld [tilespmem:s6+$0xA4C0];
	v11 =	vadd.f32 v11, v30  }
0x194: {  	v42 =	vld [tilespmem:s6+$0xA430]  }
0x195: {  	v16 =	vld [tilespmem:s6+$0xA7C0];
	v58 =	vperm.xlane v11, v0  }
0x196: {  	v19 =	vld [tilespmem:s6+$0xA760]  }
0x197: {  	v38 =	vld [tilespmem:s6+$0xA500];
	v11 =	vadd.f32 v11, v58  }
0x198: {  	v39 =	vld [tilespmem:s6+$0xA4E0]  }
0x199: {  	v18 =	vld [tilespmem:s6+$0xA780];
	v59 =	vperm.xlane v11, v1  }
0x19a: {  	v22 =	vld [tilespmem:s6+$0xA700]  }
0x19b: {  	v31 =	vld [tilespmem:s6+$0xA5E0];
	v11 =	vadd.f32 v11, v59  }
0x19c: {  	v20 =	vld [tilespmem:s6+$0xA740]  }
0x19d: {  	v26 =	vld [tilespmem:s6+$0xA680];
	v60 =	vperm.xlane v11, v2  }
0x19e: {  	v24 =	vld [tilespmem:s6+$0xA6C0]  }
0x19f: {  	v29 =	vld [tilespmem:s6+$0xA620];
	v11 =	vadd.f32 v11, v60  }
0x1a0: {  	v28 =	vld [tilespmem:s6+$0xA640]  }
0x1a1: {  	v21 =	vld [tilespmem:s6+$0xA720];
	v61 =	vperm.xlane v11, v3  }
0x1a2: {  	s7 =	simm.s32 $0x0;
	v23 =	vld [tilespmem:s6+$0xA6E0]  }
0x1a3: {  	v62 =	vmov s7;
	v25 =	vld [tilespmem:s6+$0xA6A0];
	v11 =	vadd.f32 v11, v61  }
0x1a4: {  	v63 =	vimm.f32 $0.0e+00;
	vm15 =	veq.s32 v62, v4;
	v27 =	vld [tilespmem:s6+$0xA660]  }
0x1a5: {  	s8 =	simm.s32 $0x2800;
	v30 =	vld [tilespmem:s6+$0xA600];
	v11 =	vsel vm15, v11, v63  }
.LBB2_5:
0x1a6: {  	p0 =	sne.s32 s8, $0x12C00;
	v48 =	vld [tilespmem:s6+$0xA450]  }
0x1a7: {  	v49 =	vld [tilespmem:s6+$0xA460]  }
0x1a8: {  	v50 =	vld [tilespmem:s6+$0xA490]  }
0x1a9: {  	v51 =	vld [tilespmem:s6+$0xA470]  }
0x1aa: {  	v52 =	vld [tilespmem:s6+$0xA4D0]  }
0x1ab: {  	v45 =	vadd.f32 v46, v45;
	v46 =	vadd.f32 v48, v47;
	v47 =	vld [tilespmem:s6+$0xA4B0]  }
0x1ac: {  	v48 =	vld [tilespmem:s6+$0xA510];
	v44 =	vadd.f32 v49, v44  }
0x1ad: {  	v43 =	vadd.f32 v43, v45;
	v45 =	vadd.f32 v50, v46;
	v46 =	vld [tilespmem:s6+$0xA4F0]  }
0x1ae: {  	v49 =	vld [tilespmem:s6+$0xA550];
	v41 =	vadd.f32 v41, v44;
	v42 =	vadd.f32 v51, v42  }
0x1af: {  	v40 =	vadd.f32 v40, v43;
	v43 =	vadd.f32 v52, v45;
	v44 =	vld [tilespmem:s6+$0xA530]  }
0x1b0: {  	v45 =	vld [tilespmem:s6+$0xA590];
	v39 =	vadd.f32 v39, v41;
	v41 =	vadd.f32 v47, v42  }
0x1b1: {  	v38 =	vadd.f32 v38, v40;
	v40 =	vadd.f32 v48, v43;
	v42 =	vld [tilespmem:s6+$0xA570]  }
0x1b2: {  	v43 =	vld [tilespmem:s6+$0xA5D0];
	v37 =	vadd.f32 v37, v39;
	v39 =	vadd.f32 v46, v41  }
0x1b3: {  	v36 =	vadd.f32 v36, v38;
	v38 =	vadd.f32 v49, v40;
	v40 =	vld [tilespmem:s6+$0xA5B0]  }
0x1b4: {  	v41 =	vld [tilespmem:s6+$0xA610];
	v35 =	vadd.f32 v35, v37;
	v37 =	vadd.f32 v44, v39  }
0x1b5: {  	v34 =	vadd.f32 v34, v36;
	v36 =	vadd.f32 v45, v38;
	v38 =	vld [tilespmem:s6+$0xA5F0]  }
0x1b6: {  	v39 =	vld [tilespmem:s6+$0xA650];
	v33 =	vadd.f32 v33, v35;
	v35 =	vadd.f32 v42, v37  }
0x1b7: {  	v32 =	vadd.f32 v32, v34;
	v34 =	vadd.f32 v43, v36;
	v36 =	vld [tilespmem:s6+$0xA630]  }
0x1b8: {  	v37 =	vld [tilespmem:s6+$0xA690];
	v31 =	vadd.f32 v31, v33;
	v33 =	vadd.f32 v40, v35  }
0x1b9: {  	v30 =	vadd.f32 v30, v32;
	v32 =	vadd.f32 v41, v34;
	v34 =	vld [tilespmem:s6+$0xA670]  }
0x1ba: {  	v35 =	vld [tilespmem:s6+$0xA6D0];
	v29 =	vadd.f32 v29, v31;
	v31 =	vadd.f32 v38, v33  }
0x1bb: {  	v28 =	vadd.f32 v28, v30;
	v30 =	vadd.f32 v39, v32;
	v32 =	vld [tilespmem:s6+$0xA6B0]  }
0x1bc: {  	v33 =	vld [tilespmem:s6+$0xA710];
	v27 =	vadd.f32 v27, v29;
	v29 =	vadd.f32 v36, v31  }
0x1bd: {  	v26 =	vadd.f32 v26, v28;
	v28 =	vadd.f32 v37, v30;
	v30 =	vld [tilespmem:s6+$0xA6F0]  }
0x1be: {  	v31 =	vld [tilespmem:s6+$0xA750];
	v25 =	vadd.f32 v25, v27;
	v27 =	vadd.f32 v34, v29  }
0x1bf: {  	v24 =	vadd.f32 v24, v26;
	v26 =	vadd.f32 v35, v28;
	v28 =	vld [tilespmem:s6+$0xA730]  }
0x1c0: {  	v29 =	vld [tilespmem:s6+$0xA790];
	v23 =	vadd.f32 v23, v25;
	v25 =	vadd.f32 v32, v27  }
0x1c1: {  	v22 =	vadd.f32 v22, v24;
	v24 =	vadd.f32 v33, v26;
	v26 =	vld [tilespmem:s6+$0xA770]  }
0x1c2: {  	v27 =	vld [tilespmem:s6+$0xA7D0];
	v21 =	vadd.f32 v21, v23;
	v23 =	vadd.f32 v30, v25  }
0x1c3: {  	v20 =	vadd.f32 v20, v22;
	v22 =	vadd.f32 v31, v24;
	v24 =	vld [tilespmem:s6+$0xA7B0]  }
0x1c4: {  	v25 =	vld [tilespmem:s6+$0xA810];
	v19 =	vadd.f32 v19, v21;
	v21 =	vadd.f32 v28, v23  }
0x1c5: {  	v18 =	vadd.f32 v18, v20;
	v20 =	vadd.f32 v29, v22;
	v22 =	vld [tilespmem:s6+$0xA7F0]  }
0x1c6: {  	v23 =	vld [tilespmem:s6+$0xA850];
	v17 =	vadd.f32 v17, v19;
	v19 =	vadd.f32 v26, v21  }
0x1c7: {  	v16 =	vadd.f32 v16, v18;
	v18 =	vadd.f32 v27, v20;
	v20 =	vld [tilespmem:s6+$0xA830]  }
0x1c8: {  	v21 =	vld [tilespmem:s6+$0xA890];
	v15 =	vadd.f32 v15, v17;
	v17 =	vadd.f32 v24, v19  }
0x1c9: {  	v14 =	vadd.f32 v14, v16;
	v16 =	vadd.f32 v25, v18;
	v18 =	vld [tilespmem:s6+$0xA870]  }
0x1ca: {  	v19 =	vld [tilespmem:s6+$0xA8D0];
	v13 =	vadd.f32 v13, v15;
	v15 =	vadd.f32 v22, v17  }
0x1cb: {  	v12 =	vadd.f32 v12, v14;
	v14 =	vadd.f32 v23, v16;
	v16 =	vld [tilespmem:s6+$0xA8B0]  }
0x1cc: {  	v10 =	vadd.f32 v10, v13;
	v13 =	vld [tilespmem:s6+$0xA8E0];
	v15 =	vadd.f32 v20, v15  }
0x1cd: {  	v9 =	vadd.f32 v9, v12;
	v12 =	vadd.f32 v21, v14;
	v14 =	vld [tilespmem:s5+$0xFFFFFFF0]  }
0x1ce: {  	v8 =	vadd.f32 v8, v10;
	v10 =	vadd.f32 v18, v15;
	v15 =	vld [tilespmem:s6+$0xA8F0]  }
0x1cf: {  	v7 =	vadd.f32 v7, v9;
	v9 =	vadd.f32 v19, v12;
	v12 =	vld [tilespmem:s5+$0x0];
	s5 =	sadd.s32 $0x40, s5  }
0x1d0: {  	v17 =	vld [tilespmem:s5+$0xFFFFFFD0];
	v10 =	vadd.f32 v16, v10  }
0x1d1: {  	s6 =	sshra.s32 s8, $0x2;
	v6 =	vmul.f32 v6, v7;
	v9 =	vmul.f32 v5, v9;
	v5 =	vld [tilespmem:s5+$0xFFFFFFE0];
	v13 =	vadd.f32 v13, v8  }
0x1d2: {  	v7 =	vld [tilespmem:s6+$0xA8C0]  }
0x1d3: {  	v8 =	vld [tilespmem:s6+$0xA8A0];
	v16 =	vadd.f32 v9, v6;
	v13 =	vmul.f32 v14, v13;
	v14 =	vadd.f32 v15, v10  }
0x1d4: {  	v9 =	vld [tilespmem:s6+$0xA880]  }
0x1d5: {  	v10 =	vld [tilespmem:s6+$0xA860];
	v15 =	vadd.f32 v13, v16;
	v14 =	vmul.f32 v12, v14;
	v6 =	vmov v17  }
0x1d6: {  	v12 =	vld [tilespmem:s6+$0xA840]  }
0x1d7: {  	v13 =	vld [tilespmem:s6+$0xA820];
	v18 =	vadd.f32 v14, v15  }
0x1d8: {  	v14 =	vld [tilespmem:s6+$0xA800]  }
0x1d9: {  	v15 =	vld [tilespmem:s6+$0xA7E0];
	v19 =	vperm.xlane v18, v0  }
0x1da: {  	v16 =	vld [tilespmem:s6+$0xA7C0]  }
0x1db: {  	v17 =	vld [tilespmem:s6+$0xA7A0];
	v22 =	vadd.f32 v18, v19  }
0x1dc: {  	v18 =	vld [tilespmem:s6+$0xA780]  }
0x1dd: {  	v19 =	vld [tilespmem:s6+$0xA760];
	v23 =	vperm.xlane v22, v1  }
0x1de: {  	v20 =	vld [tilespmem:s6+$0xA740]  }
0x1df: {  	v21 =	vld [tilespmem:s6+$0xA720];
	v26 =	vadd.f32 v22, v23  }
0x1e0: {  	v22 =	vld [tilespmem:s6+$0xA700]  }
0x1e1: {  	v23 =	vld [tilespmem:s6+$0xA6E0];
	v27 =	vperm.xlane v26, v2  }
0x1e2: {  	v24 =	vld [tilespmem:s6+$0xA6C0]  }
0x1e3: {  	v25 =	vld [tilespmem:s6+$0xA6A0];
	v30 =	vadd.f32 v26, v27  }
0x1e4: {  	v26 =	vld [tilespmem:s6+$0xA680]  }
0x1e5: {  	v27 =	vld [tilespmem:s6+$0xA660];
	v31 =	vperm.xlane v30, v3  }
0x1e6: {  	s7 =	sadd.s32 $0x1, s7;
	v28 =	vld [tilespmem:s6+$0xA640]  }
0x1e7: {  	v29 =	vld [tilespmem:s6+$0xA620];
	v32 =	vadd.f32 v30, v31;
	v31 =	vmov s7  }
0x1e8: {  	v30 =	vld [tilespmem:s6+$0xA600];
	vm0 =	veq.s32 v31, v4  }
0x1e9: {  	v31 =	vld [tilespmem:s6+$0xA5E0];
	v11 =	vsel vm0, v32, v11  }
0x1ea: {  	v32 =	vld [tilespmem:s6+$0xA5C0]  }
0x1eb: {  	v33 =	vld [tilespmem:s6+$0xA5A0]  }
0x1ec: {  	v34 =	vld [tilespmem:s6+$0xA580]  }
0x1ed: {  	v35 =	vld [tilespmem:s6+$0xA560]  }
0x1ee: {  	v36 =	vld [tilespmem:s6+$0xA540]  }
0x1ef: {  	v37 =	vld [tilespmem:s6+$0xA520]  }
0x1f0: {  	v38 =	vld [tilespmem:s6+$0xA500]  }
0x1f1: {  	v39 =	vld [tilespmem:s6+$0xA4E0]  }
0x1f2: {  	v40 =	vld [tilespmem:s6+$0xA4C0]  }
0x1f3: {  	v41 =	vld [tilespmem:s6+$0xA4A0]  }
0x1f4: {  	v42 =	vld [tilespmem:s6+$0xA430]  }
.Ltmp1:
0x1f5: {  	v43 =	vld [tilespmem:s6+$0xA480];
	(pc) =	sbr.rel @p0 .LBB2_5-.Ltmp1, $4  }
0x1f6: {  	v44 =	vld [tilespmem:s6+$0xA420]  }
0x1f7: {  	v45 =	vld [tilespmem:s6+$0xA400]  }
0x1f8: {  	v46 =	vld [tilespmem:s6+$0xA440]  }
0x1f9: {  	s8 =	sadd.s32 $0x1400, s8;
	v47 =	vld [tilespmem:s6+$0xA410]  }
0x1fa: {  	v48 =	vld [tilespmem:s6+$0xA450]  }
0x1fb: {  	v49 =	vld [tilespmem:s6+$0xA460]  }
0x1fc: {  	v50 =	vld [tilespmem:s6+$0xA490]  }
0x1fd: {  	v51 =	vld [tilespmem:s6+$0xA470]  }
0x1fe: {  	v52 =	vld [tilespmem:s6+$0xA4D0]  }
0x1ff: {  	v58 =	vld [tilespmem:s6+$0xA4B0];
	v45 =	vadd.f32 v46, v45;
	v57 =	vadd.f32 v48, v47  }
0x200: {  	v59 =	vld [tilespmem:s6+$0xA510];
	v44 =	vadd.f32 v49, v44  }
0x201: {  	v61 =	vld [tilespmem:s6+$0xA4F0];
	v43 =	vadd.f32 v43, v45;
	v60 =	vadd.f32 v50, v57  }
0x202: {  	v62 =	vld [tilespmem:s6+$0xA550];
	v42 =	vadd.f32 v51, v42;
	v41 =	vadd.f32 v41, v44  }
0x203: {  	v40 =	vadd.f32 v40, v43;
	v50 =	vld [tilespmem:s6+$0xA530];
	v63 =	vadd.f32 v52, v60  }
0x204: {  	v51 =	vld [tilespmem:s6+$0xA590];
	v39 =	vadd.f32 v39, v41;
	v52 =	vadd.f32 v58, v42  }
0x205: {  	v54 =	vld [tilespmem:s6+$0xA570];
	v38 =	vadd.f32 v38, v40;
	v53 =	vadd.f32 v59, v63  }
0x206: {  	v55 =	vld [tilespmem:s6+$0xA5D0];
	v37 =	vadd.f32 v37, v39;
	v56 =	vadd.f32 v61, v52  }
0x207: {  	v58 =	vld [tilespmem:s6+$0xA5B0];
	v36 =	vadd.f32 v36, v38;
	v57 =	vadd.f32 v62, v53  }
0x208: {  	v59 =	vld [tilespmem:s6+$0xA610];
	v35 =	vadd.f32 v35, v37;
	v60 =	vadd.f32 v50, v56  }
0x209: {  	v34 =	vadd.f32 v34, v36;
	v62 =	vld [tilespmem:s6+$0xA5F0];
	v61 =	vadd.f32 v51, v57  }
0x20a: {  	v63 =	vld [tilespmem:s6+$0xA650];
	v33 =	vadd.f32 v33, v35;
	v44 =	vadd.f32 v54, v60  }
0x20b: {  	v46 =	vld [tilespmem:s6+$0xA630];
	v32 =	vadd.f32 v32, v34;
	v45 =	vadd.f32 v55, v61  }
0x20c: {  	v47 =	vld [tilespmem:s6+$0xA690];
	v31 =	vadd.f32 v31, v33;
	v48 =	vadd.f32 v58, v44  }
0x20d: {  	v50 =	vld [tilespmem:s6+$0xA670];
	v30 =	vadd.f32 v30, v32;
	v49 =	vadd.f32 v59, v45  }
0x20e: {  	v51 =	vld [tilespmem:s6+$0xA6D0];
	v29 =	vadd.f32 v29, v31;
	v52 =	vadd.f32 v62, v48  }
0x20f: {  	v54 =	vld [tilespmem:s6+$0xA6B0];
	v28 =	vadd.f32 v28, v30;
	v53 =	vadd.f32 v63, v49  }
0x210: {  	v55 =	vld [tilespmem:s6+$0xA710];
	v27 =	vadd.f32 v27, v29;
	v56 =	vadd.f32 v46, v52  }
0x211: {  	v58 =	vld [tilespmem:s6+$0xA6F0];
	v26 =	vadd.f32 v26, v28;
	v57 =	vadd.f32 v47, v53  }
0x212: {  	v59 =	vld [tilespmem:s6+$0xA750];
	v25 =	vadd.f32 v25, v27;
	v60 =	vadd.f32 v50, v56  }
0x213: {  	v62 =	vld [tilespmem:s6+$0xA730];
	v24 =	vadd.f32 v24, v26;
	v61 =	vadd.f32 v51, v57  }
0x214: {  	v63 =	vld [tilespmem:s6+$0xA790];
	v23 =	vadd.f32 v23, v25;
	v34 =	vadd.f32 v54, v60  }
0x215: {  	v36 =	vld [tilespmem:s6+$0xA770];
	v22 =	vadd.f32 v22, v24;
	v35 =	vadd.f32 v55, v61  }
0x216: {  	v37 =	vld [tilespmem:s6+$0xA7D0];
	v21 =	vadd.f32 v21, v23;
	v38 =	vadd.f32 v58, v34  }
0x217: {  	v40 =	vld [tilespmem:s6+$0xA7B0];
	v20 =	vadd.f32 v20, v22;
	v39 =	vadd.f32 v59, v35  }
0x218: {  	v41 =	vld [tilespmem:s6+$0xA810];
	v19 =	vadd.f32 v19, v21;
	v42 =	vadd.f32 v62, v38  }
0x219: {  	v44 =	vld [tilespmem:s6+$0xA7F0];
	v18 =	vadd.f32 v18, v20;
	v43 =	vadd.f32 v63, v39  }
0x21a: {  	v45 =	vld [tilespmem:s6+$0xA850];
	v17 =	vadd.f32 v17, v19;
	v46 =	vadd.f32 v36, v42  }
0x21b: {  	v48 =	vld [tilespmem:s6+$0xA830];
	v16 =	vadd.f32 v16, v18;
	v47 =	vadd.f32 v37, v43  }
0x21c: {  	v49 =	vld [tilespmem:s6+$0xA890];
	v15 =	vadd.f32 v15, v17;
	v50 =	vadd.f32 v40, v46  }
0x21d: {  	v52 =	vld [tilespmem:s6+$0xA870];
	v14 =	vadd.f32 v14, v16;
	v51 =	vadd.f32 v41, v47  }
0x21e: {  	v53 =	vld [tilespmem:s6+$0xA8D0];
	v13 =	vadd.f32 v13, v15;
	v54 =	vadd.f32 v44, v50  }
0x21f: {  	v56 =	vld [tilespmem:s6+$0xA8B0];
	v12 =	vadd.f32 v12, v14;
	v55 =	vadd.f32 v45, v51  }
0x220: {  	v57 =	vld [tilespmem:s6+$0xA8E0];
	v10 =	vadd.f32 v10, v13;
	v15 =	vadd.f32 v48, v54  }
0x221: {  	v61 =	vld [tilespmem:s6+$0xA8F0];
	v9 =	vadd.f32 v9, v12;
	v58 =	vadd.f32 v49, v55  }
0x222: {  	v59 =	vld [tilespmem:s5+$0xFFFFFFF0];
	v8 =	vadd.f32 v8, v10;
	v60 =	vadd.f32 v52, v15  }
0x223: {  	v7 =	vadd.f32 v7, v9;
	v62 =	vadd.f32 v53, v58  }
0x224: {  	v63 =	vld [tilespmem:s5+$0x0];
	v10 =	vadd.f32 v56, v60  }
0x225: {  	v6 =	vmul.f32 v6, v7;
	v7 =	vadd.f32 v57, v8;
	v5 =	vmul.f32 v5, v62;
	_ =	sdelay $0x1  }
0x226: {  	v5 =	vadd.f32 v5, v6;
	v6 =	vmul.f32 v59, v7;
	v7 =	vadd.f32 v61, v10;
	_ =	sdelay $0x1  }
0x227: {  	v5 =	vadd.f32 v6, v5;
	v6 =	vmul.f32 v63, v7;
	_ =	sdelay $0x1  }
0x228: {  	v5 =	vadd.f32 v6, v5;
	_ =	sdelay $0x1  }
0x229: {  	v6 =	vperm.xlane v5, v0;
	_ =	sdelay $0x1  }
0x22a: {  	v5 =	vadd.f32 v5, v6;
	_ =	sdelay $0x1  }
0x22b: {  	v6 =	vperm.xlane v5, v1;
	_ =	sdelay $0x1  }
0x22c: {  	v5 =	vadd.f32 v5, v6;
	_ =	sdelay $0x1  }
0x22d: {  	v6 =	vperm.xlane v5, v2;
	_ =	sdelay $0x1  }
0x22e: {  	v5 =	vadd.f32 v5, v6;
	_ =	sdelay $0x1  }
0x22f: {  	v6 =	vperm.xlane v5, v3  }
0x230: {  	s6 =	sadd.s32 $0x1, s7  }
0x231: {  	v5 =	vadd.f32 v5, v6;
	v6 =	vmov s6  }
0x232: {  	s5 =	sadd.s32 $0x3, s20;
	vm0 =	veq.s32 v6, v4  }
0x233: {  	s7 =	sand.u32 $0x3F, s5;
	v5 =	vsel vm0, v5, v11  }
0x234: {  	s6 =	smul.u32 $0x500, s7;
	v5 =	vmul.f32 $5.000000070e-02, v5;
	_ =	sdelay $0x1  }
0x235: {  	s6 =	sshrl.u32 s6, $0x2;
	[tilespmem:s14+$0xFC10] =	vst v5  }
0x236: {  	[tilespmem:s29], [sflag:$0x2] =	stream.indirect.gather [hbm4b:s3+s16], $0x40, s6, s16, $0xb8;
	[tilespmem:$0x10000] =	vst v63  }
0x237: {  	s8 =	sadd.s32 $0x40, s6  }
0x238: {  	[tilespmem:s31], [sflag:$0x2] =	stream.indirect.gather [hbm4b:s3+s16], $0x40, s8, s16, $0xb8;
	[tilespmem:$0x10000] =	vst v63  }
0x239: {  	s13 =	sadd.s32 $0x1, s13;
	s14 =	sadd.s32 $0x80, s6  }
0x23a: {  	[tilespmem:s1], [sflag:$0x2] =	stream.indirect.gather [hbm4b:s3+s16], $0x40, s14, s16, $0xb8;
	[tilespmem:$0x10000] =	vst v63  }
0x23b: {  	p0 =	sne.s32 s13, $0x20;
	s20 =	sadd.s32 $0xC0, s6  }
0x23c: {  	[tilespmem:s15], [sflag:$0x2] =	stream.indirect.gather [hbm4b:s3+s16], $0x40, s20, s16, $0xb8;
	[tilespmem:$0x10000] =	vst v63  }
.Ltmp2:
0x23d: {  	s5 =	sshll.u32 s5, $0x4;
	(pc) =	sbr.rel @p0 .LBB2_2-.Ltmp2, $4  }
0x23e: {  	s5 =	sand.u32 $0x3F0, s5;
	s6 =	sadd.s32 $0x100, s6  }
0x23f: {  	[tilespmem:s23], [sflag:$0x2] =	stream.indirect.gather [hbm4b:s3+s16], $0x40, s6, s16, $0xb8;
	[tilespmem:$0x10000] =	vst v63  }
0x240: {  	s5 =	sor.u32 $0x5000, s5  }
0x241: {  	[tilespmem:s28], [sflag:$0x2] =	stream.indirect.gather [hbm4b:s4+s25], $0x40, s5, s25, $0xb8;
	[tilespmem:$0x10000] =	vst v63  }
0x242: {  	_ =	swait.ge [sflag:s30], $0x1000  }
0x243: {  	[sflag:s30] =	ssyncset.done $0x0  }
0x244: {  	[sflag:s30] =	ssyncadd.s32 $0xFFFFF000  }
0x245: {  	_ =	swait.ge [sflag:s30], $0x1000  }
0x246: {  	[sflag:s30] =	ssyncset.done $0x0  }
0x247: {  	[sflag:s30] =	ssyncadd.s32 $0xFFFFF000  }
0x248: {  	_ =	swait.ge [sflag:s30], $0x1000  }
0x249: {  	[sflag:s30] =	ssyncset.done $0x0  }
0x24a: {  	[sflag:s30] =	ssyncadd.s32 $0xFFFFF000  }
0x24b: {  	_ =	swait.ge [sflag:s30], $0x1000  }
0x24c: {  	[sflag:s30] =	ssyncset.done $0x0  }
0x24d: {  	[sflag:s30] =	ssyncadd.s32 $0xFFFFF000  }
0x24e: {  	_ =	swait.ge [sflag:s30], $0x1000  }
0x24f: {  	[sflag:s30] =	ssyncset.done $0x0  }
0x250: {  	[sflag:s30] =	ssyncadd.s32 $0xFFFFF000  }
0x251: {  	_ =	swait.ge [sflag:s30], $0x400  }
0x252: {  	[sflag:s30] =	ssyncset.done $0x0  }
0x253: {  	[sflag:s30] =	ssyncadd.s32 $0xFFFFFC00  }
0x254: {  	_ =	swait.ge [sflag:s0], $0x1000  }
0x255: {  	[sflag:s0] =	ssyncset.done $0x0  }
0x256: {  	[sflag:s0] =	ssyncadd.s32 $0xFFFFF000  }
0x257: {  	_ =	swait.ge [sflag:s0], $0x1000  }
0x258: {  	[sflag:s0] =	ssyncset.done $0x0  }
0x259: {  	[sflag:s0] =	ssyncadd.s32 $0xFFFFF000  }
0x25a: {  	_ =	swait.ge [sflag:s0], $0x1000  }
0x25b: {  	[sflag:s0] =	ssyncset.done $0x0  }
0x25c: {  	[sflag:s0] =	ssyncadd.s32 $0xFFFFF000  }
0x25d: {  	_ =	swait.ge [sflag:s0], $0x1000  }
0x25e: {  	[sflag:s0] =	ssyncset.done $0x0  }
0x25f: {  	[sflag:s0] =	ssyncadd.s32 $0xFFFFF000  }
0x260: {  	_ =	swait.ge [sflag:s0], $0x1000  }
0x261: {  	[sflag:s0] =	ssyncset.done $0x0  }
0x262: {  	[sflag:s0] =	ssyncadd.s32 $0xFFFFF000  }
0x263: {  	_ =	swait.ge [sflag:s0], $0x400  }
0x264: {  	[sflag:s0] =	ssyncset.done $0x0  }
0x265: {  	s5 =	simm.s32 $0xFC00;
	[sflag:s0] =	ssyncadd.s32 $0xFFFFFC00  }
0x266: {  	[hbm4b:s9+s2] =	stream.linear.scatter [tilespmem:s5], [sflag:$0x3], $0x200, $0x38;
	[tilespmem:$0x10000] =	vst v63  }
0x267: {  	s24 =	sadd.s32 $0x1, s24;
	_ =	swait.ge [sflag:s12], $0x200  }
0x268: {  	p0 =	sne.s32 s24, s11;
	[sflag:s12] =	ssyncset.done $0x0  }
.Ltmp3:
0x269: {  	s20 =	simm.s32 $0xFE00;
	[sflag:s12] =	ssyncadd.s32 $0xFFFFFE00;
	(pc) =	sbr.rel @p0 .LBB2_1-.Ltmp3, $4  }
0x26a: {  	[hbm4b:s10+s2] =	stream.linear.scatter [tilespmem:s20], [sflag:$0x3], $0x200, $0x38;
	[tilespmem:$0x10000] =	vst v63  }
0x26b: {  	_ =	swait.ge [sflag:s12], $0x200  }
0x26c: {  	[sflag:s12] =	ssyncset.done $0x0  }
0x26d: {  	[sflag:s12] =	ssyncadd.s32 $0xFFFFFE00  }
0x26e: {  	_ =	sfence.sel $0x180000  }
0x26f: {  	[bflag:$0x0] =	sbarrier.arrive $0xFFFF  }
0x270: {  	_ =	strace $0x90000047  }
0x271: {  	s0 =	stileid.u32;
	[bflag:$0x2] =	sbarrier.arrive $0xFFFF  }
0x272: {  	p0 =	sne.s32 s0, $0x0;
	s0 =	rddreg [dreg:$0x3]  }
0x273: {  	s0 =	sadd.s32 @!p0 $0x100000, s0  }
0x274: {  	[sflag:s0] =	ssyncadd.tile.s32 @!p0 $0x1;
	_ =	shalt  }
.Lfunc_end2:
_tile_overlayer_lowered:
.L_overlay_start_2:
0x275: {  	(tag) =	ssettag $0x2  }
0x276: {  	s0 =	rddreg [dreg:$0x0];
	s2 =	stileid.u32  }
0x277: {  	s1 =	rddreg [dreg:$0x1];
	p0 =	sne.s32 s2, $0x0  }
0x278: {  	s3 =	rddreg [dreg:$0x2];
	[bflag:$0x3] =	sbarrier.arrive $0xFFFF;
	s2 =	simm.s32 @!p0 $0x1C03  }
0x279: {  	[timem:s3], [sflag:s2] =	dma.local @!p0 [hbm:s0], s1  }
0x27a: {  	s0 =	simm.s32 @!p0 $0x3  }
0x27b: {  	_ =	swait.ge @!p0 [sflag:s0], s1  }
0x27c: {  	s1 =	ssub.s32 @!p0 $0x0, s1;
	[sflag:s0] =	ssyncset.done @!p0 $0x0  }
0x27d: {  	[sflag:s0] =	ssyncadd.s32 @!p0 s1  }
0x27e: {  	[bflag:$0x3] =	sbarrier.arrive $0xFFFF  }
0x27f: {  	_ =	shalt  }

</sc_bundles>
